<compile_context>
chip_gen: v7x
topology: tpu7x:2x2x1
jax: 0.10.2.dev20260603
libtpu: 0.0.44.dev20260713+nightly
codegen_flags: <defaults>
</compile_context>

<pallas_src>
import functools

import jax
import jax.numpy as jnp
from jax import lax
from jax.experimental import pallas as pl
from jax.experimental.pallas import tpu as pltpu
from jax.experimental.pallas import tpu_sc as plsc

_V = 1000000
_D = 64
_B = 16384
_H = 50
_NC = 2
_NS = 16
_NW = _NC * _NS
_BLK = 128
_NUNIT = _H * (_B // _BLK)
_PER_W = _NUNIT // _NW
_NBUF = 4


def _make_gather():
    mesh = plsc.VectorSubcoreMesh(core_axis_name="c", subcore_axis_name="s")

    @functools.partial(
        pl.kernel,
        mesh=mesh,
        out_type=jax.ShapeDtypeStruct((_H, _D // 8, _B // _BLK, 8, _BLK),
                                      jnp.float32),
        scratch_types=[
            pltpu.VMEM((_PER_W, _BLK), jnp.int32),
            [pltpu.VMEM((_BLK, _D), jnp.float32)] * _NBUF,
            [pltpu.VMEM((_D, _BLK), jnp.float32)] * _NBUF,
            [pltpu.SemaphoreType.DMA] * _NBUF,
            [pltpu.SemaphoreType.DMA] * _NBUF,
        ],
        compiler_params=pltpu.CompilerParams(use_tc_tiling_on_sc=False,
                                             needs_layout_passes=False),
    )
    def gather(table_hbm, idx_hbm, out_hbm, idx_v, g_vs, t_vs, g_sems,
               o_sems):
        wid = lax.axis_index("s") * _NC + lax.axis_index("c")
        base = wid * _PER_W
        lanes = lax.iota(jnp.int32, 16)

        pltpu.sync_copy(idx_hbm.at[pl.ds(base, _PER_W)], idx_v)

        def start_gather(b, k):
            pltpu.async_copy(table_hbm.at[idx_v.at[k]], g_vs[b], g_sems[b])

        def wait_gather(b):
            pltpu.make_async_copy(table_hbm.at[idx_v.at[0]], g_vs[b],
                                  g_sems[b]).wait()

        def transpose(b):
            @plsc.parallel_loop(0, _D, step=1, unroll=8)
            def body(d0):
                col = (d0 + lanes) & (_D - 1)
                for g in range(8):
                    vals = plsc.load_gather(g_vs[b], [g * 16 + lanes, col])
                    plsc.store_scatter(t_vs[b], [col, g * 16 + lanes], vals)

        def start_outs(b, k):
            u = base + k
            h = u // (_B // _BLK)
            j = u % (_B // _BLK)
            for i in range(8):
                pltpu.async_copy(t_vs[b].at[pl.ds(8 * i, 8)],
                                 out_hbm.at[h, i, j], o_sems[b])

        def wait_outs(b):
            for i in range(8):
                pltpu.make_async_copy(t_vs[b].at[pl.ds(8 * i, 8)],
                                      out_hbm.at[0, i, 0], o_sems[b]).wait()

        for b in range(_NBUF):
            start_gather(b, b)
            start_outs(b, b)

        def step(s, carry):
            for b in range(_NBUF):
                k = s * _NBUF + b
                wait_gather(b)
                wait_outs(b)
                transpose(b)
                start_outs(b, k)
                start_gather(b, jnp.minimum(k + _NBUF, _PER_W - 1))
            return carry

        lax.fori_loop(0, _PER_W // _NBUF, step, 0)

        for b in range(_NBUF):
            wait_gather(b)
            wait_outs(b)

    return gather


_gather = _make_gather()


def kernel(table, indices):
    idx = indices.T.astype(jnp.int32).reshape(_NUNIT, _BLK)
    out5 = _gather(table, idx)
    return out5.transpose(2, 4, 0, 1, 3).reshape(_B, _H, _D)

# --- scband reference (transcript-rebuilt; emitter-appended) ---
"""Pipeline reference for scband-base-model-62955630625362 (READ-ONLY COPY).

The authoritative reference and input builder live on the scoring server;
editing this copy changes nothing except your own understanding.
"""

import jax, jax.numpy as jnp
import numpy as np

VOCAB = 1000000
EMBED_DIM = 64
BATCH = 16384
HIST = 50


def setup_inputs(seed: int = 0) -> dict:
    key = jax.random.key(seed)
    k_table, k_idx = jax.random.split(key)
    # Pretrained embedding table (config.embeddings in the torch module)
    table = jax.random.normal(k_table, (VOCAB, EMBED_DIM), dtype=jnp.float32) * 0.02
    indices = jax.random.randint(k_idx, (BATCH, HIST), 0, VOCAB, dtype=jnp.int64)
    return {"table": table, "indices": indices}


def reference(table, indices):
    # nn.Embedding.from_pretrained(...)(indices) == row gather from the table
    return jnp.take(table, indices, axis=0)

if __name__ == "__main__":
    import jax
    _d = setup_inputs()
    print(jax.jit(kernel)(*tuple(_d.values())))

</pallas_src>

<mosaic_0001>
#map = affine_map<(d0, d1) -> (0, 0)>
#map1 = affine_map<(d0, d1) -> (0, 0, 0, 0, 0)>
module attributes {stable_mosaic.version = 14 : i64} {
  func.func @gather(%arg0: i32, %arg1: i32, %arg2: memref<1000000x64xf32, #tpu.memory_space<hbm>>, %arg3: memref<6400x128xi32, #tpu.memory_space<hbm>>, %arg4: memref<50x8x128x8x128xf32, #tpu.memory_space<hbm>>, %arg5: memref<200x128xi32, #tpu.memory_space<vmem>>, %arg6: memref<128x64xf32, #tpu.memory_space<vmem>>, %arg7: memref<128x64xf32, #tpu.memory_space<vmem>>, %arg8: memref<128x64xf32, #tpu.memory_space<vmem>>, %arg9: memref<128x64xf32, #tpu.memory_space<vmem>>, %arg10: memref<64x128xf32, #tpu.memory_space<vmem>>, %arg11: memref<64x128xf32, #tpu.memory_space<vmem>>, %arg12: memref<64x128xf32, #tpu.memory_space<vmem>>, %arg13: memref<64x128xf32, #tpu.memory_space<vmem>>, %arg14: memref<!tpu.dma_semaphore, #tpu.memory_space<semaphore_mem>>, %arg15: memref<!tpu.dma_semaphore, #tpu.memory_space<semaphore_mem>>, %arg16: memref<!tpu.dma_semaphore, #tpu.memory_space<semaphore_mem>>, %arg17: memref<!tpu.dma_semaphore, #tpu.memory_space<semaphore_mem>>, %arg18: memref<!tpu.dma_semaphore, #tpu.memory_space<semaphore_mem>>, %arg19: memref<!tpu.dma_semaphore, #tpu.memory_space<semaphore_mem>>, %arg20: memref<!tpu.dma_semaphore, #tpu.memory_space<semaphore_mem>>, %arg21: memref<!tpu.dma_semaphore, #tpu.memory_space<semaphore_mem>>) attributes {dimension_semantics = [#tpu.dimension_semantics<core_parallel>, #tpu.dimension_semantics<subcore_parallel>], iteration_bounds = array<i64: 2, 16>, scalar_prefetch = 0 : i64, scratch_operands = 17 : i64, tpu.core_type = #tpu.core_type<sc_vector_subcore>, window_params = [{transform_indices = #map}, {transform_indices = #map}, {transform_indices = #map1}]} {
    %mul3A = arith.constant 2 : i32
    %mul3A_0 = arith.muli %arg1, %mul3A : i32
    %add3A = arith.addi %mul3A_0, %arg0 : i32
    %mul3A_1 = arith.constant 200 : i32
    %mul3A_2 = arith.muli %add3A, %mul3A_1 : i32
    %iota3A = tpu.iota {dimensions = array<i32: 0>} : vector<16xi32>
    "tpu.region"() ({
      %run_scoped3A = tpu.sem_alloc : memref<!tpu.dma_semaphore, #tpu.memory_space<semaphore_mem>>
      %dma_start3A_1244 = arith.constant 0 : i32
      %dma_start3A_1245 = tpu.memref_slice %arg3[%mul3A_2, %dma_start3A_1244] : memref<6400x128xi32, #tpu.memory_space<hbm>> -> memref<200x128xi32, #tpu.memory_space<hbm>>
      %dma_start3A_1246 = arith.constant 0 : i32
      %dma_start3A_1247 = tpu.memref_slice %arg3[%mul3A_2, %dma_start3A_1246] : memref<6400x128xi32, #tpu.memory_space<hbm>> -> memref<200x128xi32, #tpu.memory_space<hbm>>
      tpu.enqueue_dma source(%dma_start3A_1247 : memref<200x128xi32, #tpu.memory_space<hbm>>) target(%arg5 : memref<200x128xi32, #tpu.memory_space<vmem>>) target_semaphore(%run_scoped3A : memref<!tpu.dma_semaphore, #tpu.memory_space<semaphore_mem>>)
      %dma_wait3A_1248 = arith.constant 0 : i32
      %dma_wait3A_1249 = tpu.memref_slice %arg3[%mul3A_2, %dma_wait3A_1248] : memref<6400x128xi32, #tpu.memory_space<hbm>> -> memref<200x128xi32, #tpu.memory_space<hbm>>
      %dma_wait3A_1250 = arith.constant 0 : i32
      %dma_wait3A_1251 = tpu.memref_slice %arg3[%mul3A_2, %dma_wait3A_1250] : memref<6400x128xi32, #tpu.memory_space<hbm>> -> memref<200x128xi32, #tpu.memory_space<hbm>>
      tpu.wait_dma2 semaphore(%run_scoped3A : memref<!tpu.dma_semaphore, #tpu.memory_space<semaphore_mem>>) src(%dma_wait3A_1251 : memref<200x128xi32, #tpu.memory_space<hbm>>) dst(%arg5 : memref<200x128xi32, #tpu.memory_space<vmem>>)
      tpu.yield
    }) : () -> ()
    %dma_start3A = arith.constant 0 : i32
    %dma_start3A_3 = arith.constant 0 : i32
    %dma_start3A_4 = tpu.memref_slice %arg5[%dma_start3A, %dma_start3A_3] : memref<200x128xi32, #tpu.memory_space<vmem>> -> memref<1x128xi32, #tpu.memory_space<vmem>>
    %dma_start3A_5 = tpu.memref_squeeze %dma_start3A_4 : memref<1x128xi32, #tpu.memory_space<vmem>> -> memref<128xi32, #tpu.memory_space<vmem>>
    %dma_start3A_6 = arith.constant 0 : i32
    %dma_start3A_7 = arith.constant 0 : i32
    %dma_start3A_8 = tpu.memref_slice %arg2[%dma_start3A_6, %dma_start3A_7] : memref<1000000x64xf32, #tpu.memory_space<hbm>> -> memref<1000000x64xf32, #tpu.memory_space<hbm>>
    tpu.enqueue_indirect_dma source(%dma_start3A_8 : memref<1000000x64xf32, #tpu.memory_space<hbm>>) target(%arg6 : memref<128x64xf32, #tpu.memory_space<vmem>>) offsets(%dma_start3A_5 : memref<128xi32, #tpu.memory_space<vmem>>) semaphore(%arg14 : memref<!tpu.dma_semaphore, #tpu.memory_space<semaphore_mem>>)
    %add3A_9 = arith.constant 0 : i32
    %add3A_10 = arith.addi %mul3A_2, %add3A_9 : i32
    %jit3A = arith.constant 128 : i32
    %div3A = arith.divsi %add3A_10, %jit3A : i32
    %sign3A = arith.constant 0 : i32
    %sign3A_11 = arith.cmpi sgt, %add3A_10, %sign3A : i32
    %sign3A_12 = arith.extui %sign3A_11 : i1 to i32
    %sign3A_13 = arith.constant 0 : i32
    %sign3A_14 = arith.cmpi slt, %add3A_10, %sign3A_13 : i32
    %sign3A_15 = arith.extui %sign3A_14 : i1 to i32
    %sign3A_16 = arith.subi %sign3A_12, %sign3A_15 : i32
    %sign3A_17 = arith.constant 0 : i32
    %sign3A_18 = arith.cmpi sgt, %jit3A, %sign3A_17 : i32
    %sign3A_19 = arith.extui %sign3A_18 : i1 to i32
    %sign3A_20 = arith.constant 0 : i32
    %sign3A_21 = arith.cmpi slt, %jit3A, %sign3A_20 : i32
    %sign3A_22 = arith.extui %sign3A_21 : i1 to i32
    %sign3A_23 = arith.subi %sign3A_19, %sign3A_22 : i32
    %ne3A = arith.cmpi ne, %sign3A_16, %sign3A_23 : i32
    %rem3A = arith.remsi %add3A_10, %jit3A : i32
    %ne3A_24 = arith.constant 0 : i32
    %ne3A_25 = arith.cmpi ne, %rem3A, %ne3A_24 : i32
    %and3A = arith.andi %ne3A, %ne3A_25 : i1
    %sub3A = arith.constant 1 : i32
    %sub3A_26 = arith.subi %div3A, %sub3A : i32
    %select_n3A = arith.select %and3A, %sub3A_26, %div3A : i32
    %jit3A_27 = arith.constant 128 : i32
    %eq3A = arith.constant 0 : i32
    %eq3A_28 = arith.cmpi eq, %jit3A_27, %eq3A : i32
    %jit3A_29 = arith.constant 1 : i32
    %select_n3A_30 = arith.select %eq3A_28, %jit3A_29, %jit3A_27 : i32
    %rem3A_31 = arith.remsi %add3A_10, %select_n3A_30 : i32
    %ne3A_32 = arith.constant 0 : i32
    %ne3A_33 = arith.cmpi ne, %rem3A_31, %ne3A_32 : i32
    %lt3A = arith.constant 0 : i32
    %lt3A_34 = arith.cmpi slt, %rem3A_31, %lt3A : i32
    %lt3A_35 = arith.constant 0 : i32
    %lt3A_36 = arith.cmpi slt, %select_n3A_30, %lt3A_35 : i32
    %ne3A_37 = arith.xori %lt3A_34, %lt3A_36 : i1
    %and3A_38 = arith.andi %ne3A_37, %ne3A_33 : i1
    %add3A_39 = arith.addi %rem3A_31, %select_n3A_30 : i32
    %select_n3A_40 = arith.select %and3A_38, %add3A_39, %rem3A_31 : i32
    %dma_start3A_41 = arith.constant 0 : i32
    %dma_start3A_42 = arith.constant 0 : i32
    %dma_start3A_43 = arith.constant 0 : i32
    %dma_start3A_44 = tpu.memref_slice %arg10[%dma_start3A_42, %dma_start3A_43] : memref<64x128xf32, #tpu.memory_space<vmem>> -> memref<8x128xf32, #tpu.memory_space<vmem>>
    %dma_start3A_45 = arith.constant 0 : i32
    %dma_start3A_46 = arith.constant 0 : i32
    %dma_start3A_47 = tpu.memref_slice %arg4[%select_n3A, %dma_start3A_41, %select_n3A_40, %dma_start3A_45, %dma_start3A_46] : memref<50x8x128x8x128xf32, #tpu.memory_space<hbm>> -> memref<1x1x1x8x128xf32, #tpu.memory_space<hbm>>
    %dma_start3A_48 = tpu.memref_squeeze %dma_start3A_47 : memref<1x1x1x8x128xf32, #tpu.memory_space<hbm>> -> memref<8x128xf32, #tpu.memory_space<hbm>>
    %dma_start3A_49 = arith.constant 0 : i32
    %dma_start3A_50 = arith.constant 0 : i32
    %dma_start3A_51 = tpu.memref_slice %arg4[%select_n3A, %dma_start3A_41, %select_n3A_40, %dma_start3A_49, %dma_start3A_50] : memref<50x8x128x8x128xf32, #tpu.memory_space<hbm>> -> memref<1x1x1x8x128xf32, #tpu.memory_space<hbm>>
    %dma_start3A_52 = tpu.memref_squeeze %dma_start3A_51 : memref<1x1x1x8x128xf32, #tpu.memory_space<hbm>> -> memref<8x128xf32, #tpu.memory_space<hbm>>
    %dma_start3A_53 = arith.constant 0 : i32
    %dma_start3A_54 = arith.constant 0 : i32
    %dma_start3A_55 = tpu.memref_slice %arg10[%dma_start3A_53, %dma_start3A_54] : memref<64x128xf32, #tpu.memory_space<vmem>> -> memref<8x128xf32, #tpu.memory_space<vmem>>
    tpu.enqueue_dma source(%dma_start3A_55 : memref<8x128xf32, #tpu.memory_space<vmem>>) target(%dma_start3A_52 : memref<8x128xf32, #tpu.memory_space<hbm>>) target_semaphore(%arg18 : memref<!tpu.dma_semaphore, #tpu.memory_space<semaphore_mem>>)
    %dma_start3A_56 = arith.constant 1 : i32
    %dma_start3A_57 = arith.constant 8 : i32
    %dma_start3A_58 = arith.constant 0 : i32
    %dma_start3A_59 = tpu.memref_slice %arg10[%dma_start3A_57, %dma_start3A_58] : memref<64x128xf32, #tpu.memory_space<vmem>> -> memref<8x128xf32, #tpu.memory_space<vmem>>
    %dma_start3A_60 = arith.constant 0 : i32
    %dma_start3A_61 = arith.constant 0 : i32
    %dma_start3A_62 = tpu.memref_slice %arg4[%select_n3A, %dma_start3A_56, %select_n3A_40, %dma_start3A_60, %dma_start3A_61] : memref<50x8x128x8x128xf32, #tpu.memory_space<hbm>> -> memref<1x1x1x8x128xf32, #tpu.memory_space<hbm>>
    %dma_start3A_63 = tpu.memref_squeeze %dma_start3A_62 : memref<1x1x1x8x128xf32, #tpu.memory_space<hbm>> -> memref<8x128xf32, #tpu.memory_space<hbm>>
    %dma_start3A_64 = arith.constant 0 : i32
    %dma_start3A_65 = arith.constant 0 : i32
    %dma_start3A_66 = tpu.memref_slice %arg4[%select_n3A, %dma_start3A_56, %select_n3A_40, %dma_start3A_64, %dma_start3A_65] : memref<50x8x128x8x128xf32, #tpu.memory_space<hbm>> -> memref<1x1x1x8x128xf32, #tpu.memory_space<hbm>>
    %dma_start3A_67 = tpu.memref_squeeze %dma_start3A_66 : memref<1x1x1x8x128xf32, #tpu.memory_space<hbm>> -> memref<8x128xf32, #tpu.memory_space<hbm>>
    %dma_start3A_68 = arith.constant 8 : i32
    %dma_start3A_69 = arith.constant 0 : i32
    %dma_start3A_70 = tpu.memref_slice %arg10[%dma_start3A_68, %dma_start3A_69] : memref<64x128xf32, #tpu.memory_space<vmem>> -> memref<8x128xf32, #tpu.memory_space<vmem>>
    tpu.enqueue_dma source(%dma_start3A_70 : memref<8x128xf32, #tpu.memory_space<vmem>>) target(%dma_start3A_67 : memref<8x128xf32, #tpu.memory_space<hbm>>) target_semaphore(%arg18 : memref<!tpu.dma_semaphore, #tpu.memory_space<semaphore_mem>>)
    %dma_start3A_71 = arith.constant 2 : i32
    %dma_start3A_72 = arith.constant 16 : i32
    %dma_start3A_73 = arith.constant 0 : i32
    %dma_start3A_74 = tpu.memref_slice %arg10[%dma_start3A_72, %dma_start3A_73] : memref<64x128xf32, #tpu.memory_space<vmem>> -> memref<8x128xf32, #tpu.memory_space<vmem>>
    %dma_start3A_75 = arith.constant 0 : i32
    %dma_start3A_76 = arith.constant 0 : i32
    %dma_start3A_77 = tpu.memref_slice %arg4[%select_n3A, %dma_start3A_71, %select_n3A_40, %dma_start3A_75, %dma_start3A_76] : memref<50x8x128x8x128xf32, #tpu.memory_space<hbm>> -> memref<1x1x1x8x128xf32, #tpu.memory_space<hbm>>
    %dma_start3A_78 = tpu.memref_squeeze %dma_start3A_77 : memref<1x1x1x8x128xf32, #tpu.memory_space<hbm>> -> memref<8x128xf32, #tpu.memory_space<hbm>>
    %dma_start3A_79 = arith.constant 0 : i32
    %dma_start3A_80 = arith.constant 0 : i32
    %dma_start3A_81 = tpu.memref_slice %arg4[%select_n3A, %dma_start3A_71, %select_n3A_40, %dma_start3A_79, %dma_start3A_80] : memref<50x8x128x8x128xf32, #tpu.memory_space<hbm>> -> memref<1x1x1x8x128xf32, #tpu.memory_space<hbm>>
    %dma_start3A_82 = tpu.memref_squeeze %dma_start3A_81 : memref<1x1x1x8x128xf32, #tpu.memory_space<hbm>> -> memref<8x128xf32, #tpu.memory_space<hbm>>
    %dma_start3A_83 = arith.constant 16 : i32
    %dma_start3A_84 = arith.constant 0 : i32
    %dma_start3A_85 = tpu.memref_slice %arg10[%dma_start3A_83, %dma_start3A_84] : memref<64x128xf32, #tpu.memory_space<vmem>> -> memref<8x128xf32, #tpu.memory_space<vmem>>
    tpu.enqueue_dma source(%dma_start3A_85 : memref<8x128xf32, #tpu.memory_space<vmem>>) target(%dma_start3A_82 : memref<8x128xf32, #tpu.memory_space<hbm>>) target_semaphore(%arg18 : memref<!tpu.dma_semaphore, #tpu.memory_space<semaphore_mem>>)
    %dma_start3A_86 = arith.constant 3 : i32
    %dma_start3A_87 = arith.constant 24 : i32
    %dma_start3A_88 = arith.constant 0 : i32
    %dma_start3A_89 = tpu.memref_slice %arg10[%dma_start3A_87, %dma_start3A_88] : memref<64x128xf32, #tpu.memory_space<vmem>> -> memref<8x128xf32, #tpu.memory_space<vmem>>
    %dma_start3A_90 = arith.constant 0 : i32
    %dma_start3A_91 = arith.constant 0 : i32
    %dma_start3A_92 = tpu.memref_slice %arg4[%select_n3A, %dma_start3A_86, %select_n3A_40, %dma_start3A_90, %dma_start3A_91] : memref<50x8x128x8x128xf32, #tpu.memory_space<hbm>> -> memref<1x1x1x8x128xf32, #tpu.memory_space<hbm>>
    %dma_start3A_93 = tpu.memref_squeeze %dma_start3A_92 : memref<1x1x1x8x128xf32, #tpu.memory_space<hbm>> -> memref<8x128xf32, #tpu.memory_space<hbm>>
    %dma_start3A_94 = arith.constant 0 : i32
    %dma_start3A_95 = arith.constant 0 : i32
    %dma_start3A_96 = tpu.memref_slice %arg4[%select_n3A, %dma_start3A_86, %select_n3A_40, %dma_start3A_94, %dma_start3A_95] : memref<50x8x128x8x128xf32, #tpu.memory_space<hbm>> -> memref<1x1x1x8x128xf32, #tpu.memory_space<hbm>>
    %dma_start3A_97 = tpu.memref_squeeze %dma_start3A_96 : memref<1x1x1x8x128xf32, #tpu.memory_space<hbm>> -> memref<8x128xf32, #tpu.memory_space<hbm>>
    %dma_start3A_98 = arith.constant 24 : i32
    %dma_start3A_99 = arith.constant 0 : i32
    %dma_start3A_100 = tpu.memref_slice %arg10[%dma_start3A_98, %dma_start3A_99] : memref<64x128xf32, #tpu.memory_space<vmem>> -> memref<8x128xf32, #tpu.memory_space<vmem>>
    tpu.enqueue_dma source(%dma_start3A_100 : memref<8x128xf32, #tpu.memory_space<vmem>>) target(%dma_start3A_97 : memref<8x128xf32, #tpu.memory_space<hbm>>) target_semaphore(%arg18 : memref<!tpu.dma_semaphore, #tpu.memory_space<semaphore_mem>>)
    %dma_start3A_101 = arith.constant 4 : i32
    %dma_start3A_102 = arith.constant 32 : i32
    %dma_start3A_103 = arith.constant 0 : i32
    %dma_start3A_104 = tpu.memref_slice %arg10[%dma_start3A_102, %dma_start3A_103] : memref<64x128xf32, #tpu.memory_space<vmem>> -> memref<8x128xf32, #tpu.memory_space<vmem>>
    %dma_start3A_105 = arith.constant 0 : i32
    %dma_start3A_106 = arith.constant 0 : i32
    %dma_start3A_107 = tpu.memref_slice %arg4[%select_n3A, %dma_start3A_101, %select_n3A_40, %dma_start3A_105, %dma_start3A_106] : memref<50x8x128x8x128xf32, #tpu.memory_space<hbm>> -> memref<1x1x1x8x128xf32, #tpu.memory_space<hbm>>
    %dma_start3A_108 = tpu.memref_squeeze %dma_start3A_107 : memref<1x1x1x8x128xf32, #tpu.memory_space<hbm>> -> memref<8x128xf32, #tpu.memory_space<hbm>>
    %dma_start3A_109 = arith.constant 0 : i32
    %dma_start3A_110 = arith.constant 0 : i32
    %dma_start3A_111 = tpu.memref_slice %arg4[%select_n3A, %dma_start3A_101, %select_n3A_40, %dma_start3A_109, %dma_start3A_110] : memref<50x8x128x8x128xf32, #tpu.memory_space<hbm>> -> memref<1x1x1x8x128xf32, #tpu.memory_space<hbm>>
    %dma_start3A_112 = tpu.memref_squeeze %dma_start3A_111 : memref<1x1x1x8x128xf32, #tpu.memory_space<hbm>> -> memref<8x128xf32, #tpu.memory_space<hbm>>
    %dma_start3A_113 = arith.constant 32 : i32
    %dma_start3A_114 = arith.constant 0 : i32
    %dma_start3A_115 = tpu.memref_slice %arg10[%dma_start3A_113, %dma_start3A_114] : memref<64x128xf32, #tpu.memory_space<vmem>> -> memref<8x128xf32, #tpu.memory_space<vmem>>
    tpu.enqueue_dma source(%dma_start3A_115 : memref<8x128xf32, #tpu.memory_space<vmem>>) target(%dma_start3A_112 : memref<8x128xf32, #tpu.memory_space<hbm>>) target_semaphore(%arg18 : memref<!tpu.dma_semaphore, #tpu.memory_space<semaphore_mem>>)
    %dma_start3A_116 = arith.constant 5 : i32
    %dma_start3A_117 = arith.constant 40 : i32
    %dma_start3A_118 = arith.constant 0 : i32
    %dma_start3A_119 = tpu.memref_slice %arg10[%dma_start3A_117, %dma_start3A_118] : memref<64x128xf32, #tpu.memory_space<vmem>> -> memref<8x128xf32, #tpu.memory_space<vmem>>
    %dma_start3A_120 = arith.constant 0 : i32
    %dma_start3A_121 = arith.constant 0 : i32
    %dma_start3A_122 = tpu.memref_slice %arg4[%select_n3A, %dma_start3A_116, %select_n3A_40, %dma_start3A_120, %dma_start3A_121] : memref<50x8x128x8x128xf32, #tpu.memory_space<hbm>> -> memref<1x1x1x8x128xf32, #tpu.memory_space<hbm>>
    %dma_start3A_123 = tpu.memref_squeeze %dma_start3A_122 : memref<1x1x1x8x128xf32, #tpu.memory_space<hbm>> -> memref<8x128xf32, #tpu.memory_space<hbm>>
    %dma_start3A_124 = arith.constant 0 : i32
    %dma_start3A_125 = arith.constant 0 : i32
    %dma_start3A_126 = tpu.memref_slice %arg4[%select_n3A, %dma_start3A_116, %select_n3A_40, %dma_start3A_124, %dma_start3A_125] : memref<50x8x128x8x128xf32, #tpu.memory_space<hbm>> -> memref<1x1x1x8x128xf32, #tpu.memory_space<hbm>>
    %dma_start3A_127 = tpu.memref_squeeze %dma_start3A_126 : memref<1x1x1x8x128xf32, #tpu.memory_space<hbm>> -> memref<8x128xf32, #tpu.memory_space<hbm>>
    %dma_start3A_128 = arith.constant 40 : i32
    %dma_start3A_129 = arith.constant 0 : i32
    %dma_start3A_130 = tpu.memref_slice %arg10[%dma_start3A_128, %dma_start3A_129] : memref<64x128xf32, #tpu.memory_space<vmem>> -> memref<8x128xf32, #tpu.memory_space<vmem>>
    tpu.enqueue_dma source(%dma_start3A_130 : memref<8x128xf32, #tpu.memory_space<vmem>>) target(%dma_start3A_127 : memref<8x128xf32, #tpu.memory_space<hbm>>) target_semaphore(%arg18 : memref<!tpu.dma_semaphore, #tpu.memory_space<semaphore_mem>>)
    %dma_start3A_131 = arith.constant 6 : i32
    %dma_start3A_132 = arith.constant 48 : i32
    %dma_start3A_133 = arith.constant 0 : i32
    %dma_start3A_134 = tpu.memref_slice %arg10[%dma_start3A_132, %dma_start3A_133] : memref<64x128xf32, #tpu.memory_space<vmem>> -> memref<8x128xf32, #tpu.memory_space<vmem>>
    %dma_start3A_135 = arith.constant 0 : i32
    %dma_start3A_136 = arith.constant 0 : i32
    %dma_start3A_137 = tpu.memref_slice %arg4[%select_n3A, %dma_start3A_131, %select_n3A_40, %dma_start3A_135, %dma_start3A_136] : memref<50x8x128x8x128xf32, #tpu.memory_space<hbm>> -> memref<1x1x1x8x128xf32, #tpu.memory_space<hbm>>
    %dma_start3A_138 = tpu.memref_squeeze %dma_start3A_137 : memref<1x1x1x8x128xf32, #tpu.memory_space<hbm>> -> memref<8x128xf32, #tpu.memory_space<hbm>>
    %dma_start3A_139 = arith.constant 0 : i32
    %dma_start3A_140 = arith.constant 0 : i32
    %dma_start3A_141 = tpu.memref_slice %arg4[%select_n3A, %dma_start3A_131, %select_n3A_40, %dma_start3A_139, %dma_start3A_140] : memref<50x8x128x8x128xf32, #tpu.memory_space<hbm>> -> memref<1x1x1x8x128xf32, #tpu.memory_space<hbm>>
    %dma_start3A_142 = tpu.memref_squeeze %dma_start3A_141 : memref<1x1x1x8x128xf32, #tpu.memory_space<hbm>> -> memref<8x128xf32, #tpu.memory_space<hbm>>
    %dma_start3A_143 = arith.constant 48 : i32
    %dma_start3A_144 = arith.constant 0 : i32
    %dma_start3A_145 = tpu.memref_slice %arg10[%dma_start3A_143, %dma_start3A_144] : memref<64x128xf32, #tpu.memory_space<vmem>> -> memref<8x128xf32, #tpu.memory_space<vmem>>
    tpu.enqueue_dma source(%dma_start3A_145 : memref<8x128xf32, #tpu.memory_space<vmem>>) target(%dma_start3A_142 : memref<8x128xf32, #tpu.memory_space<hbm>>) target_semaphore(%arg18 : memref<!tpu.dma_semaphore, #tpu.memory_space<semaphore_mem>>)
    %dma_start3A_146 = arith.constant 7 : i32
    %dma_start3A_147 = arith.constant 56 : i32
    %dma_start3A_148 = arith.constant 0 : i32
    %dma_start3A_149 = tpu.memref_slice %arg10[%dma_start3A_147, %dma_start3A_148] : memref<64x128xf32, #tpu.memory_space<vmem>> -> memref<8x128xf32, #tpu.memory_space<vmem>>
    %dma_start3A_150 = arith.constant 0 : i32
    %dma_start3A_151 = arith.constant 0 : i32
    %dma_start3A_152 = tpu.memref_slice %arg4[%select_n3A, %dma_start3A_146, %select_n3A_40, %dma_start3A_150, %dma_start3A_151] : memref<50x8x128x8x128xf32, #tpu.memory_space<hbm>> -> memref<1x1x1x8x128xf32, #tpu.memory_space<hbm>>
    %dma_start3A_153 = tpu.memref_squeeze %dma_start3A_152 : memref<1x1x1x8x128xf32, #tpu.memory_space<hbm>> -> memref<8x128xf32, #tpu.memory_space<hbm>>
    %dma_start3A_154 = arith.constant 0 : i32
    %dma_start3A_155 = arith.constant 0 : i32
    %dma_start3A_156 = tpu.memref_slice %arg4[%select_n3A, %dma_start3A_146, %select_n3A_40, %dma_start3A_154, %dma_start3A_155] : memref<50x8x128x8x128xf32, #tpu.memory_space<hbm>> -> memref<1x1x1x8x128xf32, #tpu.memory_space<hbm>>
    %dma_start3A_157 = tpu.memref_squeeze %dma_start3A_156 : memref<1x1x1x8x128xf32, #tpu.memory_space<hbm>> -> memref<8x128xf32, #tpu.memory_space<hbm>>
    %dma_start3A_158 = arith.constant 56 : i32
    %dma_start3A_159 = arith.constant 0 : i32
    %dma_start3A_160 = tpu.memref_slice %arg10[%dma_start3A_158, %dma_start3A_159] : memref<64x128xf32, #tpu.memory_space<vmem>> -> memref<8x128xf32, #tpu.memory_space<vmem>>
    tpu.enqueue_dma source(%dma_start3A_160 : memref<8x128xf32, #tpu.memory_space<vmem>>) target(%dma_start3A_157 : memref<8x128xf32, #tpu.memory_space<hbm>>) target_semaphore(%arg18 : memref<!tpu.dma_semaphore, #tpu.memory_space<semaphore_mem>>)
    %dma_start3A_161 = arith.constant 1 : i32
    %dma_start3A_162 = arith.constant 0 : i32
    %dma_start3A_163 = tpu.memref_slice %arg5[%dma_start3A_161, %dma_start3A_162] : memref<200x128xi32, #tpu.memory_space<vmem>> -> memref<1x128xi32, #tpu.memory_space<vmem>>
    %dma_start3A_164 = tpu.memref_squeeze %dma_start3A_163 : memref<1x128xi32, #tpu.memory_space<vmem>> -> memref<128xi32, #tpu.memory_space<vmem>>
    %dma_start3A_165 = arith.constant 0 : i32
    %dma_start3A_166 = arith.constant 0 : i32
    %dma_start3A_167 = tpu.memref_slice %arg2[%dma_start3A_165, %dma_start3A_166] : memref<1000000x64xf32, #tpu.memory_space<hbm>> -> memref<1000000x64xf32, #tpu.memory_space<hbm>>
    tpu.enqueue_indirect_dma source(%dma_start3A_167 : memref<1000000x64xf32, #tpu.memory_space<hbm>>) target(%arg7 : memref<128x64xf32, #tpu.memory_space<vmem>>) offsets(%dma_start3A_164 : memref<128xi32, #tpu.memory_space<vmem>>) semaphore(%arg15 : memref<!tpu.dma_semaphore, #tpu.memory_space<semaphore_mem>>)
    %add3A_168 = arith.constant 1 : i32
    %add3A_169 = arith.addi %mul3A_2, %add3A_168 : i32
    %jit3A_170 = arith.constant 128 : i32
    %div3A_171 = arith.divsi %add3A_169, %jit3A_170 : i32
    %sign3A_172 = arith.constant 0 : i32
    %sign3A_173 = arith.cmpi sgt, %add3A_169, %sign3A_172 : i32
    %sign3A_174 = arith.extui %sign3A_173 : i1 to i32
    %sign3A_175 = arith.constant 0 : i32
    %sign3A_176 = arith.cmpi slt, %add3A_169, %sign3A_175 : i32
    %sign3A_177 = arith.extui %sign3A_176 : i1 to i32
    %sign3A_178 = arith.subi %sign3A_174, %sign3A_177 : i32
    %sign3A_179 = arith.constant 0 : i32
    %sign3A_180 = arith.cmpi sgt, %jit3A_170, %sign3A_179 : i32
    %sign3A_181 = arith.extui %sign3A_180 : i1 to i32
    %sign3A_182 = arith.constant 0 : i32
    %sign3A_183 = arith.cmpi slt, %jit3A_170, %sign3A_182 : i32
    %sign3A_184 = arith.extui %sign3A_183 : i1 to i32
    %sign3A_185 = arith.subi %sign3A_181, %sign3A_184 : i32
    %ne3A_186 = arith.cmpi ne, %sign3A_178, %sign3A_185 : i32
    %rem3A_187 = arith.remsi %add3A_169, %jit3A_170 : i32
    %ne3A_188 = arith.constant 0 : i32
    %ne3A_189 = arith.cmpi ne, %rem3A_187, %ne3A_188 : i32
    %and3A_190 = arith.andi %ne3A_186, %ne3A_189 : i1
    %sub3A_191 = arith.constant 1 : i32
    %sub3A_192 = arith.subi %div3A_171, %sub3A_191 : i32
    %select_n3A_193 = arith.select %and3A_190, %sub3A_192, %div3A_171 : i32
    %jit3A_194 = arith.constant 128 : i32
    %eq3A_195 = arith.constant 0 : i32
    %eq3A_196 = arith.cmpi eq, %jit3A_194, %eq3A_195 : i32
    %jit3A_197 = arith.constant 1 : i32
    %select_n3A_198 = arith.select %eq3A_196, %jit3A_197, %jit3A_194 : i32
    %rem3A_199 = arith.remsi %add3A_169, %select_n3A_198 : i32
    %ne3A_200 = arith.constant 0 : i32
    %ne3A_201 = arith.cmpi ne, %rem3A_199, %ne3A_200 : i32
    %lt3A_202 = arith.constant 0 : i32
    %lt3A_203 = arith.cmpi slt, %rem3A_199, %lt3A_202 : i32
    %lt3A_204 = arith.constant 0 : i32
    %lt3A_205 = arith.cmpi slt, %select_n3A_198, %lt3A_204 : i32
    %ne3A_206 = arith.xori %lt3A_203, %lt3A_205 : i1
    %and3A_207 = arith.andi %ne3A_206, %ne3A_201 : i1
    %add3A_208 = arith.addi %rem3A_199, %select_n3A_198 : i32
    %select_n3A_209 = arith.select %and3A_207, %add3A_208, %rem3A_199 : i32
    %dma_start3A_210 = arith.constant 0 : i32
    %dma_start3A_211 = arith.constant 0 : i32
    %dma_start3A_212 = arith.constant 0 : i32
    %dma_start3A_213 = tpu.memref_slice %arg11[%dma_start3A_211, %dma_start3A_212] : memref<64x128xf32, #tpu.memory_space<vmem>> -> memref<8x128xf32, #tpu.memory_space<vmem>>
    %dma_start3A_214 = arith.constant 0 : i32
    %dma_start3A_215 = arith.constant 0 : i32
    %dma_start3A_216 = tpu.memref_slice %arg4[%select_n3A_193, %dma_start3A_210, %select_n3A_209, %dma_start3A_214, %dma_start3A_215] : memref<50x8x128x8x128xf32, #tpu.memory_space<hbm>> -> memref<1x1x1x8x128xf32, #tpu.memory_space<hbm>>
    %dma_start3A_217 = tpu.memref_squeeze %dma_start3A_216 : memref<1x1x1x8x128xf32, #tpu.memory_space<hbm>> -> memref<8x128xf32, #tpu.memory_space<hbm>>
    %dma_start3A_218 = arith.constant 0 : i32
    %dma_start3A_219 = arith.constant 0 : i32
    %dma_start3A_220 = tpu.memref_slice %arg4[%select_n3A_193, %dma_start3A_210, %select_n3A_209, %dma_start3A_218, %dma_start3A_219] : memref<50x8x128x8x128xf32, #tpu.memory_space<hbm>> -> memref<1x1x1x8x128xf32, #tpu.memory_space<hbm>>
    %dma_start3A_221 = tpu.memref_squeeze %dma_start3A_220 : memref<1x1x1x8x128xf32, #tpu.memory_space<hbm>> -> memref<8x128xf32, #tpu.memory_space<hbm>>
    %dma_start3A_222 = arith.constant 0 : i32
    %dma_start3A_223 = arith.constant 0 : i32
    %dma_start3A_224 = tpu.memref_slice %arg11[%dma_start3A_222, %dma_start3A_223] : memref<64x128xf32, #tpu.memory_space<vmem>> -> memref<8x128xf32, #tpu.memory_space<vmem>>
    tpu.enqueue_dma source(%dma_start3A_224 : memref<8x128xf32, #tpu.memory_space<vmem>>) target(%dma_start3A_221 : memref<8x128xf32, #tpu.memory_space<hbm>>) target_semaphore(%arg19 : memref<!tpu.dma_semaphore, #tpu.memory_space<semaphore_mem>>)
    %dma_start3A_225 = arith.constant 1 : i32
    %dma_start3A_226 = arith.constant 8 : i32
    %dma_start3A_227 = arith.constant 0 : i32
    %dma_start3A_228 = tpu.memref_slice %arg11[%dma_start3A_226, %dma_start3A_227] : memref<64x128xf32, #tpu.memory_space<vmem>> -> memref<8x128xf32, #tpu.memory_space<vmem>>
    %dma_start3A_229 = arith.constant 0 : i32
    %dma_start3A_230 = arith.constant 0 : i32
    %dma_start3A_231 = tpu.memref_slice %arg4[%select_n3A_193, %dma_start3A_225, %select_n3A_209, %dma_start3A_229, %dma_start3A_230] : memref<50x8x128x8x128xf32, #tpu.memory_space<hbm>> -> memref<1x1x1x8x128xf32, #tpu.memory_space<hbm>>
    %dma_start3A_232 = tpu.memref_squeeze %dma_start3A_231 : memref<1x1x1x8x128xf32, #tpu.memory_space<hbm>> -> memref<8x128xf32, #tpu.memory_space<hbm>>
    %dma_start3A_233 = arith.constant 0 : i32
    %dma_start3A_234 = arith.constant 0 : i32
    %dma_start3A_235 = tpu.memref_slice %arg4[%select_n3A_193, %dma_start3A_225, %select_n3A_209, %dma_start3A_233, %dma_start3A_234] : memref<50x8x128x8x128xf32, #tpu.memory_space<hbm>> -> memref<1x1x1x8x128xf32, #tpu.memory_space<hbm>>
    %dma_start3A_236 = tpu.memref_squeeze %dma_start3A_235 : memref<1x1x1x8x128xf32, #tpu.memory_space<hbm>> -> memref<8x128xf32, #tpu.memory_space<hbm>>
    %dma_start3A_237 = arith.constant 8 : i32
    %dma_start3A_238 = arith.constant 0 : i32
    %dma_start3A_239 = tpu.memref_slice %arg11[%dma_start3A_237, %dma_start3A_238] : memref<64x128xf32, #tpu.memory_space<vmem>> -> memref<8x128xf32, #tpu.memory_space<vmem>>
    tpu.enqueue_dma source(%dma_start3A_239 : memref<8x128xf32, #tpu.memory_space<vmem>>) target(%dma_start3A_236 : memref<8x128xf32, #tpu.memory_space<hbm>>) target_semaphore(%arg19 : memref<!tpu.dma_semaphore, #tpu.memory_space<semaphore_mem>>)
    %dma_start3A_240 = arith.constant 2 : i32
    %dma_start3A_241 = arith.constant 16 : i32
    %dma_start3A_242 = arith.constant 0 : i32
    %dma_start3A_243 = tpu.memref_slice %arg11[%dma_start3A_241, %dma_start3A_242] : memref<64x128xf32, #tpu.memory_space<vmem>> -> memref<8x128xf32, #tpu.memory_space<vmem>>
    %dma_start3A_244 = arith.constant 0 : i32
    %dma_start3A_245 = arith.constant 0 : i32
    %dma_start3A_246 = tpu.memref_slice %arg4[%select_n3A_193, %dma_start3A_240, %select_n3A_209, %dma_start3A_244, %dma_start3A_245] : memref<50x8x128x8x128xf32, #tpu.memory_space<hbm>> -> memref<1x1x1x8x128xf32, #tpu.memory_space<hbm>>
    %dma_start3A_247 = tpu.memref_squeeze %dma_start3A_246 : memref<1x1x1x8x128xf32, #tpu.memory_space<hbm>> -> memref<8x128xf32, #tpu.memory_space<hbm>>
    %dma_start3A_248 = arith.constant 0 : i32
    %dma_start3A_249 = arith.constant 0 : i32
    %dma_start3A_250 = tpu.memref_slice %arg4[%select_n3A_193, %dma_start3A_240, %select_n3A_209, %dma_start3A_248, %dma_start3A_249] : memref<50x8x128x8x128xf32, #tpu.memory_space<hbm>> -> memref<1x1x1x8x128xf32, #tpu.memory_space<hbm>>
    %dma_start3A_251 = tpu.memref_squeeze %dma_start3A_250 : memref<1x1x1x8x128xf32, #tpu.memory_space<hbm>> -> memref<8x128xf32, #tpu.memory_space<hbm>>
    %dma_start3A_252 = arith.constant 16 : i32
    %dma_start3A_253 = arith.constant 0 : i32
    %dma_start3A_254 = tpu.memref_slice %arg11[%dma_start3A_252, %dma_start3A_253] : memref<64x128xf32, #tpu.memory_space<vmem>> -> memref<8x128xf32, #tpu.memory_space<vmem>>
    tpu.enqueue_dma source(%dma_start3A_254 : memref<8x128xf32, #tpu.memory_space<vmem>>) target(%dma_start3A_251 : memref<8x128xf32, #tpu.memory_space<hbm>>) target_semaphore(%arg19 : memref<!tpu.dma_semaphore, #tpu.memory_space<semaphore_mem>>)
    %dma_start3A_255 = arith.constant 3 : i32
    %dma_start3A_256 = arith.constant 24 : i32
    %dma_start3A_257 = arith.constant 0 : i32
    %dma_start3A_258 = tpu.memref_slice %arg11[%dma_start3A_256, %dma_start3A_257] : memref<64x128xf32, #tpu.memory_space<vmem>> -> memref<8x128xf32, #tpu.memory_space<vmem>>
    %dma_start3A_259 = arith.constant 0 : i32
    %dma_start3A_260 = arith.constant 0 : i32
    %dma_start3A_261 = tpu.memref_slice %arg4[%select_n3A_193, %dma_start3A_255, %select_n3A_209, %dma_start3A_259, %dma_start3A_260] : memref<50x8x128x8x128xf32, #tpu.memory_space<hbm>> -> memref<1x1x1x8x128xf32, #tpu.memory_space<hbm>>
    %dma_start3A_262 = tpu.memref_squeeze %dma_start3A_261 : memref<1x1x1x8x128xf32, #tpu.memory_space<hbm>> -> memref<8x128xf32, #tpu.memory_space<hbm>>
    %dma_start3A_263 = arith.constant 0 : i32
    %dma_start3A_264 = arith.constant 0 : i32
    %dma_start3A_265 = tpu.memref_slice %arg4[%select_n3A_193, %dma_start3A_255, %select_n3A_209, %dma_start3A_263, %dma_start3A_264] : memref<50x8x128x8x128xf32, #tpu.memory_space<hbm>> -> memref<1x1x1x8x128xf32, #tpu.memory_space<hbm>>
    %dma_start3A_266 = tpu.memref_squeeze %dma_start3A_265 : memref<1x1x1x8x128xf32, #tpu.memory_space<hbm>> -> memref<8x128xf32, #tpu.memory_space<hbm>>
    %dma_start3A_267 = arith.constant 24 : i32
    %dma_start3A_268 = arith.constant 0 : i32
    %dma_start3A_269 = tpu.memref_slice %arg11[%dma_start3A_267, %dma_start3A_268] : memref<64x128xf32, #tpu.memory_space<vmem>> -> memref<8x128xf32, #tpu.memory_space<vmem>>
    tpu.enqueue_dma source(%dma_start3A_269 : memref<8x128xf32, #tpu.memory_space<vmem>>) target(%dma_start3A_266 : memref<8x128xf32, #tpu.memory_space<hbm>>) target_semaphore(%arg19 : memref<!tpu.dma_semaphore, #tpu.memory_space<semaphore_mem>>)
    %dma_start3A_270 = arith.constant 4 : i32
    %dma_start3A_271 = arith.constant 32 : i32
    %dma_start3A_272 = arith.constant 0 : i32
    %dma_start3A_273 = tpu.memref_slice %arg11[%dma_start3A_271, %dma_start3A_272] : memref<64x128xf32, #tpu.memory_space<vmem>> -> memref<8x128xf32, #tpu.memory_space<vmem>>
    %dma_start3A_274 = arith.constant 0 : i32
    %dma_start3A_275 = arith.constant 0 : i32
    %dma_start3A_276 = tpu.memref_slice %arg4[%select_n3A_193, %dma_start3A_270, %select_n3A_209, %dma_start3A_274, %dma_start3A_275] : memref<50x8x128x8x128xf32, #tpu.memory_space<hbm>> -> memref<1x1x1x8x128xf32, #tpu.memory_space<hbm>>
    %dma_start3A_277 = tpu.memref_squeeze %dma_start3A_276 : memref<1x1x1x8x128xf32, #tpu.memory_space<hbm>> -> memref<8x128xf32, #tpu.memory_space<hbm>>
    %dma_start3A_278 = arith.constant 0 : i32
    %dma_start3A_279 = arith.constant 0 : i32
    %dma_start3A_280 = tpu.memref_slice %arg4[%select_n3A_193, %dma_start3A_270, %select_n3A_209, %dma_start3A_278, %dma_start3A_279] : memref<50x8x128x8x128xf32, #tpu.memory_space<hbm>> -> memref<1x1x1x8x128xf32, #tpu.memory_space<hbm>>
    %dma_start3A_281 = tpu.memref_squeeze %dma_start3A_280 : memref<1x1x1x8x128xf32, #tpu.memory_space<hbm>> -> memref<8x128xf32, #tpu.memory_space<hbm>>
    %dma_start3A_282 = arith.constant 32 : i32
    %dma_start3A_283 = arith.constant 0 : i32
    %dma_start3A_284 = tpu.memref_slice %arg11[%dma_start3A_282, %dma_start3A_283] : memref<64x128xf32, #tpu.memory_space<vmem>> -> memref<8x128xf32, #tpu.memory_space<vmem>>
    tpu.enqueue_dma source(%dma_start3A_284 : memref<8x128xf32, #tpu.memory_space<vmem>>) target(%dma_start3A_281 : memref<8x128xf32, #tpu.memory_space<hbm>>) target_semaphore(%arg19 : memref<!tpu.dma_semaphore, #tpu.memory_space<semaphore_mem>>)
    %dma_start3A_285 = arith.constant 5 : i32
    %dma_start3A_286 = arith.constant 40 : i32
    %dma_start3A_287 = arith.constant 0 : i32
    %dma_start3A_288 = tpu.memref_slice %arg11[%dma_start3A_286, %dma_start3A_287] : memref<64x128xf32, #tpu.memory_space<vmem>> -> memref<8x128xf32, #tpu.memory_space<vmem>>
    %dma_start3A_289 = arith.constant 0 : i32
    %dma_start3A_290 = arith.constant 0 : i32
    %dma_start3A_291 = tpu.memref_slice %arg4[%select_n3A_193, %dma_start3A_285, %select_n3A_209, %dma_start3A_289, %dma_start3A_290] : memref<50x8x128x8x128xf32, #tpu.memory_space<hbm>> -> memref<1x1x1x8x128xf32, #tpu.memory_space<hbm>>
    %dma_start3A_292 = tpu.memref_squeeze %dma_start3A_291 : memref<1x1x1x8x128xf32, #tpu.memory_space<hbm>> -> memref<8x128xf32, #tpu.memory_space<hbm>>
    %dma_start3A_293 = arith.constant 0 : i32
    %dma_start3A_294 = arith.constant 0 : i32
    %dma_start3A_295 = tpu.memref_slice %arg4[%select_n3A_193, %dma_start3A_285, %select_n3A_209, %dma_start3A_293, %dma_start3A_294] : memref<50x8x128x8x128xf32, #tpu.memory_space<hbm>> -> memref<1x1x1x8x128xf32, #tpu.memory_space<hbm>>
    %dma_start3A_296 = tpu.memref_squeeze %dma_start3A_295 : memref<1x1x1x8x128xf32, #tpu.memory_space<hbm>> -> memref<8x128xf32, #tpu.memory_space<hbm>>
    %dma_start3A_297 = arith.constant 40 : i32
    %dma_start3A_298 = arith.constant 0 : i32
    %dma_start3A_299 = tpu.memref_slice %arg11[%dma_start3A_297, %dma_start3A_298] : memref<64x128xf32, #tpu.memory_space<vmem>> -> memref<8x128xf32, #tpu.memory_space<vmem>>
    tpu.enqueue_dma source(%dma_start3A_299 : memref<8x128xf32, #tpu.memory_space<vmem>>) target(%dma_start3A_296 : memref<8x128xf32, #tpu.memory_space<hbm>>) target_semaphore(%arg19 : memref<!tpu.dma_semaphore, #tpu.memory_space<semaphore_mem>>)
    %dma_start3A_300 = arith.constant 6 : i32
    %dma_start3A_301 = arith.constant 48 : i32
    %dma_start3A_302 = arith.constant 0 : i32
    %dma_start3A_303 = tpu.memref_slice %arg11[%dma_start3A_301, %dma_start3A_302] : memref<64x128xf32, #tpu.memory_space<vmem>> -> memref<8x128xf32, #tpu.memory_space<vmem>>
    %dma_start3A_304 = arith.constant 0 : i32
    %dma_start3A_305 = arith.constant 0 : i32
    %dma_start3A_306 = tpu.memref_slice %arg4[%select_n3A_193, %dma_start3A_300, %select_n3A_209, %dma_start3A_304, %dma_start3A_305] : memref<50x8x128x8x128xf32, #tpu.memory_space<hbm>> -> memref<1x1x1x8x128xf32, #tpu.memory_space<hbm>>
    %dma_start3A_307 = tpu.memref_squeeze %dma_start3A_306 : memref<1x1x1x8x128xf32, #tpu.memory_space<hbm>> -> memref<8x128xf32, #tpu.memory_space<hbm>>
    %dma_start3A_308 = arith.constant 0 : i32
    %dma_start3A_309 = arith.constant 0 : i32
    %dma_start3A_310 = tpu.memref_slice %arg4[%select_n3A_193, %dma_start3A_300, %select_n3A_209, %dma_start3A_308, %dma_start3A_309] : memref<50x8x128x8x128xf32, #tpu.memory_space<hbm>> -> memref<1x1x1x8x128xf32, #tpu.memory_space<hbm>>
    %dma_start3A_311 = tpu.memref_squeeze %dma_start3A_310 : memref<1x1x1x8x128xf32, #tpu.memory_space<hbm>> -> memref<8x128xf32, #tpu.memory_space<hbm>>
    %dma_start3A_312 = arith.constant 48 : i32
    %dma_start3A_313 = arith.constant 0 : i32
    %dma_start3A_314 = tpu.memref_slice %arg11[%dma_start3A_312, %dma_start3A_313] : memref<64x128xf32, #tpu.memory_space<vmem>> -> memref<8x128xf32, #tpu.memory_space<vmem>>
    tpu.enqueue_dma source(%dma_start3A_314 : memref<8x128xf32, #tpu.memory_space<vmem>>) target(%dma_start3A_311 : memref<8x128xf32, #tpu.memory_space<hbm>>) target_semaphore(%arg19 : memref<!tpu.dma_semaphore, #tpu.memory_space<semaphore_mem>>)
    %dma_start3A_315 = arith.constant 7 : i32
    %dma_start3A_316 = arith.constant 56 : i32
    %dma_start3A_317 = arith.constant 0 : i32
    %dma_start3A_318 = tpu.memref_slice %arg11[%dma_start3A_316, %dma_start3A_317] : memref<64x128xf32, #tpu.memory_space<vmem>> -> memref<8x128xf32, #tpu.memory_space<vmem>>
    %dma_start3A_319 = arith.constant 0 : i32
    %dma_start3A_320 = arith.constant 0 : i32
    %dma_start3A_321 = tpu.memref_slice %arg4[%select_n3A_193, %dma_start3A_315, %select_n3A_209, %dma_start3A_319, %dma_start3A_320] : memref<50x8x128x8x128xf32, #tpu.memory_space<hbm>> -> memref<1x1x1x8x128xf32, #tpu.memory_space<hbm>>
    %dma_start3A_322 = tpu.memref_squeeze %dma_start3A_321 : memref<1x1x1x8x128xf32, #tpu.memory_space<hbm>> -> memref<8x128xf32, #tpu.memory_space<hbm>>
    %dma_start3A_323 = arith.constant 0 : i32
    %dma_start3A_324 = arith.constant 0 : i32
    %dma_start3A_325 = tpu.memref_slice %arg4[%select_n3A_193, %dma_start3A_315, %select_n3A_209, %dma_start3A_323, %dma_start3A_324] : memref<50x8x128x8x128xf32, #tpu.memory_space<hbm>> -> memref<1x1x1x8x128xf32, #tpu.memory_space<hbm>>
    %dma_start3A_326 = tpu.memref_squeeze %dma_start3A_325 : memref<1x1x1x8x128xf32, #tpu.memory_space<hbm>> -> memref<8x128xf32, #tpu.memory_space<hbm>>
    %dma_start3A_327 = arith.constant 56 : i32
    %dma_start3A_328 = arith.constant 0 : i32
    %dma_start3A_329 = tpu.memref_slice %arg11[%dma_start3A_327, %dma_start3A_328] : memref<64x128xf32, #tpu.memory_space<vmem>> -> memref<8x128xf32, #tpu.memory_space<vmem>>
    tpu.enqueue_dma source(%dma_start3A_329 : memref<8x128xf32, #tpu.memory_space<vmem>>) target(%dma_start3A_326 : memref<8x128xf32, #tpu.memory_space<hbm>>) target_semaphore(%arg19 : memref<!tpu.dma_semaphore, #tpu.memory_space<semaphore_mem>>)
    %dma_start3A_330 = arith.constant 2 : i32
    %dma_start3A_331 = arith.constant 0 : i32
    %dma_start3A_332 = tpu.memref_slice %arg5[%dma_start3A_330, %dma_start3A_331] : memref<200x128xi32, #tpu.memory_space<vmem>> -> memref<1x128xi32, #tpu.memory_space<vmem>>
    %dma_start3A_333 = tpu.memref_squeeze %dma_start3A_332 : memref<1x128xi32, #tpu.memory_space<vmem>> -> memref<128xi32, #tpu.memory_space<vmem>>
    %dma_start3A_334 = arith.constant 0 : i32
    %dma_start3A_335 = arith.constant 0 : i32
    %dma_start3A_336 = tpu.memref_slice %arg2[%dma_start3A_334, %dma_start3A_335] : memref<1000000x64xf32, #tpu.memory_space<hbm>> -> memref<1000000x64xf32, #tpu.memory_space<hbm>>
    tpu.enqueue_indirect_dma source(%dma_start3A_336 : memref<1000000x64xf32, #tpu.memory_space<hbm>>) target(%arg8 : memref<128x64xf32, #tpu.memory_space<vmem>>) offsets(%dma_start3A_333 : memref<128xi32, #tpu.memory_space<vmem>>) semaphore(%arg16 : memref<!tpu.dma_semaphore, #tpu.memory_space<semaphore_mem>>)
    %add3A_337 = arith.constant 2 : i32
    %add3A_338 = arith.addi %mul3A_2, %add3A_337 : i32
    %jit3A_339 = arith.constant 128 : i32
    %div3A_340 = arith.divsi %add3A_338, %jit3A_339 : i32
    %sign3A_341 = arith.constant 0 : i32
    %sign3A_342 = arith.cmpi sgt, %add3A_338, %sign3A_341 : i32
    %sign3A_343 = arith.extui %sign3A_342 : i1 to i32
    %sign3A_344 = arith.constant 0 : i32
    %sign3A_345 = arith.cmpi slt, %add3A_338, %sign3A_344 : i32
    %sign3A_346 = arith.extui %sign3A_345 : i1 to i32
    %sign3A_347 = arith.subi %sign3A_343, %sign3A_346 : i32
    %sign3A_348 = arith.constant 0 : i32
    %sign3A_349 = arith.cmpi sgt, %jit3A_339, %sign3A_348 : i32
    %sign3A_350 = arith.extui %sign3A_349 : i1 to i32
    %sign3A_351 = arith.constant 0 : i32
    %sign3A_352 = arith.cmpi slt, %jit3A_339, %sign3A_351 : i32
    %sign3A_353 = arith.extui %sign3A_352 : i1 to i32
    %sign3A_354 = arith.subi %sign3A_350, %sign3A_353 : i32
    %ne3A_355 = arith.cmpi ne, %sign3A_347, %sign3A_354 : i32
    %rem3A_356 = arith.remsi %add3A_338, %jit3A_339 : i32
    %ne3A_357 = arith.constant 0 : i32
    %ne3A_358 = arith.cmpi ne, %rem3A_356, %ne3A_357 : i32
    %and3A_359 = arith.andi %ne3A_355, %ne3A_358 : i1
    %sub3A_360 = arith.constant 1 : i32
    %sub3A_361 = arith.subi %div3A_340, %sub3A_360 : i32
    %select_n3A_362 = arith.select %and3A_359, %sub3A_361, %div3A_340 : i32
    %jit3A_363 = arith.constant 128 : i32
    %eq3A_364 = arith.constant 0 : i32
    %eq3A_365 = arith.cmpi eq, %jit3A_363, %eq3A_364 : i32
    %jit3A_366 = arith.constant 1 : i32
    %select_n3A_367 = arith.select %eq3A_365, %jit3A_366, %jit3A_363 : i32
    %rem3A_368 = arith.remsi %add3A_338, %select_n3A_367 : i32
    %ne3A_369 = arith.constant 0 : i32
    %ne3A_370 = arith.cmpi ne, %rem3A_368, %ne3A_369 : i32
    %lt3A_371 = arith.constant 0 : i32
    %lt3A_372 = arith.cmpi slt, %rem3A_368, %lt3A_371 : i32
    %lt3A_373 = arith.constant 0 : i32
    %lt3A_374 = arith.cmpi slt, %select_n3A_367, %lt3A_373 : i32
    %ne3A_375 = arith.xori %lt3A_372, %lt3A_374 : i1
    %and3A_376 = arith.andi %ne3A_375, %ne3A_370 : i1
    %add3A_377 = arith.addi %rem3A_368, %select_n3A_367 : i32
    %select_n3A_378 = arith.select %and3A_376, %add3A_377, %rem3A_368 : i32
    %dma_start3A_379 = arith.constant 0 : i32
    %dma_start3A_380 = arith.constant 0 : i32
    %dma_start3A_381 = arith.constant 0 : i32
    %dma_start3A_382 = tpu.memref_slice %arg12[%dma_start3A_380, %dma_start3A_381] : memref<64x128xf32, #tpu.memory_space<vmem>> -> memref<8x128xf32, #tpu.memory_space<vmem>>
    %dma_start3A_383 = arith.constant 0 : i32
    %dma_start3A_384 = arith.constant 0 : i32
    %dma_start3A_385 = tpu.memref_slice %arg4[%select_n3A_362, %dma_start3A_379, %select_n3A_378, %dma_start3A_383, %dma_start3A_384] : memref<50x8x128x8x128xf32, #tpu.memory_space<hbm>> -> memref<1x1x1x8x128xf32, #tpu.memory_space<hbm>>
    %dma_start3A_386 = tpu.memref_squeeze %dma_start3A_385 : memref<1x1x1x8x128xf32, #tpu.memory_space<hbm>> -> memref<8x128xf32, #tpu.memory_space<hbm>>
    %dma_start3A_387 = arith.constant 0 : i32
    %dma_start3A_388 = arith.constant 0 : i32
    %dma_start3A_389 = tpu.memref_slice %arg4[%select_n3A_362, %dma_start3A_379, %select_n3A_378, %dma_start3A_387, %dma_start3A_388] : memref<50x8x128x8x128xf32, #tpu.memory_space<hbm>> -> memref<1x1x1x8x128xf32, #tpu.memory_space<hbm>>
    %dma_start3A_390 = tpu.memref_squeeze %dma_start3A_389 : memref<1x1x1x8x128xf32, #tpu.memory_space<hbm>> -> memref<8x128xf32, #tpu.memory_space<hbm>>
    %dma_start3A_391 = arith.constant 0 : i32
    %dma_start3A_392 = arith.constant 0 : i32
    %dma_start3A_393 = tpu.memref_slice %arg12[%dma_start3A_391, %dma_start3A_392] : memref<64x128xf32, #tpu.memory_space<vmem>> -> memref<8x128xf32, #tpu.memory_space<vmem>>
    tpu.enqueue_dma source(%dma_start3A_393 : memref<8x128xf32, #tpu.memory_space<vmem>>) target(%dma_start3A_390 : memref<8x128xf32, #tpu.memory_space<hbm>>) target_semaphore(%arg20 : memref<!tpu.dma_semaphore, #tpu.memory_space<semaphore_mem>>)
    %dma_start3A_394 = arith.constant 1 : i32
    %dma_start3A_395 = arith.constant 8 : i32
    %dma_start3A_396 = arith.constant 0 : i32
    %dma_start3A_397 = tpu.memref_slice %arg12[%dma_start3A_395, %dma_start3A_396] : memref<64x128xf32, #tpu.memory_space<vmem>> -> memref<8x128xf32, #tpu.memory_space<vmem>>
    %dma_start3A_398 = arith.constant 0 : i32
    %dma_start3A_399 = arith.constant 0 : i32
    %dma_start3A_400 = tpu.memref_slice %arg4[%select_n3A_362, %dma_start3A_394, %select_n3A_378, %dma_start3A_398, %dma_start3A_399] : memref<50x8x128x8x128xf32, #tpu.memory_space<hbm>> -> memref<1x1x1x8x128xf32, #tpu.memory_space<hbm>>
    %dma_start3A_401 = tpu.memref_squeeze %dma_start3A_400 : memref<1x1x1x8x128xf32, #tpu.memory_space<hbm>> -> memref<8x128xf32, #tpu.memory_space<hbm>>
    %dma_start3A_402 = arith.constant 0 : i32
    %dma_start3A_403 = arith.constant 0 : i32
    %dma_start3A_404 = tpu.memref_slice %arg4[%select_n3A_362, %dma_start3A_394, %select_n3A_378, %dma_start3A_402, %dma_start3A_403] : memref<50x8x128x8x128xf32, #tpu.memory_space<hbm>> -> memref<1x1x1x8x128xf32, #tpu.memory_space<hbm>>
    %dma_start3A_405 = tpu.memref_squeeze %dma_start3A_404 : memref<1x1x1x8x128xf32, #tpu.memory_space<hbm>> -> memref<8x128xf32, #tpu.memory_space<hbm>>
    %dma_start3A_406 = arith.constant 8 : i32
    %dma_start3A_407 = arith.constant 0 : i32
    %dma_start3A_408 = tpu.memref_slice %arg12[%dma_start3A_406, %dma_start3A_407] : memref<64x128xf32, #tpu.memory_space<vmem>> -> memref<8x128xf32, #tpu.memory_space<vmem>>
    tpu.enqueue_dma source(%dma_start3A_408 : memref<8x128xf32, #tpu.memory_space<vmem>>) target(%dma_start3A_405 : memref<8x128xf32, #tpu.memory_space<hbm>>) target_semaphore(%arg20 : memref<!tpu.dma_semaphore, #tpu.memory_space<semaphore_mem>>)
    %dma_start3A_409 = arith.constant 2 : i32
    %dma_start3A_410 = arith.constant 16 : i32
    %dma_start3A_411 = arith.constant 0 : i32
    %dma_start3A_412 = tpu.memref_slice %arg12[%dma_start3A_410, %dma_start3A_411] : memref<64x128xf32, #tpu.memory_space<vmem>> -> memref<8x128xf32, #tpu.memory_space<vmem>>
    %dma_start3A_413 = arith.constant 0 : i32
    %dma_start3A_414 = arith.constant 0 : i32
    %dma_start3A_415 = tpu.memref_slice %arg4[%select_n3A_362, %dma_start3A_409, %select_n3A_378, %dma_start3A_413, %dma_start3A_414] : memref<50x8x128x8x128xf32, #tpu.memory_space<hbm>> -> memref<1x1x1x8x128xf32, #tpu.memory_space<hbm>>
    %dma_start3A_416 = tpu.memref_squeeze %dma_start3A_415 : memref<1x1x1x8x128xf32, #tpu.memory_space<hbm>> -> memref<8x128xf32, #tpu.memory_space<hbm>>
    %dma_start3A_417 = arith.constant 0 : i32
    %dma_start3A_418 = arith.constant 0 : i32
    %dma_start3A_419 = tpu.memref_slice %arg4[%select_n3A_362, %dma_start3A_409, %select_n3A_378, %dma_start3A_417, %dma_start3A_418] : memref<50x8x128x8x128xf32, #tpu.memory_space<hbm>> -> memref<1x1x1x8x128xf32, #tpu.memory_space<hbm>>
    %dma_start3A_420 = tpu.memref_squeeze %dma_start3A_419 : memref<1x1x1x8x128xf32, #tpu.memory_space<hbm>> -> memref<8x128xf32, #tpu.memory_space<hbm>>
    %dma_start3A_421 = arith.constant 16 : i32
    %dma_start3A_422 = arith.constant 0 : i32
    %dma_start3A_423 = tpu.memref_slice %arg12[%dma_start3A_421, %dma_start3A_422] : memref<64x128xf32, #tpu.memory_space<vmem>> -> memref<8x128xf32, #tpu.memory_space<vmem>>
    tpu.enqueue_dma source(%dma_start3A_423 : memref<8x128xf32, #tpu.memory_space<vmem>>) target(%dma_start3A_420 : memref<8x128xf32, #tpu.memory_space<hbm>>) target_semaphore(%arg20 : memref<!tpu.dma_semaphore, #tpu.memory_space<semaphore_mem>>)
    %dma_start3A_424 = arith.constant 3 : i32
    %dma_start3A_425 = arith.constant 24 : i32
    %dma_start3A_426 = arith.constant 0 : i32
    %dma_start3A_427 = tpu.memref_slice %arg12[%dma_start3A_425, %dma_start3A_426] : memref<64x128xf32, #tpu.memory_space<vmem>> -> memref<8x128xf32, #tpu.memory_space<vmem>>
    %dma_start3A_428 = arith.constant 0 : i32
    %dma_start3A_429 = arith.constant 0 : i32
    %dma_start3A_430 = tpu.memref_slice %arg4[%select_n3A_362, %dma_start3A_424, %select_n3A_378, %dma_start3A_428, %dma_start3A_429] : memref<50x8x128x8x128xf32, #tpu.memory_space<hbm>> -> memref<1x1x1x8x128xf32, #tpu.memory_space<hbm>>
    %dma_start3A_431 = tpu.memref_squeeze %dma_start3A_430 : memref<1x1x1x8x128xf32, #tpu.memory_space<hbm>> -> memref<8x128xf32, #tpu.memory_space<hbm>>
    %dma_start3A_432 = arith.constant 0 : i32
    %dma_start3A_433 = arith.constant 0 : i32
    %dma_start3A_434 = tpu.memref_slice %arg4[%select_n3A_362, %dma_start3A_424, %select_n3A_378, %dma_start3A_432, %dma_start3A_433] : memref<50x8x128x8x128xf32, #tpu.memory_space<hbm>> -> memref<1x1x1x8x128xf32, #tpu.memory_space<hbm>>
    %dma_start3A_435 = tpu.memref_squeeze %dma_start3A_434 : memref<1x1x1x8x128xf32, #tpu.memory_space<hbm>> -> memref<8x128xf32, #tpu.memory_space<hbm>>
    %dma_start3A_436 = arith.constant 24 : i32
    %dma_start3A_437 = arith.constant 0 : i32
    %dma_start3A_438 = tpu.memref_slice %arg12[%dma_start3A_436, %dma_start3A_437] : memref<64x128xf32, #tpu.memory_space<vmem>> -> memref<8x128xf32, #tpu.memory_space<vmem>>
    tpu.enqueue_dma source(%dma_start3A_438 : memref<8x128xf32, #tpu.memory_space<vmem>>) target(%dma_start3A_435 : memref<8x128xf32, #tpu.memory_space<hbm>>) target_semaphore(%arg20 : memref<!tpu.dma_semaphore, #tpu.memory_space<semaphore_mem>>)
    %dma_start3A_439 = arith.constant 4 : i32
    %dma_start3A_440 = arith.constant 32 : i32
    %dma_start3A_441 = arith.constant 0 : i32
    %dma_start3A_442 = tpu.memref_slice %arg12[%dma_start3A_440, %dma_start3A_441] : memref<64x128xf32, #tpu.memory_space<vmem>> -> memref<8x128xf32, #tpu.memory_space<vmem>>
    %dma_start3A_443 = arith.constant 0 : i32
    %dma_start3A_444 = arith.constant 0 : i32
    %dma_start3A_445 = tpu.memref_slice %arg4[%select_n3A_362, %dma_start3A_439, %select_n3A_378, %dma_start3A_443, %dma_start3A_444] : memref<50x8x128x8x128xf32, #tpu.memory_space<hbm>> -> memref<1x1x1x8x128xf32, #tpu.memory_space<hbm>>
    %dma_start3A_446 = tpu.memref_squeeze %dma_start3A_445 : memref<1x1x1x8x128xf32, #tpu.memory_space<hbm>> -> memref<8x128xf32, #tpu.memory_space<hbm>>
    %dma_start3A_447 = arith.constant 0 : i32
    %dma_start3A_448 = arith.constant 0 : i32
    %dma_start3A_449 = tpu.memref_slice %arg4[%select_n3A_362, %dma_start3A_439, %select_n3A_378, %dma_start3A_447, %dma_start3A_448] : memref<50x8x128x8x128xf32, #tpu.memory_space<hbm>> -> memref<1x1x1x8x128xf32, #tpu.memory_space<hbm>>
    %dma_start3A_450 = tpu.memref_squeeze %dma_start3A_449 : memref<1x1x1x8x128xf32, #tpu.memory_space<hbm>> -> memref<8x128xf32, #tpu.memory_space<hbm>>
    %dma_start3A_451 = arith.constant 32 : i32
    %dma_start3A_452 = arith.constant 0 : i32
    %dma_start3A_453 = tpu.memref_slice %arg12[%dma_start3A_451, %dma_start3A_452] : memref<64x128xf32, #tpu.memory_space<vmem>> -> memref<8x128xf32, #tpu.memory_space<vmem>>
    tpu.enqueue_dma source(%dma_start3A_453 : memref<8x128xf32, #tpu.memory_space<vmem>>) target(%dma_start3A_450 : memref<8x128xf32, #tpu.memory_space<hbm>>) target_semaphore(%arg20 : memref<!tpu.dma_semaphore, #tpu.memory_space<semaphore_mem>>)
    %dma_start3A_454 = arith.constant 5 : i32
    %dma_start3A_455 = arith.constant 40 : i32
    %dma_start3A_456 = arith.constant 0 : i32
    %dma_start3A_457 = tpu.memref_slice %arg12[%dma_start3A_455, %dma_start3A_456] : memref<64x128xf32, #tpu.memory_space<vmem>> -> memref<8x128xf32, #tpu.memory_space<vmem>>
    %dma_start3A_458 = arith.constant 0 : i32
    %dma_start3A_459 = arith.constant 0 : i32
    %dma_start3A_460 = tpu.memref_slice %arg4[%select_n3A_362, %dma_start3A_454, %select_n3A_378, %dma_start3A_458, %dma_start3A_459] : memref<50x8x128x8x128xf32, #tpu.memory_space<hbm>> -> memref<1x1x1x8x128xf32, #tpu.memory_space<hbm>>
    %dma_start3A_461 = tpu.memref_squeeze %dma_start3A_460 : memref<1x1x1x8x128xf32, #tpu.memory_space<hbm>> -> memref<8x128xf32, #tpu.memory_space<hbm>>
    %dma_start3A_462 = arith.constant 0 : i32
    %dma_start3A_463 = arith.constant 0 : i32
    %dma_start3A_464 = tpu.memref_slice %arg4[%select_n3A_362, %dma_start3A_454, %select_n3A_378, %dma_start3A_462, %dma_start3A_463] : memref<50x8x128x8x128xf32, #tpu.memory_space<hbm>> -> memref<1x1x1x8x128xf32, #tpu.memory_space<hbm>>
    %dma_start3A_465 = tpu.memref_squeeze %dma_start3A_464 : memref<1x1x1x8x128xf32, #tpu.memory_space<hbm>> -> memref<8x128xf32, #tpu.memory_space<hbm>>
    %dma_start3A_466 = arith.constant 40 : i32
    %dma_start3A_467 = arith.constant 0 : i32
    %dma_start3A_468 = tpu.memref_slice %arg12[%dma_start3A_466, %dma_start3A_467] : memref<64x128xf32, #tpu.memory_space<vmem>> -> memref<8x128xf32, #tpu.memory_space<vmem>>
    tpu.enqueue_dma source(%dma_start3A_468 : memref<8x128xf32, #tpu.memory_space<vmem>>) target(%dma_start3A_465 : memref<8x128xf32, #tpu.memory_space<hbm>>) target_semaphore(%arg20 : memref<!tpu.dma_semaphore, #tpu.memory_space<semaphore_mem>>)
    %dma_start3A_469 = arith.constant 6 : i32
    %dma_start3A_470 = arith.constant 48 : i32
    %dma_start3A_471 = arith.constant 0 : i32
    %dma_start3A_472 = tpu.memref_slice %arg12[%dma_start3A_470, %dma_start3A_471] : memref<64x128xf32, #tpu.memory_space<vmem>> -> memref<8x128xf32, #tpu.memory_space<vmem>>
    %dma_start3A_473 = arith.constant 0 : i32
    %dma_start3A_474 = arith.constant 0 : i32
    %dma_start3A_475 = tpu.memref_slice %arg4[%select_n3A_362, %dma_start3A_469, %select_n3A_378, %dma_start3A_473, %dma_start3A_474] : memref<50x8x128x8x128xf32, #tpu.memory_space<hbm>> -> memref<1x1x1x8x128xf32, #tpu.memory_space<hbm>>
    %dma_start3A_476 = tpu.memref_squeeze %dma_start3A_475 : memref<1x1x1x8x128xf32, #tpu.memory_space<hbm>> -> memref<8x128xf32, #tpu.memory_space<hbm>>
    %dma_start3A_477 = arith.constant 0 : i32
    %dma_start3A_478 = arith.constant 0 : i32
    %dma_start3A_479 = tpu.memref_slice %arg4[%select_n3A_362, %dma_start3A_469, %select_n3A_378, %dma_start3A_477, %dma_start3A_478] : memref<50x8x128x8x128xf32, #tpu.memory_space<hbm>> -> memref<1x1x1x8x128xf32, #tpu.memory_space<hbm>>
    %dma_start3A_480 = tpu.memref_squeeze %dma_start3A_479 : memref<1x1x1x8x128xf32, #tpu.memory_space<hbm>> -> memref<8x128xf32, #tpu.memory_space<hbm>>
    %dma_start3A_481 = arith.constant 48 : i32
    %dma_start3A_482 = arith.constant 0 : i32
    %dma_start3A_483 = tpu.memref_slice %arg12[%dma_start3A_481, %dma_start3A_482] : memref<64x128xf32, #tpu.memory_space<vmem>> -> memref<8x128xf32, #tpu.memory_space<vmem>>
    tpu.enqueue_dma source(%dma_start3A_483 : memref<8x128xf32, #tpu.memory_space<vmem>>) target(%dma_start3A_480 : memref<8x128xf32, #tpu.memory_space<hbm>>) target_semaphore(%arg20 : memref<!tpu.dma_semaphore, #tpu.memory_space<semaphore_mem>>)
    %dma_start3A_484 = arith.constant 7 : i32
    %dma_start3A_485 = arith.constant 56 : i32
    %dma_start3A_486 = arith.constant 0 : i32
    %dma_start3A_487 = tpu.memref_slice %arg12[%dma_start3A_485, %dma_start3A_486] : memref<64x128xf32, #tpu.memory_space<vmem>> -> memref<8x128xf32, #tpu.memory_space<vmem>>
    %dma_start3A_488 = arith.constant 0 : i32
    %dma_start3A_489 = arith.constant 0 : i32
    %dma_start3A_490 = tpu.memref_slice %arg4[%select_n3A_362, %dma_start3A_484, %select_n3A_378, %dma_start3A_488, %dma_start3A_489] : memref<50x8x128x8x128xf32, #tpu.memory_space<hbm>> -> memref<1x1x1x8x128xf32, #tpu.memory_space<hbm>>
    %dma_start3A_491 = tpu.memref_squeeze %dma_start3A_490 : memref<1x1x1x8x128xf32, #tpu.memory_space<hbm>> -> memref<8x128xf32, #tpu.memory_space<hbm>>
    %dma_start3A_492 = arith.constant 0 : i32
    %dma_start3A_493 = arith.constant 0 : i32
    %dma_start3A_494 = tpu.memref_slice %arg4[%select_n3A_362, %dma_start3A_484, %select_n3A_378, %dma_start3A_492, %dma_start3A_493] : memref<50x8x128x8x128xf32, #tpu.memory_space<hbm>> -> memref<1x1x1x8x128xf32, #tpu.memory_space<hbm>>
    %dma_start3A_495 = tpu.memref_squeeze %dma_start3A_494 : memref<1x1x1x8x128xf32, #tpu.memory_space<hbm>> -> memref<8x128xf32, #tpu.memory_space<hbm>>
    %dma_start3A_496 = arith.constant 56 : i32
    %dma_start3A_497 = arith.constant 0 : i32
    %dma_start3A_498 = tpu.memref_slice %arg12[%dma_start3A_496, %dma_start3A_497] : memref<64x128xf32, #tpu.memory_space<vmem>> -> memref<8x128xf32, #tpu.memory_space<vmem>>
    tpu.enqueue_dma source(%dma_start3A_498 : memref<8x128xf32, #tpu.memory_space<vmem>>) target(%dma_start3A_495 : memref<8x128xf32, #tpu.memory_space<hbm>>) target_semaphore(%arg20 : memref<!tpu.dma_semaphore, #tpu.memory_space<semaphore_mem>>)
    %dma_start3A_499 = arith.constant 3 : i32
    %dma_start3A_500 = arith.constant 0 : i32
    %dma_start3A_501 = tpu.memref_slice %arg5[%dma_start3A_499, %dma_start3A_500] : memref<200x128xi32, #tpu.memory_space<vmem>> -> memref<1x128xi32, #tpu.memory_space<vmem>>
    %dma_start3A_502 = tpu.memref_squeeze %dma_start3A_501 : memref<1x128xi32, #tpu.memory_space<vmem>> -> memref<128xi32, #tpu.memory_space<vmem>>
    %dma_start3A_503 = arith.constant 0 : i32
    %dma_start3A_504 = arith.constant 0 : i32
    %dma_start3A_505 = tpu.memref_slice %arg2[%dma_start3A_503, %dma_start3A_504] : memref<1000000x64xf32, #tpu.memory_space<hbm>> -> memref<1000000x64xf32, #tpu.memory_space<hbm>>
    tpu.enqueue_indirect_dma source(%dma_start3A_505 : memref<1000000x64xf32, #tpu.memory_space<hbm>>) target(%arg9 : memref<128x64xf32, #tpu.memory_space<vmem>>) offsets(%dma_start3A_502 : memref<128xi32, #tpu.memory_space<vmem>>) semaphore(%arg17 : memref<!tpu.dma_semaphore, #tpu.memory_space<semaphore_mem>>)
    %add3A_506 = arith.constant 3 : i32
    %add3A_507 = arith.addi %mul3A_2, %add3A_506 : i32
    %jit3A_508 = arith.constant 128 : i32
    %div3A_509 = arith.divsi %add3A_507, %jit3A_508 : i32
    %sign3A_510 = arith.constant 0 : i32
    %sign3A_511 = arith.cmpi sgt, %add3A_507, %sign3A_510 : i32
    %sign3A_512 = arith.extui %sign3A_511 : i1 to i32
    %sign3A_513 = arith.constant 0 : i32
    %sign3A_514 = arith.cmpi slt, %add3A_507, %sign3A_513 : i32
    %sign3A_515 = arith.extui %sign3A_514 : i1 to i32
    %sign3A_516 = arith.subi %sign3A_512, %sign3A_515 : i32
    %sign3A_517 = arith.constant 0 : i32
    %sign3A_518 = arith.cmpi sgt, %jit3A_508, %sign3A_517 : i32
    %sign3A_519 = arith.extui %sign3A_518 : i1 to i32
    %sign3A_520 = arith.constant 0 : i32
    %sign3A_521 = arith.cmpi slt, %jit3A_508, %sign3A_520 : i32
    %sign3A_522 = arith.extui %sign3A_521 : i1 to i32
    %sign3A_523 = arith.subi %sign3A_519, %sign3A_522 : i32
    %ne3A_524 = arith.cmpi ne, %sign3A_516, %sign3A_523 : i32
    %rem3A_525 = arith.remsi %add3A_507, %jit3A_508 : i32
    %ne3A_526 = arith.constant 0 : i32
    %ne3A_527 = arith.cmpi ne, %rem3A_525, %ne3A_526 : i32
    %and3A_528 = arith.andi %ne3A_524, %ne3A_527 : i1
    %sub3A_529 = arith.constant 1 : i32
    %sub3A_530 = arith.subi %div3A_509, %sub3A_529 : i32
    %select_n3A_531 = arith.select %and3A_528, %sub3A_530, %div3A_509 : i32
    %jit3A_532 = arith.constant 128 : i32
    %eq3A_533 = arith.constant 0 : i32
    %eq3A_534 = arith.cmpi eq, %jit3A_532, %eq3A_533 : i32
    %jit3A_535 = arith.constant 1 : i32
    %select_n3A_536 = arith.select %eq3A_534, %jit3A_535, %jit3A_532 : i32
    %rem3A_537 = arith.remsi %add3A_507, %select_n3A_536 : i32
    %ne3A_538 = arith.constant 0 : i32
    %ne3A_539 = arith.cmpi ne, %rem3A_537, %ne3A_538 : i32
    %lt3A_540 = arith.constant 0 : i32
    %lt3A_541 = arith.cmpi slt, %rem3A_537, %lt3A_540 : i32
    %lt3A_542 = arith.constant 0 : i32
    %lt3A_543 = arith.cmpi slt, %select_n3A_536, %lt3A_542 : i32
    %ne3A_544 = arith.xori %lt3A_541, %lt3A_543 : i1
    %and3A_545 = arith.andi %ne3A_544, %ne3A_539 : i1
    %add3A_546 = arith.addi %rem3A_537, %select_n3A_536 : i32
    %select_n3A_547 = arith.select %and3A_545, %add3A_546, %rem3A_537 : i32
    %dma_start3A_548 = arith.constant 0 : i32
    %dma_start3A_549 = arith.constant 0 : i32
    %dma_start3A_550 = arith.constant 0 : i32
    %dma_start3A_551 = tpu.memref_slice %arg13[%dma_start3A_549, %dma_start3A_550] : memref<64x128xf32, #tpu.memory_space<vmem>> -> memref<8x128xf32, #tpu.memory_space<vmem>>
    %dma_start3A_552 = arith.constant 0 : i32
    %dma_start3A_553 = arith.constant 0 : i32
    %dma_start3A_554 = tpu.memref_slice %arg4[%select_n3A_531, %dma_start3A_548, %select_n3A_547, %dma_start3A_552, %dma_start3A_553] : memref<50x8x128x8x128xf32, #tpu.memory_space<hbm>> -> memref<1x1x1x8x128xf32, #tpu.memory_space<hbm>>
    %dma_start3A_555 = tpu.memref_squeeze %dma_start3A_554 : memref<1x1x1x8x128xf32, #tpu.memory_space<hbm>> -> memref<8x128xf32, #tpu.memory_space<hbm>>
    %dma_start3A_556 = arith.constant 0 : i32
    %dma_start3A_557 = arith.constant 0 : i32
    %dma_start3A_558 = tpu.memref_slice %arg4[%select_n3A_531, %dma_start3A_548, %select_n3A_547, %dma_start3A_556, %dma_start3A_557] : memref<50x8x128x8x128xf32, #tpu.memory_space<hbm>> -> memref<1x1x1x8x128xf32, #tpu.memory_space<hbm>>
    %dma_start3A_559 = tpu.memref_squeeze %dma_start3A_558 : memref<1x1x1x8x128xf32, #tpu.memory_space<hbm>> -> memref<8x128xf32, #tpu.memory_space<hbm>>
    %dma_start3A_560 = arith.constant 0 : i32
    %dma_start3A_561 = arith.constant 0 : i32
    %dma_start3A_562 = tpu.memref_slice %arg13[%dma_start3A_560, %dma_start3A_561] : memref<64x128xf32, #tpu.memory_space<vmem>> -> memref<8x128xf32, #tpu.memory_space<vmem>>
    tpu.enqueue_dma source(%dma_start3A_562 : memref<8x128xf32, #tpu.memory_space<vmem>>) target(%dma_start3A_559 : memref<8x128xf32, #tpu.memory_space<hbm>>) target_semaphore(%arg21 : memref<!tpu.dma_semaphore, #tpu.memory_space<semaphore_mem>>)
    %dma_start3A_563 = arith.constant 1 : i32
    %dma_start3A_564 = arith.constant 8 : i32
    %dma_start3A_565 = arith.constant 0 : i32
    %dma_start3A_566 = tpu.memref_slice %arg13[%dma_start3A_564, %dma_start3A_565] : memref<64x128xf32, #tpu.memory_space<vmem>> -> memref<8x128xf32, #tpu.memory_space<vmem>>
    %dma_start3A_567 = arith.constant 0 : i32
    %dma_start3A_568 = arith.constant 0 : i32
    %dma_start3A_569 = tpu.memref_slice %arg4[%select_n3A_531, %dma_start3A_563, %select_n3A_547, %dma_start3A_567, %dma_start3A_568] : memref<50x8x128x8x128xf32, #tpu.memory_space<hbm>> -> memref<1x1x1x8x128xf32, #tpu.memory_space<hbm>>
    %dma_start3A_570 = tpu.memref_squeeze %dma_start3A_569 : memref<1x1x1x8x128xf32, #tpu.memory_space<hbm>> -> memref<8x128xf32, #tpu.memory_space<hbm>>
    %dma_start3A_571 = arith.constant 0 : i32
    %dma_start3A_572 = arith.constant 0 : i32
    %dma_start3A_573 = tpu.memref_slice %arg4[%select_n3A_531, %dma_start3A_563, %select_n3A_547, %dma_start3A_571, %dma_start3A_572] : memref<50x8x128x8x128xf32, #tpu.memory_space<hbm>> -> memref<1x1x1x8x128xf32, #tpu.memory_space<hbm>>
    %dma_start3A_574 = tpu.memref_squeeze %dma_start3A_573 : memref<1x1x1x8x128xf32, #tpu.memory_space<hbm>> -> memref<8x128xf32, #tpu.memory_space<hbm>>
    %dma_start3A_575 = arith.constant 8 : i32
    %dma_start3A_576 = arith.constant 0 : i32
    %dma_start3A_577 = tpu.memref_slice %arg13[%dma_start3A_575, %dma_start3A_576] : memref<64x128xf32, #tpu.memory_space<vmem>> -> memref<8x128xf32, #tpu.memory_space<vmem>>
    tpu.enqueue_dma source(%dma_start3A_577 : memref<8x128xf32, #tpu.memory_space<vmem>>) target(%dma_start3A_574 : memref<8x128xf32, #tpu.memory_space<hbm>>) target_semaphore(%arg21 : memref<!tpu.dma_semaphore, #tpu.memory_space<semaphore_mem>>)
    %dma_start3A_578 = arith.constant 2 : i32
    %dma_start3A_579 = arith.constant 16 : i32
    %dma_start3A_580 = arith.constant 0 : i32
    %dma_start3A_581 = tpu.memref_slice %arg13[%dma_start3A_579, %dma_start3A_580] : memref<64x128xf32, #tpu.memory_space<vmem>> -> memref<8x128xf32, #tpu.memory_space<vmem>>
    %dma_start3A_582 = arith.constant 0 : i32
    %dma_start3A_583 = arith.constant 0 : i32
    %dma_start3A_584 = tpu.memref_slice %arg4[%select_n3A_531, %dma_start3A_578, %select_n3A_547, %dma_start3A_582, %dma_start3A_583] : memref<50x8x128x8x128xf32, #tpu.memory_space<hbm>> -> memref<1x1x1x8x128xf32, #tpu.memory_space<hbm>>
    %dma_start3A_585 = tpu.memref_squeeze %dma_start3A_584 : memref<1x1x1x8x128xf32, #tpu.memory_space<hbm>> -> memref<8x128xf32, #tpu.memory_space<hbm>>
    %dma_start3A_586 = arith.constant 0 : i32
    %dma_start3A_587 = arith.constant 0 : i32
    %dma_start3A_588 = tpu.memref_slice %arg4[%select_n3A_531, %dma_start3A_578, %select_n3A_547, %dma_start3A_586, %dma_start3A_587] : memref<50x8x128x8x128xf32, #tpu.memory_space<hbm>> -> memref<1x1x1x8x128xf32, #tpu.memory_space<hbm>>
    %dma_start3A_589 = tpu.memref_squeeze %dma_start3A_588 : memref<1x1x1x8x128xf32, #tpu.memory_space<hbm>> -> memref<8x128xf32, #tpu.memory_space<hbm>>
    %dma_start3A_590 = arith.constant 16 : i32
    %dma_start3A_591 = arith.constant 0 : i32
    %dma_start3A_592 = tpu.memref_slice %arg13[%dma_start3A_590, %dma_start3A_591] : memref<64x128xf32, #tpu.memory_space<vmem>> -> memref<8x128xf32, #tpu.memory_space<vmem>>
    tpu.enqueue_dma source(%dma_start3A_592 : memref<8x128xf32, #tpu.memory_space<vmem>>) target(%dma_start3A_589 : memref<8x128xf32, #tpu.memory_space<hbm>>) target_semaphore(%arg21 : memref<!tpu.dma_semaphore, #tpu.memory_space<semaphore_mem>>)
    %dma_start3A_593 = arith.constant 3 : i32
    %dma_start3A_594 = arith.constant 24 : i32
    %dma_start3A_595 = arith.constant 0 : i32
    %dma_start3A_596 = tpu.memref_slice %arg13[%dma_start3A_594, %dma_start3A_595] : memref<64x128xf32, #tpu.memory_space<vmem>> -> memref<8x128xf32, #tpu.memory_space<vmem>>
    %dma_start3A_597 = arith.constant 0 : i32
    %dma_start3A_598 = arith.constant 0 : i32
    %dma_start3A_599 = tpu.memref_slice %arg4[%select_n3A_531, %dma_start3A_593, %select_n3A_547, %dma_start3A_597, %dma_start3A_598] : memref<50x8x128x8x128xf32, #tpu.memory_space<hbm>> -> memref<1x1x1x8x128xf32, #tpu.memory_space<hbm>>
    %dma_start3A_600 = tpu.memref_squeeze %dma_start3A_599 : memref<1x1x1x8x128xf32, #tpu.memory_space<hbm>> -> memref<8x128xf32, #tpu.memory_space<hbm>>
    %dma_start3A_601 = arith.constant 0 : i32
    %dma_start3A_602 = arith.constant 0 : i32
    %dma_start3A_603 = tpu.memref_slice %arg4[%select_n3A_531, %dma_start3A_593, %select_n3A_547, %dma_start3A_601, %dma_start3A_602] : memref<50x8x128x8x128xf32, #tpu.memory_space<hbm>> -> memref<1x1x1x8x128xf32, #tpu.memory_space<hbm>>
    %dma_start3A_604 = tpu.memref_squeeze %dma_start3A_603 : memref<1x1x1x8x128xf32, #tpu.memory_space<hbm>> -> memref<8x128xf32, #tpu.memory_space<hbm>>
    %dma_start3A_605 = arith.constant 24 : i32
    %dma_start3A_606 = arith.constant 0 : i32
    %dma_start3A_607 = tpu.memref_slice %arg13[%dma_start3A_605, %dma_start3A_606] : memref<64x128xf32, #tpu.memory_space<vmem>> -> memref<8x128xf32, #tpu.memory_space<vmem>>
    tpu.enqueue_dma source(%dma_start3A_607 : memref<8x128xf32, #tpu.memory_space<vmem>>) target(%dma_start3A_604 : memref<8x128xf32, #tpu.memory_space<hbm>>) target_semaphore(%arg21 : memref<!tpu.dma_semaphore, #tpu.memory_space<semaphore_mem>>)
    %dma_start3A_608 = arith.constant 4 : i32
    %dma_start3A_609 = arith.constant 32 : i32
    %dma_start3A_610 = arith.constant 0 : i32
    %dma_start3A_611 = tpu.memref_slice %arg13[%dma_start3A_609, %dma_start3A_610] : memref<64x128xf32, #tpu.memory_space<vmem>> -> memref<8x128xf32, #tpu.memory_space<vmem>>
    %dma_start3A_612 = arith.constant 0 : i32
    %dma_start3A_613 = arith.constant 0 : i32
    %dma_start3A_614 = tpu.memref_slice %arg4[%select_n3A_531, %dma_start3A_608, %select_n3A_547, %dma_start3A_612, %dma_start3A_613] : memref<50x8x128x8x128xf32, #tpu.memory_space<hbm>> -> memref<1x1x1x8x128xf32, #tpu.memory_space<hbm>>
    %dma_start3A_615 = tpu.memref_squeeze %dma_start3A_614 : memref<1x1x1x8x128xf32, #tpu.memory_space<hbm>> -> memref<8x128xf32, #tpu.memory_space<hbm>>
    %dma_start3A_616 = arith.constant 0 : i32
    %dma_start3A_617 = arith.constant 0 : i32
    %dma_start3A_618 = tpu.memref_slice %arg4[%select_n3A_531, %dma_start3A_608, %select_n3A_547, %dma_start3A_616, %dma_start3A_617] : memref<50x8x128x8x128xf32, #tpu.memory_space<hbm>> -> memref<1x1x1x8x128xf32, #tpu.memory_space<hbm>>
    %dma_start3A_619 = tpu.memref_squeeze %dma_start3A_618 : memref<1x1x1x8x128xf32, #tpu.memory_space<hbm>> -> memref<8x128xf32, #tpu.memory_space<hbm>>
    %dma_start3A_620 = arith.constant 32 : i32
    %dma_start3A_621 = arith.constant 0 : i32
    %dma_start3A_622 = tpu.memref_slice %arg13[%dma_start3A_620, %dma_start3A_621] : memref<64x128xf32, #tpu.memory_space<vmem>> -> memref<8x128xf32, #tpu.memory_space<vmem>>
    tpu.enqueue_dma source(%dma_start3A_622 : memref<8x128xf32, #tpu.memory_space<vmem>>) target(%dma_start3A_619 : memref<8x128xf32, #tpu.memory_space<hbm>>) target_semaphore(%arg21 : memref<!tpu.dma_semaphore, #tpu.memory_space<semaphore_mem>>)
    %dma_start3A_623 = arith.constant 5 : i32
    %dma_start3A_624 = arith.constant 40 : i32
    %dma_start3A_625 = arith.constant 0 : i32
    %dma_start3A_626 = tpu.memref_slice %arg13[%dma_start3A_624, %dma_start3A_625] : memref<64x128xf32, #tpu.memory_space<vmem>> -> memref<8x128xf32, #tpu.memory_space<vmem>>
    %dma_start3A_627 = arith.constant 0 : i32
    %dma_start3A_628 = arith.constant 0 : i32
    %dma_start3A_629 = tpu.memref_slice %arg4[%select_n3A_531, %dma_start3A_623, %select_n3A_547, %dma_start3A_627, %dma_start3A_628] : memref<50x8x128x8x128xf32, #tpu.memory_space<hbm>> -> memref<1x1x1x8x128xf32, #tpu.memory_space<hbm>>
    %dma_start3A_630 = tpu.memref_squeeze %dma_start3A_629 : memref<1x1x1x8x128xf32, #tpu.memory_space<hbm>> -> memref<8x128xf32, #tpu.memory_space<hbm>>
    %dma_start3A_631 = arith.constant 0 : i32
    %dma_start3A_632 = arith.constant 0 : i32
    %dma_start3A_633 = tpu.memref_slice %arg4[%select_n3A_531, %dma_start3A_623, %select_n3A_547, %dma_start3A_631, %dma_start3A_632] : memref<50x8x128x8x128xf32, #tpu.memory_space<hbm>> -> memref<1x1x1x8x128xf32, #tpu.memory_space<hbm>>
    %dma_start3A_634 = tpu.memref_squeeze %dma_start3A_633 : memref<1x1x1x8x128xf32, #tpu.memory_space<hbm>> -> memref<8x128xf32, #tpu.memory_space<hbm>>
    %dma_start3A_635 = arith.constant 40 : i32
    %dma_start3A_636 = arith.constant 0 : i32
    %dma_start3A_637 = tpu.memref_slice %arg13[%dma_start3A_635, %dma_start3A_636] : memref<64x128xf32, #tpu.memory_space<vmem>> -> memref<8x128xf32, #tpu.memory_space<vmem>>
    tpu.enqueue_dma source(%dma_start3A_637 : memref<8x128xf32, #tpu.memory_space<vmem>>) target(%dma_start3A_634 : memref<8x128xf32, #tpu.memory_space<hbm>>) target_semaphore(%arg21 : memref<!tpu.dma_semaphore, #tpu.memory_space<semaphore_mem>>)
    %dma_start3A_638 = arith.constant 6 : i32
    %dma_start3A_639 = arith.constant 48 : i32
    %dma_start3A_640 = arith.constant 0 : i32
    %dma_start3A_641 = tpu.memref_slice %arg13[%dma_start3A_639, %dma_start3A_640] : memref<64x128xf32, #tpu.memory_space<vmem>> -> memref<8x128xf32, #tpu.memory_space<vmem>>
    %dma_start3A_642 = arith.constant 0 : i32
    %dma_start3A_643 = arith.constant 0 : i32
    %dma_start3A_644 = tpu.memref_slice %arg4[%select_n3A_531, %dma_start3A_638, %select_n3A_547, %dma_start3A_642, %dma_start3A_643] : memref<50x8x128x8x128xf32, #tpu.memory_space<hbm>> -> memref<1x1x1x8x128xf32, #tpu.memory_space<hbm>>
    %dma_start3A_645 = tpu.memref_squeeze %dma_start3A_644 : memref<1x1x1x8x128xf32, #tpu.memory_space<hbm>> -> memref<8x128xf32, #tpu.memory_space<hbm>>
    %dma_start3A_646 = arith.constant 0 : i32
    %dma_start3A_647 = arith.constant 0 : i32
    %dma_start3A_648 = tpu.memref_slice %arg4[%select_n3A_531, %dma_start3A_638, %select_n3A_547, %dma_start3A_646, %dma_start3A_647] : memref<50x8x128x8x128xf32, #tpu.memory_space<hbm>> -> memref<1x1x1x8x128xf32, #tpu.memory_space<hbm>>
    %dma_start3A_649 = tpu.memref_squeeze %dma_start3A_648 : memref<1x1x1x8x128xf32, #tpu.memory_space<hbm>> -> memref<8x128xf32, #tpu.memory_space<hbm>>
    %dma_start3A_650 = arith.constant 48 : i32
    %dma_start3A_651 = arith.constant 0 : i32
    %dma_start3A_652 = tpu.memref_slice %arg13[%dma_start3A_650, %dma_start3A_651] : memref<64x128xf32, #tpu.memory_space<vmem>> -> memref<8x128xf32, #tpu.memory_space<vmem>>
    tpu.enqueue_dma source(%dma_start3A_652 : memref<8x128xf32, #tpu.memory_space<vmem>>) target(%dma_start3A_649 : memref<8x128xf32, #tpu.memory_space<hbm>>) target_semaphore(%arg21 : memref<!tpu.dma_semaphore, #tpu.memory_space<semaphore_mem>>)
    %dma_start3A_653 = arith.constant 7 : i32
    %dma_start3A_654 = arith.constant 56 : i32
    %dma_start3A_655 = arith.constant 0 : i32
    %dma_start3A_656 = tpu.memref_slice %arg13[%dma_start3A_654, %dma_start3A_655] : memref<64x128xf32, #tpu.memory_space<vmem>> -> memref<8x128xf32, #tpu.memory_space<vmem>>
    %dma_start3A_657 = arith.constant 0 : i32
    %dma_start3A_658 = arith.constant 0 : i32
    %dma_start3A_659 = tpu.memref_slice %arg4[%select_n3A_531, %dma_start3A_653, %select_n3A_547, %dma_start3A_657, %dma_start3A_658] : memref<50x8x128x8x128xf32, #tpu.memory_space<hbm>> -> memref<1x1x1x8x128xf32, #tpu.memory_space<hbm>>
    %dma_start3A_660 = tpu.memref_squeeze %dma_start3A_659 : memref<1x1x1x8x128xf32, #tpu.memory_space<hbm>> -> memref<8x128xf32, #tpu.memory_space<hbm>>
    %dma_start3A_661 = arith.constant 0 : i32
    %dma_start3A_662 = arith.constant 0 : i32
    %dma_start3A_663 = tpu.memref_slice %arg4[%select_n3A_531, %dma_start3A_653, %select_n3A_547, %dma_start3A_661, %dma_start3A_662] : memref<50x8x128x8x128xf32, #tpu.memory_space<hbm>> -> memref<1x1x1x8x128xf32, #tpu.memory_space<hbm>>
    %dma_start3A_664 = tpu.memref_squeeze %dma_start3A_663 : memref<1x1x1x8x128xf32, #tpu.memory_space<hbm>> -> memref<8x128xf32, #tpu.memory_space<hbm>>
    %dma_start3A_665 = arith.constant 56 : i32
    %dma_start3A_666 = arith.constant 0 : i32
    %dma_start3A_667 = tpu.memref_slice %arg13[%dma_start3A_665, %dma_start3A_666] : memref<64x128xf32, #tpu.memory_space<vmem>> -> memref<8x128xf32, #tpu.memory_space<vmem>>
    tpu.enqueue_dma source(%dma_start3A_667 : memref<8x128xf32, #tpu.memory_space<vmem>>) target(%dma_start3A_664 : memref<8x128xf32, #tpu.memory_space<hbm>>) target_semaphore(%arg21 : memref<!tpu.dma_semaphore, #tpu.memory_space<semaphore_mem>>)
    %scan3A = arith.constant 0 : i32
    %scan3A_668 = arith.constant 0 : i32
    %scan3A_669 = arith.constant 50 : i32
    %scan3A_670 = arith.addi %scan3A_668, %scan3A_669 : i32
    %scan3A_671 = arith.constant 1 : i32
    scf.for %scan3A_1244 = %scan3A_668 to %scan3A_670 step %scan3A_671  : i32 {
      %mul3A_1245 = arith.constant 4 : i32
      %mul3A_1246 = arith.muli %scan3A_1244, %mul3A_1245 : i32
      %add3A_1247 = arith.constant 0 : i32
      %add3A_1248 = arith.addi %mul3A_1246, %add3A_1247 : i32
      %dma_wait3A_1249 = arith.constant 0 : i32
      %dma_wait3A_1250 = arith.constant 0 : i32
      %dma_wait3A_1251 = tpu.memref_slice %arg5[%dma_wait3A_1249, %dma_wait3A_1250] : memref<200x128xi32, #tpu.memory_space<vmem>> -> memref<1x128xi32, #tpu.memory_space<vmem>>
      %dma_wait3A_1252 = tpu.memref_squeeze %dma_wait3A_1251 : memref<1x128xi32, #tpu.memory_space<vmem>> -> memref<128xi32, #tpu.memory_space<vmem>>
      %dma_wait3A_1253 = arith.constant 0 : i32
      %dma_wait3A_1254 = arith.constant 0 : i32
      %dma_wait3A_1255 = tpu.memref_slice %arg2[%dma_wait3A_1253, %dma_wait3A_1254] : memref<1000000x64xf32, #tpu.memory_space<hbm>> -> memref<1000000x64xf32, #tpu.memory_space<hbm>>
      tpu.wait_indirect_dma semaphore(%arg14 : memref<!tpu.dma_semaphore, #tpu.memory_space<semaphore_mem>>) src(%dma_wait3A_1255 : memref<1000000x64xf32, #tpu.memory_space<hbm>>) dst(%arg6 : memref<128x64xf32, #tpu.memory_space<vmem>>)
      %dma_wait3A_1256 = arith.constant 0 : i32
      %dma_wait3A_1257 = arith.constant 0 : i32
      %dma_wait3A_1258 = arith.constant 0 : i32
      %dma_wait3A_1259 = arith.constant 0 : i32
      %dma_wait3A_1260 = arith.constant 0 : i32
      %dma_wait3A_1261 = tpu.memref_slice %arg10[%dma_wait3A_1259, %dma_wait3A_1260] : memref<64x128xf32, #tpu.memory_space<vmem>> -> memref<8x128xf32, #tpu.memory_space<vmem>>
      %dma_wait3A_1262 = arith.constant 0 : i32
      %dma_wait3A_1263 = arith.constant 0 : i32
      %dma_wait3A_1264 = tpu.memref_slice %arg4[%dma_wait3A_1256, %dma_wait3A_1257, %dma_wait3A_1258, %dma_wait3A_1262, %dma_wait3A_1263] : memref<50x8x128x8x128xf32, #tpu.memory_space<hbm>> -> memref<1x1x1x8x128xf32, #tpu.memory_space<hbm>>
      %dma_wait3A_1265 = tpu.memref_squeeze %dma_wait3A_1264 : memref<1x1x1x8x128xf32, #tpu.memory_space<hbm>> -> memref<8x128xf32, #tpu.memory_space<hbm>>
      %dma_wait3A_1266 = arith.constant 0 : i32
      %dma_wait3A_1267 = arith.constant 0 : i32
      %dma_wait3A_1268 = tpu.memref_slice %arg4[%dma_wait3A_1256, %dma_wait3A_1257, %dma_wait3A_1258, %dma_wait3A_1266, %dma_wait3A_1267] : memref<50x8x128x8x128xf32, #tpu.memory_space<hbm>> -> memref<1x1x1x8x128xf32, #tpu.memory_space<hbm>>
      %dma_wait3A_1269 = tpu.memref_squeeze %dma_wait3A_1268 : memref<1x1x1x8x128xf32, #tpu.memory_space<hbm>> -> memref<8x128xf32, #tpu.memory_space<hbm>>
      %dma_wait3A_1270 = arith.constant 0 : i32
      %dma_wait3A_1271 = arith.constant 0 : i32
      %dma_wait3A_1272 = tpu.memref_slice %arg10[%dma_wait3A_1270, %dma_wait3A_1271] : memref<64x128xf32, #tpu.memory_space<vmem>> -> memref<8x128xf32, #tpu.memory_space<vmem>>
      tpu.wait_dma2 semaphore(%arg18 : memref<!tpu.dma_semaphore, #tpu.memory_space<semaphore_mem>>) src(%dma_wait3A_1272 : memref<8x128xf32, #tpu.memory_space<vmem>>) dst(%dma_wait3A_1269 : memref<8x128xf32, #tpu.memory_space<hbm>>)
      %dma_wait3A_1273 = arith.constant 0 : i32
      %dma_wait3A_1274 = arith.constant 1 : i32
      %dma_wait3A_1275 = arith.constant 0 : i32
      %dma_wait3A_1276 = arith.constant 8 : i32
      %dma_wait3A_1277 = arith.constant 0 : i32
      %dma_wait3A_1278 = tpu.memref_slice %arg10[%dma_wait3A_1276, %dma_wait3A_1277] : memref<64x128xf32, #tpu.memory_space<vmem>> -> memref<8x128xf32, #tpu.memory_space<vmem>>
      %dma_wait3A_1279 = arith.constant 0 : i32
      %dma_wait3A_1280 = arith.constant 0 : i32
      %dma_wait3A_1281 = tpu.memref_slice %arg4[%dma_wait3A_1273, %dma_wait3A_1274, %dma_wait3A_1275, %dma_wait3A_1279, %dma_wait3A_1280] : memref<50x8x128x8x128xf32, #tpu.memory_space<hbm>> -> memref<1x1x1x8x128xf32, #tpu.memory_space<hbm>>
      %dma_wait3A_1282 = tpu.memref_squeeze %dma_wait3A_1281 : memref<1x1x1x8x128xf32, #tpu.memory_space<hbm>> -> memref<8x128xf32, #tpu.memory_space<hbm>>
      %dma_wait3A_1283 = arith.constant 0 : i32
      %dma_wait3A_1284 = arith.constant 0 : i32
      %dma_wait3A_1285 = tpu.memref_slice %arg4[%dma_wait3A_1273, %dma_wait3A_1274, %dma_wait3A_1275, %dma_wait3A_1283, %dma_wait3A_1284] : memref<50x8x128x8x128xf32, #tpu.memory_space<hbm>> -> memref<1x1x1x8x128xf32, #tpu.memory_space<hbm>>
      %dma_wait3A_1286 = tpu.memref_squeeze %dma_wait3A_1285 : memref<1x1x1x8x128xf32, #tpu.memory_space<hbm>> -> memref<8x128xf32, #tpu.memory_space<hbm>>
      %dma_wait3A_1287 = arith.constant 8 : i32
      %dma_wait3A_1288 = arith.constant 0 : i32
      %dma_wait3A_1289 = tpu.memref_slice %arg10[%dma_wait3A_1287, %dma_wait3A_1288] : memref<64x128xf32, #tpu.memory_space<vmem>> -> memref<8x128xf32, #tpu.memory_space<vmem>>
      tpu.wait_dma2 semaphore(%arg18 : memref<!tpu.dma_semaphore, #tpu.memory_space<semaphore_mem>>) src(%dma_wait3A_1289 : memref<8x128xf32, #tpu.memory_space<vmem>>) dst(%dma_wait3A_1286 : memref<8x128xf32, #tpu.memory_space<hbm>>)
      %dma_wait3A_1290 = arith.constant 0 : i32
      %dma_wait3A_1291 = arith.constant 2 : i32
      %dma_wait3A_1292 = arith.constant 0 : i32
      %dma_wait3A_1293 = arith.constant 16 : i32
      %dma_wait3A_1294 = arith.constant 0 : i32
      %dma_wait3A_1295 = tpu.memref_slice %arg10[%dma_wait3A_1293, %dma_wait3A_1294] : memref<64x128xf32, #tpu.memory_space<vmem>> -> memref<8x128xf32, #tpu.memory_space<vmem>>
      %dma_wait3A_1296 = arith.constant 0 : i32
      %dma_wait3A_1297 = arith.constant 0 : i32
      %dma_wait3A_1298 = tpu.memref_slice %arg4[%dma_wait3A_1290, %dma_wait3A_1291, %dma_wait3A_1292, %dma_wait3A_1296, %dma_wait3A_1297] : memref<50x8x128x8x128xf32, #tpu.memory_space<hbm>> -> memref<1x1x1x8x128xf32, #tpu.memory_space<hbm>>
      %dma_wait3A_1299 = tpu.memref_squeeze %dma_wait3A_1298 : memref<1x1x1x8x128xf32, #tpu.memory_space<hbm>> -> memref<8x128xf32, #tpu.memory_space<hbm>>
      %dma_wait3A_1300 = arith.constant 0 : i32
      %dma_wait3A_1301 = arith.constant 0 : i32
      %dma_wait3A_1302 = tpu.memref_slice %arg4[%dma_wait3A_1290, %dma_wait3A_1291, %dma_wait3A_1292, %dma_wait3A_1300, %dma_wait3A_1301] : memref<50x8x128x8x128xf32, #tpu.memory_space<hbm>> -> memref<1x1x1x8x128xf32, #tpu.memory_space<hbm>>
      %dma_wait3A_1303 = tpu.memref_squeeze %dma_wait3A_1302 : memref<1x1x1x8x128xf32, #tpu.memory_space<hbm>> -> memref<8x128xf32, #tpu.memory_space<hbm>>
      %dma_wait3A_1304 = arith.constant 16 : i32
      %dma_wait3A_1305 = arith.constant 0 : i32
      %dma_wait3A_1306 = tpu.memref_slice %arg10[%dma_wait3A_1304, %dma_wait3A_1305] : memref<64x128xf32, #tpu.memory_space<vmem>> -> memref<8x128xf32, #tpu.memory_space<vmem>>
      tpu.wait_dma2 semaphore(%arg18 : memref<!tpu.dma_semaphore, #tpu.memory_space<semaphore_mem>>) src(%dma_wait3A_1306 : memref<8x128xf32, #tpu.memory_space<vmem>>) dst(%dma_wait3A_1303 : memref<8x128xf32, #tpu.memory_space<hbm>>)
      %dma_wait3A_1307 = arith.constant 0 : i32
      %dma_wait3A_1308 = arith.constant 3 : i32
      %dma_wait3A_1309 = arith.constant 0 : i32
      %dma_wait3A_1310 = arith.constant 24 : i32
      %dma_wait3A_1311 = arith.constant 0 : i32
      %dma_wait3A_1312 = tpu.memref_slice %arg10[%dma_wait3A_1310, %dma_wait3A_1311] : memref<64x128xf32, #tpu.memory_space<vmem>> -> memref<8x128xf32, #tpu.memory_space<vmem>>
      %dma_wait3A_1313 = arith.constant 0 : i32
      %dma_wait3A_1314 = arith.constant 0 : i32
      %dma_wait3A_1315 = tpu.memref_slice %arg4[%dma_wait3A_1307, %dma_wait3A_1308, %dma_wait3A_1309, %dma_wait3A_1313, %dma_wait3A_1314] : memref<50x8x128x8x128xf32, #tpu.memory_space<hbm>> -> memref<1x1x1x8x128xf32, #tpu.memory_space<hbm>>
      %dma_wait3A_1316 = tpu.memref_squeeze %dma_wait3A_1315 : memref<1x1x1x8x128xf32, #tpu.memory_space<hbm>> -> memref<8x128xf32, #tpu.memory_space<hbm>>
      %dma_wait3A_1317 = arith.constant 0 : i32
      %dma_wait3A_1318 = arith.constant 0 : i32
      %dma_wait3A_1319 = tpu.memref_slice %arg4[%dma_wait3A_1307, %dma_wait3A_1308, %dma_wait3A_1309, %dma_wait3A_1317, %dma_wait3A_1318] : memref<50x8x128x8x128xf32, #tpu.memory_space<hbm>> -> memref<1x1x1x8x128xf32, #tpu.memory_space<hbm>>
      %dma_wait3A_1320 = tpu.memref_squeeze %dma_wait3A_1319 : memref<1x1x1x8x128xf32, #tpu.memory_space<hbm>> -> memref<8x128xf32, #tpu.memory_space<hbm>>
      %dma_wait3A_1321 = arith.constant 24 : i32
      %dma_wait3A_1322 = arith.constant 0 : i32
      %dma_wait3A_1323 = tpu.memref_slice %arg10[%dma_wait3A_1321, %dma_wait3A_1322] : memref<64x128xf32, #tpu.memory_space<vmem>> -> memref<8x128xf32, #tpu.memory_space<vmem>>
      tpu.wait_dma2 semaphore(%arg18 : memref<!tpu.dma_semaphore, #tpu.memory_space<semaphore_mem>>) src(%dma_wait3A_1323 : memref<8x128xf32, #tpu.memory_space<vmem>>) dst(%dma_wait3A_1320 : memref<8x128xf32, #tpu.memory_space<hbm>>)
      %dma_wait3A_1324 = arith.constant 0 : i32
      %dma_wait3A_1325 = arith.constant 4 : i32
      %dma_wait3A_1326 = arith.constant 0 : i32
      %dma_wait3A_1327 = arith.constant 32 : i32
      %dma_wait3A_1328 = arith.constant 0 : i32
      %dma_wait3A_1329 = tpu.memref_slice %arg10[%dma_wait3A_1327, %dma_wait3A_1328] : memref<64x128xf32, #tpu.memory_space<vmem>> -> memref<8x128xf32, #tpu.memory_space<vmem>>
      %dma_wait3A_1330 = arith.constant 0 : i32
      %dma_wait3A_1331 = arith.constant 0 : i32
      %dma_wait3A_1332 = tpu.memref_slice %arg4[%dma_wait3A_1324, %dma_wait3A_1325, %dma_wait3A_1326, %dma_wait3A_1330, %dma_wait3A_1331] : memref<50x8x128x8x128xf32, #tpu.memory_space<hbm>> -> memref<1x1x1x8x128xf32, #tpu.memory_space<hbm>>
      %dma_wait3A_1333 = tpu.memref_squeeze %dma_wait3A_1332 : memref<1x1x1x8x128xf32, #tpu.memory_space<hbm>> -> memref<8x128xf32, #tpu.memory_space<hbm>>
      %dma_wait3A_1334 = arith.constant 0 : i32
      %dma_wait3A_1335 = arith.constant 0 : i32
      %dma_wait3A_1336 = tpu.memref_slice %arg4[%dma_wait3A_1324, %dma_wait3A_1325, %dma_wait3A_1326, %dma_wait3A_1334, %dma_wait3A_1335] : memref<50x8x128x8x128xf32, #tpu.memory_space<hbm>> -> memref<1x1x1x8x128xf32, #tpu.memory_space<hbm>>
      %dma_wait3A_1337 = tpu.memref_squeeze %dma_wait3A_1336 : memref<1x1x1x8x128xf32, #tpu.memory_space<hbm>> -> memref<8x128xf32, #tpu.memory_space<hbm>>
      %dma_wait3A_1338 = arith.constant 32 : i32
      %dma_wait3A_1339 = arith.constant 0 : i32
      %dma_wait3A_1340 = tpu.memref_slice %arg10[%dma_wait3A_1338, %dma_wait3A_1339] : memref<64x128xf32, #tpu.memory_space<vmem>> -> memref<8x128xf32, #tpu.memory_space<vmem>>
      tpu.wait_dma2 semaphore(%arg18 : memref<!tpu.dma_semaphore, #tpu.memory_space<semaphore_mem>>) src(%dma_wait3A_1340 : memref<8x128xf32, #tpu.memory_space<vmem>>) dst(%dma_wait3A_1337 : memref<8x128xf32, #tpu.memory_space<hbm>>)
      %dma_wait3A_1341 = arith.constant 0 : i32
      %dma_wait3A_1342 = arith.constant 5 : i32
      %dma_wait3A_1343 = arith.constant 0 : i32
      %dma_wait3A_1344 = arith.constant 40 : i32
      %dma_wait3A_1345 = arith.constant 0 : i32
      %dma_wait3A_1346 = tpu.memref_slice %arg10[%dma_wait3A_1344, %dma_wait3A_1345] : memref<64x128xf32, #tpu.memory_space<vmem>> -> memref<8x128xf32, #tpu.memory_space<vmem>>
      %dma_wait3A_1347 = arith.constant 0 : i32
      %dma_wait3A_1348 = arith.constant 0 : i32
      %dma_wait3A_1349 = tpu.memref_slice %arg4[%dma_wait3A_1341, %dma_wait3A_1342, %dma_wait3A_1343, %dma_wait3A_1347, %dma_wait3A_1348] : memref<50x8x128x8x128xf32, #tpu.memory_space<hbm>> -> memref<1x1x1x8x128xf32, #tpu.memory_space<hbm>>
      %dma_wait3A_1350 = tpu.memref_squeeze %dma_wait3A_1349 : memref<1x1x1x8x128xf32, #tpu.memory_space<hbm>> -> memref<8x128xf32, #tpu.memory_space<hbm>>
      %dma_wait3A_1351 = arith.constant 0 : i32
      %dma_wait3A_1352 = arith.constant 0 : i32
      %dma_wait3A_1353 = tpu.memref_slice %arg4[%dma_wait3A_1341, %dma_wait3A_1342, %dma_wait3A_1343, %dma_wait3A_1351, %dma_wait3A_1352] : memref<50x8x128x8x128xf32, #tpu.memory_space<hbm>> -> memref<1x1x1x8x128xf32, #tpu.memory_space<hbm>>
      %dma_wait3A_1354 = tpu.memref_squeeze %dma_wait3A_1353 : memref<1x1x1x8x128xf32, #tpu.memory_space<hbm>> -> memref<8x128xf32, #tpu.memory_space<hbm>>
      %dma_wait3A_1355 = arith.constant 40 : i32
      %dma_wait3A_1356 = arith.constant 0 : i32
      %dma_wait3A_1357 = tpu.memref_slice %arg10[%dma_wait3A_1355, %dma_wait3A_1356] : memref<64x128xf32, #tpu.memory_space<vmem>> -> memref<8x128xf32, #tpu.memory_space<vmem>>
      tpu.wait_dma2 semaphore(%arg18 : memref<!tpu.dma_semaphore, #tpu.memory_space<semaphore_mem>>) src(%dma_wait3A_1357 : memref<8x128xf32, #tpu.memory_space<vmem>>) dst(%dma_wait3A_1354 : memref<8x128xf32, #tpu.memory_space<hbm>>)
      %dma_wait3A_1358 = arith.constant 0 : i32
      %dma_wait3A_1359 = arith.constant 6 : i32
      %dma_wait3A_1360 = arith.constant 0 : i32
      %dma_wait3A_1361 = arith.constant 48 : i32
      %dma_wait3A_1362 = arith.constant 0 : i32
      %dma_wait3A_1363 = tpu.memref_slice %arg10[%dma_wait3A_1361, %dma_wait3A_1362] : memref<64x128xf32, #tpu.memory_space<vmem>> -> memref<8x128xf32, #tpu.memory_space<vmem>>
      %dma_wait3A_1364 = arith.constant 0 : i32
      %dma_wait3A_1365 = arith.constant 0 : i32
      %dma_wait3A_1366 = tpu.memref_slice %arg4[%dma_wait3A_1358, %dma_wait3A_1359, %dma_wait3A_1360, %dma_wait3A_1364, %dma_wait3A_1365] : memref<50x8x128x8x128xf32, #tpu.memory_space<hbm>> -> memref<1x1x1x8x128xf32, #tpu.memory_space<hbm>>
      %dma_wait3A_1367 = tpu.memref_squeeze %dma_wait3A_1366 : memref<1x1x1x8x128xf32, #tpu.memory_space<hbm>> -> memref<8x128xf32, #tpu.memory_space<hbm>>
      %dma_wait3A_1368 = arith.constant 0 : i32
      %dma_wait3A_1369 = arith.constant 0 : i32
      %dma_wait3A_1370 = tpu.memref_slice %arg4[%dma_wait3A_1358, %dma_wait3A_1359, %dma_wait3A_1360, %dma_wait3A_1368, %dma_wait3A_1369] : memref<50x8x128x8x128xf32, #tpu.memory_space<hbm>> -> memref<1x1x1x8x128xf32, #tpu.memory_space<hbm>>
      %dma_wait3A_1371 = tpu.memref_squeeze %dma_wait3A_1370 : memref<1x1x1x8x128xf32, #tpu.memory_space<hbm>> -> memref<8x128xf32, #tpu.memory_space<hbm>>
      %dma_wait3A_1372 = arith.constant 48 : i32
      %dma_wait3A_1373 = arith.constant 0 : i32
      %dma_wait3A_1374 = tpu.memref_slice %arg10[%dma_wait3A_1372, %dma_wait3A_1373] : memref<64x128xf32, #tpu.memory_space<vmem>> -> memref<8x128xf32, #tpu.memory_space<vmem>>
      tpu.wait_dma2 semaphore(%arg18 : memref<!tpu.dma_semaphore, #tpu.memory_space<semaphore_mem>>) src(%dma_wait3A_1374 : memref<8x128xf32, #tpu.memory_space<vmem>>) dst(%dma_wait3A_1371 : memref<8x128xf32, #tpu.memory_space<hbm>>)
      %dma_wait3A_1375 = arith.constant 0 : i32
      %dma_wait3A_1376 = arith.constant 7 : i32
      %dma_wait3A_1377 = arith.constant 0 : i32
      %dma_wait3A_1378 = arith.constant 56 : i32
      %dma_wait3A_1379 = arith.constant 0 : i32
      %dma_wait3A_1380 = tpu.memref_slice %arg10[%dma_wait3A_1378, %dma_wait3A_1379] : memref<64x128xf32, #tpu.memory_space<vmem>> -> memref<8x128xf32, #tpu.memory_space<vmem>>
      %dma_wait3A_1381 = arith.constant 0 : i32
      %dma_wait3A_1382 = arith.constant 0 : i32
      %dma_wait3A_1383 = tpu.memref_slice %arg4[%dma_wait3A_1375, %dma_wait3A_1376, %dma_wait3A_1377, %dma_wait3A_1381, %dma_wait3A_1382] : memref<50x8x128x8x128xf32, #tpu.memory_space<hbm>> -> memref<1x1x1x8x128xf32, #tpu.memory_space<hbm>>
      %dma_wait3A_1384 = tpu.memref_squeeze %dma_wait3A_1383 : memref<1x1x1x8x128xf32, #tpu.memory_space<hbm>> -> memref<8x128xf32, #tpu.memory_space<hbm>>
      %dma_wait3A_1385 = arith.constant 0 : i32
      %dma_wait3A_1386 = arith.constant 0 : i32
      %dma_wait3A_1387 = tpu.memref_slice %arg4[%dma_wait3A_1375, %dma_wait3A_1376, %dma_wait3A_1377, %dma_wait3A_1385, %dma_wait3A_1386] : memref<50x8x128x8x128xf32, #tpu.memory_space<hbm>> -> memref<1x1x1x8x128xf32, #tpu.memory_space<hbm>>
      %dma_wait3A_1388 = tpu.memref_squeeze %dma_wait3A_1387 : memref<1x1x1x8x128xf32, #tpu.memory_space<hbm>> -> memref<8x128xf32, #tpu.memory_space<hbm>>
      %dma_wait3A_1389 = arith.constant 56 : i32
      %dma_wait3A_1390 = arith.constant 0 : i32
      %dma_wait3A_1391 = tpu.memref_slice %arg10[%dma_wait3A_1389, %dma_wait3A_1390] : memref<64x128xf32, #tpu.memory_space<vmem>> -> memref<8x128xf32, #tpu.memory_space<vmem>>
      tpu.wait_dma2 semaphore(%arg18 : memref<!tpu.dma_semaphore, #tpu.memory_space<semaphore_mem>>) src(%dma_wait3A_1391 : memref<8x128xf32, #tpu.memory_space<vmem>>) dst(%dma_wait3A_1388 : memref<8x128xf32, #tpu.memory_space<hbm>>)
      %parallel_loop3A = arith.constant 0 : i32
      %parallel_loop3A_1392 = arith.constant 64 : i32
      %parallel_loop3A_1393 = arith.constant 1 : i32
      scf.for %parallel_loop3A_2527 = %parallel_loop3A to %parallel_loop3A_1392 step %parallel_loop3A_1393  : i32 {
        %parallel_loop3A_2528 = vector.broadcast %parallel_loop3A_2527 : i32 to vector<16xi32>
        %parallel_loop3A_2529 = arith.addi %parallel_loop3A_2528, %iota3A : vector<16xi32>
        %parallel_loop3A_2530 = arith.constant 63 : i32
        %parallel_loop3A_2531 = vector.broadcast %parallel_loop3A_2530 : i32 to vector<16xi32>
        %parallel_loop3A_2532 = arith.andi %parallel_loop3A_2529, %parallel_loop3A_2531 : vector<16xi32>
        %parallel_loop3A_2533 = arith.constant 0 : i32
        %parallel_loop3A_2534 = vector.broadcast %parallel_loop3A_2533 : i32 to vector<16xi32>
        %parallel_loop3A_2535 = arith.addi %parallel_loop3A_2534, %iota3A : vector<16xi32>
        %parallel_loop3A_2536 = tpu.vector_load_idx %arg6[%parallel_loop3A_2535, %parallel_loop3A_2532] : memref<128x64xf32, #tpu.memory_space<vmem>>[vector<16xi32>, vector<16xi32>], vector<16xf32>,
        %parallel_loop3A_2537 = arith.constant 0 : i32
        %parallel_loop3A_2538 = vector.broadcast %parallel_loop3A_2537 : i32 to vector<16xi32>
        %parallel_loop3A_2539 = arith.addi %parallel_loop3A_2538, %iota3A : vector<16xi32>
        tpu.vector_store_idx %arg10[%parallel_loop3A_2532, %parallel_loop3A_2539], %parallel_loop3A_2536 : memref<64x128xf32, #tpu.memory_space<vmem>>[vector<16xi32>, vector<16xi32>], vector<16xf32>,
        %parallel_loop3A_2540 = arith.constant 16 : i32
        %parallel_loop3A_2541 = vector.broadcast %parallel_loop3A_2540 : i32 to vector<16xi32>
        %parallel_loop3A_2542 = arith.addi %parallel_loop3A_2541, %iota3A : vector<16xi32>
        %parallel_loop3A_2543 = tpu.vector_load_idx %arg6[%parallel_loop3A_2542, %parallel_loop3A_2532] : memref<128x64xf32, #tpu.memory_space<vmem>>[vector<16xi32>, vector<16xi32>], vector<16xf32>,
        %parallel_loop3A_2544 = arith.constant 16 : i32
        %parallel_loop3A_2545 = vector.broadcast %parallel_loop3A_2544 : i32 to vector<16xi32>
        %parallel_loop3A_2546 = arith.addi %parallel_loop3A_2545, %iota3A : vector<16xi32>
        tpu.vector_store_idx %arg10[%parallel_loop3A_2532, %parallel_loop3A_2546], %parallel_loop3A_2543 : memref<64x128xf32, #tpu.memory_space<vmem>>[vector<16xi32>, vector<16xi32>], vector<16xf32>,
        %parallel_loop3A_2547 = arith.constant 32 : i32
        %parallel_loop3A_2548 = vector.broadcast %parallel_loop3A_2547 : i32 to vector<16xi32>
        %parallel_loop3A_2549 = arith.addi %parallel_loop3A_2548, %iota3A : vector<16xi32>
        %parallel_loop3A_2550 = tpu.vector_load_idx %arg6[%parallel_loop3A_2549, %parallel_loop3A_2532] : memref<128x64xf32, #tpu.memory_space<vmem>>[vector<16xi32>, vector<16xi32>], vector<16xf32>,
        %parallel_loop3A_2551 = arith.constant 32 : i32
        %parallel_loop3A_2552 = vector.broadcast %parallel_loop3A_2551 : i32 to vector<16xi32>
        %parallel_loop3A_2553 = arith.addi %parallel_loop3A_2552, %iota3A : vector<16xi32>
        tpu.vector_store_idx %arg10[%parallel_loop3A_2532, %parallel_loop3A_2553], %parallel_loop3A_2550 : memref<64x128xf32, #tpu.memory_space<vmem>>[vector<16xi32>, vector<16xi32>], vector<16xf32>,
        %parallel_loop3A_2554 = arith.constant 48 : i32
        %parallel_loop3A_2555 = vector.broadcast %parallel_loop3A_2554 : i32 to vector<16xi32>
        %parallel_loop3A_2556 = arith.addi %parallel_loop3A_2555, %iota3A : vector<16xi32>
        %parallel_loop3A_2557 = tpu.vector_load_idx %arg6[%parallel_loop3A_2556, %parallel_loop3A_2532] : memref<128x64xf32, #tpu.memory_space<vmem>>[vector<16xi32>, vector<16xi32>], vector<16xf32>,
        %parallel_loop3A_2558 = arith.constant 48 : i32
        %parallel_loop3A_2559 = vector.broadcast %parallel_loop3A_2558 : i32 to vector<16xi32>
        %parallel_loop3A_2560 = arith.addi %parallel_loop3A_2559, %iota3A : vector<16xi32>
        tpu.vector_store_idx %arg10[%parallel_loop3A_2532, %parallel_loop3A_2560], %parallel_loop3A_2557 : memref<64x128xf32, #tpu.memory_space<vmem>>[vector<16xi32>, vector<16xi32>], vector<16xf32>,
        %parallel_loop3A_2561 = arith.constant 64 : i32
        %parallel_loop3A_2562 = vector.broadcast %parallel_loop3A_2561 : i32 to vector<16xi32>
        %parallel_loop3A_2563 = arith.addi %parallel_loop3A_2562, %iota3A : vector<16xi32>
        %parallel_loop3A_2564 = tpu.vector_load_idx %arg6[%parallel_loop3A_2563, %parallel_loop3A_2532] : memref<128x64xf32, #tpu.memory_space<vmem>>[vector<16xi32>, vector<16xi32>], vector<16xf32>,
        %parallel_loop3A_2565 = arith.constant 64 : i32
        %parallel_loop3A_2566 = vector.broadcast %parallel_loop3A_2565 : i32 to vector<16xi32>
        %parallel_loop3A_2567 = arith.addi %parallel_loop3A_2566, %iota3A : vector<16xi32>
        tpu.vector_store_idx %arg10[%parallel_loop3A_2532, %parallel_loop3A_2567], %parallel_loop3A_2564 : memref<64x128xf32, #tpu.memory_space<vmem>>[vector<16xi32>, vector<16xi32>], vector<16xf32>,
        %parallel_loop3A_2568 = arith.constant 80 : i32
        %parallel_loop3A_2569 = vector.broadcast %parallel_loop3A_2568 : i32 to vector<16xi32>
        %parallel_loop3A_2570 = arith.addi %parallel_loop3A_2569, %iota3A : vector<16xi32>
        %parallel_loop3A_2571 = tpu.vector_load_idx %arg6[%parallel_loop3A_2570, %parallel_loop3A_2532] : memref<128x64xf32, #tpu.memory_space<vmem>>[vector<16xi32>, vector<16xi32>], vector<16xf32>,
        %parallel_loop3A_2572 = arith.constant 80 : i32
        %parallel_loop3A_2573 = vector.broadcast %parallel_loop3A_2572 : i32 to vector<16xi32>
        %parallel_loop3A_2574 = arith.addi %parallel_loop3A_2573, %iota3A : vector<16xi32>
        tpu.vector_store_idx %arg10[%parallel_loop3A_2532, %parallel_loop3A_2574], %parallel_loop3A_2571 : memref<64x128xf32, #tpu.memory_space<vmem>>[vector<16xi32>, vector<16xi32>], vector<16xf32>,
        %parallel_loop3A_2575 = arith.constant 96 : i32
        %parallel_loop3A_2576 = vector.broadcast %parallel_loop3A_2575 : i32 to vector<16xi32>
        %parallel_loop3A_2577 = arith.addi %parallel_loop3A_2576, %iota3A : vector<16xi32>
        %parallel_loop3A_2578 = tpu.vector_load_idx %arg6[%parallel_loop3A_2577, %parallel_loop3A_2532] : memref<128x64xf32, #tpu.memory_space<vmem>>[vector<16xi32>, vector<16xi32>], vector<16xf32>,
        %parallel_loop3A_2579 = arith.constant 96 : i32
        %parallel_loop3A_2580 = vector.broadcast %parallel_loop3A_2579 : i32 to vector<16xi32>
        %parallel_loop3A_2581 = arith.addi %parallel_loop3A_2580, %iota3A : vector<16xi32>
        tpu.vector_store_idx %arg10[%parallel_loop3A_2532, %parallel_loop3A_2581], %parallel_loop3A_2578 : memref<64x128xf32, #tpu.memory_space<vmem>>[vector<16xi32>, vector<16xi32>], vector<16xf32>,
        %parallel_loop3A_2582 = arith.constant 112 : i32
        %parallel_loop3A_2583 = vector.broadcast %parallel_loop3A_2582 : i32 to vector<16xi32>
        %parallel_loop3A_2584 = arith.addi %parallel_loop3A_2583, %iota3A : vector<16xi32>
        %parallel_loop3A_2585 = tpu.vector_load_idx %arg6[%parallel_loop3A_2584, %parallel_loop3A_2532] : memref<128x64xf32, #tpu.memory_space<vmem>>[vector<16xi32>, vector<16xi32>], vector<16xf32>,
        %parallel_loop3A_2586 = arith.constant 112 : i32
        %parallel_loop3A_2587 = vector.broadcast %parallel_loop3A_2586 : i32 to vector<16xi32>
        %parallel_loop3A_2588 = arith.addi %parallel_loop3A_2587, %iota3A : vector<16xi32>
        tpu.vector_store_idx %arg10[%parallel_loop3A_2532, %parallel_loop3A_2588], %parallel_loop3A_2585 : memref<64x128xf32, #tpu.memory_space<vmem>>[vector<16xi32>, vector<16xi32>], vector<16xf32>,
      } {sc.loop_unroll_factor = 8 : i64, sc.parallel_access}
      %add3A_1394 = arith.addi %mul3A_2, %add3A_1248 : i32
      %jit3A_1395 = arith.constant 128 : i32
      %div3A_1396 = arith.divsi %add3A_1394, %jit3A_1395 : i32
      %sign3A_1397 = arith.constant 0 : i32
      %sign3A_1398 = arith.cmpi sgt, %add3A_1394, %sign3A_1397 : i32
      %sign3A_1399 = arith.extui %sign3A_1398 : i1 to i32
      %sign3A_1400 = arith.constant 0 : i32
      %sign3A_1401 = arith.cmpi slt, %add3A_1394, %sign3A_1400 : i32
      %sign3A_1402 = arith.extui %sign3A_1401 : i1 to i32
      %sign3A_1403 = arith.subi %sign3A_1399, %sign3A_1402 : i32
      %sign3A_1404 = arith.constant 0 : i32
      %sign3A_1405 = arith.cmpi sgt, %jit3A_1395, %sign3A_1404 : i32
      %sign3A_1406 = arith.extui %sign3A_1405 : i1 to i32
      %sign3A_1407 = arith.constant 0 : i32
      %sign3A_1408 = arith.cmpi slt, %jit3A_1395, %sign3A_1407 : i32
      %sign3A_1409 = arith.extui %sign3A_1408 : i1 to i32
      %sign3A_1410 = arith.subi %sign3A_1406, %sign3A_1409 : i32
      %ne3A_1411 = arith.cmpi ne, %sign3A_1403, %sign3A_1410 : i32
      %rem3A_1412 = arith.remsi %add3A_1394, %jit3A_1395 : i32
      %ne3A_1413 = arith.constant 0 : i32
      %ne3A_1414 = arith.cmpi ne, %rem3A_1412, %ne3A_1413 : i32
      %and3A_1415 = arith.andi %ne3A_1411, %ne3A_1414 : i1
      %sub3A_1416 = arith.constant 1 : i32
      %sub3A_1417 = arith.subi %div3A_1396, %sub3A_1416 : i32
      %select_n3A_1418 = arith.select %and3A_1415, %sub3A_1417, %div3A_1396 : i32
      %jit3A_1419 = arith.constant 128 : i32
      %eq3A_1420 = arith.constant 0 : i32
      %eq3A_1421 = arith.cmpi eq, %jit3A_1419, %eq3A_1420 : i32
      %jit3A_1422 = arith.constant 1 : i32
      %select_n3A_1423 = arith.select %eq3A_1421, %jit3A_1422, %jit3A_1419 : i32
      %rem3A_1424 = arith.remsi %add3A_1394, %select_n3A_1423 : i32
      %ne3A_1425 = arith.constant 0 : i32
      %ne3A_1426 = arith.cmpi ne, %rem3A_1424, %ne3A_1425 : i32
      %lt3A_1427 = arith.constant 0 : i32
      %lt3A_1428 = arith.cmpi slt, %rem3A_1424, %lt3A_1427 : i32
      %lt3A_1429 = arith.constant 0 : i32
      %lt3A_1430 = arith.cmpi slt, %select_n3A_1423, %lt3A_1429 : i32
      %ne3A_1431 = arith.xori %lt3A_1428, %lt3A_1430 : i1
      %and3A_1432 = arith.andi %ne3A_1431, %ne3A_1426 : i1
      %add3A_1433 = arith.addi %rem3A_1424, %select_n3A_1423 : i32
      %select_n3A_1434 = arith.select %and3A_1432, %add3A_1433, %rem3A_1424 : i32
      %dma_start3A_1435 = arith.constant 0 : i32
      %dma_start3A_1436 = arith.constant 0 : i32
      %dma_start3A_1437 = arith.constant 0 : i32
      %dma_start3A_1438 = tpu.memref_slice %arg10[%dma_start3A_1436, %dma_start3A_1437] : memref<64x128xf32, #tpu.memory_space<vmem>> -> memref<8x128xf32, #tpu.memory_space<vmem>>
      %dma_start3A_1439 = arith.constant 0 : i32
      %dma_start3A_1440 = arith.constant 0 : i32
      %dma_start3A_1441 = tpu.memref_slice %arg4[%select_n3A_1418, %dma_start3A_1435, %select_n3A_1434, %dma_start3A_1439, %dma_start3A_1440] : memref<50x8x128x8x128xf32, #tpu.memory_space<hbm>> -> memref<1x1x1x8x128xf32, #tpu.memory_space<hbm>>
      %dma_start3A_1442 = tpu.memref_squeeze %dma_start3A_1441 : memref<1x1x1x8x128xf32, #tpu.memory_space<hbm>> -> memref<8x128xf32, #tpu.memory_space<hbm>>
      %dma_start3A_1443 = arith.constant 0 : i32
      %dma_start3A_1444 = arith.constant 0 : i32
      %dma_start3A_1445 = tpu.memref_slice %arg4[%select_n3A_1418, %dma_start3A_1435, %select_n3A_1434, %dma_start3A_1443, %dma_start3A_1444] : memref<50x8x128x8x128xf32, #tpu.memory_space<hbm>> -> memref<1x1x1x8x128xf32, #tpu.memory_space<hbm>>
      %dma_start3A_1446 = tpu.memref_squeeze %dma_start3A_1445 : memref<1x1x1x8x128xf32, #tpu.memory_space<hbm>> -> memref<8x128xf32, #tpu.memory_space<hbm>>
      %dma_start3A_1447 = arith.constant 0 : i32
      %dma_start3A_1448 = arith.constant 0 : i32
      %dma_start3A_1449 = tpu.memref_slice %arg10[%dma_start3A_1447, %dma_start3A_1448] : memref<64x128xf32, #tpu.memory_space<vmem>> -> memref<8x128xf32, #tpu.memory_space<vmem>>
      tpu.enqueue_dma source(%dma_start3A_1449 : memref<8x128xf32, #tpu.memory_space<vmem>>) target(%dma_start3A_1446 : memref<8x128xf32, #tpu.memory_space<hbm>>) target_semaphore(%arg18 : memref<!tpu.dma_semaphore, #tpu.memory_space<semaphore_mem>>)
      %dma_start3A_1450 = arith.constant 1 : i32
      %dma_start3A_1451 = arith.constant 8 : i32
      %dma_start3A_1452 = arith.constant 0 : i32
      %dma_start3A_1453 = tpu.memref_slice %arg10[%dma_start3A_1451, %dma_start3A_1452] : memref<64x128xf32, #tpu.memory_space<vmem>> -> memref<8x128xf32, #tpu.memory_space<vmem>>
      %dma_start3A_1454 = arith.constant 0 : i32
      %dma_start3A_1455 = arith.constant 0 : i32
      %dma_start3A_1456 = tpu.memref_slice %arg4[%select_n3A_1418, %dma_start3A_1450, %select_n3A_1434, %dma_start3A_1454, %dma_start3A_1455] : memref<50x8x128x8x128xf32, #tpu.memory_space<hbm>> -> memref<1x1x1x8x128xf32, #tpu.memory_space<hbm>>
      %dma_start3A_1457 = tpu.memref_squeeze %dma_start3A_1456 : memref<1x1x1x8x128xf32, #tpu.memory_space<hbm>> -> memref<8x128xf32, #tpu.memory_space<hbm>>
      %dma_start3A_1458 = arith.constant 0 : i32
      %dma_start3A_1459 = arith.constant 0 : i32
      %dma_start3A_1460 = tpu.memref_slice %arg4[%select_n3A_1418, %dma_start3A_1450, %select_n3A_1434, %dma_start3A_1458, %dma_start3A_1459] : memref<50x8x128x8x128xf32, #tpu.memory_space<hbm>> -> memref<1x1x1x8x128xf32, #tpu.memory_space<hbm>>
      %dma_start3A_1461 = tpu.memref_squeeze %dma_start3A_1460 : memref<1x1x1x8x128xf32, #tpu.memory_space<hbm>> -> memref<8x128xf32, #tpu.memory_space<hbm>>
      %dma_start3A_1462 = arith.constant 8 : i32
      %dma_start3A_1463 = arith.constant 0 : i32
      %dma_start3A_1464 = tpu.memref_slice %arg10[%dma_start3A_1462, %dma_start3A_1463] : memref<64x128xf32, #tpu.memory_space<vmem>> -> memref<8x128xf32, #tpu.memory_space<vmem>>
      tpu.enqueue_dma source(%dma_start3A_1464 : memref<8x128xf32, #tpu.memory_space<vmem>>) target(%dma_start3A_1461 : memref<8x128xf32, #tpu.memory_space<hbm>>) target_semaphore(%arg18 : memref<!tpu.dma_semaphore, #tpu.memory_space<semaphore_mem>>)
      %dma_start3A_1465 = arith.constant 2 : i32
      %dma_start3A_1466 = arith.constant 16 : i32
      %dma_start3A_1467 = arith.constant 0 : i32
      %dma_start3A_1468 = tpu.memref_slice %arg10[%dma_start3A_1466, %dma_start3A_1467] : memref<64x128xf32, #tpu.memory_space<vmem>> -> memref<8x128xf32, #tpu.memory_space<vmem>>
      %dma_start3A_1469 = arith.constant 0 : i32
      %dma_start3A_1470 = arith.constant 0 : i32
      %dma_start3A_1471 = tpu.memref_slice %arg4[%select_n3A_1418, %dma_start3A_1465, %select_n3A_1434, %dma_start3A_1469, %dma_start3A_1470] : memref<50x8x128x8x128xf32, #tpu.memory_space<hbm>> -> memref<1x1x1x8x128xf32, #tpu.memory_space<hbm>>
      %dma_start3A_1472 = tpu.memref_squeeze %dma_start3A_1471 : memref<1x1x1x8x128xf32, #tpu.memory_space<hbm>> -> memref<8x128xf32, #tpu.memory_space<hbm>>
      %dma_start3A_1473 = arith.constant 0 : i32
      %dma_start3A_1474 = arith.constant 0 : i32
      %dma_start3A_1475 = tpu.memref_slice %arg4[%select_n3A_1418, %dma_start3A_1465, %select_n3A_1434, %dma_start3A_1473, %dma_start3A_1474] : memref<50x8x128x8x128xf32, #tpu.memory_space<hbm>> -> memref<1x1x1x8x128xf32, #tpu.memory_space<hbm>>
      %dma_start3A_1476 = tpu.memref_squeeze %dma_start3A_1475 : memref<1x1x1x8x128xf32, #tpu.memory_space<hbm>> -> memref<8x128xf32, #tpu.memory_space<hbm>>
      %dma_start3A_1477 = arith.constant 16 : i32
      %dma_start3A_1478 = arith.constant 0 : i32
      %dma_start3A_1479 = tpu.memref_slice %arg10[%dma_start3A_1477, %dma_start3A_1478] : memref<64x128xf32, #tpu.memory_space<vmem>> -> memref<8x128xf32, #tpu.memory_space<vmem>>
      tpu.enqueue_dma source(%dma_start3A_1479 : memref<8x128xf32, #tpu.memory_space<vmem>>) target(%dma_start3A_1476 : memref<8x128xf32, #tpu.memory_space<hbm>>) target_semaphore(%arg18 : memref<!tpu.dma_semaphore, #tpu.memory_space<semaphore_mem>>)
      %dma_start3A_1480 = arith.constant 3 : i32
      %dma_start3A_1481 = arith.constant 24 : i32
      %dma_start3A_1482 = arith.constant 0 : i32
      %dma_start3A_1483 = tpu.memref_slice %arg10[%dma_start3A_1481, %dma_start3A_1482] : memref<64x128xf32, #tpu.memory_space<vmem>> -> memref<8x128xf32, #tpu.memory_space<vmem>>
      %dma_start3A_1484 = arith.constant 0 : i32
      %dma_start3A_1485 = arith.constant 0 : i32
      %dma_start3A_1486 = tpu.memref_slice %arg4[%select_n3A_1418, %dma_start3A_1480, %select_n3A_1434, %dma_start3A_1484, %dma_start3A_1485] : memref<50x8x128x8x128xf32, #tpu.memory_space<hbm>> -> memref<1x1x1x8x128xf32, #tpu.memory_space<hbm>>
      %dma_start3A_1487 = tpu.memref_squeeze %dma_start3A_1486 : memref<1x1x1x8x128xf32, #tpu.memory_space<hbm>> -> memref<8x128xf32, #tpu.memory_space<hbm>>
      %dma_start3A_1488 = arith.constant 0 : i32
      %dma_start3A_1489 = arith.constant 0 : i32
      %dma_start3A_1490 = tpu.memref_slice %arg4[%select_n3A_1418, %dma_start3A_1480, %select_n3A_1434, %dma_start3A_1488, %dma_start3A_1489] : memref<50x8x128x8x128xf32, #tpu.memory_space<hbm>> -> memref<1x1x1x8x128xf32, #tpu.memory_space<hbm>>
      %dma_start3A_1491 = tpu.memref_squeeze %dma_start3A_1490 : memref<1x1x1x8x128xf32, #tpu.memory_space<hbm>> -> memref<8x128xf32, #tpu.memory_space<hbm>>
      %dma_start3A_1492 = arith.constant 24 : i32
      %dma_start3A_1493 = arith.constant 0 : i32
      %dma_start3A_1494 = tpu.memref_slice %arg10[%dma_start3A_1492, %dma_start3A_1493] : memref<64x128xf32, #tpu.memory_space<vmem>> -> memref<8x128xf32, #tpu.memory_space<vmem>>
      tpu.enqueue_dma source(%dma_start3A_1494 : memref<8x128xf32, #tpu.memory_space<vmem>>) target(%dma_start3A_1491 : memref<8x128xf32, #tpu.memory_space<hbm>>) target_semaphore(%arg18 : memref<!tpu.dma_semaphore, #tpu.memory_space<semaphore_mem>>)
      %dma_start3A_1495 = arith.constant 4 : i32
      %dma_start3A_1496 = arith.constant 32 : i32
      %dma_start3A_1497 = arith.constant 0 : i32
      %dma_start3A_1498 = tpu.memref_slice %arg10[%dma_start3A_1496, %dma_start3A_1497] : memref<64x128xf32, #tpu.memory_space<vmem>> -> memref<8x128xf32, #tpu.memory_space<vmem>>
      %dma_start3A_1499 = arith.constant 0 : i32
      %dma_start3A_1500 = arith.constant 0 : i32
      %dma_start3A_1501 = tpu.memref_slice %arg4[%select_n3A_1418, %dma_start3A_1495, %select_n3A_1434, %dma_start3A_1499, %dma_start3A_1500] : memref<50x8x128x8x128xf32, #tpu.memory_space<hbm>> -> memref<1x1x1x8x128xf32, #tpu.memory_space<hbm>>
      %dma_start3A_1502 = tpu.memref_squeeze %dma_start3A_1501 : memref<1x1x1x8x128xf32, #tpu.memory_space<hbm>> -> memref<8x128xf32, #tpu.memory_space<hbm>>
      %dma_start3A_1503 = arith.constant 0 : i32
      %dma_start3A_1504 = arith.constant 0 : i32
      %dma_start3A_1505 = tpu.memref_slice %arg4[%select_n3A_1418, %dma_start3A_1495, %select_n3A_1434, %dma_start3A_1503, %dma_start3A_1504] : memref<50x8x128x8x128xf32, #tpu.memory_space<hbm>> -> memref<1x1x1x8x128xf32, #tpu.memory_space<hbm>>
      %dma_start3A_1506 = tpu.memref_squeeze %dma_start3A_1505 : memref<1x1x1x8x128xf32, #tpu.memory_space<hbm>> -> memref<8x128xf32, #tpu.memory_space<hbm>>
      %dma_start3A_1507 = arith.constant 32 : i32
      %dma_start3A_1508 = arith.constant 0 : i32
      %dma_start3A_1509 = tpu.memref_slice %arg10[%dma_start3A_1507, %dma_start3A_1508] : memref<64x128xf32, #tpu.memory_space<vmem>> -> memref<8x128xf32, #tpu.memory_space<vmem>>
      tpu.enqueue_dma source(%dma_start3A_1509 : memref<8x128xf32, #tpu.memory_space<vmem>>) target(%dma_start3A_1506 : memref<8x128xf32, #tpu.memory_space<hbm>>) target_semaphore(%arg18 : memref<!tpu.dma_semaphore, #tpu.memory_space<semaphore_mem>>)
      %dma_start3A_1510 = arith.constant 5 : i32
      %dma_start3A_1511 = arith.constant 40 : i32
      %dma_start3A_1512 = arith.constant 0 : i32
      %dma_start3A_1513 = tpu.memref_slice %arg10[%dma_start3A_1511, %dma_start3A_1512] : memref<64x128xf32, #tpu.memory_space<vmem>> -> memref<8x128xf32, #tpu.memory_space<vmem>>
      %dma_start3A_1514 = arith.constant 0 : i32
      %dma_start3A_1515 = arith.constant 0 : i32
      %dma_start3A_1516 = tpu.memref_slice %arg4[%select_n3A_1418, %dma_start3A_1510, %select_n3A_1434, %dma_start3A_1514, %dma_start3A_1515] : memref<50x8x128x8x128xf32, #tpu.memory_space<hbm>> -> memref<1x1x1x8x128xf32, #tpu.memory_space<hbm>>
      %dma_start3A_1517 = tpu.memref_squeeze %dma_start3A_1516 : memref<1x1x1x8x128xf32, #tpu.memory_space<hbm>> -> memref<8x128xf32, #tpu.memory_space<hbm>>
      %dma_start3A_1518 = arith.constant 0 : i32
      %dma_start3A_1519 = arith.constant 0 : i32
      %dma_start3A_1520 = tpu.memref_slice %arg4[%select_n3A_1418, %dma_start3A_1510, %select_n3A_1434, %dma_start3A_1518, %dma_start3A_1519] : memref<50x8x128x8x128xf32, #tpu.memory_space<hbm>> -> memref<1x1x1x8x128xf32, #tpu.memory_space<hbm>>
      %dma_start3A_1521 = tpu.memref_squeeze %dma_start3A_1520 : memref<1x1x1x8x128xf32, #tpu.memory_space<hbm>> -> memref<8x128xf32, #tpu.memory_space<hbm>>
      %dma_start3A_1522 = arith.constant 40 : i32
      %dma_start3A_1523 = arith.constant 0 : i32
      %dma_start3A_1524 = tpu.memref_slice %arg10[%dma_start3A_1522, %dma_start3A_1523] : memref<64x128xf32, #tpu.memory_space<vmem>> -> memref<8x128xf32, #tpu.memory_space<vmem>>
      tpu.enqueue_dma source(%dma_start3A_1524 : memref<8x128xf32, #tpu.memory_space<vmem>>) target(%dma_start3A_1521 : memref<8x128xf32, #tpu.memory_space<hbm>>) target_semaphore(%arg18 : memref<!tpu.dma_semaphore, #tpu.memory_space<semaphore_mem>>)
      %dma_start3A_1525 = arith.constant 6 : i32
      %dma_start3A_1526 = arith.constant 48 : i32
      %dma_start3A_1527 = arith.constant 0 : i32
      %dma_start3A_1528 = tpu.memref_slice %arg10[%dma_start3A_1526, %dma_start3A_1527] : memref<64x128xf32, #tpu.memory_space<vmem>> -> memref<8x128xf32, #tpu.memory_space<vmem>>
      %dma_start3A_1529 = arith.constant 0 : i32
      %dma_start3A_1530 = arith.constant 0 : i32
      %dma_start3A_1531 = tpu.memref_slice %arg4[%select_n3A_1418, %dma_start3A_1525, %select_n3A_1434, %dma_start3A_1529, %dma_start3A_1530] : memref<50x8x128x8x128xf32, #tpu.memory_space<hbm>> -> memref<1x1x1x8x128xf32, #tpu.memory_space<hbm>>
      %dma_start3A_1532 = tpu.memref_squeeze %dma_start3A_1531 : memref<1x1x1x8x128xf32, #tpu.memory_space<hbm>> -> memref<8x128xf32, #tpu.memory_space<hbm>>
      %dma_start3A_1533 = arith.constant 0 : i32
      %dma_start3A_1534 = arith.constant 0 : i32
      %dma_start3A_1535 = tpu.memref_slice %arg4[%select_n3A_1418, %dma_start3A_1525, %select_n3A_1434, %dma_start3A_1533, %dma_start3A_1534] : memref<50x8x128x8x128xf32, #tpu.memory_space<hbm>> -> memref<1x1x1x8x128xf32, #tpu.memory_space<hbm>>
      %dma_start3A_1536 = tpu.memref_squeeze %dma_start3A_1535 : memref<1x1x1x8x128xf32, #tpu.memory_space<hbm>> -> memref<8x128xf32, #tpu.memory_space<hbm>>
      %dma_start3A_1537 = arith.constant 48 : i32
      %dma_start3A_1538 = arith.constant 0 : i32
      %dma_start3A_1539 = tpu.memref_slice %arg10[%dma_start3A_1537, %dma_start3A_1538] : memref<64x128xf32, #tpu.memory_space<vmem>> -> memref<8x128xf32, #tpu.memory_space<vmem>>
      tpu.enqueue_dma source(%dma_start3A_1539 : memref<8x128xf32, #tpu.memory_space<vmem>>) target(%dma_start3A_1536 : memref<8x128xf32, #tpu.memory_space<hbm>>) target_semaphore(%arg18 : memref<!tpu.dma_semaphore, #tpu.memory_space<semaphore_mem>>)
      %dma_start3A_1540 = arith.constant 7 : i32
      %dma_start3A_1541 = arith.constant 56 : i32
      %dma_start3A_1542 = arith.constant 0 : i32
      %dma_start3A_1543 = tpu.memref_slice %arg10[%dma_start3A_1541, %dma_start3A_1542] : memref<64x128xf32, #tpu.memory_space<vmem>> -> memref<8x128xf32, #tpu.memory_space<vmem>>
      %dma_start3A_1544 = arith.constant 0 : i32
      %dma_start3A_1545 = arith.constant 0 : i32
      %dma_start3A_1546 = tpu.memref_slice %arg4[%select_n3A_1418, %dma_start3A_1540, %select_n3A_1434, %dma_start3A_1544, %dma_start3A_1545] : memref<50x8x128x8x128xf32, #tpu.memory_space<hbm>> -> memref<1x1x1x8x128xf32, #tpu.memory_space<hbm>>
      %dma_start3A_1547 = tpu.memref_squeeze %dma_start3A_1546 : memref<1x1x1x8x128xf32, #tpu.memory_space<hbm>> -> memref<8x128xf32, #tpu.memory_space<hbm>>
      %dma_start3A_1548 = arith.constant 0 : i32
      %dma_start3A_1549 = arith.constant 0 : i32
      %dma_start3A_1550 = tpu.memref_slice %arg4[%select_n3A_1418, %dma_start3A_1540, %select_n3A_1434, %dma_start3A_1548, %dma_start3A_1549] : memref<50x8x128x8x128xf32, #tpu.memory_space<hbm>> -> memref<1x1x1x8x128xf32, #tpu.memory_space<hbm>>
      %dma_start3A_1551 = tpu.memref_squeeze %dma_start3A_1550 : memref<1x1x1x8x128xf32, #tpu.memory_space<hbm>> -> memref<8x128xf32, #tpu.memory_space<hbm>>
      %dma_start3A_1552 = arith.constant 56 : i32
      %dma_start3A_1553 = arith.constant 0 : i32
      %dma_start3A_1554 = tpu.memref_slice %arg10[%dma_start3A_1552, %dma_start3A_1553] : memref<64x128xf32, #tpu.memory_space<vmem>> -> memref<8x128xf32, #tpu.memory_space<vmem>>
      tpu.enqueue_dma source(%dma_start3A_1554 : memref<8x128xf32, #tpu.memory_space<vmem>>) target(%dma_start3A_1551 : memref<8x128xf32, #tpu.memory_space<hbm>>) target_semaphore(%arg18 : memref<!tpu.dma_semaphore, #tpu.memory_space<semaphore_mem>>)
      %add3A_1555 = arith.constant 4 : i32
      %add3A_1556 = arith.addi %add3A_1248, %add3A_1555 : i32
      %min3A = arith.constant 199 : i32
      %min3A_1557 = arith.minsi %add3A_1556, %min3A : i32
      %dma_start3A_1558 = arith.constant 0 : i32
      %dma_start3A_1559 = tpu.memref_slice %arg5[%min3A_1557, %dma_start3A_1558] : memref<200x128xi32, #tpu.memory_space<vmem>> -> memref<1x128xi32, #tpu.memory_space<vmem>>
      %dma_start3A_1560 = tpu.memref_squeeze %dma_start3A_1559 : memref<1x128xi32, #tpu.memory_space<vmem>> -> memref<128xi32, #tpu.memory_space<vmem>>
      %dma_start3A_1561 = arith.constant 0 : i32
      %dma_start3A_1562 = arith.constant 0 : i32
      %dma_start3A_1563 = tpu.memref_slice %arg2[%dma_start3A_1561, %dma_start3A_1562] : memref<1000000x64xf32, #tpu.memory_space<hbm>> -> memref<1000000x64xf32, #tpu.memory_space<hbm>>
      tpu.enqueue_indirect_dma source(%dma_start3A_1563 : memref<1000000x64xf32, #tpu.memory_space<hbm>>) target(%arg6 : memref<128x64xf32, #tpu.memory_space<vmem>>) offsets(%dma_start3A_1560 : memref<128xi32, #tpu.memory_space<vmem>>) semaphore(%arg14 : memref<!tpu.dma_semaphore, #tpu.memory_space<semaphore_mem>>)
      %mul3A_1564 = arith.constant 4 : i32
      %mul3A_1565 = arith.muli %scan3A_1244, %mul3A_1564 : i32
      %add3A_1566 = arith.constant 1 : i32
      %add3A_1567 = arith.addi %mul3A_1565, %add3A_1566 : i32
      %dma_wait3A_1568 = arith.constant 0 : i32
      %dma_wait3A_1569 = arith.constant 0 : i32
      %dma_wait3A_1570 = tpu.memref_slice %arg5[%dma_wait3A_1568, %dma_wait3A_1569] : memref<200x128xi32, #tpu.memory_space<vmem>> -> memref<1x128xi32, #tpu.memory_space<vmem>>
      %dma_wait3A_1571 = tpu.memref_squeeze %dma_wait3A_1570 : memref<1x128xi32, #tpu.memory_space<vmem>> -> memref<128xi32, #tpu.memory_space<vmem>>
      %dma_wait3A_1572 = arith.constant 0 : i32
      %dma_wait3A_1573 = arith.constant 0 : i32
      %dma_wait3A_1574 = tpu.memref_slice %arg2[%dma_wait3A_1572, %dma_wait3A_1573] : memref<1000000x64xf32, #tpu.memory_space<hbm>> -> memref<1000000x64xf32, #tpu.memory_space<hbm>>
      tpu.wait_indirect_dma semaphore(%arg15 : memref<!tpu.dma_semaphore, #tpu.memory_space<semaphore_mem>>) src(%dma_wait3A_1574 : memref<1000000x64xf32, #tpu.memory_space<hbm>>) dst(%arg7 : memref<128x64xf32, #tpu.memory_space<vmem>>)
      %dma_wait3A_1575 = arith.constant 0 : i32
      %dma_wait3A_1576 = arith.constant 0 : i32
      %dma_wait3A_1577 = arith.constant 0 : i32
      %dma_wait3A_1578 = arith.constant 0 : i32
      %dma_wait3A_1579 = arith.constant 0 : i32
      %dma_wait3A_1580 = tpu.memref_slice %arg11[%dma_wait3A_1578, %dma_wait3A_1579] : memref<64x128xf32, #tpu.memory_space<vmem>> -> memref<8x128xf32, #tpu.memory_space<vmem>>
      %dma_wait3A_1581 = arith.constant 0 : i32
      %dma_wait3A_1582 = arith.constant 0 : i32
      %dma_wait3A_1583 = tpu.memref_slice %arg4[%dma_wait3A_1575, %dma_wait3A_1576, %dma_wait3A_1577, %dma_wait3A_1581, %dma_wait3A_1582] : memref<50x8x128x8x128xf32, #tpu.memory_space<hbm>> -> memref<1x1x1x8x128xf32, #tpu.memory_space<hbm>>
      %dma_wait3A_1584 = tpu.memref_squeeze %dma_wait3A_1583 : memref<1x1x1x8x128xf32, #tpu.memory_space<hbm>> -> memref<8x128xf32, #tpu.memory_space<hbm>>
      %dma_wait3A_1585 = arith.constant 0 : i32
      %dma_wait3A_1586 = arith.constant 0 : i32
      %dma_wait3A_1587 = tpu.memref_slice %arg4[%dma_wait3A_1575, %dma_wait3A_1576, %dma_wait3A_1577, %dma_wait3A_1585, %dma_wait3A_1586] : memref<50x8x128x8x128xf32, #tpu.memory_space<hbm>> -> memref<1x1x1x8x128xf32, #tpu.memory_space<hbm>>
      %dma_wait3A_1588 = tpu.memref_squeeze %dma_wait3A_1587 : memref<1x1x1x8x128xf32, #tpu.memory_space<hbm>> -> memref<8x128xf32, #tpu.memory_space<hbm>>
      %dma_wait3A_1589 = arith.constant 0 : i32
      %dma_wait3A_1590 = arith.constant 0 : i32
      %dma_wait3A_1591 = tpu.memref_slice %arg11[%dma_wait3A_1589, %dma_wait3A_1590] : memref<64x128xf32, #tpu.memory_space<vmem>> -> memref<8x128xf32, #tpu.memory_space<vmem>>
      tpu.wait_dma2 semaphore(%arg19 : memref<!tpu.dma_semaphore, #tpu.memory_space<semaphore_mem>>) src(%dma_wait3A_1591 : memref<8x128xf32, #tpu.memory_space<vmem>>) dst(%dma_wait3A_1588 : memref<8x128xf32, #tpu.memory_space<hbm>>)
      %dma_wait3A_1592 = arith.constant 0 : i32
      %dma_wait3A_1593 = arith.constant 1 : i32
      %dma_wait3A_1594 = arith.constant 0 : i32
      %dma_wait3A_1595 = arith.constant 8 : i32
      %dma_wait3A_1596 = arith.constant 0 : i32
      %dma_wait3A_1597 = tpu.memref_slice %arg11[%dma_wait3A_1595, %dma_wait3A_1596] : memref<64x128xf32, #tpu.memory_space<vmem>> -> memref<8x128xf32, #tpu.memory_space<vmem>>
      %dma_wait3A_1598 = arith.constant 0 : i32
      %dma_wait3A_1599 = arith.constant 0 : i32
      %dma_wait3A_1600 = tpu.memref_slice %arg4[%dma_wait3A_1592, %dma_wait3A_1593, %dma_wait3A_1594, %dma_wait3A_1598, %dma_wait3A_1599] : memref<50x8x128x8x128xf32, #tpu.memory_space<hbm>> -> memref<1x1x1x8x128xf32, #tpu.memory_space<hbm>>
      %dma_wait3A_1601 = tpu.memref_squeeze %dma_wait3A_1600 : memref<1x1x1x8x128xf32, #tpu.memory_space<hbm>> -> memref<8x128xf32, #tpu.memory_space<hbm>>
      %dma_wait3A_1602 = arith.constant 0 : i32
      %dma_wait3A_1603 = arith.constant 0 : i32
      %dma_wait3A_1604 = tpu.memref_slice %arg4[%dma_wait3A_1592, %dma_wait3A_1593, %dma_wait3A_1594, %dma_wait3A_1602, %dma_wait3A_1603] : memref<50x8x128x8x128xf32, #tpu.memory_space<hbm>> -> memref<1x1x1x8x128xf32, #tpu.memory_space<hbm>>
      %dma_wait3A_1605 = tpu.memref_squeeze %dma_wait3A_1604 : memref<1x1x1x8x128xf32, #tpu.memory_space<hbm>> -> memref<8x128xf32, #tpu.memory_space<hbm>>
      %dma_wait3A_1606 = arith.constant 8 : i32
      %dma_wait3A_1607 = arith.constant 0 : i32
      %dma_wait3A_1608 = tpu.memref_slice %arg11[%dma_wait3A_1606, %dma_wait3A_1607] : memref<64x128xf32, #tpu.memory_space<vmem>> -> memref<8x128xf32, #tpu.memory_space<vmem>>
      tpu.wait_dma2 semaphore(%arg19 : memref<!tpu.dma_semaphore, #tpu.memory_space<semaphore_mem>>) src(%dma_wait3A_1608 : memref<8x128xf32, #tpu.memory_space<vmem>>) dst(%dma_wait3A_1605 : memref<8x128xf32, #tpu.memory_space<hbm>>)
      %dma_wait3A_1609 = arith.constant 0 : i32
      %dma_wait3A_1610 = arith.constant 2 : i32
      %dma_wait3A_1611 = arith.constant 0 : i32
      %dma_wait3A_1612 = arith.constant 16 : i32
      %dma_wait3A_1613 = arith.constant 0 : i32
      %dma_wait3A_1614 = tpu.memref_slice %arg11[%dma_wait3A_1612, %dma_wait3A_1613] : memref<64x128xf32, #tpu.memory_space<vmem>> -> memref<8x128xf32, #tpu.memory_space<vmem>>
      %dma_wait3A_1615 = arith.constant 0 : i32
      %dma_wait3A_1616 = arith.constant 0 : i32
      %dma_wait3A_1617 = tpu.memref_slice %arg4[%dma_wait3A_1609, %dma_wait3A_1610, %dma_wait3A_1611, %dma_wait3A_1615, %dma_wait3A_1616] : memref<50x8x128x8x128xf32, #tpu.memory_space<hbm>> -> memref<1x1x1x8x128xf32, #tpu.memory_space<hbm>>
      %dma_wait3A_1618 = tpu.memref_squeeze %dma_wait3A_1617 : memref<1x1x1x8x128xf32, #tpu.memory_space<hbm>> -> memref<8x128xf32, #tpu.memory_space<hbm>>
      %dma_wait3A_1619 = arith.constant 0 : i32
      %dma_wait3A_1620 = arith.constant 0 : i32
      %dma_wait3A_1621 = tpu.memref_slice %arg4[%dma_wait3A_1609, %dma_wait3A_1610, %dma_wait3A_1611, %dma_wait3A_1619, %dma_wait3A_1620] : memref<50x8x128x8x128xf32, #tpu.memory_space<hbm>> -> memref<1x1x1x8x128xf32, #tpu.memory_space<hbm>>
      %dma_wait3A_1622 = tpu.memref_squeeze %dma_wait3A_1621 : memref<1x1x1x8x128xf32, #tpu.memory_space<hbm>> -> memref<8x128xf32, #tpu.memory_space<hbm>>
      %dma_wait3A_1623 = arith.constant 16 : i32
      %dma_wait3A_1624 = arith.constant 0 : i32
      %dma_wait3A_1625 = tpu.memref_slice %arg11[%dma_wait3A_1623, %dma_wait3A_1624] : memref<64x128xf32, #tpu.memory_space<vmem>> -> memref<8x128xf32, #tpu.memory_space<vmem>>
      tpu.wait_dma2 semaphore(%arg19 : memref<!tpu.dma_semaphore, #tpu.memory_space<semaphore_mem>>) src(%dma_wait3A_1625 : memref<8x128xf32, #tpu.memory_space<vmem>>) dst(%dma_wait3A_1622 : memref<8x128xf32, #tpu.memory_space<hbm>>)
      %dma_wait3A_1626 = arith.constant 0 : i32
      %dma_wait3A_1627 = arith.constant 3 : i32
      %dma_wait3A_1628 = arith.constant 0 : i32
      %dma_wait3A_1629 = arith.constant 24 : i32
      %dma_wait3A_1630 = arith.constant 0 : i32
      %dma_wait3A_1631 = tpu.memref_slice %arg11[%dma_wait3A_1629, %dma_wait3A_1630] : memref<64x128xf32, #tpu.memory_space<vmem>> -> memref<8x128xf32, #tpu.memory_space<vmem>>
      %dma_wait3A_1632 = arith.constant 0 : i32
      %dma_wait3A_1633 = arith.constant 0 : i32
      %dma_wait3A_1634 = tpu.memref_slice %arg4[%dma_wait3A_1626, %dma_wait3A_1627, %dma_wait3A_1628, %dma_wait3A_1632, %dma_wait3A_1633] : memref<50x8x128x8x128xf32, #tpu.memory_space<hbm>> -> memref<1x1x1x8x128xf32, #tpu.memory_space<hbm>>
      %dma_wait3A_1635 = tpu.memref_squeeze %dma_wait3A_1634 : memref<1x1x1x8x128xf32, #tpu.memory_space<hbm>> -> memref<8x128xf32, #tpu.memory_space<hbm>>
      %dma_wait3A_1636 = arith.constant 0 : i32
      %dma_wait3A_1637 = arith.constant 0 : i32
      %dma_wait3A_1638 = tpu.memref_slice %arg4[%dma_wait3A_1626, %dma_wait3A_1627, %dma_wait3A_1628, %dma_wait3A_1636, %dma_wait3A_1637] : memref<50x8x128x8x128xf32, #tpu.memory_space<hbm>> -> memref<1x1x1x8x128xf32, #tpu.memory_space<hbm>>
      %dma_wait3A_1639 = tpu.memref_squeeze %dma_wait3A_1638 : memref<1x1x1x8x128xf32, #tpu.memory_space<hbm>> -> memref<8x128xf32, #tpu.memory_space<hbm>>
      %dma_wait3A_1640 = arith.constant 24 : i32
      %dma_wait3A_1641 = arith.constant 0 : i32
      %dma_wait3A_1642 = tpu.memref_slice %arg11[%dma_wait3A_1640, %dma_wait3A_1641] : memref<64x128xf32, #tpu.memory_space<vmem>> -> memref<8x128xf32, #tpu.memory_space<vmem>>
      tpu.wait_dma2 semaphore(%arg19 : memref<!tpu.dma_semaphore, #tpu.memory_space<semaphore_mem>>) src(%dma_wait3A_1642 : memref<8x128xf32, #tpu.memory_space<vmem>>) dst(%dma_wait3A_1639 : memref<8x128xf32, #tpu.memory_space<hbm>>)
      %dma_wait3A_1643 = arith.constant 0 : i32
      %dma_wait3A_1644 = arith.constant 4 : i32
      %dma_wait3A_1645 = arith.constant 0 : i32
      %dma_wait3A_1646 = arith.constant 32 : i32
      %dma_wait3A_1647 = arith.constant 0 : i32
      %dma_wait3A_1648 = tpu.memref_slice %arg11[%dma_wait3A_1646, %dma_wait3A_1647] : memref<64x128xf32, #tpu.memory_space<vmem>> -> memref<8x128xf32, #tpu.memory_space<vmem>>
      %dma_wait3A_1649 = arith.constant 0 : i32
      %dma_wait3A_1650 = arith.constant 0 : i32
      %dma_wait3A_1651 = tpu.memref_slice %arg4[%dma_wait3A_1643, %dma_wait3A_1644, %dma_wait3A_1645, %dma_wait3A_1649, %dma_wait3A_1650] : memref<50x8x128x8x128xf32, #tpu.memory_space<hbm>> -> memref<1x1x1x8x128xf32, #tpu.memory_space<hbm>>
      %dma_wait3A_1652 = tpu.memref_squeeze %dma_wait3A_1651 : memref<1x1x1x8x128xf32, #tpu.memory_space<hbm>> -> memref<8x128xf32, #tpu.memory_space<hbm>>
      %dma_wait3A_1653 = arith.constant 0 : i32
      %dma_wait3A_1654 = arith.constant 0 : i32
      %dma_wait3A_1655 = tpu.memref_slice %arg4[%dma_wait3A_1643, %dma_wait3A_1644, %dma_wait3A_1645, %dma_wait3A_1653, %dma_wait3A_1654] : memref<50x8x128x8x128xf32, #tpu.memory_space<hbm>> -> memref<1x1x1x8x128xf32, #tpu.memory_space<hbm>>
      %dma_wait3A_1656 = tpu.memref_squeeze %dma_wait3A_1655 : memref<1x1x1x8x128xf32, #tpu.memory_space<hbm>> -> memref<8x128xf32, #tpu.memory_space<hbm>>
      %dma_wait3A_1657 = arith.constant 32 : i32
      %dma_wait3A_1658 = arith.constant 0 : i32
      %dma_wait3A_1659 = tpu.memref_slice %arg11[%dma_wait3A_1657, %dma_wait3A_1658] : memref<64x128xf32, #tpu.memory_space<vmem>> -> memref<8x128xf32, #tpu.memory_space<vmem>>
      tpu.wait_dma2 semaphore(%arg19 : memref<!tpu.dma_semaphore, #tpu.memory_space<semaphore_mem>>) src(%dma_wait3A_1659 : memref<8x128xf32, #tpu.memory_space<vmem>>) dst(%dma_wait3A_1656 : memref<8x128xf32, #tpu.memory_space<hbm>>)
      %dma_wait3A_1660 = arith.constant 0 : i32
      %dma_wait3A_1661 = arith.constant 5 : i32
      %dma_wait3A_1662 = arith.constant 0 : i32
      %dma_wait3A_1663 = arith.constant 40 : i32
      %dma_wait3A_1664 = arith.constant 0 : i32
      %dma_wait3A_1665 = tpu.memref_slice %arg11[%dma_wait3A_1663, %dma_wait3A_1664] : memref<64x128xf32, #tpu.memory_space<vmem>> -> memref<8x128xf32, #tpu.memory_space<vmem>>
      %dma_wait3A_1666 = arith.constant 0 : i32
      %dma_wait3A_1667 = arith.constant 0 : i32
      %dma_wait3A_1668 = tpu.memref_slice %arg4[%dma_wait3A_1660, %dma_wait3A_1661, %dma_wait3A_1662, %dma_wait3A_1666, %dma_wait3A_1667] : memref<50x8x128x8x128xf32, #tpu.memory_space<hbm>> -> memref<1x1x1x8x128xf32, #tpu.memory_space<hbm>>
      %dma_wait3A_1669 = tpu.memref_squeeze %dma_wait3A_1668 : memref<1x1x1x8x128xf32, #tpu.memory_space<hbm>> -> memref<8x128xf32, #tpu.memory_space<hbm>>
      %dma_wait3A_1670 = arith.constant 0 : i32
      %dma_wait3A_1671 = arith.constant 0 : i32
      %dma_wait3A_1672 = tpu.memref_slice %arg4[%dma_wait3A_1660, %dma_wait3A_1661, %dma_wait3A_1662, %dma_wait3A_1670, %dma_wait3A_1671] : memref<50x8x128x8x128xf32, #tpu.memory_space<hbm>> -> memref<1x1x1x8x128xf32, #tpu.memory_space<hbm>>
      %dma_wait3A_1673 = tpu.memref_squeeze %dma_wait3A_1672 : memref<1x1x1x8x128xf32, #tpu.memory_space<hbm>> -> memref<8x128xf32, #tpu.memory_space<hbm>>
      %dma_wait3A_1674 = arith.constant 40 : i32
      %dma_wait3A_1675 = arith.constant 0 : i32
      %dma_wait3A_1676 = tpu.memref_slice %arg11[%dma_wait3A_1674, %dma_wait3A_1675] : memref<64x128xf32, #tpu.memory_space<vmem>> -> memref<8x128xf32, #tpu.memory_space<vmem>>
      tpu.wait_dma2 semaphore(%arg19 : memref<!tpu.dma_semaphore, #tpu.memory_space<semaphore_mem>>) src(%dma_wait3A_1676 : memref<8x128xf32, #tpu.memory_space<vmem>>) dst(%dma_wait3A_1673 : memref<8x128xf32, #tpu.memory_space<hbm>>)
      %dma_wait3A_1677 = arith.constant 0 : i32
      %dma_wait3A_1678 = arith.constant 6 : i32
      %dma_wait3A_1679 = arith.constant 0 : i32
      %dma_wait3A_1680 = arith.constant 48 : i32
      %dma_wait3A_1681 = arith.constant 0 : i32
      %dma_wait3A_1682 = tpu.memref_slice %arg11[%dma_wait3A_1680, %dma_wait3A_1681] : memref<64x128xf32, #tpu.memory_space<vmem>> -> memref<8x128xf32, #tpu.memory_space<vmem>>
      %dma_wait3A_1683 = arith.constant 0 : i32
      %dma_wait3A_1684 = arith.constant 0 : i32
      %dma_wait3A_1685 = tpu.memref_slice %arg4[%dma_wait3A_1677, %dma_wait3A_1678, %dma_wait3A_1679, %dma_wait3A_1683, %dma_wait3A_1684] : memref<50x8x128x8x128xf32, #tpu.memory_space<hbm>> -> memref<1x1x1x8x128xf32, #tpu.memory_space<hbm>>
      %dma_wait3A_1686 = tpu.memref_squeeze %dma_wait3A_1685 : memref<1x1x1x8x128xf32, #tpu.memory_space<hbm>> -> memref<8x128xf32, #tpu.memory_space<hbm>>
      %dma_wait3A_1687 = arith.constant 0 : i32
      %dma_wait3A_1688 = arith.constant 0 : i32
      %dma_wait3A_1689 = tpu.memref_slice %arg4[%dma_wait3A_1677, %dma_wait3A_1678, %dma_wait3A_1679, %dma_wait3A_1687, %dma_wait3A_1688] : memref<50x8x128x8x128xf32, #tpu.memory_space<hbm>> -> memref<1x1x1x8x128xf32, #tpu.memory_space<hbm>>
      %dma_wait3A_1690 = tpu.memref_squeeze %dma_wait3A_1689 : memref<1x1x1x8x128xf32, #tpu.memory_space<hbm>> -> memref<8x128xf32, #tpu.memory_space<hbm>>
      %dma_wait3A_1691 = arith.constant 48 : i32
      %dma_wait3A_1692 = arith.constant 0 : i32
      %dma_wait3A_1693 = tpu.memref_slice %arg11[%dma_wait3A_1691, %dma_wait3A_1692] : memref<64x128xf32, #tpu.memory_space<vmem>> -> memref<8x128xf32, #tpu.memory_space<vmem>>
      tpu.wait_dma2 semaphore(%arg19 : memref<!tpu.dma_semaphore, #tpu.memory_space<semaphore_mem>>) src(%dma_wait3A_1693 : memref<8x128xf32, #tpu.memory_space<vmem>>) dst(%dma_wait3A_1690 : memref<8x128xf32, #tpu.memory_space<hbm>>)
      %dma_wait3A_1694 = arith.constant 0 : i32
      %dma_wait3A_1695 = arith.constant 7 : i32
      %dma_wait3A_1696 = arith.constant 0 : i32
      %dma_wait3A_1697 = arith.constant 56 : i32
      %dma_wait3A_1698 = arith.constant 0 : i32
      %dma_wait3A_1699 = tpu.memref_slice %arg11[%dma_wait3A_1697, %dma_wait3A_1698] : memref<64x128xf32, #tpu.memory_space<vmem>> -> memref<8x128xf32, #tpu.memory_space<vmem>>
      %dma_wait3A_1700 = arith.constant 0 : i32
      %dma_wait3A_1701 = arith.constant 0 : i32
      %dma_wait3A_1702 = tpu.memref_slice %arg4[%dma_wait3A_1694, %dma_wait3A_1695, %dma_wait3A_1696, %dma_wait3A_1700, %dma_wait3A_1701] : memref<50x8x128x8x128xf32, #tpu.memory_space<hbm>> -> memref<1x1x1x8x128xf32, #tpu.memory_space<hbm>>
      %dma_wait3A_1703 = tpu.memref_squeeze %dma_wait3A_1702 : memref<1x1x1x8x128xf32, #tpu.memory_space<hbm>> -> memref<8x128xf32, #tpu.memory_space<hbm>>
      %dma_wait3A_1704 = arith.constant 0 : i32
      %dma_wait3A_1705 = arith.constant 0 : i32
      %dma_wait3A_1706 = tpu.memref_slice %arg4[%dma_wait3A_1694, %dma_wait3A_1695, %dma_wait3A_1696, %dma_wait3A_1704, %dma_wait3A_1705] : memref<50x8x128x8x128xf32, #tpu.memory_space<hbm>> -> memref<1x1x1x8x128xf32, #tpu.memory_space<hbm>>
      %dma_wait3A_1707 = tpu.memref_squeeze %dma_wait3A_1706 : memref<1x1x1x8x128xf32, #tpu.memory_space<hbm>> -> memref<8x128xf32, #tpu.memory_space<hbm>>
      %dma_wait3A_1708 = arith.constant 56 : i32
      %dma_wait3A_1709 = arith.constant 0 : i32
      %dma_wait3A_1710 = tpu.memref_slice %arg11[%dma_wait3A_1708, %dma_wait3A_1709] : memref<64x128xf32, #tpu.memory_space<vmem>> -> memref<8x128xf32, #tpu.memory_space<vmem>>
      tpu.wait_dma2 semaphore(%arg19 : memref<!tpu.dma_semaphore, #tpu.memory_space<semaphore_mem>>) src(%dma_wait3A_1710 : memref<8x128xf32, #tpu.memory_space<vmem>>) dst(%dma_wait3A_1707 : memref<8x128xf32, #tpu.memory_space<hbm>>)
      %parallel_loop3A_1711 = arith.constant 0 : i32
      %parallel_loop3A_1712 = arith.constant 64 : i32
      %parallel_loop3A_1713 = arith.constant 1 : i32
      scf.for %parallel_loop3A_2527 = %parallel_loop3A_1711 to %parallel_loop3A_1712 step %parallel_loop3A_1713  : i32 {
        %parallel_loop3A_2528 = vector.broadcast %parallel_loop3A_2527 : i32 to vector<16xi32>
        %parallel_loop3A_2529 = arith.addi %parallel_loop3A_2528, %iota3A : vector<16xi32>
        %parallel_loop3A_2530 = arith.constant 63 : i32
        %parallel_loop3A_2531 = vector.broadcast %parallel_loop3A_2530 : i32 to vector<16xi32>
        %parallel_loop3A_2532 = arith.andi %parallel_loop3A_2529, %parallel_loop3A_2531 : vector<16xi32>
        %parallel_loop3A_2533 = arith.constant 0 : i32
        %parallel_loop3A_2534 = vector.broadcast %parallel_loop3A_2533 : i32 to vector<16xi32>
        %parallel_loop3A_2535 = arith.addi %parallel_loop3A_2534, %iota3A : vector<16xi32>
        %parallel_loop3A_2536 = tpu.vector_load_idx %arg7[%parallel_loop3A_2535, %parallel_loop3A_2532] : memref<128x64xf32, #tpu.memory_space<vmem>>[vector<16xi32>, vector<16xi32>], vector<16xf32>,
        %parallel_loop3A_2537 = arith.constant 0 : i32
        %parallel_loop3A_2538 = vector.broadcast %parallel_loop3A_2537 : i32 to vector<16xi32>
        %parallel_loop3A_2539 = arith.addi %parallel_loop3A_2538, %iota3A : vector<16xi32>
        tpu.vector_store_idx %arg11[%parallel_loop3A_2532, %parallel_loop3A_2539], %parallel_loop3A_2536 : memref<64x128xf32, #tpu.memory_space<vmem>>[vector<16xi32>, vector<16xi32>], vector<16xf32>,
        %parallel_loop3A_2540 = arith.constant 16 : i32
        %parallel_loop3A_2541 = vector.broadcast %parallel_loop3A_2540 : i32 to vector<16xi32>
        %parallel_loop3A_2542 = arith.addi %parallel_loop3A_2541, %iota3A : vector<16xi32>
        %parallel_loop3A_2543 = tpu.vector_load_idx %arg7[%parallel_loop3A_2542, %parallel_loop3A_2532] : memref<128x64xf32, #tpu.memory_space<vmem>>[vector<16xi32>, vector<16xi32>], vector<16xf32>,
        %parallel_loop3A_2544 = arith.constant 16 : i32
        %parallel_loop3A_2545 = vector.broadcast %parallel_loop3A_2544 : i32 to vector<16xi32>
        %parallel_loop3A_2546 = arith.addi %parallel_loop3A_2545, %iota3A : vector<16xi32>
        tpu.vector_store_idx %arg11[%parallel_loop3A_2532, %parallel_loop3A_2546], %parallel_loop3A_2543 : memref<64x128xf32, #tpu.memory_space<vmem>>[vector<16xi32>, vector<16xi32>], vector<16xf32>,
        %parallel_loop3A_2547 = arith.constant 32 : i32
        %parallel_loop3A_2548 = vector.broadcast %parallel_loop3A_2547 : i32 to vector<16xi32>
        %parallel_loop3A_2549 = arith.addi %parallel_loop3A_2548, %iota3A : vector<16xi32>
        %parallel_loop3A_2550 = tpu.vector_load_idx %arg7[%parallel_loop3A_2549, %parallel_loop3A_2532] : memref<128x64xf32, #tpu.memory_space<vmem>>[vector<16xi32>, vector<16xi32>], vector<16xf32>,
        %parallel_loop3A_2551 = arith.constant 32 : i32
        %parallel_loop3A_2552 = vector.broadcast %parallel_loop3A_2551 : i32 to vector<16xi32>
        %parallel_loop3A_2553 = arith.addi %parallel_loop3A_2552, %iota3A : vector<16xi32>
        tpu.vector_store_idx %arg11[%parallel_loop3A_2532, %parallel_loop3A_2553], %parallel_loop3A_2550 : memref<64x128xf32, #tpu.memory_space<vmem>>[vector<16xi32>, vector<16xi32>], vector<16xf32>,
        %parallel_loop3A_2554 = arith.constant 48 : i32
        %parallel_loop3A_2555 = vector.broadcast %parallel_loop3A_2554 : i32 to vector<16xi32>
        %parallel_loop3A_2556 = arith.addi %parallel_loop3A_2555, %iota3A : vector<16xi32>
        %parallel_loop3A_2557 = tpu.vector_load_idx %arg7[%parallel_loop3A_2556, %parallel_loop3A_2532] : memref<128x64xf32, #tpu.memory_space<vmem>>[vector<16xi32>, vector<16xi32>], vector<16xf32>,
        %parallel_loop3A_2558 = arith.constant 48 : i32
        %parallel_loop3A_2559 = vector.broadcast %parallel_loop3A_2558 : i32 to vector<16xi32>
        %parallel_loop3A_2560 = arith.addi %parallel_loop3A_2559, %iota3A : vector<16xi32>
        tpu.vector_store_idx %arg11[%parallel_loop3A_2532, %parallel_loop3A_2560], %parallel_loop3A_2557 : memref<64x128xf32, #tpu.memory_space<vmem>>[vector<16xi32>, vector<16xi32>], vector<16xf32>,
        %parallel_loop3A_2561 = arith.constant 64 : i32
        %parallel_loop3A_2562 = vector.broadcast %parallel_loop3A_2561 : i32 to vector<16xi32>
        %parallel_loop3A_2563 = arith.addi %parallel_loop3A_2562, %iota3A : vector<16xi32>
        %parallel_loop3A_2564 = tpu.vector_load_idx %arg7[%parallel_loop3A_2563, %parallel_loop3A_2532] : memref<128x64xf32, #tpu.memory_space<vmem>>[vector<16xi32>, vector<16xi32>], vector<16xf32>,
        %parallel_loop3A_2565 = arith.constant 64 : i32
        %parallel_loop3A_2566 = vector.broadcast %parallel_loop3A_2565 : i32 to vector<16xi32>
        %parallel_loop3A_2567 = arith.addi %parallel_loop3A_2566, %iota3A : vector<16xi32>
        tpu.vector_store_idx %arg11[%parallel_loop3A_2532, %parallel_loop3A_2567], %parallel_loop3A_2564 : memref<64x128xf32, #tpu.memory_space<vmem>>[vector<16xi32>, vector<16xi32>], vector<16xf32>,
        %parallel_loop3A_2568 = arith.constant 80 : i32
        %parallel_loop3A_2569 = vector.broadcast %parallel_loop3A_2568 : i32 to vector<16xi32>
        %parallel_loop3A_2570 = arith.addi %parallel_loop3A_2569, %iota3A : vector<16xi32>
        %parallel_loop3A_2571 = tpu.vector_load_idx %arg7[%parallel_loop3A_2570, %parallel_loop3A_2532] : memref<128x64xf32, #tpu.memory_space<vmem>>[vector<16xi32>, vector<16xi32>], vector<16xf32>,
        %parallel_loop3A_2572 = arith.constant 80 : i32
        %parallel_loop3A_2573 = vector.broadcast %parallel_loop3A_2572 : i32 to vector<16xi32>
        %parallel_loop3A_2574 = arith.addi %parallel_loop3A_2573, %iota3A : vector<16xi32>
        tpu.vector_store_idx %arg11[%parallel_loop3A_2532, %parallel_loop3A_2574], %parallel_loop3A_2571 : memref<64x128xf32, #tpu.memory_space<vmem>>[vector<16xi32>, vector<16xi32>], vector<16xf32>,
        %parallel_loop3A_2575 = arith.constant 96 : i32
        %parallel_loop3A_2576 = vector.broadcast %parallel_loop3A_2575 : i32 to vector<16xi32>
        %parallel_loop3A_2577 = arith.addi %parallel_loop3A_2576, %iota3A : vector<16xi32>
        %parallel_loop3A_2578 = tpu.vector_load_idx %arg7[%parallel_loop3A_2577, %parallel_loop3A_2532] : memref<128x64xf32, #tpu.memory_space<vmem>>[vector<16xi32>, vector<16xi32>], vector<16xf32>,
        %parallel_loop3A_2579 = arith.constant 96 : i32
        %parallel_loop3A_2580 = vector.broadcast %parallel_loop3A_2579 : i32 to vector<16xi32>
        %parallel_loop3A_2581 = arith.addi %parallel_loop3A_2580, %iota3A : vector<16xi32>
        tpu.vector_store_idx %arg11[%parallel_loop3A_2532, %parallel_loop3A_2581], %parallel_loop3A_2578 : memref<64x128xf32, #tpu.memory_space<vmem>>[vector<16xi32>, vector<16xi32>], vector<16xf32>,
        %parallel_loop3A_2582 = arith.constant 112 : i32
        %parallel_loop3A_2583 = vector.broadcast %parallel_loop3A_2582 : i32 to vector<16xi32>
        %parallel_loop3A_2584 = arith.addi %parallel_loop3A_2583, %iota3A : vector<16xi32>
        %parallel_loop3A_2585 = tpu.vector_load_idx %arg7[%parallel_loop3A_2584, %parallel_loop3A_2532] : memref<128x64xf32, #tpu.memory_space<vmem>>[vector<16xi32>, vector<16xi32>], vector<16xf32>,
        %parallel_loop3A_2586 = arith.constant 112 : i32
        %parallel_loop3A_2587 = vector.broadcast %parallel_loop3A_2586 : i32 to vector<16xi32>
        %parallel_loop3A_2588 = arith.addi %parallel_loop3A_2587, %iota3A : vector<16xi32>
        tpu.vector_store_idx %arg11[%parallel_loop3A_2532, %parallel_loop3A_2588], %parallel_loop3A_2585 : memref<64x128xf32, #tpu.memory_space<vmem>>[vector<16xi32>, vector<16xi32>], vector<16xf32>,
      } {sc.loop_unroll_factor = 8 : i64, sc.parallel_access}
      %add3A_1714 = arith.addi %mul3A_2, %add3A_1567 : i32
      %jit3A_1715 = arith.constant 128 : i32
      %div3A_1716 = arith.divsi %add3A_1714, %jit3A_1715 : i32
      %sign3A_1717 = arith.constant 0 : i32
      %sign3A_1718 = arith.cmpi sgt, %add3A_1714, %sign3A_1717 : i32
      %sign3A_1719 = arith.extui %sign3A_1718 : i1 to i32
      %sign3A_1720 = arith.constant 0 : i32
      %sign3A_1721 = arith.cmpi slt, %add3A_1714, %sign3A_1720 : i32
      %sign3A_1722 = arith.extui %sign3A_1721 : i1 to i32
      %sign3A_1723 = arith.subi %sign3A_1719, %sign3A_1722 : i32
      %sign3A_1724 = arith.constant 0 : i32
      %sign3A_1725 = arith.cmpi sgt, %jit3A_1715, %sign3A_1724 : i32
      %sign3A_1726 = arith.extui %sign3A_1725 : i1 to i32
      %sign3A_1727 = arith.constant 0 : i32
      %sign3A_1728 = arith.cmpi slt, %jit3A_1715, %sign3A_1727 : i32
      %sign3A_1729 = arith.extui %sign3A_1728 : i1 to i32
      %sign3A_1730 = arith.subi %sign3A_1726, %sign3A_1729 : i32
      %ne3A_1731 = arith.cmpi ne, %sign3A_1723, %sign3A_1730 : i32
      %rem3A_1732 = arith.remsi %add3A_1714, %jit3A_1715 : i32
      %ne3A_1733 = arith.constant 0 : i32
      %ne3A_1734 = arith.cmpi ne, %rem3A_1732, %ne3A_1733 : i32
      %and3A_1735 = arith.andi %ne3A_1731, %ne3A_1734 : i1
      %sub3A_1736 = arith.constant 1 : i32
      %sub3A_1737 = arith.subi %div3A_1716, %sub3A_1736 : i32
      %select_n3A_1738 = arith.select %and3A_1735, %sub3A_1737, %div3A_1716 : i32
      %jit3A_1739 = arith.constant 128 : i32
      %eq3A_1740 = arith.constant 0 : i32
      %eq3A_1741 = arith.cmpi eq, %jit3A_1739, %eq3A_1740 : i32
      %jit3A_1742 = arith.constant 1 : i32
      %select_n3A_1743 = arith.select %eq3A_1741, %jit3A_1742, %jit3A_1739 : i32
      %rem3A_1744 = arith.remsi %add3A_1714, %select_n3A_1743 : i32
      %ne3A_1745 = arith.constant 0 : i32
      %ne3A_1746 = arith.cmpi ne, %rem3A_1744, %ne3A_1745 : i32
      %lt3A_1747 = arith.constant 0 : i32
      %lt3A_1748 = arith.cmpi slt, %rem3A_1744, %lt3A_1747 : i32
      %lt3A_1749 = arith.constant 0 : i32
      %lt3A_1750 = arith.cmpi slt, %select_n3A_1743, %lt3A_1749 : i32
      %ne3A_1751 = arith.xori %lt3A_1748, %lt3A_1750 : i1
      %and3A_1752 = arith.andi %ne3A_1751, %ne3A_1746 : i1
      %add3A_1753 = arith.addi %rem3A_1744, %select_n3A_1743 : i32
      %select_n3A_1754 = arith.select %and3A_1752, %add3A_1753, %rem3A_1744 : i32
      %dma_start3A_1755 = arith.constant 0 : i32
      %dma_start3A_1756 = arith.constant 0 : i32
      %dma_start3A_1757 = arith.constant 0 : i32
      %dma_start3A_1758 = tpu.memref_slice %arg11[%dma_start3A_1756, %dma_start3A_1757] : memref<64x128xf32, #tpu.memory_space<vmem>> -> memref<8x128xf32, #tpu.memory_space<vmem>>
      %dma_start3A_1759 = arith.constant 0 : i32
      %dma_start3A_1760 = arith.constant 0 : i32
      %dma_start3A_1761 = tpu.memref_slice %arg4[%select_n3A_1738, %dma_start3A_1755, %select_n3A_1754, %dma_start3A_1759, %dma_start3A_1760] : memref<50x8x128x8x128xf32, #tpu.memory_space<hbm>> -> memref<1x1x1x8x128xf32, #tpu.memory_space<hbm>>
      %dma_start3A_1762 = tpu.memref_squeeze %dma_start3A_1761 : memref<1x1x1x8x128xf32, #tpu.memory_space<hbm>> -> memref<8x128xf32, #tpu.memory_space<hbm>>
      %dma_start3A_1763 = arith.constant 0 : i32
      %dma_start3A_1764 = arith.constant 0 : i32
      %dma_start3A_1765 = tpu.memref_slice %arg4[%select_n3A_1738, %dma_start3A_1755, %select_n3A_1754, %dma_start3A_1763, %dma_start3A_1764] : memref<50x8x128x8x128xf32, #tpu.memory_space<hbm>> -> memref<1x1x1x8x128xf32, #tpu.memory_space<hbm>>
      %dma_start3A_1766 = tpu.memref_squeeze %dma_start3A_1765 : memref<1x1x1x8x128xf32, #tpu.memory_space<hbm>> -> memref<8x128xf32, #tpu.memory_space<hbm>>
      %dma_start3A_1767 = arith.constant 0 : i32
      %dma_start3A_1768 = arith.constant 0 : i32
      %dma_start3A_1769 = tpu.memref_slice %arg11[%dma_start3A_1767, %dma_start3A_1768] : memref<64x128xf32, #tpu.memory_space<vmem>> -> memref<8x128xf32, #tpu.memory_space<vmem>>
      tpu.enqueue_dma source(%dma_start3A_1769 : memref<8x128xf32, #tpu.memory_space<vmem>>) target(%dma_start3A_1766 : memref<8x128xf32, #tpu.memory_space<hbm>>) target_semaphore(%arg19 : memref<!tpu.dma_semaphore, #tpu.memory_space<semaphore_mem>>)
      %dma_start3A_1770 = arith.constant 1 : i32
      %dma_start3A_1771 = arith.constant 8 : i32
      %dma_start3A_1772 = arith.constant 0 : i32
      %dma_start3A_1773 = tpu.memref_slice %arg11[%dma_start3A_1771, %dma_start3A_1772] : memref<64x128xf32, #tpu.memory_space<vmem>> -> memref<8x128xf32, #tpu.memory_space<vmem>>
      %dma_start3A_1774 = arith.constant 0 : i32
      %dma_start3A_1775 = arith.constant 0 : i32
      %dma_start3A_1776 = tpu.memref_slice %arg4[%select_n3A_1738, %dma_start3A_1770, %select_n3A_1754, %dma_start3A_1774, %dma_start3A_1775] : memref<50x8x128x8x128xf32, #tpu.memory_space<hbm>> -> memref<1x1x1x8x128xf32, #tpu.memory_space<hbm>>
      %dma_start3A_1777 = tpu.memref_squeeze %dma_start3A_1776 : memref<1x1x1x8x128xf32, #tpu.memory_space<hbm>> -> memref<8x128xf32, #tpu.memory_space<hbm>>
      %dma_start3A_1778 = arith.constant 0 : i32
      %dma_start3A_1779 = arith.constant 0 : i32
      %dma_start3A_1780 = tpu.memref_slice %arg4[%select_n3A_1738, %dma_start3A_1770, %select_n3A_1754, %dma_start3A_1778, %dma_start3A_1779] : memref<50x8x128x8x128xf32, #tpu.memory_space<hbm>> -> memref<1x1x1x8x128xf32, #tpu.memory_space<hbm>>
      %dma_start3A_1781 = tpu.memref_squeeze %dma_start3A_1780 : memref<1x1x1x8x128xf32, #tpu.memory_space<hbm>> -> memref<8x128xf32, #tpu.memory_space<hbm>>
      %dma_start3A_1782 = arith.constant 8 : i32
      %dma_start3A_1783 = arith.constant 0 : i32
      %dma_start3A_1784 = tpu.memref_slice %arg11[%dma_start3A_1782, %dma_start3A_1783] : memref<64x128xf32, #tpu.memory_space<vmem>> -> memref<8x128xf32, #tpu.memory_space<vmem>>
      tpu.enqueue_dma source(%dma_start3A_1784 : memref<8x128xf32, #tpu.memory_space<vmem>>) target(%dma_start3A_1781 : memref<8x128xf32, #tpu.memory_space<hbm>>) target_semaphore(%arg19 : memref<!tpu.dma_semaphore, #tpu.memory_space<semaphore_mem>>)
      %dma_start3A_1785 = arith.constant 2 : i32
      %dma_start3A_1786 = arith.constant 16 : i32
      %dma_start3A_1787 = arith.constant 0 : i32
      %dma_start3A_1788 = tpu.memref_slice %arg11[%dma_start3A_1786, %dma_start3A_1787] : memref<64x128xf32, #tpu.memory_space<vmem>> -> memref<8x128xf32, #tpu.memory_space<vmem>>
      %dma_start3A_1789 = arith.constant 0 : i32
      %dma_start3A_1790 = arith.constant 0 : i32
      %dma_start3A_1791 = tpu.memref_slice %arg4[%select_n3A_1738, %dma_start3A_1785, %select_n3A_1754, %dma_start3A_1789, %dma_start3A_1790] : memref<50x8x128x8x128xf32, #tpu.memory_space<hbm>> -> memref<1x1x1x8x128xf32, #tpu.memory_space<hbm>>
      %dma_start3A_1792 = tpu.memref_squeeze %dma_start3A_1791 : memref<1x1x1x8x128xf32, #tpu.memory_space<hbm>> -> memref<8x128xf32, #tpu.memory_space<hbm>>
      %dma_start3A_1793 = arith.constant 0 : i32
      %dma_start3A_1794 = arith.constant 0 : i32
      %dma_start3A_1795 = tpu.memref_slice %arg4[%select_n3A_1738, %dma_start3A_1785, %select_n3A_1754, %dma_start3A_1793, %dma_start3A_1794] : memref<50x8x128x8x128xf32, #tpu.memory_space<hbm>> -> memref<1x1x1x8x128xf32, #tpu.memory_space<hbm>>
      %dma_start3A_1796 = tpu.memref_squeeze %dma_start3A_1795 : memref<1x1x1x8x128xf32, #tpu.memory_space<hbm>> -> memref<8x128xf32, #tpu.memory_space<hbm>>
      %dma_start3A_1797 = arith.constant 16 : i32
      %dma_start3A_1798 = arith.constant 0 : i32
      %dma_start3A_1799 = tpu.memref_slice %arg11[%dma_start3A_1797, %dma_start3A_1798] : memref<64x128xf32, #tpu.memory_space<vmem>> -> memref<8x128xf32, #tpu.memory_space<vmem>>
      tpu.enqueue_dma source(%dma_start3A_1799 : memref<8x128xf32, #tpu.memory_space<vmem>>) target(%dma_start3A_1796 : memref<8x128xf32, #tpu.memory_space<hbm>>) target_semaphore(%arg19 : memref<!tpu.dma_semaphore, #tpu.memory_space<semaphore_mem>>)
      %dma_start3A_1800 = arith.constant 3 : i32
      %dma_start3A_1801 = arith.constant 24 : i32
      %dma_start3A_1802 = arith.constant 0 : i32
      %dma_start3A_1803 = tpu.memref_slice %arg11[%dma_start3A_1801, %dma_start3A_1802] : memref<64x128xf32, #tpu.memory_space<vmem>> -> memref<8x128xf32, #tpu.memory_space<vmem>>
      %dma_start3A_1804 = arith.constant 0 : i32
      %dma_start3A_1805 = arith.constant 0 : i32
      %dma_start3A_1806 = tpu.memref_slice %arg4[%select_n3A_1738, %dma_start3A_1800, %select_n3A_1754, %dma_start3A_1804, %dma_start3A_1805] : memref<50x8x128x8x128xf32, #tpu.memory_space<hbm>> -> memref<1x1x1x8x128xf32, #tpu.memory_space<hbm>>
      %dma_start3A_1807 = tpu.memref_squeeze %dma_start3A_1806 : memref<1x1x1x8x128xf32, #tpu.memory_space<hbm>> -> memref<8x128xf32, #tpu.memory_space<hbm>>
      %dma_start3A_1808 = arith.constant 0 : i32
      %dma_start3A_1809 = arith.constant 0 : i32
      %dma_start3A_1810 = tpu.memref_slice %arg4[%select_n3A_1738, %dma_start3A_1800, %select_n3A_1754, %dma_start3A_1808, %dma_start3A_1809] : memref<50x8x128x8x128xf32, #tpu.memory_space<hbm>> -> memref<1x1x1x8x128xf32, #tpu.memory_space<hbm>>
      %dma_start3A_1811 = tpu.memref_squeeze %dma_start3A_1810 : memref<1x1x1x8x128xf32, #tpu.memory_space<hbm>> -> memref<8x128xf32, #tpu.memory_space<hbm>>
      %dma_start3A_1812 = arith.constant 24 : i32
      %dma_start3A_1813 = arith.constant 0 : i32
      %dma_start3A_1814 = tpu.memref_slice %arg11[%dma_start3A_1812, %dma_start3A_1813] : memref<64x128xf32, #tpu.memory_space<vmem>> -> memref<8x128xf32, #tpu.memory_space<vmem>>
      tpu.enqueue_dma source(%dma_start3A_1814 : memref<8x128xf32, #tpu.memory_space<vmem>>) target(%dma_start3A_1811 : memref<8x128xf32, #tpu.memory_space<hbm>>) target_semaphore(%arg19 : memref<!tpu.dma_semaphore, #tpu.memory_space<semaphore_mem>>)
      %dma_start3A_1815 = arith.constant 4 : i32
      %dma_start3A_1816 = arith.constant 32 : i32
      %dma_start3A_1817 = arith.constant 0 : i32
      %dma_start3A_1818 = tpu.memref_slice %arg11[%dma_start3A_1816, %dma_start3A_1817] : memref<64x128xf32, #tpu.memory_space<vmem>> -> memref<8x128xf32, #tpu.memory_space<vmem>>
      %dma_start3A_1819 = arith.constant 0 : i32
      %dma_start3A_1820 = arith.constant 0 : i32
      %dma_start3A_1821 = tpu.memref_slice %arg4[%select_n3A_1738, %dma_start3A_1815, %select_n3A_1754, %dma_start3A_1819, %dma_start3A_1820] : memref<50x8x128x8x128xf32, #tpu.memory_space<hbm>> -> memref<1x1x1x8x128xf32, #tpu.memory_space<hbm>>
      %dma_start3A_1822 = tpu.memref_squeeze %dma_start3A_1821 : memref<1x1x1x8x128xf32, #tpu.memory_space<hbm>> -> memref<8x128xf32, #tpu.memory_space<hbm>>
      %dma_start3A_1823 = arith.constant 0 : i32
      %dma_start3A_1824 = arith.constant 0 : i32
      %dma_start3A_1825 = tpu.memref_slice %arg4[%select_n3A_1738, %dma_start3A_1815, %select_n3A_1754, %dma_start3A_1823, %dma_start3A_1824] : memref<50x8x128x8x128xf32, #tpu.memory_space<hbm>> -> memref<1x1x1x8x128xf32, #tpu.memory_space<hbm>>
      %dma_start3A_1826 = tpu.memref_squeeze %dma_start3A_1825 : memref<1x1x1x8x128xf32, #tpu.memory_space<hbm>> -> memref<8x128xf32, #tpu.memory_space<hbm>>
      %dma_start3A_1827 = arith.constant 32 : i32
      %dma_start3A_1828 = arith.constant 0 : i32
      %dma_start3A_1829 = tpu.memref_slice %arg11[%dma_start3A_1827, %dma_start3A_1828] : memref<64x128xf32, #tpu.memory_space<vmem>> -> memref<8x128xf32, #tpu.memory_space<vmem>>
      tpu.enqueue_dma source(%dma_start3A_1829 : memref<8x128xf32, #tpu.memory_space<vmem>>) target(%dma_start3A_1826 : memref<8x128xf32, #tpu.memory_space<hbm>>) target_semaphore(%arg19 : memref<!tpu.dma_semaphore, #tpu.memory_space<semaphore_mem>>)
      %dma_start3A_1830 = arith.constant 5 : i32
      %dma_start3A_1831 = arith.constant 40 : i32
      %dma_start3A_1832 = arith.constant 0 : i32
      %dma_start3A_1833 = tpu.memref_slice %arg11[%dma_start3A_1831, %dma_start3A_1832] : memref<64x128xf32, #tpu.memory_space<vmem>> -> memref<8x128xf32, #tpu.memory_space<vmem>>
      %dma_start3A_1834 = arith.constant 0 : i32
      %dma_start3A_1835 = arith.constant 0 : i32
      %dma_start3A_1836 = tpu.memref_slice %arg4[%select_n3A_1738, %dma_start3A_1830, %select_n3A_1754, %dma_start3A_1834, %dma_start3A_1835] : memref<50x8x128x8x128xf32, #tpu.memory_space<hbm>> -> memref<1x1x1x8x128xf32, #tpu.memory_space<hbm>>
      %dma_start3A_1837 = tpu.memref_squeeze %dma_start3A_1836 : memref<1x1x1x8x128xf32, #tpu.memory_space<hbm>> -> memref<8x128xf32, #tpu.memory_space<hbm>>
      %dma_start3A_1838 = arith.constant 0 : i32
      %dma_start3A_1839 = arith.constant 0 : i32
      %dma_start3A_1840 = tpu.memref_slice %arg4[%select_n3A_1738, %dma_start3A_1830, %select_n3A_1754, %dma_start3A_1838, %dma_start3A_1839] : memref<50x8x128x8x128xf32, #tpu.memory_space<hbm>> -> memref<1x1x1x8x128xf32, #tpu.memory_space<hbm>>
      %dma_start3A_1841 = tpu.memref_squeeze %dma_start3A_1840 : memref<1x1x1x8x128xf32, #tpu.memory_space<hbm>> -> memref<8x128xf32, #tpu.memory_space<hbm>>
      %dma_start3A_1842 = arith.constant 40 : i32
      %dma_start3A_1843 = arith.constant 0 : i32
      %dma_start3A_1844 = tpu.memref_slice %arg11[%dma_start3A_1842, %dma_start3A_1843] : memref<64x128xf32, #tpu.memory_space<vmem>> -> memref<8x128xf32, #tpu.memory_space<vmem>>
      tpu.enqueue_dma source(%dma_start3A_1844 : memref<8x128xf32, #tpu.memory_space<vmem>>) target(%dma_start3A_1841 : memref<8x128xf32, #tpu.memory_space<hbm>>) target_semaphore(%arg19 : memref<!tpu.dma_semaphore, #tpu.memory_space<semaphore_mem>>)
      %dma_start3A_1845 = arith.constant 6 : i32
      %dma_start3A_1846 = arith.constant 48 : i32
      %dma_start3A_1847 = arith.constant 0 : i32
      %dma_start3A_1848 = tpu.memref_slice %arg11[%dma_start3A_1846, %dma_start3A_1847] : memref<64x128xf32, #tpu.memory_space<vmem>> -> memref<8x128xf32, #tpu.memory_space<vmem>>
      %dma_start3A_1849 = arith.constant 0 : i32
      %dma_start3A_1850 = arith.constant 0 : i32
      %dma_start3A_1851 = tpu.memref_slice %arg4[%select_n3A_1738, %dma_start3A_1845, %select_n3A_1754, %dma_start3A_1849, %dma_start3A_1850] : memref<50x8x128x8x128xf32, #tpu.memory_space<hbm>> -> memref<1x1x1x8x128xf32, #tpu.memory_space<hbm>>
      %dma_start3A_1852 = tpu.memref_squeeze %dma_start3A_1851 : memref<1x1x1x8x128xf32, #tpu.memory_space<hbm>> -> memref<8x128xf32, #tpu.memory_space<hbm>>
      %dma_start3A_1853 = arith.constant 0 : i32
      %dma_start3A_1854 = arith.constant 0 : i32
      %dma_start3A_1855 = tpu.memref_slice %arg4[%select_n3A_1738, %dma_start3A_1845, %select_n3A_1754, %dma_start3A_1853, %dma_start3A_1854] : memref<50x8x128x8x128xf32, #tpu.memory_space<hbm>> -> memref<1x1x1x8x128xf32, #tpu.memory_space<hbm>>
      %dma_start3A_1856 = tpu.memref_squeeze %dma_start3A_1855 : memref<1x1x1x8x128xf32, #tpu.memory_space<hbm>> -> memref<8x128xf32, #tpu.memory_space<hbm>>
      %dma_start3A_1857 = arith.constant 48 : i32
      %dma_start3A_1858 = arith.constant 0 : i32
      %dma_start3A_1859 = tpu.memref_slice %arg11[%dma_start3A_1857, %dma_start3A_1858] : memref<64x128xf32, #tpu.memory_space<vmem>> -> memref<8x128xf32, #tpu.memory_space<vmem>>
      tpu.enqueue_dma source(%dma_start3A_1859 : memref<8x128xf32, #tpu.memory_space<vmem>>) target(%dma_start3A_1856 : memref<8x128xf32, #tpu.memory_space<hbm>>) target_semaphore(%arg19 : memref<!tpu.dma_semaphore, #tpu.memory_space<semaphore_mem>>)
      %dma_start3A_1860 = arith.constant 7 : i32
      %dma_start3A_1861 = arith.constant 56 : i32
      %dma_start3A_1862 = arith.constant 0 : i32
      %dma_start3A_1863 = tpu.memref_slice %arg11[%dma_start3A_1861, %dma_start3A_1862] : memref<64x128xf32, #tpu.memory_space<vmem>> -> memref<8x128xf32, #tpu.memory_space<vmem>>
      %dma_start3A_1864 = arith.constant 0 : i32
      %dma_start3A_1865 = arith.constant 0 : i32
      %dma_start3A_1866 = tpu.memref_slice %arg4[%select_n3A_1738, %dma_start3A_1860, %select_n3A_1754, %dma_start3A_1864, %dma_start3A_1865] : memref<50x8x128x8x128xf32, #tpu.memory_space<hbm>> -> memref<1x1x1x8x128xf32, #tpu.memory_space<hbm>>
      %dma_start3A_1867 = tpu.memref_squeeze %dma_start3A_1866 : memref<1x1x1x8x128xf32, #tpu.memory_space<hbm>> -> memref<8x128xf32, #tpu.memory_space<hbm>>
      %dma_start3A_1868 = arith.constant 0 : i32
      %dma_start3A_1869 = arith.constant 0 : i32
      %dma_start3A_1870 = tpu.memref_slice %arg4[%select_n3A_1738, %dma_start3A_1860, %select_n3A_1754, %dma_start3A_1868, %dma_start3A_1869] : memref<50x8x128x8x128xf32, #tpu.memory_space<hbm>> -> memref<1x1x1x8x128xf32, #tpu.memory_space<hbm>>
      %dma_start3A_1871 = tpu.memref_squeeze %dma_start3A_1870 : memref<1x1x1x8x128xf32, #tpu.memory_space<hbm>> -> memref<8x128xf32, #tpu.memory_space<hbm>>
      %dma_start3A_1872 = arith.constant 56 : i32
      %dma_start3A_1873 = arith.constant 0 : i32
      %dma_start3A_1874 = tpu.memref_slice %arg11[%dma_start3A_1872, %dma_start3A_1873] : memref<64x128xf32, #tpu.memory_space<vmem>> -> memref<8x128xf32, #tpu.memory_space<vmem>>
      tpu.enqueue_dma source(%dma_start3A_1874 : memref<8x128xf32, #tpu.memory_space<vmem>>) target(%dma_start3A_1871 : memref<8x128xf32, #tpu.memory_space<hbm>>) target_semaphore(%arg19 : memref<!tpu.dma_semaphore, #tpu.memory_space<semaphore_mem>>)
      %add3A_1875 = arith.constant 4 : i32
      %add3A_1876 = arith.addi %add3A_1567, %add3A_1875 : i32
      %min3A_1877 = arith.constant 199 : i32
      %min3A_1878 = arith.minsi %add3A_1876, %min3A_1877 : i32
      %dma_start3A_1879 = arith.constant 0 : i32
      %dma_start3A_1880 = tpu.memref_slice %arg5[%min3A_1878, %dma_start3A_1879] : memref<200x128xi32, #tpu.memory_space<vmem>> -> memref<1x128xi32, #tpu.memory_space<vmem>>
      %dma_start3A_1881 = tpu.memref_squeeze %dma_start3A_1880 : memref<1x128xi32, #tpu.memory_space<vmem>> -> memref<128xi32, #tpu.memory_space<vmem>>
      %dma_start3A_1882 = arith.constant 0 : i32
      %dma_start3A_1883 = arith.constant 0 : i32
      %dma_start3A_1884 = tpu.memref_slice %arg2[%dma_start3A_1882, %dma_start3A_1883] : memref<1000000x64xf32, #tpu.memory_space<hbm>> -> memref<1000000x64xf32, #tpu.memory_space<hbm>>
      tpu.enqueue_indirect_dma source(%dma_start3A_1884 : memref<1000000x64xf32, #tpu.memory_space<hbm>>) target(%arg7 : memref<128x64xf32, #tpu.memory_space<vmem>>) offsets(%dma_start3A_1881 : memref<128xi32, #tpu.memory_space<vmem>>) semaphore(%arg15 : memref<!tpu.dma_semaphore, #tpu.memory_space<semaphore_mem>>)
      %mul3A_1885 = arith.constant 4 : i32
      %mul3A_1886 = arith.muli %scan3A_1244, %mul3A_1885 : i32
      %add3A_1887 = arith.constant 2 : i32
      %add3A_1888 = arith.addi %mul3A_1886, %add3A_1887 : i32
      %dma_wait3A_1889 = arith.constant 0 : i32
      %dma_wait3A_1890 = arith.constant 0 : i32
      %dma_wait3A_1891 = tpu.memref_slice %arg5[%dma_wait3A_1889, %dma_wait3A_1890] : memref<200x128xi32, #tpu.memory_space<vmem>> -> memref<1x128xi32, #tpu.memory_space<vmem>>
      %dma_wait3A_1892 = tpu.memref_squeeze %dma_wait3A_1891 : memref<1x128xi32, #tpu.memory_space<vmem>> -> memref<128xi32, #tpu.memory_space<vmem>>
      %dma_wait3A_1893 = arith.constant 0 : i32
      %dma_wait3A_1894 = arith.constant 0 : i32
      %dma_wait3A_1895 = tpu.memref_slice %arg2[%dma_wait3A_1893, %dma_wait3A_1894] : memref<1000000x64xf32, #tpu.memory_space<hbm>> -> memref<1000000x64xf32, #tpu.memory_space<hbm>>
      tpu.wait_indirect_dma semaphore(%arg16 : memref<!tpu.dma_semaphore, #tpu.memory_space<semaphore_mem>>) src(%dma_wait3A_1895 : memref<1000000x64xf32, #tpu.memory_space<hbm>>) dst(%arg8 : memref<128x64xf32, #tpu.memory_space<vmem>>)
      %dma_wait3A_1896 = arith.constant 0 : i32
      %dma_wait3A_1897 = arith.constant 0 : i32
      %dma_wait3A_1898 = arith.constant 0 : i32
      %dma_wait3A_1899 = arith.constant 0 : i32
      %dma_wait3A_1900 = arith.constant 0 : i32
      %dma_wait3A_1901 = tpu.memref_slice %arg12[%dma_wait3A_1899, %dma_wait3A_1900] : memref<64x128xf32, #tpu.memory_space<vmem>> -> memref<8x128xf32, #tpu.memory_space<vmem>>
      %dma_wait3A_1902 = arith.constant 0 : i32
      %dma_wait3A_1903 = arith.constant 0 : i32
      %dma_wait3A_1904 = tpu.memref_slice %arg4[%dma_wait3A_1896, %dma_wait3A_1897, %dma_wait3A_1898, %dma_wait3A_1902, %dma_wait3A_1903] : memref<50x8x128x8x128xf32, #tpu.memory_space<hbm>> -> memref<1x1x1x8x128xf32, #tpu.memory_space<hbm>>
      %dma_wait3A_1905 = tpu.memref_squeeze %dma_wait3A_1904 : memref<1x1x1x8x128xf32, #tpu.memory_space<hbm>> -> memref<8x128xf32, #tpu.memory_space<hbm>>
      %dma_wait3A_1906 = arith.constant 0 : i32
      %dma_wait3A_1907 = arith.constant 0 : i32
      %dma_wait3A_1908 = tpu.memref_slice %arg4[%dma_wait3A_1896, %dma_wait3A_1897, %dma_wait3A_1898, %dma_wait3A_1906, %dma_wait3A_1907] : memref<50x8x128x8x128xf32, #tpu.memory_space<hbm>> -> memref<1x1x1x8x128xf32, #tpu.memory_space<hbm>>
      %dma_wait3A_1909 = tpu.memref_squeeze %dma_wait3A_1908 : memref<1x1x1x8x128xf32, #tpu.memory_space<hbm>> -> memref<8x128xf32, #tpu.memory_space<hbm>>
      %dma_wait3A_1910 = arith.constant 0 : i32
      %dma_wait3A_1911 = arith.constant 0 : i32
      %dma_wait3A_1912 = tpu.memref_slice %arg12[%dma_wait3A_1910, %dma_wait3A_1911] : memref<64x128xf32, #tpu.memory_space<vmem>> -> memref<8x128xf32, #tpu.memory_space<vmem>>
      tpu.wait_dma2 semaphore(%arg20 : memref<!tpu.dma_semaphore, #tpu.memory_space<semaphore_mem>>) src(%dma_wait3A_1912 : memref<8x128xf32, #tpu.memory_space<vmem>>) dst(%dma_wait3A_1909 : memref<8x128xf32, #tpu.memory_space<hbm>>)
      %dma_wait3A_1913 = arith.constant 0 : i32
      %dma_wait3A_1914 = arith.constant 1 : i32
      %dma_wait3A_1915 = arith.constant 0 : i32
      %dma_wait3A_1916 = arith.constant 8 : i32
      %dma_wait3A_1917 = arith.constant 0 : i32
      %dma_wait3A_1918 = tpu.memref_slice %arg12[%dma_wait3A_1916, %dma_wait3A_1917] : memref<64x128xf32, #tpu.memory_space<vmem>> -> memref<8x128xf32, #tpu.memory_space<vmem>>
      %dma_wait3A_1919 = arith.constant 0 : i32
      %dma_wait3A_1920 = arith.constant 0 : i32
      %dma_wait3A_1921 = tpu.memref_slice %arg4[%dma_wait3A_1913, %dma_wait3A_1914, %dma_wait3A_1915, %dma_wait3A_1919, %dma_wait3A_1920] : memref<50x8x128x8x128xf32, #tpu.memory_space<hbm>> -> memref<1x1x1x8x128xf32, #tpu.memory_space<hbm>>
      %dma_wait3A_1922 = tpu.memref_squeeze %dma_wait3A_1921 : memref<1x1x1x8x128xf32, #tpu.memory_space<hbm>> -> memref<8x128xf32, #tpu.memory_space<hbm>>
      %dma_wait3A_1923 = arith.constant 0 : i32
      %dma_wait3A_1924 = arith.constant 0 : i32
      %dma_wait3A_1925 = tpu.memref_slice %arg4[%dma_wait3A_1913, %dma_wait3A_1914, %dma_wait3A_1915, %dma_wait3A_1923, %dma_wait3A_1924] : memref<50x8x128x8x128xf32, #tpu.memory_space<hbm>> -> memref<1x1x1x8x128xf32, #tpu.memory_space<hbm>>
      %dma_wait3A_1926 = tpu.memref_squeeze %dma_wait3A_1925 : memref<1x1x1x8x128xf32, #tpu.memory_space<hbm>> -> memref<8x128xf32, #tpu.memory_space<hbm>>
      %dma_wait3A_1927 = arith.constant 8 : i32
      %dma_wait3A_1928 = arith.constant 0 : i32
      %dma_wait3A_1929 = tpu.memref_slice %arg12[%dma_wait3A_1927, %dma_wait3A_1928] : memref<64x128xf32, #tpu.memory_space<vmem>> -> memref<8x128xf32, #tpu.memory_space<vmem>>
      tpu.wait_dma2 semaphore(%arg20 : memref<!tpu.dma_semaphore, #tpu.memory_space<semaphore_mem>>) src(%dma_wait3A_1929 : memref<8x128xf32, #tpu.memory_space<vmem>>) dst(%dma_wait3A_1926 : memref<8x128xf32, #tpu.memory_space<hbm>>)
      %dma_wait3A_1930 = arith.constant 0 : i32
      %dma_wait3A_1931 = arith.constant 2 : i32
      %dma_wait3A_1932 = arith.constant 0 : i32
      %dma_wait3A_1933 = arith.constant 16 : i32
      %dma_wait3A_1934 = arith.constant 0 : i32
      %dma_wait3A_1935 = tpu.memref_slice %arg12[%dma_wait3A_1933, %dma_wait3A_1934] : memref<64x128xf32, #tpu.memory_space<vmem>> -> memref<8x128xf32, #tpu.memory_space<vmem>>
      %dma_wait3A_1936 = arith.constant 0 : i32
      %dma_wait3A_1937 = arith.constant 0 : i32
      %dma_wait3A_1938 = tpu.memref_slice %arg4[%dma_wait3A_1930, %dma_wait3A_1931, %dma_wait3A_1932, %dma_wait3A_1936, %dma_wait3A_1937] : memref<50x8x128x8x128xf32, #tpu.memory_space<hbm>> -> memref<1x1x1x8x128xf32, #tpu.memory_space<hbm>>
      %dma_wait3A_1939 = tpu.memref_squeeze %dma_wait3A_1938 : memref<1x1x1x8x128xf32, #tpu.memory_space<hbm>> -> memref<8x128xf32, #tpu.memory_space<hbm>>
      %dma_wait3A_1940 = arith.constant 0 : i32
      %dma_wait3A_1941 = arith.constant 0 : i32
      %dma_wait3A_1942 = tpu.memref_slice %arg4[%dma_wait3A_1930, %dma_wait3A_1931, %dma_wait3A_1932, %dma_wait3A_1940, %dma_wait3A_1941] : memref<50x8x128x8x128xf32, #tpu.memory_space<hbm>> -> memref<1x1x1x8x128xf32, #tpu.memory_space<hbm>>
      %dma_wait3A_1943 = tpu.memref_squeeze %dma_wait3A_1942 : memref<1x1x1x8x128xf32, #tpu.memory_space<hbm>> -> memref<8x128xf32, #tpu.memory_space<hbm>>
      %dma_wait3A_1944 = arith.constant 16 : i32
      %dma_wait3A_1945 = arith.constant 0 : i32
      %dma_wait3A_1946 = tpu.memref_slice %arg12[%dma_wait3A_1944, %dma_wait3A_1945] : memref<64x128xf32, #tpu.memory_space<vmem>> -> memref<8x128xf32, #tpu.memory_space<vmem>>
      tpu.wait_dma2 semaphore(%arg20 : memref<!tpu.dma_semaphore, #tpu.memory_space<semaphore_mem>>) src(%dma_wait3A_1946 : memref<8x128xf32, #tpu.memory_space<vmem>>) dst(%dma_wait3A_1943 : memref<8x128xf32, #tpu.memory_space<hbm>>)
      %dma_wait3A_1947 = arith.constant 0 : i32
      %dma_wait3A_1948 = arith.constant 3 : i32
      %dma_wait3A_1949 = arith.constant 0 : i32
      %dma_wait3A_1950 = arith.constant 24 : i32
      %dma_wait3A_1951 = arith.constant 0 : i32
      %dma_wait3A_1952 = tpu.memref_slice %arg12[%dma_wait3A_1950, %dma_wait3A_1951] : memref<64x128xf32, #tpu.memory_space<vmem>> -> memref<8x128xf32, #tpu.memory_space<vmem>>
      %dma_wait3A_1953 = arith.constant 0 : i32
      %dma_wait3A_1954 = arith.constant 0 : i32
      %dma_wait3A_1955 = tpu.memref_slice %arg4[%dma_wait3A_1947, %dma_wait3A_1948, %dma_wait3A_1949, %dma_wait3A_1953, %dma_wait3A_1954] : memref<50x8x128x8x128xf32, #tpu.memory_space<hbm>> -> memref<1x1x1x8x128xf32, #tpu.memory_space<hbm>>
      %dma_wait3A_1956 = tpu.memref_squeeze %dma_wait3A_1955 : memref<1x1x1x8x128xf32, #tpu.memory_space<hbm>> -> memref<8x128xf32, #tpu.memory_space<hbm>>
      %dma_wait3A_1957 = arith.constant 0 : i32
      %dma_wait3A_1958 = arith.constant 0 : i32
      %dma_wait3A_1959 = tpu.memref_slice %arg4[%dma_wait3A_1947, %dma_wait3A_1948, %dma_wait3A_1949, %dma_wait3A_1957, %dma_wait3A_1958] : memref<50x8x128x8x128xf32, #tpu.memory_space<hbm>> -> memref<1x1x1x8x128xf32, #tpu.memory_space<hbm>>
      %dma_wait3A_1960 = tpu.memref_squeeze %dma_wait3A_1959 : memref<1x1x1x8x128xf32, #tpu.memory_space<hbm>> -> memref<8x128xf32, #tpu.memory_space<hbm>>
      %dma_wait3A_1961 = arith.constant 24 : i32
      %dma_wait3A_1962 = arith.constant 0 : i32
      %dma_wait3A_1963 = tpu.memref_slice %arg12[%dma_wait3A_1961, %dma_wait3A_1962] : memref<64x128xf32, #tpu.memory_space<vmem>> -> memref<8x128xf32, #tpu.memory_space<vmem>>
      tpu.wait_dma2 semaphore(%arg20 : memref<!tpu.dma_semaphore, #tpu.memory_space<semaphore_mem>>) src(%dma_wait3A_1963 : memref<8x128xf32, #tpu.memory_space<vmem>>) dst(%dma_wait3A_1960 : memref<8x128xf32, #tpu.memory_space<hbm>>)
      %dma_wait3A_1964 = arith.constant 0 : i32
      %dma_wait3A_1965 = arith.constant 4 : i32
      %dma_wait3A_1966 = arith.constant 0 : i32
      %dma_wait3A_1967 = arith.constant 32 : i32
      %dma_wait3A_1968 = arith.constant 0 : i32
      %dma_wait3A_1969 = tpu.memref_slice %arg12[%dma_wait3A_1967, %dma_wait3A_1968] : memref<64x128xf32, #tpu.memory_space<vmem>> -> memref<8x128xf32, #tpu.memory_space<vmem>>
      %dma_wait3A_1970 = arith.constant 0 : i32
      %dma_wait3A_1971 = arith.constant 0 : i32
      %dma_wait3A_1972 = tpu.memref_slice %arg4[%dma_wait3A_1964, %dma_wait3A_1965, %dma_wait3A_1966, %dma_wait3A_1970, %dma_wait3A_1971] : memref<50x8x128x8x128xf32, #tpu.memory_space<hbm>> -> memref<1x1x1x8x128xf32, #tpu.memory_space<hbm>>
      %dma_wait3A_1973 = tpu.memref_squeeze %dma_wait3A_1972 : memref<1x1x1x8x128xf32, #tpu.memory_space<hbm>> -> memref<8x128xf32, #tpu.memory_space<hbm>>
      %dma_wait3A_1974 = arith.constant 0 : i32
      %dma_wait3A_1975 = arith.constant 0 : i32
      %dma_wait3A_1976 = tpu.memref_slice %arg4[%dma_wait3A_1964, %dma_wait3A_1965, %dma_wait3A_1966, %dma_wait3A_1974, %dma_wait3A_1975] : memref<50x8x128x8x128xf32, #tpu.memory_space<hbm>> -> memref<1x1x1x8x128xf32, #tpu.memory_space<hbm>>
      %dma_wait3A_1977 = tpu.memref_squeeze %dma_wait3A_1976 : memref<1x1x1x8x128xf32, #tpu.memory_space<hbm>> -> memref<8x128xf32, #tpu.memory_space<hbm>>
      %dma_wait3A_1978 = arith.constant 32 : i32
      %dma_wait3A_1979 = arith.constant 0 : i32
      %dma_wait3A_1980 = tpu.memref_slice %arg12[%dma_wait3A_1978, %dma_wait3A_1979] : memref<64x128xf32, #tpu.memory_space<vmem>> -> memref<8x128xf32, #tpu.memory_space<vmem>>
      tpu.wait_dma2 semaphore(%arg20 : memref<!tpu.dma_semaphore, #tpu.memory_space<semaphore_mem>>) src(%dma_wait3A_1980 : memref<8x128xf32, #tpu.memory_space<vmem>>) dst(%dma_wait3A_1977 : memref<8x128xf32, #tpu.memory_space<hbm>>)
      %dma_wait3A_1981 = arith.constant 0 : i32
      %dma_wait3A_1982 = arith.constant 5 : i32
      %dma_wait3A_1983 = arith.constant 0 : i32
      %dma_wait3A_1984 = arith.constant 40 : i32
      %dma_wait3A_1985 = arith.constant 0 : i32
      %dma_wait3A_1986 = tpu.memref_slice %arg12[%dma_wait3A_1984, %dma_wait3A_1985] : memref<64x128xf32, #tpu.memory_space<vmem>> -> memref<8x128xf32, #tpu.memory_space<vmem>>
      %dma_wait3A_1987 = arith.constant 0 : i32
      %dma_wait3A_1988 = arith.constant 0 : i32
      %dma_wait3A_1989 = tpu.memref_slice %arg4[%dma_wait3A_1981, %dma_wait3A_1982, %dma_wait3A_1983, %dma_wait3A_1987, %dma_wait3A_1988] : memref<50x8x128x8x128xf32, #tpu.memory_space<hbm>> -> memref<1x1x1x8x128xf32, #tpu.memory_space<hbm>>
      %dma_wait3A_1990 = tpu.memref_squeeze %dma_wait3A_1989 : memref<1x1x1x8x128xf32, #tpu.memory_space<hbm>> -> memref<8x128xf32, #tpu.memory_space<hbm>>
      %dma_wait3A_1991 = arith.constant 0 : i32
      %dma_wait3A_1992 = arith.constant 0 : i32
      %dma_wait3A_1993 = tpu.memref_slice %arg4[%dma_wait3A_1981, %dma_wait3A_1982, %dma_wait3A_1983, %dma_wait3A_1991, %dma_wait3A_1992] : memref<50x8x128x8x128xf32, #tpu.memory_space<hbm>> -> memref<1x1x1x8x128xf32, #tpu.memory_space<hbm>>
      %dma_wait3A_1994 = tpu.memref_squeeze %dma_wait3A_1993 : memref<1x1x1x8x128xf32, #tpu.memory_space<hbm>> -> memref<8x128xf32, #tpu.memory_space<hbm>>
      %dma_wait3A_1995 = arith.constant 40 : i32
      %dma_wait3A_1996 = arith.constant 0 : i32
      %dma_wait3A_1997 = tpu.memref_slice %arg12[%dma_wait3A_1995, %dma_wait3A_1996] : memref<64x128xf32, #tpu.memory_space<vmem>> -> memref<8x128xf32, #tpu.memory_space<vmem>>
      tpu.wait_dma2 semaphore(%arg20 : memref<!tpu.dma_semaphore, #tpu.memory_space<semaphore_mem>>) src(%dma_wait3A_1997 : memref<8x128xf32, #tpu.memory_space<vmem>>) dst(%dma_wait3A_1994 : memref<8x128xf32, #tpu.memory_space<hbm>>)
      %dma_wait3A_1998 = arith.constant 0 : i32
      %dma_wait3A_1999 = arith.constant 6 : i32
      %dma_wait3A_2000 = arith.constant 0 : i32
      %dma_wait3A_2001 = arith.constant 48 : i32
      %dma_wait3A_2002 = arith.constant 0 : i32
      %dma_wait3A_2003 = tpu.memref_slice %arg12[%dma_wait3A_2001, %dma_wait3A_2002] : memref<64x128xf32, #tpu.memory_space<vmem>> -> memref<8x128xf32, #tpu.memory_space<vmem>>
      %dma_wait3A_2004 = arith.constant 0 : i32
      %dma_wait3A_2005 = arith.constant 0 : i32
      %dma_wait3A_2006 = tpu.memref_slice %arg4[%dma_wait3A_1998, %dma_wait3A_1999, %dma_wait3A_2000, %dma_wait3A_2004, %dma_wait3A_2005] : memref<50x8x128x8x128xf32, #tpu.memory_space<hbm>> -> memref<1x1x1x8x128xf32, #tpu.memory_space<hbm>>
      %dma_wait3A_2007 = tpu.memref_squeeze %dma_wait3A_2006 : memref<1x1x1x8x128xf32, #tpu.memory_space<hbm>> -> memref<8x128xf32, #tpu.memory_space<hbm>>
      %dma_wait3A_2008 = arith.constant 0 : i32
      %dma_wait3A_2009 = arith.constant 0 : i32
      %dma_wait3A_2010 = tpu.memref_slice %arg4[%dma_wait3A_1998, %dma_wait3A_1999, %dma_wait3A_2000, %dma_wait3A_2008, %dma_wait3A_2009] : memref<50x8x128x8x128xf32, #tpu.memory_space<hbm>> -> memref<1x1x1x8x128xf32, #tpu.memory_space<hbm>>
      %dma_wait3A_2011 = tpu.memref_squeeze %dma_wait3A_2010 : memref<1x1x1x8x128xf32, #tpu.memory_space<hbm>> -> memref<8x128xf32, #tpu.memory_space<hbm>>
      %dma_wait3A_2012 = arith.constant 48 : i32
      %dma_wait3A_2013 = arith.constant 0 : i32
      %dma_wait3A_2014 = tpu.memref_slice %arg12[%dma_wait3A_2012, %dma_wait3A_2013] : memref<64x128xf32, #tpu.memory_space<vmem>> -> memref<8x128xf32, #tpu.memory_space<vmem>>
      tpu.wait_dma2 semaphore(%arg20 : memref<!tpu.dma_semaphore, #tpu.memory_space<semaphore_mem>>) src(%dma_wait3A_2014 : memref<8x128xf32, #tpu.memory_space<vmem>>) dst(%dma_wait3A_2011 : memref<8x128xf32, #tpu.memory_space<hbm>>)
      %dma_wait3A_2015 = arith.constant 0 : i32
      %dma_wait3A_2016 = arith.constant 7 : i32
      %dma_wait3A_2017 = arith.constant 0 : i32
      %dma_wait3A_2018 = arith.constant 56 : i32
      %dma_wait3A_2019 = arith.constant 0 : i32
      %dma_wait3A_2020 = tpu.memref_slice %arg12[%dma_wait3A_2018, %dma_wait3A_2019] : memref<64x128xf32, #tpu.memory_space<vmem>> -> memref<8x128xf32, #tpu.memory_space<vmem>>
      %dma_wait3A_2021 = arith.constant 0 : i32
      %dma_wait3A_2022 = arith.constant 0 : i32
      %dma_wait3A_2023 = tpu.memref_slice %arg4[%dma_wait3A_2015, %dma_wait3A_2016, %dma_wait3A_2017, %dma_wait3A_2021, %dma_wait3A_2022] : memref<50x8x128x8x128xf32, #tpu.memory_space<hbm>> -> memref<1x1x1x8x128xf32, #tpu.memory_space<hbm>>
      %dma_wait3A_2024 = tpu.memref_squeeze %dma_wait3A_2023 : memref<1x1x1x8x128xf32, #tpu.memory_space<hbm>> -> memref<8x128xf32, #tpu.memory_space<hbm>>
      %dma_wait3A_2025 = arith.constant 0 : i32
      %dma_wait3A_2026 = arith.constant 0 : i32
      %dma_wait3A_2027 = tpu.memref_slice %arg4[%dma_wait3A_2015, %dma_wait3A_2016, %dma_wait3A_2017, %dma_wait3A_2025, %dma_wait3A_2026] : memref<50x8x128x8x128xf32, #tpu.memory_space<hbm>> -> memref<1x1x1x8x128xf32, #tpu.memory_space<hbm>>
      %dma_wait3A_2028 = tpu.memref_squeeze %dma_wait3A_2027 : memref<1x1x1x8x128xf32, #tpu.memory_space<hbm>> -> memref<8x128xf32, #tpu.memory_space<hbm>>
      %dma_wait3A_2029 = arith.constant 56 : i32
      %dma_wait3A_2030 = arith.constant 0 : i32
      %dma_wait3A_2031 = tpu.memref_slice %arg12[%dma_wait3A_2029, %dma_wait3A_2030] : memref<64x128xf32, #tpu.memory_space<vmem>> -> memref<8x128xf32, #tpu.memory_space<vmem>>
      tpu.wait_dma2 semaphore(%arg20 : memref<!tpu.dma_semaphore, #tpu.memory_space<semaphore_mem>>) src(%dma_wait3A_2031 : memref<8x128xf32, #tpu.memory_space<vmem>>) dst(%dma_wait3A_2028 : memref<8x128xf32, #tpu.memory_space<hbm>>)
      %parallel_loop3A_2032 = arith.constant 0 : i32
      %parallel_loop3A_2033 = arith.constant 64 : i32
      %parallel_loop3A_2034 = arith.constant 1 : i32
      scf.for %parallel_loop3A_2527 = %parallel_loop3A_2032 to %parallel_loop3A_2033 step %parallel_loop3A_2034  : i32 {
        %parallel_loop3A_2528 = vector.broadcast %parallel_loop3A_2527 : i32 to vector<16xi32>
        %parallel_loop3A_2529 = arith.addi %parallel_loop3A_2528, %iota3A : vector<16xi32>
        %parallel_loop3A_2530 = arith.constant 63 : i32
        %parallel_loop3A_2531 = vector.broadcast %parallel_loop3A_2530 : i32 to vector<16xi32>
        %parallel_loop3A_2532 = arith.andi %parallel_loop3A_2529, %parallel_loop3A_2531 : vector<16xi32>
        %parallel_loop3A_2533 = arith.constant 0 : i32
        %parallel_loop3A_2534 = vector.broadcast %parallel_loop3A_2533 : i32 to vector<16xi32>
        %parallel_loop3A_2535 = arith.addi %parallel_loop3A_2534, %iota3A : vector<16xi32>
        %parallel_loop3A_2536 = tpu.vector_load_idx %arg8[%parallel_loop3A_2535, %parallel_loop3A_2532] : memref<128x64xf32, #tpu.memory_space<vmem>>[vector<16xi32>, vector<16xi32>], vector<16xf32>,
        %parallel_loop3A_2537 = arith.constant 0 : i32
        %parallel_loop3A_2538 = vector.broadcast %parallel_loop3A_2537 : i32 to vector<16xi32>
        %parallel_loop3A_2539 = arith.addi %parallel_loop3A_2538, %iota3A : vector<16xi32>
        tpu.vector_store_idx %arg12[%parallel_loop3A_2532, %parallel_loop3A_2539], %parallel_loop3A_2536 : memref<64x128xf32, #tpu.memory_space<vmem>>[vector<16xi32>, vector<16xi32>], vector<16xf32>,
        %parallel_loop3A_2540 = arith.constant 16 : i32
        %parallel_loop3A_2541 = vector.broadcast %parallel_loop3A_2540 : i32 to vector<16xi32>
        %parallel_loop3A_2542 = arith.addi %parallel_loop3A_2541, %iota3A : vector<16xi32>
        %parallel_loop3A_2543 = tpu.vector_load_idx %arg8[%parallel_loop3A_2542, %parallel_loop3A_2532] : memref<128x64xf32, #tpu.memory_space<vmem>>[vector<16xi32>, vector<16xi32>], vector<16xf32>,
        %parallel_loop3A_2544 = arith.constant 16 : i32
        %parallel_loop3A_2545 = vector.broadcast %parallel_loop3A_2544 : i32 to vector<16xi32>
        %parallel_loop3A_2546 = arith.addi %parallel_loop3A_2545, %iota3A : vector<16xi32>
        tpu.vector_store_idx %arg12[%parallel_loop3A_2532, %parallel_loop3A_2546], %parallel_loop3A_2543 : memref<64x128xf32, #tpu.memory_space<vmem>>[vector<16xi32>, vector<16xi32>], vector<16xf32>,
        %parallel_loop3A_2547 = arith.constant 32 : i32
        %parallel_loop3A_2548 = vector.broadcast %parallel_loop3A_2547 : i32 to vector<16xi32>
        %parallel_loop3A_2549 = arith.addi %parallel_loop3A_2548, %iota3A : vector<16xi32>
        %parallel_loop3A_2550 = tpu.vector_load_idx %arg8[%parallel_loop3A_2549, %parallel_loop3A_2532] : memref<128x64xf32, #tpu.memory_space<vmem>>[vector<16xi32>, vector<16xi32>], vector<16xf32>,
        %parallel_loop3A_2551 = arith.constant 32 : i32
        %parallel_loop3A_2552 = vector.broadcast %parallel_loop3A_2551 : i32 to vector<16xi32>
        %parallel_loop3A_2553 = arith.addi %parallel_loop3A_2552, %iota3A : vector<16xi32>
        tpu.vector_store_idx %arg12[%parallel_loop3A_2532, %parallel_loop3A_2553], %parallel_loop3A_2550 : memref<64x128xf32, #tpu.memory_space<vmem>>[vector<16xi32>, vector<16xi32>], vector<16xf32>,
        %parallel_loop3A_2554 = arith.constant 48 : i32
        %parallel_loop3A_2555 = vector.broadcast %parallel_loop3A_2554 : i32 to vector<16xi32>
        %parallel_loop3A_2556 = arith.addi %parallel_loop3A_2555, %iota3A : vector<16xi32>
        %parallel_loop3A_2557 = tpu.vector_load_idx %arg8[%parallel_loop3A_2556, %parallel_loop3A_2532] : memref<128x64xf32, #tpu.memory_space<vmem>>[vector<16xi32>, vector<16xi32>], vector<16xf32>,
        %parallel_loop3A_2558 = arith.constant 48 : i32
        %parallel_loop3A_2559 = vector.broadcast %parallel_loop3A_2558 : i32 to vector<16xi32>
        %parallel_loop3A_2560 = arith.addi %parallel_loop3A_2559, %iota3A : vector<16xi32>
        tpu.vector_store_idx %arg12[%parallel_loop3A_2532, %parallel_loop3A_2560], %parallel_loop3A_2557 : memref<64x128xf32, #tpu.memory_space<vmem>>[vector<16xi32>, vector<16xi32>], vector<16xf32>,
        %parallel_loop3A_2561 = arith.constant 64 : i32
        %parallel_loop3A_2562 = vector.broadcast %parallel_loop3A_2561 : i32 to vector<16xi32>
        %parallel_loop3A_2563 = arith.addi %parallel_loop3A_2562, %iota3A : vector<16xi32>
        %parallel_loop3A_2564 = tpu.vector_load_idx %arg8[%parallel_loop3A_2563, %parallel_loop3A_2532] : memref<128x64xf32, #tpu.memory_space<vmem>>[vector<16xi32>, vector<16xi32>], vector<16xf32>,
        %parallel_loop3A_2565 = arith.constant 64 : i32
        %parallel_loop3A_2566 = vector.broadcast %parallel_loop3A_2565 : i32 to vector<16xi32>
        %parallel_loop3A_2567 = arith.addi %parallel_loop3A_2566, %iota3A : vector<16xi32>
        tpu.vector_store_idx %arg12[%parallel_loop3A_2532, %parallel_loop3A_2567], %parallel_loop3A_2564 : memref<64x128xf32, #tpu.memory_space<vmem>>[vector<16xi32>, vector<16xi32>], vector<16xf32>,
        %parallel_loop3A_2568 = arith.constant 80 : i32
        %parallel_loop3A_2569 = vector.broadcast %parallel_loop3A_2568 : i32 to vector<16xi32>
        %parallel_loop3A_2570 = arith.addi %parallel_loop3A_2569, %iota3A : vector<16xi32>
        %parallel_loop3A_2571 = tpu.vector_load_idx %arg8[%parallel_loop3A_2570, %parallel_loop3A_2532] : memref<128x64xf32, #tpu.memory_space<vmem>>[vector<16xi32>, vector<16xi32>], vector<16xf32>,
        %parallel_loop3A_2572 = arith.constant 80 : i32
        %parallel_loop3A_2573 = vector.broadcast %parallel_loop3A_2572 : i32 to vector<16xi32>
        %parallel_loop3A_2574 = arith.addi %parallel_loop3A_2573, %iota3A : vector<16xi32>
        tpu.vector_store_idx %arg12[%parallel_loop3A_2532, %parallel_loop3A_2574], %parallel_loop3A_2571 : memref<64x128xf32, #tpu.memory_space<vmem>>[vector<16xi32>, vector<16xi32>], vector<16xf32>,
        %parallel_loop3A_2575 = arith.constant 96 : i32
        %parallel_loop3A_2576 = vector.broadcast %parallel_loop3A_2575 : i32 to vector<16xi32>
        %parallel_loop3A_2577 = arith.addi %parallel_loop3A_2576, %iota3A : vector<16xi32>
        %parallel_loop3A_2578 = tpu.vector_load_idx %arg8[%parallel_loop3A_2577, %parallel_loop3A_2532] : memref<128x64xf32, #tpu.memory_space<vmem>>[vector<16xi32>, vector<16xi32>], vector<16xf32>,
        %parallel_loop3A_2579 = arith.constant 96 : i32
        %parallel_loop3A_2580 = vector.broadcast %parallel_loop3A_2579 : i32 to vector<16xi32>
        %parallel_loop3A_2581 = arith.addi %parallel_loop3A_2580, %iota3A : vector<16xi32>
        tpu.vector_store_idx %arg12[%parallel_loop3A_2532, %parallel_loop3A_2581], %parallel_loop3A_2578 : memref<64x128xf32, #tpu.memory_space<vmem>>[vector<16xi32>, vector<16xi32>], vector<16xf32>,
        %parallel_loop3A_2582 = arith.constant 112 : i32
        %parallel_loop3A_2583 = vector.broadcast %parallel_loop3A_2582 : i32 to vector<16xi32>
        %parallel_loop3A_2584 = arith.addi %parallel_loop3A_2583, %iota3A : vector<16xi32>
        %parallel_loop3A_2585 = tpu.vector_load_idx %arg8[%parallel_loop3A_2584, %parallel_loop3A_2532] : memref<128x64xf32, #tpu.memory_space<vmem>>[vector<16xi32>, vector<16xi32>], vector<16xf32>,
        %parallel_loop3A_2586 = arith.constant 112 : i32
        %parallel_loop3A_2587 = vector.broadcast %parallel_loop3A_2586 : i32 to vector<16xi32>
        %parallel_loop3A_2588 = arith.addi %parallel_loop3A_2587, %iota3A : vector<16xi32>
        tpu.vector_store_idx %arg12[%parallel_loop3A_2532, %parallel_loop3A_2588], %parallel_loop3A_2585 : memref<64x128xf32, #tpu.memory_space<vmem>>[vector<16xi32>, vector<16xi32>], vector<16xf32>,
      } {sc.loop_unroll_factor = 8 : i64, sc.parallel_access}
      %add3A_2035 = arith.addi %mul3A_2, %add3A_1888 : i32
      %jit3A_2036 = arith.constant 128 : i32
      %div3A_2037 = arith.divsi %add3A_2035, %jit3A_2036 : i32
      %sign3A_2038 = arith.constant 0 : i32
      %sign3A_2039 = arith.cmpi sgt, %add3A_2035, %sign3A_2038 : i32
      %sign3A_2040 = arith.extui %sign3A_2039 : i1 to i32
      %sign3A_2041 = arith.constant 0 : i32
      %sign3A_2042 = arith.cmpi slt, %add3A_2035, %sign3A_2041 : i32
      %sign3A_2043 = arith.extui %sign3A_2042 : i1 to i32
      %sign3A_2044 = arith.subi %sign3A_2040, %sign3A_2043 : i32
      %sign3A_2045 = arith.constant 0 : i32
      %sign3A_2046 = arith.cmpi sgt, %jit3A_2036, %sign3A_2045 : i32
      %sign3A_2047 = arith.extui %sign3A_2046 : i1 to i32
      %sign3A_2048 = arith.constant 0 : i32
      %sign3A_2049 = arith.cmpi slt, %jit3A_2036, %sign3A_2048 : i32
      %sign3A_2050 = arith.extui %sign3A_2049 : i1 to i32
      %sign3A_2051 = arith.subi %sign3A_2047, %sign3A_2050 : i32
      %ne3A_2052 = arith.cmpi ne, %sign3A_2044, %sign3A_2051 : i32
      %rem3A_2053 = arith.remsi %add3A_2035, %jit3A_2036 : i32
      %ne3A_2054 = arith.constant 0 : i32
      %ne3A_2055 = arith.cmpi ne, %rem3A_2053, %ne3A_2054 : i32
      %and3A_2056 = arith.andi %ne3A_2052, %ne3A_2055 : i1
      %sub3A_2057 = arith.constant 1 : i32
      %sub3A_2058 = arith.subi %div3A_2037, %sub3A_2057 : i32
      %select_n3A_2059 = arith.select %and3A_2056, %sub3A_2058, %div3A_2037 : i32
      %jit3A_2060 = arith.constant 128 : i32
      %eq3A_2061 = arith.constant 0 : i32
      %eq3A_2062 = arith.cmpi eq, %jit3A_2060, %eq3A_2061 : i32
      %jit3A_2063 = arith.constant 1 : i32
      %select_n3A_2064 = arith.select %eq3A_2062, %jit3A_2063, %jit3A_2060 : i32
      %rem3A_2065 = arith.remsi %add3A_2035, %select_n3A_2064 : i32
      %ne3A_2066 = arith.constant 0 : i32
      %ne3A_2067 = arith.cmpi ne, %rem3A_2065, %ne3A_2066 : i32
      %lt3A_2068 = arith.constant 0 : i32
      %lt3A_2069 = arith.cmpi slt, %rem3A_2065, %lt3A_2068 : i32
      %lt3A_2070 = arith.constant 0 : i32
      %lt3A_2071 = arith.cmpi slt, %select_n3A_2064, %lt3A_2070 : i32
      %ne3A_2072 = arith.xori %lt3A_2069, %lt3A_2071 : i1
      %and3A_2073 = arith.andi %ne3A_2072, %ne3A_2067 : i1
      %add3A_2074 = arith.addi %rem3A_2065, %select_n3A_2064 : i32
      %select_n3A_2075 = arith.select %and3A_2073, %add3A_2074, %rem3A_2065 : i32
      %dma_start3A_2076 = arith.constant 0 : i32
      %dma_start3A_2077 = arith.constant 0 : i32
      %dma_start3A_2078 = arith.constant 0 : i32
      %dma_start3A_2079 = tpu.memref_slice %arg12[%dma_start3A_2077, %dma_start3A_2078] : memref<64x128xf32, #tpu.memory_space<vmem>> -> memref<8x128xf32, #tpu.memory_space<vmem>>
      %dma_start3A_2080 = arith.constant 0 : i32
      %dma_start3A_2081 = arith.constant 0 : i32
      %dma_start3A_2082 = tpu.memref_slice %arg4[%select_n3A_2059, %dma_start3A_2076, %select_n3A_2075, %dma_start3A_2080, %dma_start3A_2081] : memref<50x8x128x8x128xf32, #tpu.memory_space<hbm>> -> memref<1x1x1x8x128xf32, #tpu.memory_space<hbm>>
      %dma_start3A_2083 = tpu.memref_squeeze %dma_start3A_2082 : memref<1x1x1x8x128xf32, #tpu.memory_space<hbm>> -> memref<8x128xf32, #tpu.memory_space<hbm>>
      %dma_start3A_2084 = arith.constant 0 : i32
      %dma_start3A_2085 = arith.constant 0 : i32
      %dma_start3A_2086 = tpu.memref_slice %arg4[%select_n3A_2059, %dma_start3A_2076, %select_n3A_2075, %dma_start3A_2084, %dma_start3A_2085] : memref<50x8x128x8x128xf32, #tpu.memory_space<hbm>> -> memref<1x1x1x8x128xf32, #tpu.memory_space<hbm>>
      %dma_start3A_2087 = tpu.memref_squeeze %dma_start3A_2086 : memref<1x1x1x8x128xf32, #tpu.memory_space<hbm>> -> memref<8x128xf32, #tpu.memory_space<hbm>>
      %dma_start3A_2088 = arith.constant 0 : i32
      %dma_start3A_2089 = arith.constant 0 : i32
      %dma_start3A_2090 = tpu.memref_slice %arg12[%dma_start3A_2088, %dma_start3A_2089] : memref<64x128xf32, #tpu.memory_space<vmem>> -> memref<8x128xf32, #tpu.memory_space<vmem>>
      tpu.enqueue_dma source(%dma_start3A_2090 : memref<8x128xf32, #tpu.memory_space<vmem>>) target(%dma_start3A_2087 : memref<8x128xf32, #tpu.memory_space<hbm>>) target_semaphore(%arg20 : memref<!tpu.dma_semaphore, #tpu.memory_space<semaphore_mem>>)
      %dma_start3A_2091 = arith.constant 1 : i32
      %dma_start3A_2092 = arith.constant 8 : i32
      %dma_start3A_2093 = arith.constant 0 : i32
      %dma_start3A_2094 = tpu.memref_slice %arg12[%dma_start3A_2092, %dma_start3A_2093] : memref<64x128xf32, #tpu.memory_space<vmem>> -> memref<8x128xf32, #tpu.memory_space<vmem>>
      %dma_start3A_2095 = arith.constant 0 : i32
      %dma_start3A_2096 = arith.constant 0 : i32
      %dma_start3A_2097 = tpu.memref_slice %arg4[%select_n3A_2059, %dma_start3A_2091, %select_n3A_2075, %dma_start3A_2095, %dma_start3A_2096] : memref<50x8x128x8x128xf32, #tpu.memory_space<hbm>> -> memref<1x1x1x8x128xf32, #tpu.memory_space<hbm>>
      %dma_start3A_2098 = tpu.memref_squeeze %dma_start3A_2097 : memref<1x1x1x8x128xf32, #tpu.memory_space<hbm>> -> memref<8x128xf32, #tpu.memory_space<hbm>>
      %dma_start3A_2099 = arith.constant 0 : i32
      %dma_start3A_2100 = arith.constant 0 : i32
      %dma_start3A_2101 = tpu.memref_slice %arg4[%select_n3A_2059, %dma_start3A_2091, %select_n3A_2075, %dma_start3A_2099, %dma_start3A_2100] : memref<50x8x128x8x128xf32, #tpu.memory_space<hbm>> -> memref<1x1x1x8x128xf32, #tpu.memory_space<hbm>>
      %dma_start3A_2102 = tpu.memref_squeeze %dma_start3A_2101 : memref<1x1x1x8x128xf32, #tpu.memory_space<hbm>> -> memref<8x128xf32, #tpu.memory_space<hbm>>
      %dma_start3A_2103 = arith.constant 8 : i32
      %dma_start3A_2104 = arith.constant 0 : i32
      %dma_start3A_2105 = tpu.memref_slice %arg12[%dma_start3A_2103, %dma_start3A_2104] : memref<64x128xf32, #tpu.memory_space<vmem>> -> memref<8x128xf32, #tpu.memory_space<vmem>>
      tpu.enqueue_dma source(%dma_start3A_2105 : memref<8x128xf32, #tpu.memory_space<vmem>>) target(%dma_start3A_2102 : memref<8x128xf32, #tpu.memory_space<hbm>>) target_semaphore(%arg20 : memref<!tpu.dma_semaphore, #tpu.memory_space<semaphore_mem>>)
      %dma_start3A_2106 = arith.constant 2 : i32
      %dma_start3A_2107 = arith.constant 16 : i32
      %dma_start3A_2108 = arith.constant 0 : i32
      %dma_start3A_2109 = tpu.memref_slice %arg12[%dma_start3A_2107, %dma_start3A_2108] : memref<64x128xf32, #tpu.memory_space<vmem>> -> memref<8x128xf32, #tpu.memory_space<vmem>>
      %dma_start3A_2110 = arith.constant 0 : i32
      %dma_start3A_2111 = arith.constant 0 : i32
      %dma_start3A_2112 = tpu.memref_slice %arg4[%select_n3A_2059, %dma_start3A_2106, %select_n3A_2075, %dma_start3A_2110, %dma_start3A_2111] : memref<50x8x128x8x128xf32, #tpu.memory_space<hbm>> -> memref<1x1x1x8x128xf32, #tpu.memory_space<hbm>>
      %dma_start3A_2113 = tpu.memref_squeeze %dma_start3A_2112 : memref<1x1x1x8x128xf32, #tpu.memory_space<hbm>> -> memref<8x128xf32, #tpu.memory_space<hbm>>
      %dma_start3A_2114 = arith.constant 0 : i32
      %dma_start3A_2115 = arith.constant 0 : i32
      %dma_start3A_2116 = tpu.memref_slice %arg4[%select_n3A_2059, %dma_start3A_2106, %select_n3A_2075, %dma_start3A_2114, %dma_start3A_2115] : memref<50x8x128x8x128xf32, #tpu.memory_space<hbm>> -> memref<1x1x1x8x128xf32, #tpu.memory_space<hbm>>
      %dma_start3A_2117 = tpu.memref_squeeze %dma_start3A_2116 : memref<1x1x1x8x128xf32, #tpu.memory_space<hbm>> -> memref<8x128xf32, #tpu.memory_space<hbm>>
      %dma_start3A_2118 = arith.constant 16 : i32
      %dma_start3A_2119 = arith.constant 0 : i32
      %dma_start3A_2120 = tpu.memref_slice %arg12[%dma_start3A_2118, %dma_start3A_2119] : memref<64x128xf32, #tpu.memory_space<vmem>> -> memref<8x128xf32, #tpu.memory_space<vmem>>
      tpu.enqueue_dma source(%dma_start3A_2120 : memref<8x128xf32, #tpu.memory_space<vmem>>) target(%dma_start3A_2117 : memref<8x128xf32, #tpu.memory_space<hbm>>) target_semaphore(%arg20 : memref<!tpu.dma_semaphore, #tpu.memory_space<semaphore_mem>>)
      %dma_start3A_2121 = arith.constant 3 : i32
      %dma_start3A_2122 = arith.constant 24 : i32
      %dma_start3A_2123 = arith.constant 0 : i32
      %dma_start3A_2124 = tpu.memref_slice %arg12[%dma_start3A_2122, %dma_start3A_2123] : memref<64x128xf32, #tpu.memory_space<vmem>> -> memref<8x128xf32, #tpu.memory_space<vmem>>
      %dma_start3A_2125 = arith.constant 0 : i32
      %dma_start3A_2126 = arith.constant 0 : i32
      %dma_start3A_2127 = tpu.memref_slice %arg4[%select_n3A_2059, %dma_start3A_2121, %select_n3A_2075, %dma_start3A_2125, %dma_start3A_2126] : memref<50x8x128x8x128xf32, #tpu.memory_space<hbm>> -> memref<1x1x1x8x128xf32, #tpu.memory_space<hbm>>
      %dma_start3A_2128 = tpu.memref_squeeze %dma_start3A_2127 : memref<1x1x1x8x128xf32, #tpu.memory_space<hbm>> -> memref<8x128xf32, #tpu.memory_space<hbm>>
      %dma_start3A_2129 = arith.constant 0 : i32
      %dma_start3A_2130 = arith.constant 0 : i32
      %dma_start3A_2131 = tpu.memref_slice %arg4[%select_n3A_2059, %dma_start3A_2121, %select_n3A_2075, %dma_start3A_2129, %dma_start3A_2130] : memref<50x8x128x8x128xf32, #tpu.memory_space<hbm>> -> memref<1x1x1x8x128xf32, #tpu.memory_space<hbm>>
      %dma_start3A_2132 = tpu.memref_squeeze %dma_start3A_2131 : memref<1x1x1x8x128xf32, #tpu.memory_space<hbm>> -> memref<8x128xf32, #tpu.memory_space<hbm>>
      %dma_start3A_2133 = arith.constant 24 : i32
      %dma_start3A_2134 = arith.constant 0 : i32
      %dma_start3A_2135 = tpu.memref_slice %arg12[%dma_start3A_2133, %dma_start3A_2134] : memref<64x128xf32, #tpu.memory_space<vmem>> -> memref<8x128xf32, #tpu.memory_space<vmem>>
      tpu.enqueue_dma source(%dma_start3A_2135 : memref<8x128xf32, #tpu.memory_space<vmem>>) target(%dma_start3A_2132 : memref<8x128xf32, #tpu.memory_space<hbm>>) target_semaphore(%arg20 : memref<!tpu.dma_semaphore, #tpu.memory_space<semaphore_mem>>)
      %dma_start3A_2136 = arith.constant 4 : i32
      %dma_start3A_2137 = arith.constant 32 : i32
      %dma_start3A_2138 = arith.constant 0 : i32
      %dma_start3A_2139 = tpu.memref_slice %arg12[%dma_start3A_2137, %dma_start3A_2138] : memref<64x128xf32, #tpu.memory_space<vmem>> -> memref<8x128xf32, #tpu.memory_space<vmem>>
      %dma_start3A_2140 = arith.constant 0 : i32
      %dma_start3A_2141 = arith.constant 0 : i32
      %dma_start3A_2142 = tpu.memref_slice %arg4[%select_n3A_2059, %dma_start3A_2136, %select_n3A_2075, %dma_start3A_2140, %dma_start3A_2141] : memref<50x8x128x8x128xf32, #tpu.memory_space<hbm>> -> memref<1x1x1x8x128xf32, #tpu.memory_space<hbm>>
      %dma_start3A_2143 = tpu.memref_squeeze %dma_start3A_2142 : memref<1x1x1x8x128xf32, #tpu.memory_space<hbm>> -> memref<8x128xf32, #tpu.memory_space<hbm>>
      %dma_start3A_2144 = arith.constant 0 : i32
      %dma_start3A_2145 = arith.constant 0 : i32
      %dma_start3A_2146 = tpu.memref_slice %arg4[%select_n3A_2059, %dma_start3A_2136, %select_n3A_2075, %dma_start3A_2144, %dma_start3A_2145] : memref<50x8x128x8x128xf32, #tpu.memory_space<hbm>> -> memref<1x1x1x8x128xf32, #tpu.memory_space<hbm>>
      %dma_start3A_2147 = tpu.memref_squeeze %dma_start3A_2146 : memref<1x1x1x8x128xf32, #tpu.memory_space<hbm>> -> memref<8x128xf32, #tpu.memory_space<hbm>>
      %dma_start3A_2148 = arith.constant 32 : i32
      %dma_start3A_2149 = arith.constant 0 : i32
      %dma_start3A_2150 = tpu.memref_slice %arg12[%dma_start3A_2148, %dma_start3A_2149] : memref<64x128xf32, #tpu.memory_space<vmem>> -> memref<8x128xf32, #tpu.memory_space<vmem>>
      tpu.enqueue_dma source(%dma_start3A_2150 : memref<8x128xf32, #tpu.memory_space<vmem>>) target(%dma_start3A_2147 : memref<8x128xf32, #tpu.memory_space<hbm>>) target_semaphore(%arg20 : memref<!tpu.dma_semaphore, #tpu.memory_space<semaphore_mem>>)
      %dma_start3A_2151 = arith.constant 5 : i32
      %dma_start3A_2152 = arith.constant 40 : i32
      %dma_start3A_2153 = arith.constant 0 : i32
      %dma_start3A_2154 = tpu.memref_slice %arg12[%dma_start3A_2152, %dma_start3A_2153] : memref<64x128xf32, #tpu.memory_space<vmem>> -> memref<8x128xf32, #tpu.memory_space<vmem>>
      %dma_start3A_2155 = arith.constant 0 : i32
      %dma_start3A_2156 = arith.constant 0 : i32
      %dma_start3A_2157 = tpu.memref_slice %arg4[%select_n3A_2059, %dma_start3A_2151, %select_n3A_2075, %dma_start3A_2155, %dma_start3A_2156] : memref<50x8x128x8x128xf32, #tpu.memory_space<hbm>> -> memref<1x1x1x8x128xf32, #tpu.memory_space<hbm>>
      %dma_start3A_2158 = tpu.memref_squeeze %dma_start3A_2157 : memref<1x1x1x8x128xf32, #tpu.memory_space<hbm>> -> memref<8x128xf32, #tpu.memory_space<hbm>>
      %dma_start3A_2159 = arith.constant 0 : i32
      %dma_start3A_2160 = arith.constant 0 : i32
      %dma_start3A_2161 = tpu.memref_slice %arg4[%select_n3A_2059, %dma_start3A_2151, %select_n3A_2075, %dma_start3A_2159, %dma_start3A_2160] : memref<50x8x128x8x128xf32, #tpu.memory_space<hbm>> -> memref<1x1x1x8x128xf32, #tpu.memory_space<hbm>>
      %dma_start3A_2162 = tpu.memref_squeeze %dma_start3A_2161 : memref<1x1x1x8x128xf32, #tpu.memory_space<hbm>> -> memref<8x128xf32, #tpu.memory_space<hbm>>
      %dma_start3A_2163 = arith.constant 40 : i32
      %dma_start3A_2164 = arith.constant 0 : i32
      %dma_start3A_2165 = tpu.memref_slice %arg12[%dma_start3A_2163, %dma_start3A_2164] : memref<64x128xf32, #tpu.memory_space<vmem>> -> memref<8x128xf32, #tpu.memory_space<vmem>>
      tpu.enqueue_dma source(%dma_start3A_2165 : memref<8x128xf32, #tpu.memory_space<vmem>>) target(%dma_start3A_2162 : memref<8x128xf32, #tpu.memory_space<hbm>>) target_semaphore(%arg20 : memref<!tpu.dma_semaphore, #tpu.memory_space<semaphore_mem>>)
      %dma_start3A_2166 = arith.constant 6 : i32
      %dma_start3A_2167 = arith.constant 48 : i32
      %dma_start3A_2168 = arith.constant 0 : i32
      %dma_start3A_2169 = tpu.memref_slice %arg12[%dma_start3A_2167, %dma_start3A_2168] : memref<64x128xf32, #tpu.memory_space<vmem>> -> memref<8x128xf32, #tpu.memory_space<vmem>>
      %dma_start3A_2170 = arith.constant 0 : i32
      %dma_start3A_2171 = arith.constant 0 : i32
      %dma_start3A_2172 = tpu.memref_slice %arg4[%select_n3A_2059, %dma_start3A_2166, %select_n3A_2075, %dma_start3A_2170, %dma_start3A_2171] : memref<50x8x128x8x128xf32, #tpu.memory_space<hbm>> -> memref<1x1x1x8x128xf32, #tpu.memory_space<hbm>>
      %dma_start3A_2173 = tpu.memref_squeeze %dma_start3A_2172 : memref<1x1x1x8x128xf32, #tpu.memory_space<hbm>> -> memref<8x128xf32, #tpu.memory_space<hbm>>
      %dma_start3A_2174 = arith.constant 0 : i32
      %dma_start3A_2175 = arith.constant 0 : i32
      %dma_start3A_2176 = tpu.memref_slice %arg4[%select_n3A_2059, %dma_start3A_2166, %select_n3A_2075, %dma_start3A_2174, %dma_start3A_2175] : memref<50x8x128x8x128xf32, #tpu.memory_space<hbm>> -> memref<1x1x1x8x128xf32, #tpu.memory_space<hbm>>
      %dma_start3A_2177 = tpu.memref_squeeze %dma_start3A_2176 : memref<1x1x1x8x128xf32, #tpu.memory_space<hbm>> -> memref<8x128xf32, #tpu.memory_space<hbm>>
      %dma_start3A_2178 = arith.constant 48 : i32
      %dma_start3A_2179 = arith.constant 0 : i32
      %dma_start3A_2180 = tpu.memref_slice %arg12[%dma_start3A_2178, %dma_start3A_2179] : memref<64x128xf32, #tpu.memory_space<vmem>> -> memref<8x128xf32, #tpu.memory_space<vmem>>
      tpu.enqueue_dma source(%dma_start3A_2180 : memref<8x128xf32, #tpu.memory_space<vmem>>) target(%dma_start3A_2177 : memref<8x128xf32, #tpu.memory_space<hbm>>) target_semaphore(%arg20 : memref<!tpu.dma_semaphore, #tpu.memory_space<semaphore_mem>>)
      %dma_start3A_2181 = arith.constant 7 : i32
      %dma_start3A_2182 = arith.constant 56 : i32
      %dma_start3A_2183 = arith.constant 0 : i32
      %dma_start3A_2184 = tpu.memref_slice %arg12[%dma_start3A_2182, %dma_start3A_2183] : memref<64x128xf32, #tpu.memory_space<vmem>> -> memref<8x128xf32, #tpu.memory_space<vmem>>
      %dma_start3A_2185 = arith.constant 0 : i32
      %dma_start3A_2186 = arith.constant 0 : i32
      %dma_start3A_2187 = tpu.memref_slice %arg4[%select_n3A_2059, %dma_start3A_2181, %select_n3A_2075, %dma_start3A_2185, %dma_start3A_2186] : memref<50x8x128x8x128xf32, #tpu.memory_space<hbm>> -> memref<1x1x1x8x128xf32, #tpu.memory_space<hbm>>
      %dma_start3A_2188 = tpu.memref_squeeze %dma_start3A_2187 : memref<1x1x1x8x128xf32, #tpu.memory_space<hbm>> -> memref<8x128xf32, #tpu.memory_space<hbm>>
      %dma_start3A_2189 = arith.constant 0 : i32
      %dma_start3A_2190 = arith.constant 0 : i32
      %dma_start3A_2191 = tpu.memref_slice %arg4[%select_n3A_2059, %dma_start3A_2181, %select_n3A_2075, %dma_start3A_2189, %dma_start3A_2190] : memref<50x8x128x8x128xf32, #tpu.memory_space<hbm>> -> memref<1x1x1x8x128xf32, #tpu.memory_space<hbm>>
      %dma_start3A_2192 = tpu.memref_squeeze %dma_start3A_2191 : memref<1x1x1x8x128xf32, #tpu.memory_space<hbm>> -> memref<8x128xf32, #tpu.memory_space<hbm>>
      %dma_start3A_2193 = arith.constant 56 : i32
      %dma_start3A_2194 = arith.constant 0 : i32
      %dma_start3A_2195 = tpu.memref_slice %arg12[%dma_start3A_2193, %dma_start3A_2194] : memref<64x128xf32, #tpu.memory_space<vmem>> -> memref<8x128xf32, #tpu.memory_space<vmem>>
      tpu.enqueue_dma source(%dma_start3A_2195 : memref<8x128xf32, #tpu.memory_space<vmem>>) target(%dma_start3A_2192 : memref<8x128xf32, #tpu.memory_space<hbm>>) target_semaphore(%arg20 : memref<!tpu.dma_semaphore, #tpu.memory_space<semaphore_mem>>)
      %add3A_2196 = arith.constant 4 : i32
      %add3A_2197 = arith.addi %add3A_1888, %add3A_2196 : i32
      %min3A_2198 = arith.constant 199 : i32
      %min3A_2199 = arith.minsi %add3A_2197, %min3A_2198 : i32
      %dma_start3A_2200 = arith.constant 0 : i32
      %dma_start3A_2201 = tpu.memref_slice %arg5[%min3A_2199, %dma_start3A_2200] : memref<200x128xi32, #tpu.memory_space<vmem>> -> memref<1x128xi32, #tpu.memory_space<vmem>>
      %dma_start3A_2202 = tpu.memref_squeeze %dma_start3A_2201 : memref<1x128xi32, #tpu.memory_space<vmem>> -> memref<128xi32, #tpu.memory_space<vmem>>
      %dma_start3A_2203 = arith.constant 0 : i32
      %dma_start3A_2204 = arith.constant 0 : i32
      %dma_start3A_2205 = tpu.memref_slice %arg2[%dma_start3A_2203, %dma_start3A_2204] : memref<1000000x64xf32, #tpu.memory_space<hbm>> -> memref<1000000x64xf32, #tpu.memory_space<hbm>>
      tpu.enqueue_indirect_dma source(%dma_start3A_2205 : memref<1000000x64xf32, #tpu.memory_space<hbm>>) target(%arg8 : memref<128x64xf32, #tpu.memory_space<vmem>>) offsets(%dma_start3A_2202 : memref<128xi32, #tpu.memory_space<vmem>>) semaphore(%arg16 : memref<!tpu.dma_semaphore, #tpu.memory_space<semaphore_mem>>)
      %mul3A_2206 = arith.constant 4 : i32
      %mul3A_2207 = arith.muli %scan3A_1244, %mul3A_2206 : i32
      %add3A_2208 = arith.constant 3 : i32
      %add3A_2209 = arith.addi %mul3A_2207, %add3A_2208 : i32
      %dma_wait3A_2210 = arith.constant 0 : i32
      %dma_wait3A_2211 = arith.constant 0 : i32
      %dma_wait3A_2212 = tpu.memref_slice %arg5[%dma_wait3A_2210, %dma_wait3A_2211] : memref<200x128xi32, #tpu.memory_space<vmem>> -> memref<1x128xi32, #tpu.memory_space<vmem>>
      %dma_wait3A_2213 = tpu.memref_squeeze %dma_wait3A_2212 : memref<1x128xi32, #tpu.memory_space<vmem>> -> memref<128xi32, #tpu.memory_space<vmem>>
      %dma_wait3A_2214 = arith.constant 0 : i32
      %dma_wait3A_2215 = arith.constant 0 : i32
      %dma_wait3A_2216 = tpu.memref_slice %arg2[%dma_wait3A_2214, %dma_wait3A_2215] : memref<1000000x64xf32, #tpu.memory_space<hbm>> -> memref<1000000x64xf32, #tpu.memory_space<hbm>>
      tpu.wait_indirect_dma semaphore(%arg17 : memref<!tpu.dma_semaphore, #tpu.memory_space<semaphore_mem>>) src(%dma_wait3A_2216 : memref<1000000x64xf32, #tpu.memory_space<hbm>>) dst(%arg9 : memref<128x64xf32, #tpu.memory_space<vmem>>)
      %dma_wait3A_2217 = arith.constant 0 : i32
      %dma_wait3A_2218 = arith.constant 0 : i32
      %dma_wait3A_2219 = arith.constant 0 : i32
      %dma_wait3A_2220 = arith.constant 0 : i32
      %dma_wait3A_2221 = arith.constant 0 : i32
      %dma_wait3A_2222 = tpu.memref_slice %arg13[%dma_wait3A_2220, %dma_wait3A_2221] : memref<64x128xf32, #tpu.memory_space<vmem>> -> memref<8x128xf32, #tpu.memory_space<vmem>>
      %dma_wait3A_2223 = arith.constant 0 : i32
      %dma_wait3A_2224 = arith.constant 0 : i32
      %dma_wait3A_2225 = tpu.memref_slice %arg4[%dma_wait3A_2217, %dma_wait3A_2218, %dma_wait3A_2219, %dma_wait3A_2223, %dma_wait3A_2224] : memref<50x8x128x8x128xf32, #tpu.memory_space<hbm>> -> memref<1x1x1x8x128xf32, #tpu.memory_space<hbm>>
      %dma_wait3A_2226 = tpu.memref_squeeze %dma_wait3A_2225 : memref<1x1x1x8x128xf32, #tpu.memory_space<hbm>> -> memref<8x128xf32, #tpu.memory_space<hbm>>
      %dma_wait3A_2227 = arith.constant 0 : i32
      %dma_wait3A_2228 = arith.constant 0 : i32
      %dma_wait3A_2229 = tpu.memref_slice %arg4[%dma_wait3A_2217, %dma_wait3A_2218, %dma_wait3A_2219, %dma_wait3A_2227, %dma_wait3A_2228] : memref<50x8x128x8x128xf32, #tpu.memory_space<hbm>> -> memref<1x1x1x8x128xf32, #tpu.memory_space<hbm>>
      %dma_wait3A_2230 = tpu.memref_squeeze %dma_wait3A_2229 : memref<1x1x1x8x128xf32, #tpu.memory_space<hbm>> -> memref<8x128xf32, #tpu.memory_space<hbm>>
      %dma_wait3A_2231 = arith.constant 0 : i32
      %dma_wait3A_2232 = arith.constant 0 : i32
      %dma_wait3A_2233 = tpu.memref_slice %arg13[%dma_wait3A_2231, %dma_wait3A_2232] : memref<64x128xf32, #tpu.memory_space<vmem>> -> memref<8x128xf32, #tpu.memory_space<vmem>>
      tpu.wait_dma2 semaphore(%arg21 : memref<!tpu.dma_semaphore, #tpu.memory_space<semaphore_mem>>) src(%dma_wait3A_2233 : memref<8x128xf32, #tpu.memory_space<vmem>>) dst(%dma_wait3A_2230 : memref<8x128xf32, #tpu.memory_space<hbm>>)
      %dma_wait3A_2234 = arith.constant 0 : i32
      %dma_wait3A_2235 = arith.constant 1 : i32
      %dma_wait3A_2236 = arith.constant 0 : i32
      %dma_wait3A_2237 = arith.constant 8 : i32
      %dma_wait3A_2238 = arith.constant 0 : i32
      %dma_wait3A_2239 = tpu.memref_slice %arg13[%dma_wait3A_2237, %dma_wait3A_2238] : memref<64x128xf32, #tpu.memory_space<vmem>> -> memref<8x128xf32, #tpu.memory_space<vmem>>
      %dma_wait3A_2240 = arith.constant 0 : i32
      %dma_wait3A_2241 = arith.constant 0 : i32
      %dma_wait3A_2242 = tpu.memref_slice %arg4[%dma_wait3A_2234, %dma_wait3A_2235, %dma_wait3A_2236, %dma_wait3A_2240, %dma_wait3A_2241] : memref<50x8x128x8x128xf32, #tpu.memory_space<hbm>> -> memref<1x1x1x8x128xf32, #tpu.memory_space<hbm>>
      %dma_wait3A_2243 = tpu.memref_squeeze %dma_wait3A_2242 : memref<1x1x1x8x128xf32, #tpu.memory_space<hbm>> -> memref<8x128xf32, #tpu.memory_space<hbm>>
      %dma_wait3A_2244 = arith.constant 0 : i32
      %dma_wait3A_2245 = arith.constant 0 : i32
      %dma_wait3A_2246 = tpu.memref_slice %arg4[%dma_wait3A_2234, %dma_wait3A_2235, %dma_wait3A_2236, %dma_wait3A_2244, %dma_wait3A_2245] : memref<50x8x128x8x128xf32, #tpu.memory_space<hbm>> -> memref<1x1x1x8x128xf32, #tpu.memory_space<hbm>>
      %dma_wait3A_2247 = tpu.memref_squeeze %dma_wait3A_2246 : memref<1x1x1x8x128xf32, #tpu.memory_space<hbm>> -> memref<8x128xf32, #tpu.memory_space<hbm>>
      %dma_wait3A_2248 = arith.constant 8 : i32
      %dma_wait3A_2249 = arith.constant 0 : i32
      %dma_wait3A_2250 = tpu.memref_slice %arg13[%dma_wait3A_2248, %dma_wait3A_2249] : memref<64x128xf32, #tpu.memory_space<vmem>> -> memref<8x128xf32, #tpu.memory_space<vmem>>
      tpu.wait_dma2 semaphore(%arg21 : memref<!tpu.dma_semaphore, #tpu.memory_space<semaphore_mem>>) src(%dma_wait3A_2250 : memref<8x128xf32, #tpu.memory_space<vmem>>) dst(%dma_wait3A_2247 : memref<8x128xf32, #tpu.memory_space<hbm>>)
      %dma_wait3A_2251 = arith.constant 0 : i32
      %dma_wait3A_2252 = arith.constant 2 : i32
      %dma_wait3A_2253 = arith.constant 0 : i32
      %dma_wait3A_2254 = arith.constant 16 : i32
      %dma_wait3A_2255 = arith.constant 0 : i32
      %dma_wait3A_2256 = tpu.memref_slice %arg13[%dma_wait3A_2254, %dma_wait3A_2255] : memref<64x128xf32, #tpu.memory_space<vmem>> -> memref<8x128xf32, #tpu.memory_space<vmem>>
      %dma_wait3A_2257 = arith.constant 0 : i32
      %dma_wait3A_2258 = arith.constant 0 : i32
      %dma_wait3A_2259 = tpu.memref_slice %arg4[%dma_wait3A_2251, %dma_wait3A_2252, %dma_wait3A_2253, %dma_wait3A_2257, %dma_wait3A_2258] : memref<50x8x128x8x128xf32, #tpu.memory_space<hbm>> -> memref<1x1x1x8x128xf32, #tpu.memory_space<hbm>>
      %dma_wait3A_2260 = tpu.memref_squeeze %dma_wait3A_2259 : memref<1x1x1x8x128xf32, #tpu.memory_space<hbm>> -> memref<8x128xf32, #tpu.memory_space<hbm>>
      %dma_wait3A_2261 = arith.constant 0 : i32
      %dma_wait3A_2262 = arith.constant 0 : i32
      %dma_wait3A_2263 = tpu.memref_slice %arg4[%dma_wait3A_2251, %dma_wait3A_2252, %dma_wait3A_2253, %dma_wait3A_2261, %dma_wait3A_2262] : memref<50x8x128x8x128xf32, #tpu.memory_space<hbm>> -> memref<1x1x1x8x128xf32, #tpu.memory_space<hbm>>
      %dma_wait3A_2264 = tpu.memref_squeeze %dma_wait3A_2263 : memref<1x1x1x8x128xf32, #tpu.memory_space<hbm>> -> memref<8x128xf32, #tpu.memory_space<hbm>>
      %dma_wait3A_2265 = arith.constant 16 : i32
      %dma_wait3A_2266 = arith.constant 0 : i32
      %dma_wait3A_2267 = tpu.memref_slice %arg13[%dma_wait3A_2265, %dma_wait3A_2266] : memref<64x128xf32, #tpu.memory_space<vmem>> -> memref<8x128xf32, #tpu.memory_space<vmem>>
      tpu.wait_dma2 semaphore(%arg21 : memref<!tpu.dma_semaphore, #tpu.memory_space<semaphore_mem>>) src(%dma_wait3A_2267 : memref<8x128xf32, #tpu.memory_space<vmem>>) dst(%dma_wait3A_2264 : memref<8x128xf32, #tpu.memory_space<hbm>>)
      %dma_wait3A_2268 = arith.constant 0 : i32
      %dma_wait3A_2269 = arith.constant 3 : i32
      %dma_wait3A_2270 = arith.constant 0 : i32
      %dma_wait3A_2271 = arith.constant 24 : i32
      %dma_wait3A_2272 = arith.constant 0 : i32
      %dma_wait3A_2273 = tpu.memref_slice %arg13[%dma_wait3A_2271, %dma_wait3A_2272] : memref<64x128xf32, #tpu.memory_space<vmem>> -> memref<8x128xf32, #tpu.memory_space<vmem>>
      %dma_wait3A_2274 = arith.constant 0 : i32
      %dma_wait3A_2275 = arith.constant 0 : i32
      %dma_wait3A_2276 = tpu.memref_slice %arg4[%dma_wait3A_2268, %dma_wait3A_2269, %dma_wait3A_2270, %dma_wait3A_2274, %dma_wait3A_2275] : memref<50x8x128x8x128xf32, #tpu.memory_space<hbm>> -> memref<1x1x1x8x128xf32, #tpu.memory_space<hbm>>
      %dma_wait3A_2277 = tpu.memref_squeeze %dma_wait3A_2276 : memref<1x1x1x8x128xf32, #tpu.memory_space<hbm>> -> memref<8x128xf32, #tpu.memory_space<hbm>>
      %dma_wait3A_2278 = arith.constant 0 : i32
      %dma_wait3A_2279 = arith.constant 0 : i32
      %dma_wait3A_2280 = tpu.memref_slice %arg4[%dma_wait3A_2268, %dma_wait3A_2269, %dma_wait3A_2270, %dma_wait3A_2278, %dma_wait3A_2279] : memref<50x8x128x8x128xf32, #tpu.memory_space<hbm>> -> memref<1x1x1x8x128xf32, #tpu.memory_space<hbm>>
      %dma_wait3A_2281 = tpu.memref_squeeze %dma_wait3A_2280 : memref<1x1x1x8x128xf32, #tpu.memory_space<hbm>> -> memref<8x128xf32, #tpu.memory_space<hbm>>
      %dma_wait3A_2282 = arith.constant 24 : i32
      %dma_wait3A_2283 = arith.constant 0 : i32
      %dma_wait3A_2284 = tpu.memref_slice %arg13[%dma_wait3A_2282, %dma_wait3A_2283] : memref<64x128xf32, #tpu.memory_space<vmem>> -> memref<8x128xf32, #tpu.memory_space<vmem>>
      tpu.wait_dma2 semaphore(%arg21 : memref<!tpu.dma_semaphore, #tpu.memory_space<semaphore_mem>>) src(%dma_wait3A_2284 : memref<8x128xf32, #tpu.memory_space<vmem>>) dst(%dma_wait3A_2281 : memref<8x128xf32, #tpu.memory_space<hbm>>)
      %dma_wait3A_2285 = arith.constant 0 : i32
      %dma_wait3A_2286 = arith.constant 4 : i32
      %dma_wait3A_2287 = arith.constant 0 : i32
      %dma_wait3A_2288 = arith.constant 32 : i32
      %dma_wait3A_2289 = arith.constant 0 : i32
      %dma_wait3A_2290 = tpu.memref_slice %arg13[%dma_wait3A_2288, %dma_wait3A_2289] : memref<64x128xf32, #tpu.memory_space<vmem>> -> memref<8x128xf32, #tpu.memory_space<vmem>>
      %dma_wait3A_2291 = arith.constant 0 : i32
      %dma_wait3A_2292 = arith.constant 0 : i32
      %dma_wait3A_2293 = tpu.memref_slice %arg4[%dma_wait3A_2285, %dma_wait3A_2286, %dma_wait3A_2287, %dma_wait3A_2291, %dma_wait3A_2292] : memref<50x8x128x8x128xf32, #tpu.memory_space<hbm>> -> memref<1x1x1x8x128xf32, #tpu.memory_space<hbm>>
      %dma_wait3A_2294 = tpu.memref_squeeze %dma_wait3A_2293 : memref<1x1x1x8x128xf32, #tpu.memory_space<hbm>> -> memref<8x128xf32, #tpu.memory_space<hbm>>
      %dma_wait3A_2295 = arith.constant 0 : i32
      %dma_wait3A_2296 = arith.constant 0 : i32
      %dma_wait3A_2297 = tpu.memref_slice %arg4[%dma_wait3A_2285, %dma_wait3A_2286, %dma_wait3A_2287, %dma_wait3A_2295, %dma_wait3A_2296] : memref<50x8x128x8x128xf32, #tpu.memory_space<hbm>> -> memref<1x1x1x8x128xf32, #tpu.memory_space<hbm>>
      %dma_wait3A_2298 = tpu.memref_squeeze %dma_wait3A_2297 : memref<1x1x1x8x128xf32, #tpu.memory_space<hbm>> -> memref<8x128xf32, #tpu.memory_space<hbm>>
      %dma_wait3A_2299 = arith.constant 32 : i32
      %dma_wait3A_2300 = arith.constant 0 : i32
      %dma_wait3A_2301 = tpu.memref_slice %arg13[%dma_wait3A_2299, %dma_wait3A_2300] : memref<64x128xf32, #tpu.memory_space<vmem>> -> memref<8x128xf32, #tpu.memory_space<vmem>>
      tpu.wait_dma2 semaphore(%arg21 : memref<!tpu.dma_semaphore, #tpu.memory_space<semaphore_mem>>) src(%dma_wait3A_2301 : memref<8x128xf32, #tpu.memory_space<vmem>>) dst(%dma_wait3A_2298 : memref<8x128xf32, #tpu.memory_space<hbm>>)
      %dma_wait3A_2302 = arith.constant 0 : i32
      %dma_wait3A_2303 = arith.constant 5 : i32
      %dma_wait3A_2304 = arith.constant 0 : i32
      %dma_wait3A_2305 = arith.constant 40 : i32
      %dma_wait3A_2306 = arith.constant 0 : i32
      %dma_wait3A_2307 = tpu.memref_slice %arg13[%dma_wait3A_2305, %dma_wait3A_2306] : memref<64x128xf32, #tpu.memory_space<vmem>> -> memref<8x128xf32, #tpu.memory_space<vmem>>
      %dma_wait3A_2308 = arith.constant 0 : i32
      %dma_wait3A_2309 = arith.constant 0 : i32
      %dma_wait3A_2310 = tpu.memref_slice %arg4[%dma_wait3A_2302, %dma_wait3A_2303, %dma_wait3A_2304, %dma_wait3A_2308, %dma_wait3A_2309] : memref<50x8x128x8x128xf32, #tpu.memory_space<hbm>> -> memref<1x1x1x8x128xf32, #tpu.memory_space<hbm>>
      %dma_wait3A_2311 = tpu.memref_squeeze %dma_wait3A_2310 : memref<1x1x1x8x128xf32, #tpu.memory_space<hbm>> -> memref<8x128xf32, #tpu.memory_space<hbm>>
      %dma_wait3A_2312 = arith.constant 0 : i32
      %dma_wait3A_2313 = arith.constant 0 : i32
      %dma_wait3A_2314 = tpu.memref_slice %arg4[%dma_wait3A_2302, %dma_wait3A_2303, %dma_wait3A_2304, %dma_wait3A_2312, %dma_wait3A_2313] : memref<50x8x128x8x128xf32, #tpu.memory_space<hbm>> -> memref<1x1x1x8x128xf32, #tpu.memory_space<hbm>>
      %dma_wait3A_2315 = tpu.memref_squeeze %dma_wait3A_2314 : memref<1x1x1x8x128xf32, #tpu.memory_space<hbm>> -> memref<8x128xf32, #tpu.memory_space<hbm>>
      %dma_wait3A_2316 = arith.constant 40 : i32
      %dma_wait3A_2317 = arith.constant 0 : i32
      %dma_wait3A_2318 = tpu.memref_slice %arg13[%dma_wait3A_2316, %dma_wait3A_2317] : memref<64x128xf32, #tpu.memory_space<vmem>> -> memref<8x128xf32, #tpu.memory_space<vmem>>
      tpu.wait_dma2 semaphore(%arg21 : memref<!tpu.dma_semaphore, #tpu.memory_space<semaphore_mem>>) src(%dma_wait3A_2318 : memref<8x128xf32, #tpu.memory_space<vmem>>) dst(%dma_wait3A_2315 : memref<8x128xf32, #tpu.memory_space<hbm>>)
      %dma_wait3A_2319 = arith.constant 0 : i32
      %dma_wait3A_2320 = arith.constant 6 : i32
      %dma_wait3A_2321 = arith.constant 0 : i32
      %dma_wait3A_2322 = arith.constant 48 : i32
      %dma_wait3A_2323 = arith.constant 0 : i32
      %dma_wait3A_2324 = tpu.memref_slice %arg13[%dma_wait3A_2322, %dma_wait3A_2323] : memref<64x128xf32, #tpu.memory_space<vmem>> -> memref<8x128xf32, #tpu.memory_space<vmem>>
      %dma_wait3A_2325 = arith.constant 0 : i32
      %dma_wait3A_2326 = arith.constant 0 : i32
      %dma_wait3A_2327 = tpu.memref_slice %arg4[%dma_wait3A_2319, %dma_wait3A_2320, %dma_wait3A_2321, %dma_wait3A_2325, %dma_wait3A_2326] : memref<50x8x128x8x128xf32, #tpu.memory_space<hbm>> -> memref<1x1x1x8x128xf32, #tpu.memory_space<hbm>>
      %dma_wait3A_2328 = tpu.memref_squeeze %dma_wait3A_2327 : memref<1x1x1x8x128xf32, #tpu.memory_space<hbm>> -> memref<8x128xf32, #tpu.memory_space<hbm>>
      %dma_wait3A_2329 = arith.constant 0 : i32
      %dma_wait3A_2330 = arith.constant 0 : i32
      %dma_wait3A_2331 = tpu.memref_slice %arg4[%dma_wait3A_2319, %dma_wait3A_2320, %dma_wait3A_2321, %dma_wait3A_2329, %dma_wait3A_2330] : memref<50x8x128x8x128xf32, #tpu.memory_space<hbm>> -> memref<1x1x1x8x128xf32, #tpu.memory_space<hbm>>
      %dma_wait3A_2332 = tpu.memref_squeeze %dma_wait3A_2331 : memref<1x1x1x8x128xf32, #tpu.memory_space<hbm>> -> memref<8x128xf32, #tpu.memory_space<hbm>>
      %dma_wait3A_2333 = arith.constant 48 : i32
      %dma_wait3A_2334 = arith.constant 0 : i32
      %dma_wait3A_2335 = tpu.memref_slice %arg13[%dma_wait3A_2333, %dma_wait3A_2334] : memref<64x128xf32, #tpu.memory_space<vmem>> -> memref<8x128xf32, #tpu.memory_space<vmem>>
      tpu.wait_dma2 semaphore(%arg21 : memref<!tpu.dma_semaphore, #tpu.memory_space<semaphore_mem>>) src(%dma_wait3A_2335 : memref<8x128xf32, #tpu.memory_space<vmem>>) dst(%dma_wait3A_2332 : memref<8x128xf32, #tpu.memory_space<hbm>>)
      %dma_wait3A_2336 = arith.constant 0 : i32
      %dma_wait3A_2337 = arith.constant 7 : i32
      %dma_wait3A_2338 = arith.constant 0 : i32
      %dma_wait3A_2339 = arith.constant 56 : i32
      %dma_wait3A_2340 = arith.constant 0 : i32
      %dma_wait3A_2341 = tpu.memref_slice %arg13[%dma_wait3A_2339, %dma_wait3A_2340] : memref<64x128xf32, #tpu.memory_space<vmem>> -> memref<8x128xf32, #tpu.memory_space<vmem>>
      %dma_wait3A_2342 = arith.constant 0 : i32
      %dma_wait3A_2343 = arith.constant 0 : i32
      %dma_wait3A_2344 = tpu.memref_slice %arg4[%dma_wait3A_2336, %dma_wait3A_2337, %dma_wait3A_2338, %dma_wait3A_2342, %dma_wait3A_2343] : memref<50x8x128x8x128xf32, #tpu.memory_space<hbm>> -> memref<1x1x1x8x128xf32, #tpu.memory_space<hbm>>
      %dma_wait3A_2345 = tpu.memref_squeeze %dma_wait3A_2344 : memref<1x1x1x8x128xf32, #tpu.memory_space<hbm>> -> memref<8x128xf32, #tpu.memory_space<hbm>>
      %dma_wait3A_2346 = arith.constant 0 : i32
      %dma_wait3A_2347 = arith.constant 0 : i32
      %dma_wait3A_2348 = tpu.memref_slice %arg4[%dma_wait3A_2336, %dma_wait3A_2337, %dma_wait3A_2338, %dma_wait3A_2346, %dma_wait3A_2347] : memref<50x8x128x8x128xf32, #tpu.memory_space<hbm>> -> memref<1x1x1x8x128xf32, #tpu.memory_space<hbm>>
      %dma_wait3A_2349 = tpu.memref_squeeze %dma_wait3A_2348 : memref<1x1x1x8x128xf32, #tpu.memory_space<hbm>> -> memref<8x128xf32, #tpu.memory_space<hbm>>
      %dma_wait3A_2350 = arith.constant 56 : i32
      %dma_wait3A_2351 = arith.constant 0 : i32
      %dma_wait3A_2352 = tpu.memref_slice %arg13[%dma_wait3A_2350, %dma_wait3A_2351] : memref<64x128xf32, #tpu.memory_space<vmem>> -> memref<8x128xf32, #tpu.memory_space<vmem>>
      tpu.wait_dma2 semaphore(%arg21 : memref<!tpu.dma_semaphore, #tpu.memory_space<semaphore_mem>>) src(%dma_wait3A_2352 : memref<8x128xf32, #tpu.memory_space<vmem>>) dst(%dma_wait3A_2349 : memref<8x128xf32, #tpu.memory_space<hbm>>)
      %parallel_loop3A_2353 = arith.constant 0 : i32
      %parallel_loop3A_2354 = arith.constant 64 : i32
      %parallel_loop3A_2355 = arith.constant 1 : i32
      scf.for %parallel_loop3A_2527 = %parallel_loop3A_2353 to %parallel_loop3A_2354 step %parallel_loop3A_2355  : i32 {
        %parallel_loop3A_2528 = vector.broadcast %parallel_loop3A_2527 : i32 to vector<16xi32>
        %parallel_loop3A_2529 = arith.addi %parallel_loop3A_2528, %iota3A : vector<16xi32>
        %parallel_loop3A_2530 = arith.constant 63 : i32
        %parallel_loop3A_2531 = vector.broadcast %parallel_loop3A_2530 : i32 to vector<16xi32>
        %parallel_loop3A_2532 = arith.andi %parallel_loop3A_2529, %parallel_loop3A_2531 : vector<16xi32>
        %parallel_loop3A_2533 = arith.constant 0 : i32
        %parallel_loop3A_2534 = vector.broadcast %parallel_loop3A_2533 : i32 to vector<16xi32>
        %parallel_loop3A_2535 = arith.addi %parallel_loop3A_2534, %iota3A : vector<16xi32>
        %parallel_loop3A_2536 = tpu.vector_load_idx %arg9[%parallel_loop3A_2535, %parallel_loop3A_2532] : memref<128x64xf32, #tpu.memory_space<vmem>>[vector<16xi32>, vector<16xi32>], vector<16xf32>,
        %parallel_loop3A_2537 = arith.constant 0 : i32
        %parallel_loop3A_2538 = vector.broadcast %parallel_loop3A_2537 : i32 to vector<16xi32>
        %parallel_loop3A_2539 = arith.addi %parallel_loop3A_2538, %iota3A : vector<16xi32>
        tpu.vector_store_idx %arg13[%parallel_loop3A_2532, %parallel_loop3A_2539], %parallel_loop3A_2536 : memref<64x128xf32, #tpu.memory_space<vmem>>[vector<16xi32>, vector<16xi32>], vector<16xf32>,
        %parallel_loop3A_2540 = arith.constant 16 : i32
        %parallel_loop3A_2541 = vector.broadcast %parallel_loop3A_2540 : i32 to vector<16xi32>
        %parallel_loop3A_2542 = arith.addi %parallel_loop3A_2541, %iota3A : vector<16xi32>
        %parallel_loop3A_2543 = tpu.vector_load_idx %arg9[%parallel_loop3A_2542, %parallel_loop3A_2532] : memref<128x64xf32, #tpu.memory_space<vmem>>[vector<16xi32>, vector<16xi32>], vector<16xf32>,
        %parallel_loop3A_2544 = arith.constant 16 : i32
        %parallel_loop3A_2545 = vector.broadcast %parallel_loop3A_2544 : i32 to vector<16xi32>
        %parallel_loop3A_2546 = arith.addi %parallel_loop3A_2545, %iota3A : vector<16xi32>
        tpu.vector_store_idx %arg13[%parallel_loop3A_2532, %parallel_loop3A_2546], %parallel_loop3A_2543 : memref<64x128xf32, #tpu.memory_space<vmem>>[vector<16xi32>, vector<16xi32>], vector<16xf32>,
        %parallel_loop3A_2547 = arith.constant 32 : i32
        %parallel_loop3A_2548 = vector.broadcast %parallel_loop3A_2547 : i32 to vector<16xi32>
        %parallel_loop3A_2549 = arith.addi %parallel_loop3A_2548, %iota3A : vector<16xi32>
        %parallel_loop3A_2550 = tpu.vector_load_idx %arg9[%parallel_loop3A_2549, %parallel_loop3A_2532] : memref<128x64xf32, #tpu.memory_space<vmem>>[vector<16xi32>, vector<16xi32>], vector<16xf32>,
        %parallel_loop3A_2551 = arith.constant 32 : i32
        %parallel_loop3A_2552 = vector.broadcast %parallel_loop3A_2551 : i32 to vector<16xi32>
        %parallel_loop3A_2553 = arith.addi %parallel_loop3A_2552, %iota3A : vector<16xi32>
        tpu.vector_store_idx %arg13[%parallel_loop3A_2532, %parallel_loop3A_2553], %parallel_loop3A_2550 : memref<64x128xf32, #tpu.memory_space<vmem>>[vector<16xi32>, vector<16xi32>], vector<16xf32>,
        %parallel_loop3A_2554 = arith.constant 48 : i32
        %parallel_loop3A_2555 = vector.broadcast %parallel_loop3A_2554 : i32 to vector<16xi32>
        %parallel_loop3A_2556 = arith.addi %parallel_loop3A_2555, %iota3A : vector<16xi32>
        %parallel_loop3A_2557 = tpu.vector_load_idx %arg9[%parallel_loop3A_2556, %parallel_loop3A_2532] : memref<128x64xf32, #tpu.memory_space<vmem>>[vector<16xi32>, vector<16xi32>], vector<16xf32>,
        %parallel_loop3A_2558 = arith.constant 48 : i32
        %parallel_loop3A_2559 = vector.broadcast %parallel_loop3A_2558 : i32 to vector<16xi32>
        %parallel_loop3A_2560 = arith.addi %parallel_loop3A_2559, %iota3A : vector<16xi32>
        tpu.vector_store_idx %arg13[%parallel_loop3A_2532, %parallel_loop3A_2560], %parallel_loop3A_2557 : memref<64x128xf32, #tpu.memory_space<vmem>>[vector<16xi32>, vector<16xi32>], vector<16xf32>,
        %parallel_loop3A_2561 = arith.constant 64 : i32
        %parallel_loop3A_2562 = vector.broadcast %parallel_loop3A_2561 : i32 to vector<16xi32>
        %parallel_loop3A_2563 = arith.addi %parallel_loop3A_2562, %iota3A : vector<16xi32>
        %parallel_loop3A_2564 = tpu.vector_load_idx %arg9[%parallel_loop3A_2563, %parallel_loop3A_2532] : memref<128x64xf32, #tpu.memory_space<vmem>>[vector<16xi32>, vector<16xi32>], vector<16xf32>,
        %parallel_loop3A_2565 = arith.constant 64 : i32
        %parallel_loop3A_2566 = vector.broadcast %parallel_loop3A_2565 : i32 to vector<16xi32>
        %parallel_loop3A_2567 = arith.addi %parallel_loop3A_2566, %iota3A : vector<16xi32>
        tpu.vector_store_idx %arg13[%parallel_loop3A_2532, %parallel_loop3A_2567], %parallel_loop3A_2564 : memref<64x128xf32, #tpu.memory_space<vmem>>[vector<16xi32>, vector<16xi32>], vector<16xf32>,
        %parallel_loop3A_2568 = arith.constant 80 : i32
        %parallel_loop3A_2569 = vector.broadcast %parallel_loop3A_2568 : i32 to vector<16xi32>
        %parallel_loop3A_2570 = arith.addi %parallel_loop3A_2569, %iota3A : vector<16xi32>
        %parallel_loop3A_2571 = tpu.vector_load_idx %arg9[%parallel_loop3A_2570, %parallel_loop3A_2532] : memref<128x64xf32, #tpu.memory_space<vmem>>[vector<16xi32>, vector<16xi32>], vector<16xf32>,
        %parallel_loop3A_2572 = arith.constant 80 : i32
        %parallel_loop3A_2573 = vector.broadcast %parallel_loop3A_2572 : i32 to vector<16xi32>
        %parallel_loop3A_2574 = arith.addi %parallel_loop3A_2573, %iota3A : vector<16xi32>
        tpu.vector_store_idx %arg13[%parallel_loop3A_2532, %parallel_loop3A_2574], %parallel_loop3A_2571 : memref<64x128xf32, #tpu.memory_space<vmem>>[vector<16xi32>, vector<16xi32>], vector<16xf32>,
        %parallel_loop3A_2575 = arith.constant 96 : i32
        %parallel_loop3A_2576 = vector.broadcast %parallel_loop3A_2575 : i32 to vector<16xi32>
        %parallel_loop3A_2577 = arith.addi %parallel_loop3A_2576, %iota3A : vector<16xi32>
        %parallel_loop3A_2578 = tpu.vector_load_idx %arg9[%parallel_loop3A_2577, %parallel_loop3A_2532] : memref<128x64xf32, #tpu.memory_space<vmem>>[vector<16xi32>, vector<16xi32>], vector<16xf32>,
        %parallel_loop3A_2579 = arith.constant 96 : i32
        %parallel_loop3A_2580 = vector.broadcast %parallel_loop3A_2579 : i32 to vector<16xi32>
        %parallel_loop3A_2581 = arith.addi %parallel_loop3A_2580, %iota3A : vector<16xi32>
        tpu.vector_store_idx %arg13[%parallel_loop3A_2532, %parallel_loop3A_2581], %parallel_loop3A_2578 : memref<64x128xf32, #tpu.memory_space<vmem>>[vector<16xi32>, vector<16xi32>], vector<16xf32>,
        %parallel_loop3A_2582 = arith.constant 112 : i32
        %parallel_loop3A_2583 = vector.broadcast %parallel_loop3A_2582 : i32 to vector<16xi32>
        %parallel_loop3A_2584 = arith.addi %parallel_loop3A_2583, %iota3A : vector<16xi32>
        %parallel_loop3A_2585 = tpu.vector_load_idx %arg9[%parallel_loop3A_2584, %parallel_loop3A_2532] : memref<128x64xf32, #tpu.memory_space<vmem>>[vector<16xi32>, vector<16xi32>], vector<16xf32>,
        %parallel_loop3A_2586 = arith.constant 112 : i32
        %parallel_loop3A_2587 = vector.broadcast %parallel_loop3A_2586 : i32 to vector<16xi32>
        %parallel_loop3A_2588 = arith.addi %parallel_loop3A_2587, %iota3A : vector<16xi32>
        tpu.vector_store_idx %arg13[%parallel_loop3A_2532, %parallel_loop3A_2588], %parallel_loop3A_2585 : memref<64x128xf32, #tpu.memory_space<vmem>>[vector<16xi32>, vector<16xi32>], vector<16xf32>,
      } {sc.loop_unroll_factor = 8 : i64, sc.parallel_access}
      %add3A_2356 = arith.addi %mul3A_2, %add3A_2209 : i32
      %jit3A_2357 = arith.constant 128 : i32
      %div3A_2358 = arith.divsi %add3A_2356, %jit3A_2357 : i32
      %sign3A_2359 = arith.constant 0 : i32
      %sign3A_2360 = arith.cmpi sgt, %add3A_2356, %sign3A_2359 : i32
      %sign3A_2361 = arith.extui %sign3A_2360 : i1 to i32
      %sign3A_2362 = arith.constant 0 : i32
      %sign3A_2363 = arith.cmpi slt, %add3A_2356, %sign3A_2362 : i32
      %sign3A_2364 = arith.extui %sign3A_2363 : i1 to i32
      %sign3A_2365 = arith.subi %sign3A_2361, %sign3A_2364 : i32
      %sign3A_2366 = arith.constant 0 : i32
      %sign3A_2367 = arith.cmpi sgt, %jit3A_2357, %sign3A_2366 : i32
      %sign3A_2368 = arith.extui %sign3A_2367 : i1 to i32
      %sign3A_2369 = arith.constant 0 : i32
      %sign3A_2370 = arith.cmpi slt, %jit3A_2357, %sign3A_2369 : i32
      %sign3A_2371 = arith.extui %sign3A_2370 : i1 to i32
      %sign3A_2372 = arith.subi %sign3A_2368, %sign3A_2371 : i32
      %ne3A_2373 = arith.cmpi ne, %sign3A_2365, %sign3A_2372 : i32
      %rem3A_2374 = arith.remsi %add3A_2356, %jit3A_2357 : i32
      %ne3A_2375 = arith.constant 0 : i32
      %ne3A_2376 = arith.cmpi ne, %rem3A_2374, %ne3A_2375 : i32
      %and3A_2377 = arith.andi %ne3A_2373, %ne3A_2376 : i1
      %sub3A_2378 = arith.constant 1 : i32
      %sub3A_2379 = arith.subi %div3A_2358, %sub3A_2378 : i32
      %select_n3A_2380 = arith.select %and3A_2377, %sub3A_2379, %div3A_2358 : i32
      %jit3A_2381 = arith.constant 128 : i32
      %eq3A_2382 = arith.constant 0 : i32
      %eq3A_2383 = arith.cmpi eq, %jit3A_2381, %eq3A_2382 : i32
      %jit3A_2384 = arith.constant 1 : i32
      %select_n3A_2385 = arith.select %eq3A_2383, %jit3A_2384, %jit3A_2381 : i32
      %rem3A_2386 = arith.remsi %add3A_2356, %select_n3A_2385 : i32
      %ne3A_2387 = arith.constant 0 : i32
      %ne3A_2388 = arith.cmpi ne, %rem3A_2386, %ne3A_2387 : i32
      %lt3A_2389 = arith.constant 0 : i32
      %lt3A_2390 = arith.cmpi slt, %rem3A_2386, %lt3A_2389 : i32
      %lt3A_2391 = arith.constant 0 : i32
      %lt3A_2392 = arith.cmpi slt, %select_n3A_2385, %lt3A_2391 : i32
      %ne3A_2393 = arith.xori %lt3A_2390, %lt3A_2392 : i1
      %and3A_2394 = arith.andi %ne3A_2393, %ne3A_2388 : i1
      %add3A_2395 = arith.addi %rem3A_2386, %select_n3A_2385 : i32
      %select_n3A_2396 = arith.select %and3A_2394, %add3A_2395, %rem3A_2386 : i32
      %dma_start3A_2397 = arith.constant 0 : i32
      %dma_start3A_2398 = arith.constant 0 : i32
      %dma_start3A_2399 = arith.constant 0 : i32
      %dma_start3A_2400 = tpu.memref_slice %arg13[%dma_start3A_2398, %dma_start3A_2399] : memref<64x128xf32, #tpu.memory_space<vmem>> -> memref<8x128xf32, #tpu.memory_space<vmem>>
      %dma_start3A_2401 = arith.constant 0 : i32
      %dma_start3A_2402 = arith.constant 0 : i32
      %dma_start3A_2403 = tpu.memref_slice %arg4[%select_n3A_2380, %dma_start3A_2397, %select_n3A_2396, %dma_start3A_2401, %dma_start3A_2402] : memref<50x8x128x8x128xf32, #tpu.memory_space<hbm>> -> memref<1x1x1x8x128xf32, #tpu.memory_space<hbm>>
      %dma_start3A_2404 = tpu.memref_squeeze %dma_start3A_2403 : memref<1x1x1x8x128xf32, #tpu.memory_space<hbm>> -> memref<8x128xf32, #tpu.memory_space<hbm>>
      %dma_start3A_2405 = arith.constant 0 : i32
      %dma_start3A_2406 = arith.constant 0 : i32
      %dma_start3A_2407 = tpu.memref_slice %arg4[%select_n3A_2380, %dma_start3A_2397, %select_n3A_2396, %dma_start3A_2405, %dma_start3A_2406] : memref<50x8x128x8x128xf32, #tpu.memory_space<hbm>> -> memref<1x1x1x8x128xf32, #tpu.memory_space<hbm>>
      %dma_start3A_2408 = tpu.memref_squeeze %dma_start3A_2407 : memref<1x1x1x8x128xf32, #tpu.memory_space<hbm>> -> memref<8x128xf32, #tpu.memory_space<hbm>>
      %dma_start3A_2409 = arith.constant 0 : i32
      %dma_start3A_2410 = arith.constant 0 : i32
      %dma_start3A_2411 = tpu.memref_slice %arg13[%dma_start3A_2409, %dma_start3A_2410] : memref<64x128xf32, #tpu.memory_space<vmem>> -> memref<8x128xf32, #tpu.memory_space<vmem>>
      tpu.enqueue_dma source(%dma_start3A_2411 : memref<8x128xf32, #tpu.memory_space<vmem>>) target(%dma_start3A_2408 : memref<8x128xf32, #tpu.memory_space<hbm>>) target_semaphore(%arg21 : memref<!tpu.dma_semaphore, #tpu.memory_space<semaphore_mem>>)
      %dma_start3A_2412 = arith.constant 1 : i32
      %dma_start3A_2413 = arith.constant 8 : i32
      %dma_start3A_2414 = arith.constant 0 : i32
      %dma_start3A_2415 = tpu.memref_slice %arg13[%dma_start3A_2413, %dma_start3A_2414] : memref<64x128xf32, #tpu.memory_space<vmem>> -> memref<8x128xf32, #tpu.memory_space<vmem>>
      %dma_start3A_2416 = arith.constant 0 : i32
      %dma_start3A_2417 = arith.constant 0 : i32
      %dma_start3A_2418 = tpu.memref_slice %arg4[%select_n3A_2380, %dma_start3A_2412, %select_n3A_2396, %dma_start3A_2416, %dma_start3A_2417] : memref<50x8x128x8x128xf32, #tpu.memory_space<hbm>> -> memref<1x1x1x8x128xf32, #tpu.memory_space<hbm>>
      %dma_start3A_2419 = tpu.memref_squeeze %dma_start3A_2418 : memref<1x1x1x8x128xf32, #tpu.memory_space<hbm>> -> memref<8x128xf32, #tpu.memory_space<hbm>>
      %dma_start3A_2420 = arith.constant 0 : i32
      %dma_start3A_2421 = arith.constant 0 : i32
      %dma_start3A_2422 = tpu.memref_slice %arg4[%select_n3A_2380, %dma_start3A_2412, %select_n3A_2396, %dma_start3A_2420, %dma_start3A_2421] : memref<50x8x128x8x128xf32, #tpu.memory_space<hbm>> -> memref<1x1x1x8x128xf32, #tpu.memory_space<hbm>>
      %dma_start3A_2423 = tpu.memref_squeeze %dma_start3A_2422 : memref<1x1x1x8x128xf32, #tpu.memory_space<hbm>> -> memref<8x128xf32, #tpu.memory_space<hbm>>
      %dma_start3A_2424 = arith.constant 8 : i32
      %dma_start3A_2425 = arith.constant 0 : i32
      %dma_start3A_2426 = tpu.memref_slice %arg13[%dma_start3A_2424, %dma_start3A_2425] : memref<64x128xf32, #tpu.memory_space<vmem>> -> memref<8x128xf32, #tpu.memory_space<vmem>>
      tpu.enqueue_dma source(%dma_start3A_2426 : memref<8x128xf32, #tpu.memory_space<vmem>>) target(%dma_start3A_2423 : memref<8x128xf32, #tpu.memory_space<hbm>>) target_semaphore(%arg21 : memref<!tpu.dma_semaphore, #tpu.memory_space<semaphore_mem>>)
      %dma_start3A_2427 = arith.constant 2 : i32
      %dma_start3A_2428 = arith.constant 16 : i32
      %dma_start3A_2429 = arith.constant 0 : i32
      %dma_start3A_2430 = tpu.memref_slice %arg13[%dma_start3A_2428, %dma_start3A_2429] : memref<64x128xf32, #tpu.memory_space<vmem>> -> memref<8x128xf32, #tpu.memory_space<vmem>>
      %dma_start3A_2431 = arith.constant 0 : i32
      %dma_start3A_2432 = arith.constant 0 : i32
      %dma_start3A_2433 = tpu.memref_slice %arg4[%select_n3A_2380, %dma_start3A_2427, %select_n3A_2396, %dma_start3A_2431, %dma_start3A_2432] : memref<50x8x128x8x128xf32, #tpu.memory_space<hbm>> -> memref<1x1x1x8x128xf32, #tpu.memory_space<hbm>>
      %dma_start3A_2434 = tpu.memref_squeeze %dma_start3A_2433 : memref<1x1x1x8x128xf32, #tpu.memory_space<hbm>> -> memref<8x128xf32, #tpu.memory_space<hbm>>
      %dma_start3A_2435 = arith.constant 0 : i32
      %dma_start3A_2436 = arith.constant 0 : i32
      %dma_start3A_2437 = tpu.memref_slice %arg4[%select_n3A_2380, %dma_start3A_2427, %select_n3A_2396, %dma_start3A_2435, %dma_start3A_2436] : memref<50x8x128x8x128xf32, #tpu.memory_space<hbm>> -> memref<1x1x1x8x128xf32, #tpu.memory_space<hbm>>
      %dma_start3A_2438 = tpu.memref_squeeze %dma_start3A_2437 : memref<1x1x1x8x128xf32, #tpu.memory_space<hbm>> -> memref<8x128xf32, #tpu.memory_space<hbm>>
      %dma_start3A_2439 = arith.constant 16 : i32
      %dma_start3A_2440 = arith.constant 0 : i32
      %dma_start3A_2441 = tpu.memref_slice %arg13[%dma_start3A_2439, %dma_start3A_2440] : memref<64x128xf32, #tpu.memory_space<vmem>> -> memref<8x128xf32, #tpu.memory_space<vmem>>
      tpu.enqueue_dma source(%dma_start3A_2441 : memref<8x128xf32, #tpu.memory_space<vmem>>) target(%dma_start3A_2438 : memref<8x128xf32, #tpu.memory_space<hbm>>) target_semaphore(%arg21 : memref<!tpu.dma_semaphore, #tpu.memory_space<semaphore_mem>>)
      %dma_start3A_2442 = arith.constant 3 : i32
      %dma_start3A_2443 = arith.constant 24 : i32
      %dma_start3A_2444 = arith.constant 0 : i32
      %dma_start3A_2445 = tpu.memref_slice %arg13[%dma_start3A_2443, %dma_start3A_2444] : memref<64x128xf32, #tpu.memory_space<vmem>> -> memref<8x128xf32, #tpu.memory_space<vmem>>
      %dma_start3A_2446 = arith.constant 0 : i32
      %dma_start3A_2447 = arith.constant 0 : i32
      %dma_start3A_2448 = tpu.memref_slice %arg4[%select_n3A_2380, %dma_start3A_2442, %select_n3A_2396, %dma_start3A_2446, %dma_start3A_2447] : memref<50x8x128x8x128xf32, #tpu.memory_space<hbm>> -> memref<1x1x1x8x128xf32, #tpu.memory_space<hbm>>
      %dma_start3A_2449 = tpu.memref_squeeze %dma_start3A_2448 : memref<1x1x1x8x128xf32, #tpu.memory_space<hbm>> -> memref<8x128xf32, #tpu.memory_space<hbm>>
      %dma_start3A_2450 = arith.constant 0 : i32
      %dma_start3A_2451 = arith.constant 0 : i32
      %dma_start3A_2452 = tpu.memref_slice %arg4[%select_n3A_2380, %dma_start3A_2442, %select_n3A_2396, %dma_start3A_2450, %dma_start3A_2451] : memref<50x8x128x8x128xf32, #tpu.memory_space<hbm>> -> memref<1x1x1x8x128xf32, #tpu.memory_space<hbm>>
      %dma_start3A_2453 = tpu.memref_squeeze %dma_start3A_2452 : memref<1x1x1x8x128xf32, #tpu.memory_space<hbm>> -> memref<8x128xf32, #tpu.memory_space<hbm>>
      %dma_start3A_2454 = arith.constant 24 : i32
      %dma_start3A_2455 = arith.constant 0 : i32
      %dma_start3A_2456 = tpu.memref_slice %arg13[%dma_start3A_2454, %dma_start3A_2455] : memref<64x128xf32, #tpu.memory_space<vmem>> -> memref<8x128xf32, #tpu.memory_space<vmem>>
      tpu.enqueue_dma source(%dma_start3A_2456 : memref<8x128xf32, #tpu.memory_space<vmem>>) target(%dma_start3A_2453 : memref<8x128xf32, #tpu.memory_space<hbm>>) target_semaphore(%arg21 : memref<!tpu.dma_semaphore, #tpu.memory_space<semaphore_mem>>)
      %dma_start3A_2457 = arith.constant 4 : i32
      %dma_start3A_2458 = arith.constant 32 : i32
      %dma_start3A_2459 = arith.constant 0 : i32
      %dma_start3A_2460 = tpu.memref_slice %arg13[%dma_start3A_2458, %dma_start3A_2459] : memref<64x128xf32, #tpu.memory_space<vmem>> -> memref<8x128xf32, #tpu.memory_space<vmem>>
      %dma_start3A_2461 = arith.constant 0 : i32
      %dma_start3A_2462 = arith.constant 0 : i32
      %dma_start3A_2463 = tpu.memref_slice %arg4[%select_n3A_2380, %dma_start3A_2457, %select_n3A_2396, %dma_start3A_2461, %dma_start3A_2462] : memref<50x8x128x8x128xf32, #tpu.memory_space<hbm>> -> memref<1x1x1x8x128xf32, #tpu.memory_space<hbm>>
      %dma_start3A_2464 = tpu.memref_squeeze %dma_start3A_2463 : memref<1x1x1x8x128xf32, #tpu.memory_space<hbm>> -> memref<8x128xf32, #tpu.memory_space<hbm>>
      %dma_start3A_2465 = arith.constant 0 : i32
      %dma_start3A_2466 = arith.constant 0 : i32
      %dma_start3A_2467 = tpu.memref_slice %arg4[%select_n3A_2380, %dma_start3A_2457, %select_n3A_2396, %dma_start3A_2465, %dma_start3A_2466] : memref<50x8x128x8x128xf32, #tpu.memory_space<hbm>> -> memref<1x1x1x8x128xf32, #tpu.memory_space<hbm>>
      %dma_start3A_2468 = tpu.memref_squeeze %dma_start3A_2467 : memref<1x1x1x8x128xf32, #tpu.memory_space<hbm>> -> memref<8x128xf32, #tpu.memory_space<hbm>>
      %dma_start3A_2469 = arith.constant 32 : i32
      %dma_start3A_2470 = arith.constant 0 : i32
      %dma_start3A_2471 = tpu.memref_slice %arg13[%dma_start3A_2469, %dma_start3A_2470] : memref<64x128xf32, #tpu.memory_space<vmem>> -> memref<8x128xf32, #tpu.memory_space<vmem>>
      tpu.enqueue_dma source(%dma_start3A_2471 : memref<8x128xf32, #tpu.memory_space<vmem>>) target(%dma_start3A_2468 : memref<8x128xf32, #tpu.memory_space<hbm>>) target_semaphore(%arg21 : memref<!tpu.dma_semaphore, #tpu.memory_space<semaphore_mem>>)
      %dma_start3A_2472 = arith.constant 5 : i32
      %dma_start3A_2473 = arith.constant 40 : i32
      %dma_start3A_2474 = arith.constant 0 : i32
      %dma_start3A_2475 = tpu.memref_slice %arg13[%dma_start3A_2473, %dma_start3A_2474] : memref<64x128xf32, #tpu.memory_space<vmem>> -> memref<8x128xf32, #tpu.memory_space<vmem>>
      %dma_start3A_2476 = arith.constant 0 : i32
      %dma_start3A_2477 = arith.constant 0 : i32
      %dma_start3A_2478 = tpu.memref_slice %arg4[%select_n3A_2380, %dma_start3A_2472, %select_n3A_2396, %dma_start3A_2476, %dma_start3A_2477] : memref<50x8x128x8x128xf32, #tpu.memory_space<hbm>> -> memref<1x1x1x8x128xf32, #tpu.memory_space<hbm>>
      %dma_start3A_2479 = tpu.memref_squeeze %dma_start3A_2478 : memref<1x1x1x8x128xf32, #tpu.memory_space<hbm>> -> memref<8x128xf32, #tpu.memory_space<hbm>>
      %dma_start3A_2480 = arith.constant 0 : i32
      %dma_start3A_2481 = arith.constant 0 : i32
      %dma_start3A_2482 = tpu.memref_slice %arg4[%select_n3A_2380, %dma_start3A_2472, %select_n3A_2396, %dma_start3A_2480, %dma_start3A_2481] : memref<50x8x128x8x128xf32, #tpu.memory_space<hbm>> -> memref<1x1x1x8x128xf32, #tpu.memory_space<hbm>>
      %dma_start3A_2483 = tpu.memref_squeeze %dma_start3A_2482 : memref<1x1x1x8x128xf32, #tpu.memory_space<hbm>> -> memref<8x128xf32, #tpu.memory_space<hbm>>
      %dma_start3A_2484 = arith.constant 40 : i32
      %dma_start3A_2485 = arith.constant 0 : i32
      %dma_start3A_2486 = tpu.memref_slice %arg13[%dma_start3A_2484, %dma_start3A_2485] : memref<64x128xf32, #tpu.memory_space<vmem>> -> memref<8x128xf32, #tpu.memory_space<vmem>>
      tpu.enqueue_dma source(%dma_start3A_2486 : memref<8x128xf32, #tpu.memory_space<vmem>>) target(%dma_start3A_2483 : memref<8x128xf32, #tpu.memory_space<hbm>>) target_semaphore(%arg21 : memref<!tpu.dma_semaphore, #tpu.memory_space<semaphore_mem>>)
      %dma_start3A_2487 = arith.constant 6 : i32
      %dma_start3A_2488 = arith.constant 48 : i32
      %dma_start3A_2489 = arith.constant 0 : i32
      %dma_start3A_2490 = tpu.memref_slice %arg13[%dma_start3A_2488, %dma_start3A_2489] : memref<64x128xf32, #tpu.memory_space<vmem>> -> memref<8x128xf32, #tpu.memory_space<vmem>>
      %dma_start3A_2491 = arith.constant 0 : i32
      %dma_start3A_2492 = arith.constant 0 : i32
      %dma_start3A_2493 = tpu.memref_slice %arg4[%select_n3A_2380, %dma_start3A_2487, %select_n3A_2396, %dma_start3A_2491, %dma_start3A_2492] : memref<50x8x128x8x128xf32, #tpu.memory_space<hbm>> -> memref<1x1x1x8x128xf32, #tpu.memory_space<hbm>>
      %dma_start3A_2494 = tpu.memref_squeeze %dma_start3A_2493 : memref<1x1x1x8x128xf32, #tpu.memory_space<hbm>> -> memref<8x128xf32, #tpu.memory_space<hbm>>
      %dma_start3A_2495 = arith.constant 0 : i32
      %dma_start3A_2496 = arith.constant 0 : i32
      %dma_start3A_2497 = tpu.memref_slice %arg4[%select_n3A_2380, %dma_start3A_2487, %select_n3A_2396, %dma_start3A_2495, %dma_start3A_2496] : memref<50x8x128x8x128xf32, #tpu.memory_space<hbm>> -> memref<1x1x1x8x128xf32, #tpu.memory_space<hbm>>
      %dma_start3A_2498 = tpu.memref_squeeze %dma_start3A_2497 : memref<1x1x1x8x128xf32, #tpu.memory_space<hbm>> -> memref<8x128xf32, #tpu.memory_space<hbm>>
      %dma_start3A_2499 = arith.constant 48 : i32
      %dma_start3A_2500 = arith.constant 0 : i32
      %dma_start3A_2501 = tpu.memref_slice %arg13[%dma_start3A_2499, %dma_start3A_2500] : memref<64x128xf32, #tpu.memory_space<vmem>> -> memref<8x128xf32, #tpu.memory_space<vmem>>
      tpu.enqueue_dma source(%dma_start3A_2501 : memref<8x128xf32, #tpu.memory_space<vmem>>) target(%dma_start3A_2498 : memref<8x128xf32, #tpu.memory_space<hbm>>) target_semaphore(%arg21 : memref<!tpu.dma_semaphore, #tpu.memory_space<semaphore_mem>>)
      %dma_start3A_2502 = arith.constant 7 : i32
      %dma_start3A_2503 = arith.constant 56 : i32
      %dma_start3A_2504 = arith.constant 0 : i32
      %dma_start3A_2505 = tpu.memref_slice %arg13[%dma_start3A_2503, %dma_start3A_2504] : memref<64x128xf32, #tpu.memory_space<vmem>> -> memref<8x128xf32, #tpu.memory_space<vmem>>
      %dma_start3A_2506 = arith.constant 0 : i32
      %dma_start3A_2507 = arith.constant 0 : i32
      %dma_start3A_2508 = tpu.memref_slice %arg4[%select_n3A_2380, %dma_start3A_2502, %select_n3A_2396, %dma_start3A_2506, %dma_start3A_2507] : memref<50x8x128x8x128xf32, #tpu.memory_space<hbm>> -> memref<1x1x1x8x128xf32, #tpu.memory_space<hbm>>
      %dma_start3A_2509 = tpu.memref_squeeze %dma_start3A_2508 : memref<1x1x1x8x128xf32, #tpu.memory_space<hbm>> -> memref<8x128xf32, #tpu.memory_space<hbm>>
      %dma_start3A_2510 = arith.constant 0 : i32
      %dma_start3A_2511 = arith.constant 0 : i32
      %dma_start3A_2512 = tpu.memref_slice %arg4[%select_n3A_2380, %dma_start3A_2502, %select_n3A_2396, %dma_start3A_2510, %dma_start3A_2511] : memref<50x8x128x8x128xf32, #tpu.memory_space<hbm>> -> memref<1x1x1x8x128xf32, #tpu.memory_space<hbm>>
      %dma_start3A_2513 = tpu.memref_squeeze %dma_start3A_2512 : memref<1x1x1x8x128xf32, #tpu.memory_space<hbm>> -> memref<8x128xf32, #tpu.memory_space<hbm>>
      %dma_start3A_2514 = arith.constant 56 : i32
      %dma_start3A_2515 = arith.constant 0 : i32
      %dma_start3A_2516 = tpu.memref_slice %arg13[%dma_start3A_2514, %dma_start3A_2515] : memref<64x128xf32, #tpu.memory_space<vmem>> -> memref<8x128xf32, #tpu.memory_space<vmem>>
      tpu.enqueue_dma source(%dma_start3A_2516 : memref<8x128xf32, #tpu.memory_space<vmem>>) target(%dma_start3A_2513 : memref<8x128xf32, #tpu.memory_space<hbm>>) target_semaphore(%arg21 : memref<!tpu.dma_semaphore, #tpu.memory_space<semaphore_mem>>)
      %add3A_2517 = arith.constant 4 : i32
      %add3A_2518 = arith.addi %add3A_2209, %add3A_2517 : i32
      %min3A_2519 = arith.constant 199 : i32
      %min3A_2520 = arith.minsi %add3A_2518, %min3A_2519 : i32
      %dma_start3A_2521 = arith.constant 0 : i32
      %dma_start3A_2522 = tpu.memref_slice %arg5[%min3A_2520, %dma_start3A_2521] : memref<200x128xi32, #tpu.memory_space<vmem>> -> memref<1x128xi32, #tpu.memory_space<vmem>>
      %dma_start3A_2523 = tpu.memref_squeeze %dma_start3A_2522 : memref<1x128xi32, #tpu.memory_space<vmem>> -> memref<128xi32, #tpu.memory_space<vmem>>
      %dma_start3A_2524 = arith.constant 0 : i32
      %dma_start3A_2525 = arith.constant 0 : i32
      %dma_start3A_2526 = tpu.memref_slice %arg2[%dma_start3A_2524, %dma_start3A_2525] : memref<1000000x64xf32, #tpu.memory_space<hbm>> -> memref<1000000x64xf32, #tpu.memory_space<hbm>>
      tpu.enqueue_indirect_dma source(%dma_start3A_2526 : memref<1000000x64xf32, #tpu.memory_space<hbm>>) target(%arg9 : memref<128x64xf32, #tpu.memory_space<vmem>>) offsets(%dma_start3A_2523 : memref<128xi32, #tpu.memory_space<vmem>>) semaphore(%arg17 : memref<!tpu.dma_semaphore, #tpu.memory_space<semaphore_mem>>)
    }
    %scan3A_672 = arith.constant 50 : i32
    %dma_wait3A = arith.constant 0 : i32
    %dma_wait3A_673 = arith.constant 0 : i32
    %dma_wait3A_674 = tpu.memref_slice %arg5[%dma_wait3A, %dma_wait3A_673] : memref<200x128xi32, #tpu.memory_space<vmem>> -> memref<1x128xi32, #tpu.memory_space<vmem>>
    %dma_wait3A_675 = tpu.memref_squeeze %dma_wait3A_674 : memref<1x128xi32, #tpu.memory_space<vmem>> -> memref<128xi32, #tpu.memory_space<vmem>>
    %dma_wait3A_676 = arith.constant 0 : i32
    %dma_wait3A_677 = arith.constant 0 : i32
    %dma_wait3A_678 = tpu.memref_slice %arg2[%dma_wait3A_676, %dma_wait3A_677] : memref<1000000x64xf32, #tpu.memory_space<hbm>> -> memref<1000000x64xf32, #tpu.memory_space<hbm>>
    tpu.wait_indirect_dma semaphore(%arg14 : memref<!tpu.dma_semaphore, #tpu.memory_space<semaphore_mem>>) src(%dma_wait3A_678 : memref<1000000x64xf32, #tpu.memory_space<hbm>>) dst(%arg6 : memref<128x64xf32, #tpu.memory_space<vmem>>)
    %dma_wait3A_679 = arith.constant 0 : i32
    %dma_wait3A_680 = arith.constant 0 : i32
    %dma_wait3A_681 = arith.constant 0 : i32
    %dma_wait3A_682 = arith.constant 0 : i32
    %dma_wait3A_683 = arith.constant 0 : i32
    %dma_wait3A_684 = tpu.memref_slice %arg10[%dma_wait3A_682, %dma_wait3A_683] : memref<64x128xf32, #tpu.memory_space<vmem>> -> memref<8x128xf32, #tpu.memory_space<vmem>>
    %dma_wait3A_685 = arith.constant 0 : i32
    %dma_wait3A_686 = arith.constant 0 : i32
    %dma_wait3A_687 = tpu.memref_slice %arg4[%dma_wait3A_679, %dma_wait3A_680, %dma_wait3A_681, %dma_wait3A_685, %dma_wait3A_686] : memref<50x8x128x8x128xf32, #tpu.memory_space<hbm>> -> memref<1x1x1x8x128xf32, #tpu.memory_space<hbm>>
    %dma_wait3A_688 = tpu.memref_squeeze %dma_wait3A_687 : memref<1x1x1x8x128xf32, #tpu.memory_space<hbm>> -> memref<8x128xf32, #tpu.memory_space<hbm>>
    %dma_wait3A_689 = arith.constant 0 : i32
    %dma_wait3A_690 = arith.constant 0 : i32
    %dma_wait3A_691 = tpu.memref_slice %arg4[%dma_wait3A_679, %dma_wait3A_680, %dma_wait3A_681, %dma_wait3A_689, %dma_wait3A_690] : memref<50x8x128x8x128xf32, #tpu.memory_space<hbm>> -> memref<1x1x1x8x128xf32, #tpu.memory_space<hbm>>
    %dma_wait3A_692 = tpu.memref_squeeze %dma_wait3A_691 : memref<1x1x1x8x128xf32, #tpu.memory_space<hbm>> -> memref<8x128xf32, #tpu.memory_space<hbm>>
    %dma_wait3A_693 = arith.constant 0 : i32
    %dma_wait3A_694 = arith.constant 0 : i32
    %dma_wait3A_695 = tpu.memref_slice %arg10[%dma_wait3A_693, %dma_wait3A_694] : memref<64x128xf32, #tpu.memory_space<vmem>> -> memref<8x128xf32, #tpu.memory_space<vmem>>
    tpu.wait_dma2 semaphore(%arg18 : memref<!tpu.dma_semaphore, #tpu.memory_space<semaphore_mem>>) src(%dma_wait3A_695 : memref<8x128xf32, #tpu.memory_space<vmem>>) dst(%dma_wait3A_692 : memref<8x128xf32, #tpu.memory_space<hbm>>)
    %dma_wait3A_696 = arith.constant 0 : i32
    %dma_wait3A_697 = arith.constant 1 : i32
    %dma_wait3A_698 = arith.constant 0 : i32
    %dma_wait3A_699 = arith.constant 8 : i32
    %dma_wait3A_700 = arith.constant 0 : i32
    %dma_wait3A_701 = tpu.memref_slice %arg10[%dma_wait3A_699, %dma_wait3A_700] : memref<64x128xf32, #tpu.memory_space<vmem>> -> memref<8x128xf32, #tpu.memory_space<vmem>>
    %dma_wait3A_702 = arith.constant 0 : i32
    %dma_wait3A_703 = arith.constant 0 : i32
    %dma_wait3A_704 = tpu.memref_slice %arg4[%dma_wait3A_696, %dma_wait3A_697, %dma_wait3A_698, %dma_wait3A_702, %dma_wait3A_703] : memref<50x8x128x8x128xf32, #tpu.memory_space<hbm>> -> memref<1x1x1x8x128xf32, #tpu.memory_space<hbm>>
    %dma_wait3A_705 = tpu.memref_squeeze %dma_wait3A_704 : memref<1x1x1x8x128xf32, #tpu.memory_space<hbm>> -> memref<8x128xf32, #tpu.memory_space<hbm>>
    %dma_wait3A_706 = arith.constant 0 : i32
    %dma_wait3A_707 = arith.constant 0 : i32
    %dma_wait3A_708 = tpu.memref_slice %arg4[%dma_wait3A_696, %dma_wait3A_697, %dma_wait3A_698, %dma_wait3A_706, %dma_wait3A_707] : memref<50x8x128x8x128xf32, #tpu.memory_space<hbm>> -> memref<1x1x1x8x128xf32, #tpu.memory_space<hbm>>
    %dma_wait3A_709 = tpu.memref_squeeze %dma_wait3A_708 : memref<1x1x1x8x128xf32, #tpu.memory_space<hbm>> -> memref<8x128xf32, #tpu.memory_space<hbm>>
    %dma_wait3A_710 = arith.constant 8 : i32
    %dma_wait3A_711 = arith.constant 0 : i32
    %dma_wait3A_712 = tpu.memref_slice %arg10[%dma_wait3A_710, %dma_wait3A_711] : memref<64x128xf32, #tpu.memory_space<vmem>> -> memref<8x128xf32, #tpu.memory_space<vmem>>
    tpu.wait_dma2 semaphore(%arg18 : memref<!tpu.dma_semaphore, #tpu.memory_space<semaphore_mem>>) src(%dma_wait3A_712 : memref<8x128xf32, #tpu.memory_space<vmem>>) dst(%dma_wait3A_709 : memref<8x128xf32, #tpu.memory_space<hbm>>)
    %dma_wait3A_713 = arith.constant 0 : i32
    %dma_wait3A_714 = arith.constant 2 : i32
    %dma_wait3A_715 = arith.constant 0 : i32
    %dma_wait3A_716 = arith.constant 16 : i32
    %dma_wait3A_717 = arith.constant 0 : i32
    %dma_wait3A_718 = tpu.memref_slice %arg10[%dma_wait3A_716, %dma_wait3A_717] : memref<64x128xf32, #tpu.memory_space<vmem>> -> memref<8x128xf32, #tpu.memory_space<vmem>>
    %dma_wait3A_719 = arith.constant 0 : i32
    %dma_wait3A_720 = arith.constant 0 : i32
    %dma_wait3A_721 = tpu.memref_slice %arg4[%dma_wait3A_713, %dma_wait3A_714, %dma_wait3A_715, %dma_wait3A_719, %dma_wait3A_720] : memref<50x8x128x8x128xf32, #tpu.memory_space<hbm>> -> memref<1x1x1x8x128xf32, #tpu.memory_space<hbm>>
    %dma_wait3A_722 = tpu.memref_squeeze %dma_wait3A_721 : memref<1x1x1x8x128xf32, #tpu.memory_space<hbm>> -> memref<8x128xf32, #tpu.memory_space<hbm>>
    %dma_wait3A_723 = arith.constant 0 : i32
    %dma_wait3A_724 = arith.constant 0 : i32
    %dma_wait3A_725 = tpu.memref_slice %arg4[%dma_wait3A_713, %dma_wait3A_714, %dma_wait3A_715, %dma_wait3A_723, %dma_wait3A_724] : memref<50x8x128x8x128xf32, #tpu.memory_space<hbm>> -> memref<1x1x1x8x128xf32, #tpu.memory_space<hbm>>
    %dma_wait3A_726 = tpu.memref_squeeze %dma_wait3A_725 : memref<1x1x1x8x128xf32, #tpu.memory_space<hbm>> -> memref<8x128xf32, #tpu.memory_space<hbm>>
    %dma_wait3A_727 = arith.constant 16 : i32
    %dma_wait3A_728 = arith.constant 0 : i32
    %dma_wait3A_729 = tpu.memref_slice %arg10[%dma_wait3A_727, %dma_wait3A_728] : memref<64x128xf32, #tpu.memory_space<vmem>> -> memref<8x128xf32, #tpu.memory_space<vmem>>
    tpu.wait_dma2 semaphore(%arg18 : memref<!tpu.dma_semaphore, #tpu.memory_space<semaphore_mem>>) src(%dma_wait3A_729 : memref<8x128xf32, #tpu.memory_space<vmem>>) dst(%dma_wait3A_726 : memref<8x128xf32, #tpu.memory_space<hbm>>)
    %dma_wait3A_730 = arith.constant 0 : i32
    %dma_wait3A_731 = arith.constant 3 : i32
    %dma_wait3A_732 = arith.constant 0 : i32
    %dma_wait3A_733 = arith.constant 24 : i32
    %dma_wait3A_734 = arith.constant 0 : i32
    %dma_wait3A_735 = tpu.memref_slice %arg10[%dma_wait3A_733, %dma_wait3A_734] : memref<64x128xf32, #tpu.memory_space<vmem>> -> memref<8x128xf32, #tpu.memory_space<vmem>>
    %dma_wait3A_736 = arith.constant 0 : i32
    %dma_wait3A_737 = arith.constant 0 : i32
    %dma_wait3A_738 = tpu.memref_slice %arg4[%dma_wait3A_730, %dma_wait3A_731, %dma_wait3A_732, %dma_wait3A_736, %dma_wait3A_737] : memref<50x8x128x8x128xf32, #tpu.memory_space<hbm>> -> memref<1x1x1x8x128xf32, #tpu.memory_space<hbm>>
    %dma_wait3A_739 = tpu.memref_squeeze %dma_wait3A_738 : memref<1x1x1x8x128xf32, #tpu.memory_space<hbm>> -> memref<8x128xf32, #tpu.memory_space<hbm>>
    %dma_wait3A_740 = arith.constant 0 : i32
    %dma_wait3A_741 = arith.constant 0 : i32
    %dma_wait3A_742 = tpu.memref_slice %arg4[%dma_wait3A_730, %dma_wait3A_731, %dma_wait3A_732, %dma_wait3A_740, %dma_wait3A_741] : memref<50x8x128x8x128xf32, #tpu.memory_space<hbm>> -> memref<1x1x1x8x128xf32, #tpu.memory_space<hbm>>
    %dma_wait3A_743 = tpu.memref_squeeze %dma_wait3A_742 : memref<1x1x1x8x128xf32, #tpu.memory_space<hbm>> -> memref<8x128xf32, #tpu.memory_space<hbm>>
    %dma_wait3A_744 = arith.constant 24 : i32
    %dma_wait3A_745 = arith.constant 0 : i32
    %dma_wait3A_746 = tpu.memref_slice %arg10[%dma_wait3A_744, %dma_wait3A_745] : memref<64x128xf32, #tpu.memory_space<vmem>> -> memref<8x128xf32, #tpu.memory_space<vmem>>
    tpu.wait_dma2 semaphore(%arg18 : memref<!tpu.dma_semaphore, #tpu.memory_space<semaphore_mem>>) src(%dma_wait3A_746 : memref<8x128xf32, #tpu.memory_space<vmem>>) dst(%dma_wait3A_743 : memref<8x128xf32, #tpu.memory_space<hbm>>)
    %dma_wait3A_747 = arith.constant 0 : i32
    %dma_wait3A_748 = arith.constant 4 : i32
    %dma_wait3A_749 = arith.constant 0 : i32
    %dma_wait3A_750 = arith.constant 32 : i32
    %dma_wait3A_751 = arith.constant 0 : i32
    %dma_wait3A_752 = tpu.memref_slice %arg10[%dma_wait3A_750, %dma_wait3A_751] : memref<64x128xf32, #tpu.memory_space<vmem>> -> memref<8x128xf32, #tpu.memory_space<vmem>>
    %dma_wait3A_753 = arith.constant 0 : i32
    %dma_wait3A_754 = arith.constant 0 : i32
    %dma_wait3A_755 = tpu.memref_slice %arg4[%dma_wait3A_747, %dma_wait3A_748, %dma_wait3A_749, %dma_wait3A_753, %dma_wait3A_754] : memref<50x8x128x8x128xf32, #tpu.memory_space<hbm>> -> memref<1x1x1x8x128xf32, #tpu.memory_space<hbm>>
    %dma_wait3A_756 = tpu.memref_squeeze %dma_wait3A_755 : memref<1x1x1x8x128xf32, #tpu.memory_space<hbm>> -> memref<8x128xf32, #tpu.memory_space<hbm>>
    %dma_wait3A_757 = arith.constant 0 : i32
    %dma_wait3A_758 = arith.constant 0 : i32
    %dma_wait3A_759 = tpu.memref_slice %arg4[%dma_wait3A_747, %dma_wait3A_748, %dma_wait3A_749, %dma_wait3A_757, %dma_wait3A_758] : memref<50x8x128x8x128xf32, #tpu.memory_space<hbm>> -> memref<1x1x1x8x128xf32, #tpu.memory_space<hbm>>
    %dma_wait3A_760 = tpu.memref_squeeze %dma_wait3A_759 : memref<1x1x1x8x128xf32, #tpu.memory_space<hbm>> -> memref<8x128xf32, #tpu.memory_space<hbm>>
    %dma_wait3A_761 = arith.constant 32 : i32
    %dma_wait3A_762 = arith.constant 0 : i32
    %dma_wait3A_763 = tpu.memref_slice %arg10[%dma_wait3A_761, %dma_wait3A_762] : memref<64x128xf32, #tpu.memory_space<vmem>> -> memref<8x128xf32, #tpu.memory_space<vmem>>
    tpu.wait_dma2 semaphore(%arg18 : memref<!tpu.dma_semaphore, #tpu.memory_space<semaphore_mem>>) src(%dma_wait3A_763 : memref<8x128xf32, #tpu.memory_space<vmem>>) dst(%dma_wait3A_760 : memref<8x128xf32, #tpu.memory_space<hbm>>)
    %dma_wait3A_764 = arith.constant 0 : i32
    %dma_wait3A_765 = arith.constant 5 : i32
    %dma_wait3A_766 = arith.constant 0 : i32
    %dma_wait3A_767 = arith.constant 40 : i32
    %dma_wait3A_768 = arith.constant 0 : i32
    %dma_wait3A_769 = tpu.memref_slice %arg10[%dma_wait3A_767, %dma_wait3A_768] : memref<64x128xf32, #tpu.memory_space<vmem>> -> memref<8x128xf32, #tpu.memory_space<vmem>>
    %dma_wait3A_770 = arith.constant 0 : i32
    %dma_wait3A_771 = arith.constant 0 : i32
    %dma_wait3A_772 = tpu.memref_slice %arg4[%dma_wait3A_764, %dma_wait3A_765, %dma_wait3A_766, %dma_wait3A_770, %dma_wait3A_771] : memref<50x8x128x8x128xf32, #tpu.memory_space<hbm>> -> memref<1x1x1x8x128xf32, #tpu.memory_space<hbm>>
    %dma_wait3A_773 = tpu.memref_squeeze %dma_wait3A_772 : memref<1x1x1x8x128xf32, #tpu.memory_space<hbm>> -> memref<8x128xf32, #tpu.memory_space<hbm>>
    %dma_wait3A_774 = arith.constant 0 : i32
    %dma_wait3A_775 = arith.constant 0 : i32
    %dma_wait3A_776 = tpu.memref_slice %arg4[%dma_wait3A_764, %dma_wait3A_765, %dma_wait3A_766, %dma_wait3A_774, %dma_wait3A_775] : memref<50x8x128x8x128xf32, #tpu.memory_space<hbm>> -> memref<1x1x1x8x128xf32, #tpu.memory_space<hbm>>
    %dma_wait3A_777 = tpu.memref_squeeze %dma_wait3A_776 : memref<1x1x1x8x128xf32, #tpu.memory_space<hbm>> -> memref<8x128xf32, #tpu.memory_space<hbm>>
    %dma_wait3A_778 = arith.constant 40 : i32
    %dma_wait3A_779 = arith.constant 0 : i32
    %dma_wait3A_780 = tpu.memref_slice %arg10[%dma_wait3A_778, %dma_wait3A_779] : memref<64x128xf32, #tpu.memory_space<vmem>> -> memref<8x128xf32, #tpu.memory_space<vmem>>
    tpu.wait_dma2 semaphore(%arg18 : memref<!tpu.dma_semaphore, #tpu.memory_space<semaphore_mem>>) src(%dma_wait3A_780 : memref<8x128xf32, #tpu.memory_space<vmem>>) dst(%dma_wait3A_777 : memref<8x128xf32, #tpu.memory_space<hbm>>)
    %dma_wait3A_781 = arith.constant 0 : i32
    %dma_wait3A_782 = arith.constant 6 : i32
    %dma_wait3A_783 = arith.constant 0 : i32
    %dma_wait3A_784 = arith.constant 48 : i32
    %dma_wait3A_785 = arith.constant 0 : i32
    %dma_wait3A_786 = tpu.memref_slice %arg10[%dma_wait3A_784, %dma_wait3A_785] : memref<64x128xf32, #tpu.memory_space<vmem>> -> memref<8x128xf32, #tpu.memory_space<vmem>>
    %dma_wait3A_787 = arith.constant 0 : i32
    %dma_wait3A_788 = arith.constant 0 : i32
    %dma_wait3A_789 = tpu.memref_slice %arg4[%dma_wait3A_781, %dma_wait3A_782, %dma_wait3A_783, %dma_wait3A_787, %dma_wait3A_788] : memref<50x8x128x8x128xf32, #tpu.memory_space<hbm>> -> memref<1x1x1x8x128xf32, #tpu.memory_space<hbm>>
    %dma_wait3A_790 = tpu.memref_squeeze %dma_wait3A_789 : memref<1x1x1x8x128xf32, #tpu.memory_space<hbm>> -> memref<8x128xf32, #tpu.memory_space<hbm>>
    %dma_wait3A_791 = arith.constant 0 : i32
    %dma_wait3A_792 = arith.constant 0 : i32
    %dma_wait3A_793 = tpu.memref_slice %arg4[%dma_wait3A_781, %dma_wait3A_782, %dma_wait3A_783, %dma_wait3A_791, %dma_wait3A_792] : memref<50x8x128x8x128xf32, #tpu.memory_space<hbm>> -> memref<1x1x1x8x128xf32, #tpu.memory_space<hbm>>
    %dma_wait3A_794 = tpu.memref_squeeze %dma_wait3A_793 : memref<1x1x1x8x128xf32, #tpu.memory_space<hbm>> -> memref<8x128xf32, #tpu.memory_space<hbm>>
    %dma_wait3A_795 = arith.constant 48 : i32
    %dma_wait3A_796 = arith.constant 0 : i32
    %dma_wait3A_797 = tpu.memref_slice %arg10[%dma_wait3A_795, %dma_wait3A_796] : memref<64x128xf32, #tpu.memory_space<vmem>> -> memref<8x128xf32, #tpu.memory_space<vmem>>
    tpu.wait_dma2 semaphore(%arg18 : memref<!tpu.dma_semaphore, #tpu.memory_space<semaphore_mem>>) src(%dma_wait3A_797 : memref<8x128xf32, #tpu.memory_space<vmem>>) dst(%dma_wait3A_794 : memref<8x128xf32, #tpu.memory_space<hbm>>)
    %dma_wait3A_798 = arith.constant 0 : i32
    %dma_wait3A_799 = arith.constant 7 : i32
    %dma_wait3A_800 = arith.constant 0 : i32
    %dma_wait3A_801 = arith.constant 56 : i32
    %dma_wait3A_802 = arith.constant 0 : i32
    %dma_wait3A_803 = tpu.memref_slice %arg10[%dma_wait3A_801, %dma_wait3A_802] : memref<64x128xf32, #tpu.memory_space<vmem>> -> memref<8x128xf32, #tpu.memory_space<vmem>>
    %dma_wait3A_804 = arith.constant 0 : i32
    %dma_wait3A_805 = arith.constant 0 : i32
    %dma_wait3A_806 = tpu.memref_slice %arg4[%dma_wait3A_798, %dma_wait3A_799, %dma_wait3A_800, %dma_wait3A_804, %dma_wait3A_805] : memref<50x8x128x8x128xf32, #tpu.memory_space<hbm>> -> memref<1x1x1x8x128xf32, #tpu.memory_space<hbm>>
    %dma_wait3A_807 = tpu.memref_squeeze %dma_wait3A_806 : memref<1x1x1x8x128xf32, #tpu.memory_space<hbm>> -> memref<8x128xf32, #tpu.memory_space<hbm>>
    %dma_wait3A_808 = arith.constant 0 : i32
    %dma_wait3A_809 = arith.constant 0 : i32
    %dma_wait3A_810 = tpu.memref_slice %arg4[%dma_wait3A_798, %dma_wait3A_799, %dma_wait3A_800, %dma_wait3A_808, %dma_wait3A_809] : memref<50x8x128x8x128xf32, #tpu.memory_space<hbm>> -> memref<1x1x1x8x128xf32, #tpu.memory_space<hbm>>
    %dma_wait3A_811 = tpu.memref_squeeze %dma_wait3A_810 : memref<1x1x1x8x128xf32, #tpu.memory_space<hbm>> -> memref<8x128xf32, #tpu.memory_space<hbm>>
    %dma_wait3A_812 = arith.constant 56 : i32
    %dma_wait3A_813 = arith.constant 0 : i32
    %dma_wait3A_814 = tpu.memref_slice %arg10[%dma_wait3A_812, %dma_wait3A_813] : memref<64x128xf32, #tpu.memory_space<vmem>> -> memref<8x128xf32, #tpu.memory_space<vmem>>
    tpu.wait_dma2 semaphore(%arg18 : memref<!tpu.dma_semaphore, #tpu.memory_space<semaphore_mem>>) src(%dma_wait3A_814 : memref<8x128xf32, #tpu.memory_space<vmem>>) dst(%dma_wait3A_811 : memref<8x128xf32, #tpu.memory_space<hbm>>)
    %dma_wait3A_815 = arith.constant 0 : i32
    %dma_wait3A_816 = arith.constant 0 : i32
    %dma_wait3A_817 = tpu.memref_slice %arg5[%dma_wait3A_815, %dma_wait3A_816] : memref<200x128xi32, #tpu.memory_space<vmem>> -> memref<1x128xi32, #tpu.memory_space<vmem>>
    %dma_wait3A_818 = tpu.memref_squeeze %dma_wait3A_817 : memref<1x128xi32, #tpu.memory_space<vmem>> -> memref<128xi32, #tpu.memory_space<vmem>>
    %dma_wait3A_819 = arith.constant 0 : i32
    %dma_wait3A_820 = arith.constant 0 : i32
    %dma_wait3A_821 = tpu.memref_slice %arg2[%dma_wait3A_819, %dma_wait3A_820] : memref<1000000x64xf32, #tpu.memory_space<hbm>> -> memref<1000000x64xf32, #tpu.memory_space<hbm>>
    tpu.wait_indirect_dma semaphore(%arg15 : memref<!tpu.dma_semaphore, #tpu.memory_space<semaphore_mem>>) src(%dma_wait3A_821 : memref<1000000x64xf32, #tpu.memory_space<hbm>>) dst(%arg7 : memref<128x64xf32, #tpu.memory_space<vmem>>)
    %dma_wait3A_822 = arith.constant 0 : i32
    %dma_wait3A_823 = arith.constant 0 : i32
    %dma_wait3A_824 = arith.constant 0 : i32
    %dma_wait3A_825 = arith.constant 0 : i32
    %dma_wait3A_826 = arith.constant 0 : i32
    %dma_wait3A_827 = tpu.memref_slice %arg11[%dma_wait3A_825, %dma_wait3A_826] : memref<64x128xf32, #tpu.memory_space<vmem>> -> memref<8x128xf32, #tpu.memory_space<vmem>>
    %dma_wait3A_828 = arith.constant 0 : i32
    %dma_wait3A_829 = arith.constant 0 : i32
    %dma_wait3A_830 = tpu.memref_slice %arg4[%dma_wait3A_822, %dma_wait3A_823, %dma_wait3A_824, %dma_wait3A_828, %dma_wait3A_829] : memref<50x8x128x8x128xf32, #tpu.memory_space<hbm>> -> memref<1x1x1x8x128xf32, #tpu.memory_space<hbm>>
    %dma_wait3A_831 = tpu.memref_squeeze %dma_wait3A_830 : memref<1x1x1x8x128xf32, #tpu.memory_space<hbm>> -> memref<8x128xf32, #tpu.memory_space<hbm>>
    %dma_wait3A_832 = arith.constant 0 : i32
    %dma_wait3A_833 = arith.constant 0 : i32
    %dma_wait3A_834 = tpu.memref_slice %arg4[%dma_wait3A_822, %dma_wait3A_823, %dma_wait3A_824, %dma_wait3A_832, %dma_wait3A_833] : memref<50x8x128x8x128xf32, #tpu.memory_space<hbm>> -> memref<1x1x1x8x128xf32, #tpu.memory_space<hbm>>
    %dma_wait3A_835 = tpu.memref_squeeze %dma_wait3A_834 : memref<1x1x1x8x128xf32, #tpu.memory_space<hbm>> -> memref<8x128xf32, #tpu.memory_space<hbm>>
    %dma_wait3A_836 = arith.constant 0 : i32
    %dma_wait3A_837 = arith.constant 0 : i32
    %dma_wait3A_838 = tpu.memref_slice %arg11[%dma_wait3A_836, %dma_wait3A_837] : memref<64x128xf32, #tpu.memory_space<vmem>> -> memref<8x128xf32, #tpu.memory_space<vmem>>
    tpu.wait_dma2 semaphore(%arg19 : memref<!tpu.dma_semaphore, #tpu.memory_space<semaphore_mem>>) src(%dma_wait3A_838 : memref<8x128xf32, #tpu.memory_space<vmem>>) dst(%dma_wait3A_835 : memref<8x128xf32, #tpu.memory_space<hbm>>)
    %dma_wait3A_839 = arith.constant 0 : i32
    %dma_wait3A_840 = arith.constant 1 : i32
    %dma_wait3A_841 = arith.constant 0 : i32
    %dma_wait3A_842 = arith.constant 8 : i32
    %dma_wait3A_843 = arith.constant 0 : i32
    %dma_wait3A_844 = tpu.memref_slice %arg11[%dma_wait3A_842, %dma_wait3A_843] : memref<64x128xf32, #tpu.memory_space<vmem>> -> memref<8x128xf32, #tpu.memory_space<vmem>>
    %dma_wait3A_845 = arith.constant 0 : i32
    %dma_wait3A_846 = arith.constant 0 : i32
    %dma_wait3A_847 = tpu.memref_slice %arg4[%dma_wait3A_839, %dma_wait3A_840, %dma_wait3A_841, %dma_wait3A_845, %dma_wait3A_846] : memref<50x8x128x8x128xf32, #tpu.memory_space<hbm>> -> memref<1x1x1x8x128xf32, #tpu.memory_space<hbm>>
    %dma_wait3A_848 = tpu.memref_squeeze %dma_wait3A_847 : memref<1x1x1x8x128xf32, #tpu.memory_space<hbm>> -> memref<8x128xf32, #tpu.memory_space<hbm>>
    %dma_wait3A_849 = arith.constant 0 : i32
    %dma_wait3A_850 = arith.constant 0 : i32
    %dma_wait3A_851 = tpu.memref_slice %arg4[%dma_wait3A_839, %dma_wait3A_840, %dma_wait3A_841, %dma_wait3A_849, %dma_wait3A_850] : memref<50x8x128x8x128xf32, #tpu.memory_space<hbm>> -> memref<1x1x1x8x128xf32, #tpu.memory_space<hbm>>
    %dma_wait3A_852 = tpu.memref_squeeze %dma_wait3A_851 : memref<1x1x1x8x128xf32, #tpu.memory_space<hbm>> -> memref<8x128xf32, #tpu.memory_space<hbm>>
    %dma_wait3A_853 = arith.constant 8 : i32
    %dma_wait3A_854 = arith.constant 0 : i32
    %dma_wait3A_855 = tpu.memref_slice %arg11[%dma_wait3A_853, %dma_wait3A_854] : memref<64x128xf32, #tpu.memory_space<vmem>> -> memref<8x128xf32, #tpu.memory_space<vmem>>
    tpu.wait_dma2 semaphore(%arg19 : memref<!tpu.dma_semaphore, #tpu.memory_space<semaphore_mem>>) src(%dma_wait3A_855 : memref<8x128xf32, #tpu.memory_space<vmem>>) dst(%dma_wait3A_852 : memref<8x128xf32, #tpu.memory_space<hbm>>)
    %dma_wait3A_856 = arith.constant 0 : i32
    %dma_wait3A_857 = arith.constant 2 : i32
    %dma_wait3A_858 = arith.constant 0 : i32
    %dma_wait3A_859 = arith.constant 16 : i32
    %dma_wait3A_860 = arith.constant 0 : i32
    %dma_wait3A_861 = tpu.memref_slice %arg11[%dma_wait3A_859, %dma_wait3A_860] : memref<64x128xf32, #tpu.memory_space<vmem>> -> memref<8x128xf32, #tpu.memory_space<vmem>>
    %dma_wait3A_862 = arith.constant 0 : i32
    %dma_wait3A_863 = arith.constant 0 : i32
    %dma_wait3A_864 = tpu.memref_slice %arg4[%dma_wait3A_856, %dma_wait3A_857, %dma_wait3A_858, %dma_wait3A_862, %dma_wait3A_863] : memref<50x8x128x8x128xf32, #tpu.memory_space<hbm>> -> memref<1x1x1x8x128xf32, #tpu.memory_space<hbm>>
    %dma_wait3A_865 = tpu.memref_squeeze %dma_wait3A_864 : memref<1x1x1x8x128xf32, #tpu.memory_space<hbm>> -> memref<8x128xf32, #tpu.memory_space<hbm>>
    %dma_wait3A_866 = arith.constant 0 : i32
    %dma_wait3A_867 = arith.constant 0 : i32
    %dma_wait3A_868 = tpu.memref_slice %arg4[%dma_wait3A_856, %dma_wait3A_857, %dma_wait3A_858, %dma_wait3A_866, %dma_wait3A_867] : memref<50x8x128x8x128xf32, #tpu.memory_space<hbm>> -> memref<1x1x1x8x128xf32, #tpu.memory_space<hbm>>
    %dma_wait3A_869 = tpu.memref_squeeze %dma_wait3A_868 : memref<1x1x1x8x128xf32, #tpu.memory_space<hbm>> -> memref<8x128xf32, #tpu.memory_space<hbm>>
    %dma_wait3A_870 = arith.constant 16 : i32
    %dma_wait3A_871 = arith.constant 0 : i32
    %dma_wait3A_872 = tpu.memref_slice %arg11[%dma_wait3A_870, %dma_wait3A_871] : memref<64x128xf32, #tpu.memory_space<vmem>> -> memref<8x128xf32, #tpu.memory_space<vmem>>
    tpu.wait_dma2 semaphore(%arg19 : memref<!tpu.dma_semaphore, #tpu.memory_space<semaphore_mem>>) src(%dma_wait3A_872 : memref<8x128xf32, #tpu.memory_space<vmem>>) dst(%dma_wait3A_869 : memref<8x128xf32, #tpu.memory_space<hbm>>)
    %dma_wait3A_873 = arith.constant 0 : i32
    %dma_wait3A_874 = arith.constant 3 : i32
    %dma_wait3A_875 = arith.constant 0 : i32
    %dma_wait3A_876 = arith.constant 24 : i32
    %dma_wait3A_877 = arith.constant 0 : i32
    %dma_wait3A_878 = tpu.memref_slice %arg11[%dma_wait3A_876, %dma_wait3A_877] : memref<64x128xf32, #tpu.memory_space<vmem>> -> memref<8x128xf32, #tpu.memory_space<vmem>>
    %dma_wait3A_879 = arith.constant 0 : i32
    %dma_wait3A_880 = arith.constant 0 : i32
    %dma_wait3A_881 = tpu.memref_slice %arg4[%dma_wait3A_873, %dma_wait3A_874, %dma_wait3A_875, %dma_wait3A_879, %dma_wait3A_880] : memref<50x8x128x8x128xf32, #tpu.memory_space<hbm>> -> memref<1x1x1x8x128xf32, #tpu.memory_space<hbm>>
    %dma_wait3A_882 = tpu.memref_squeeze %dma_wait3A_881 : memref<1x1x1x8x128xf32, #tpu.memory_space<hbm>> -> memref<8x128xf32, #tpu.memory_space<hbm>>
    %dma_wait3A_883 = arith.constant 0 : i32
    %dma_wait3A_884 = arith.constant 0 : i32
    %dma_wait3A_885 = tpu.memref_slice %arg4[%dma_wait3A_873, %dma_wait3A_874, %dma_wait3A_875, %dma_wait3A_883, %dma_wait3A_884] : memref<50x8x128x8x128xf32, #tpu.memory_space<hbm>> -> memref<1x1x1x8x128xf32, #tpu.memory_space<hbm>>
    %dma_wait3A_886 = tpu.memref_squeeze %dma_wait3A_885 : memref<1x1x1x8x128xf32, #tpu.memory_space<hbm>> -> memref<8x128xf32, #tpu.memory_space<hbm>>
    %dma_wait3A_887 = arith.constant 24 : i32
    %dma_wait3A_888 = arith.constant 0 : i32
    %dma_wait3A_889 = tpu.memref_slice %arg11[%dma_wait3A_887, %dma_wait3A_888] : memref<64x128xf32, #tpu.memory_space<vmem>> -> memref<8x128xf32, #tpu.memory_space<vmem>>
    tpu.wait_dma2 semaphore(%arg19 : memref<!tpu.dma_semaphore, #tpu.memory_space<semaphore_mem>>) src(%dma_wait3A_889 : memref<8x128xf32, #tpu.memory_space<vmem>>) dst(%dma_wait3A_886 : memref<8x128xf32, #tpu.memory_space<hbm>>)
    %dma_wait3A_890 = arith.constant 0 : i32
    %dma_wait3A_891 = arith.constant 4 : i32
    %dma_wait3A_892 = arith.constant 0 : i32
    %dma_wait3A_893 = arith.constant 32 : i32
    %dma_wait3A_894 = arith.constant 0 : i32
    %dma_wait3A_895 = tpu.memref_slice %arg11[%dma_wait3A_893, %dma_wait3A_894] : memref<64x128xf32, #tpu.memory_space<vmem>> -> memref<8x128xf32, #tpu.memory_space<vmem>>
    %dma_wait3A_896 = arith.constant 0 : i32
    %dma_wait3A_897 = arith.constant 0 : i32
    %dma_wait3A_898 = tpu.memref_slice %arg4[%dma_wait3A_890, %dma_wait3A_891, %dma_wait3A_892, %dma_wait3A_896, %dma_wait3A_897] : memref<50x8x128x8x128xf32, #tpu.memory_space<hbm>> -> memref<1x1x1x8x128xf32, #tpu.memory_space<hbm>>
    %dma_wait3A_899 = tpu.memref_squeeze %dma_wait3A_898 : memref<1x1x1x8x128xf32, #tpu.memory_space<hbm>> -> memref<8x128xf32, #tpu.memory_space<hbm>>
    %dma_wait3A_900 = arith.constant 0 : i32
    %dma_wait3A_901 = arith.constant 0 : i32
    %dma_wait3A_902 = tpu.memref_slice %arg4[%dma_wait3A_890, %dma_wait3A_891, %dma_wait3A_892, %dma_wait3A_900, %dma_wait3A_901] : memref<50x8x128x8x128xf32, #tpu.memory_space<hbm>> -> memref<1x1x1x8x128xf32, #tpu.memory_space<hbm>>
    %dma_wait3A_903 = tpu.memref_squeeze %dma_wait3A_902 : memref<1x1x1x8x128xf32, #tpu.memory_space<hbm>> -> memref<8x128xf32, #tpu.memory_space<hbm>>
    %dma_wait3A_904 = arith.constant 32 : i32
    %dma_wait3A_905 = arith.constant 0 : i32
    %dma_wait3A_906 = tpu.memref_slice %arg11[%dma_wait3A_904, %dma_wait3A_905] : memref<64x128xf32, #tpu.memory_space<vmem>> -> memref<8x128xf32, #tpu.memory_space<vmem>>
    tpu.wait_dma2 semaphore(%arg19 : memref<!tpu.dma_semaphore, #tpu.memory_space<semaphore_mem>>) src(%dma_wait3A_906 : memref<8x128xf32, #tpu.memory_space<vmem>>) dst(%dma_wait3A_903 : memref<8x128xf32, #tpu.memory_space<hbm>>)
    %dma_wait3A_907 = arith.constant 0 : i32
    %dma_wait3A_908 = arith.constant 5 : i32
    %dma_wait3A_909 = arith.constant 0 : i32
    %dma_wait3A_910 = arith.constant 40 : i32
    %dma_wait3A_911 = arith.constant 0 : i32
    %dma_wait3A_912 = tpu.memref_slice %arg11[%dma_wait3A_910, %dma_wait3A_911] : memref<64x128xf32, #tpu.memory_space<vmem>> -> memref<8x128xf32, #tpu.memory_space<vmem>>
    %dma_wait3A_913 = arith.constant 0 : i32
    %dma_wait3A_914 = arith.constant 0 : i32
    %dma_wait3A_915 = tpu.memref_slice %arg4[%dma_wait3A_907, %dma_wait3A_908, %dma_wait3A_909, %dma_wait3A_913, %dma_wait3A_914] : memref<50x8x128x8x128xf32, #tpu.memory_space<hbm>> -> memref<1x1x1x8x128xf32, #tpu.memory_space<hbm>>
    %dma_wait3A_916 = tpu.memref_squeeze %dma_wait3A_915 : memref<1x1x1x8x128xf32, #tpu.memory_space<hbm>> -> memref<8x128xf32, #tpu.memory_space<hbm>>
    %dma_wait3A_917 = arith.constant 0 : i32
    %dma_wait3A_918 = arith.constant 0 : i32
    %dma_wait3A_919 = tpu.memref_slice %arg4[%dma_wait3A_907, %dma_wait3A_908, %dma_wait3A_909, %dma_wait3A_917, %dma_wait3A_918] : memref<50x8x128x8x128xf32, #tpu.memory_space<hbm>> -> memref<1x1x1x8x128xf32, #tpu.memory_space<hbm>>
    %dma_wait3A_920 = tpu.memref_squeeze %dma_wait3A_919 : memref<1x1x1x8x128xf32, #tpu.memory_space<hbm>> -> memref<8x128xf32, #tpu.memory_space<hbm>>
    %dma_wait3A_921 = arith.constant 40 : i32
    %dma_wait3A_922 = arith.constant 0 : i32
    %dma_wait3A_923 = tpu.memref_slice %arg11[%dma_wait3A_921, %dma_wait3A_922] : memref<64x128xf32, #tpu.memory_space<vmem>> -> memref<8x128xf32, #tpu.memory_space<vmem>>
    tpu.wait_dma2 semaphore(%arg19 : memref<!tpu.dma_semaphore, #tpu.memory_space<semaphore_mem>>) src(%dma_wait3A_923 : memref<8x128xf32, #tpu.memory_space<vmem>>) dst(%dma_wait3A_920 : memref<8x128xf32, #tpu.memory_space<hbm>>)
    %dma_wait3A_924 = arith.constant 0 : i32
    %dma_wait3A_925 = arith.constant 6 : i32
    %dma_wait3A_926 = arith.constant 0 : i32
    %dma_wait3A_927 = arith.constant 48 : i32
    %dma_wait3A_928 = arith.constant 0 : i32
    %dma_wait3A_929 = tpu.memref_slice %arg11[%dma_wait3A_927, %dma_wait3A_928] : memref<64x128xf32, #tpu.memory_space<vmem>> -> memref<8x128xf32, #tpu.memory_space<vmem>>
    %dma_wait3A_930 = arith.constant 0 : i32
    %dma_wait3A_931 = arith.constant 0 : i32
    %dma_wait3A_932 = tpu.memref_slice %arg4[%dma_wait3A_924, %dma_wait3A_925, %dma_wait3A_926, %dma_wait3A_930, %dma_wait3A_931] : memref<50x8x128x8x128xf32, #tpu.memory_space<hbm>> -> memref<1x1x1x8x128xf32, #tpu.memory_space<hbm>>
    %dma_wait3A_933 = tpu.memref_squeeze %dma_wait3A_932 : memref<1x1x1x8x128xf32, #tpu.memory_space<hbm>> -> memref<8x128xf32, #tpu.memory_space<hbm>>
    %dma_wait3A_934 = arith.constant 0 : i32
    %dma_wait3A_935 = arith.constant 0 : i32
    %dma_wait3A_936 = tpu.memref_slice %arg4[%dma_wait3A_924, %dma_wait3A_925, %dma_wait3A_926, %dma_wait3A_934, %dma_wait3A_935] : memref<50x8x128x8x128xf32, #tpu.memory_space<hbm>> -> memref<1x1x1x8x128xf32, #tpu.memory_space<hbm>>
    %dma_wait3A_937 = tpu.memref_squeeze %dma_wait3A_936 : memref<1x1x1x8x128xf32, #tpu.memory_space<hbm>> -> memref<8x128xf32, #tpu.memory_space<hbm>>
    %dma_wait3A_938 = arith.constant 48 : i32
    %dma_wait3A_939 = arith.constant 0 : i32
    %dma_wait3A_940 = tpu.memref_slice %arg11[%dma_wait3A_938, %dma_wait3A_939] : memref<64x128xf32, #tpu.memory_space<vmem>> -> memref<8x128xf32, #tpu.memory_space<vmem>>
    tpu.wait_dma2 semaphore(%arg19 : memref<!tpu.dma_semaphore, #tpu.memory_space<semaphore_mem>>) src(%dma_wait3A_940 : memref<8x128xf32, #tpu.memory_space<vmem>>) dst(%dma_wait3A_937 : memref<8x128xf32, #tpu.memory_space<hbm>>)
    %dma_wait3A_941 = arith.constant 0 : i32
    %dma_wait3A_942 = arith.constant 7 : i32
    %dma_wait3A_943 = arith.constant 0 : i32
    %dma_wait3A_944 = arith.constant 56 : i32
    %dma_wait3A_945 = arith.constant 0 : i32
    %dma_wait3A_946 = tpu.memref_slice %arg11[%dma_wait3A_944, %dma_wait3A_945] : memref<64x128xf32, #tpu.memory_space<vmem>> -> memref<8x128xf32, #tpu.memory_space<vmem>>
    %dma_wait3A_947 = arith.constant 0 : i32
    %dma_wait3A_948 = arith.constant 0 : i32
    %dma_wait3A_949 = tpu.memref_slice %arg4[%dma_wait3A_941, %dma_wait3A_942, %dma_wait3A_943, %dma_wait3A_947, %dma_wait3A_948] : memref<50x8x128x8x128xf32, #tpu.memory_space<hbm>> -> memref<1x1x1x8x128xf32, #tpu.memory_space<hbm>>
    %dma_wait3A_950 = tpu.memref_squeeze %dma_wait3A_949 : memref<1x1x1x8x128xf32, #tpu.memory_space<hbm>> -> memref<8x128xf32, #tpu.memory_space<hbm>>
    %dma_wait3A_951 = arith.constant 0 : i32
    %dma_wait3A_952 = arith.constant 0 : i32
    %dma_wait3A_953 = tpu.memref_slice %arg4[%dma_wait3A_941, %dma_wait3A_942, %dma_wait3A_943, %dma_wait3A_951, %dma_wait3A_952] : memref<50x8x128x8x128xf32, #tpu.memory_space<hbm>> -> memref<1x1x1x8x128xf32, #tpu.memory_space<hbm>>
    %dma_wait3A_954 = tpu.memref_squeeze %dma_wait3A_953 : memref<1x1x1x8x128xf32, #tpu.memory_space<hbm>> -> memref<8x128xf32, #tpu.memory_space<hbm>>
    %dma_wait3A_955 = arith.constant 56 : i32
    %dma_wait3A_956 = arith.constant 0 : i32
    %dma_wait3A_957 = tpu.memref_slice %arg11[%dma_wait3A_955, %dma_wait3A_956] : memref<64x128xf32, #tpu.memory_space<vmem>> -> memref<8x128xf32, #tpu.memory_space<vmem>>
    tpu.wait_dma2 semaphore(%arg19 : memref<!tpu.dma_semaphore, #tpu.memory_space<semaphore_mem>>) src(%dma_wait3A_957 : memref<8x128xf32, #tpu.memory_space<vmem>>) dst(%dma_wait3A_954 : memref<8x128xf32, #tpu.memory_space<hbm>>)
    %dma_wait3A_958 = arith.constant 0 : i32
    %dma_wait3A_959 = arith.constant 0 : i32
    %dma_wait3A_960 = tpu.memref_slice %arg5[%dma_wait3A_958, %dma_wait3A_959] : memref<200x128xi32, #tpu.memory_space<vmem>> -> memref<1x128xi32, #tpu.memory_space<vmem>>
    %dma_wait3A_961 = tpu.memref_squeeze %dma_wait3A_960 : memref<1x128xi32, #tpu.memory_space<vmem>> -> memref<128xi32, #tpu.memory_space<vmem>>
    %dma_wait3A_962 = arith.constant 0 : i32
    %dma_wait3A_963 = arith.constant 0 : i32
    %dma_wait3A_964 = tpu.memref_slice %arg2[%dma_wait3A_962, %dma_wait3A_963] : memref<1000000x64xf32, #tpu.memory_space<hbm>> -> memref<1000000x64xf32, #tpu.memory_space<hbm>>
    tpu.wait_indirect_dma semaphore(%arg16 : memref<!tpu.dma_semaphore, #tpu.memory_space<semaphore_mem>>) src(%dma_wait3A_964 : memref<1000000x64xf32, #tpu.memory_space<hbm>>) dst(%arg8 : memref<128x64xf32, #tpu.memory_space<vmem>>)
    %dma_wait3A_965 = arith.constant 0 : i32
    %dma_wait3A_966 = arith.constant 0 : i32
    %dma_wait3A_967 = arith.constant 0 : i32
    %dma_wait3A_968 = arith.constant 0 : i32
    %dma_wait3A_969 = arith.constant 0 : i32
    %dma_wait3A_970 = tpu.memref_slice %arg12[%dma_wait3A_968, %dma_wait3A_969] : memref<64x128xf32, #tpu.memory_space<vmem>> -> memref<8x128xf32, #tpu.memory_space<vmem>>
    %dma_wait3A_971 = arith.constant 0 : i32
    %dma_wait3A_972 = arith.constant 0 : i32
    %dma_wait3A_973 = tpu.memref_slice %arg4[%dma_wait3A_965, %dma_wait3A_966, %dma_wait3A_967, %dma_wait3A_971, %dma_wait3A_972] : memref<50x8x128x8x128xf32, #tpu.memory_space<hbm>> -> memref<1x1x1x8x128xf32, #tpu.memory_space<hbm>>
    %dma_wait3A_974 = tpu.memref_squeeze %dma_wait3A_973 : memref<1x1x1x8x128xf32, #tpu.memory_space<hbm>> -> memref<8x128xf32, #tpu.memory_space<hbm>>
    %dma_wait3A_975 = arith.constant 0 : i32
    %dma_wait3A_976 = arith.constant 0 : i32
    %dma_wait3A_977 = tpu.memref_slice %arg4[%dma_wait3A_965, %dma_wait3A_966, %dma_wait3A_967, %dma_wait3A_975, %dma_wait3A_976] : memref<50x8x128x8x128xf32, #tpu.memory_space<hbm>> -> memref<1x1x1x8x128xf32, #tpu.memory_space<hbm>>
    %dma_wait3A_978 = tpu.memref_squeeze %dma_wait3A_977 : memref<1x1x1x8x128xf32, #tpu.memory_space<hbm>> -> memref<8x128xf32, #tpu.memory_space<hbm>>
    %dma_wait3A_979 = arith.constant 0 : i32
    %dma_wait3A_980 = arith.constant 0 : i32
    %dma_wait3A_981 = tpu.memref_slice %arg12[%dma_wait3A_979, %dma_wait3A_980] : memref<64x128xf32, #tpu.memory_space<vmem>> -> memref<8x128xf32, #tpu.memory_space<vmem>>
    tpu.wait_dma2 semaphore(%arg20 : memref<!tpu.dma_semaphore, #tpu.memory_space<semaphore_mem>>) src(%dma_wait3A_981 : memref<8x128xf32, #tpu.memory_space<vmem>>) dst(%dma_wait3A_978 : memref<8x128xf32, #tpu.memory_space<hbm>>)
    %dma_wait3A_982 = arith.constant 0 : i32
    %dma_wait3A_983 = arith.constant 1 : i32
    %dma_wait3A_984 = arith.constant 0 : i32
    %dma_wait3A_985 = arith.constant 8 : i32
    %dma_wait3A_986 = arith.constant 0 : i32
    %dma_wait3A_987 = tpu.memref_slice %arg12[%dma_wait3A_985, %dma_wait3A_986] : memref<64x128xf32, #tpu.memory_space<vmem>> -> memref<8x128xf32, #tpu.memory_space<vmem>>
    %dma_wait3A_988 = arith.constant 0 : i32
    %dma_wait3A_989 = arith.constant 0 : i32
    %dma_wait3A_990 = tpu.memref_slice %arg4[%dma_wait3A_982, %dma_wait3A_983, %dma_wait3A_984, %dma_wait3A_988, %dma_wait3A_989] : memref<50x8x128x8x128xf32, #tpu.memory_space<hbm>> -> memref<1x1x1x8x128xf32, #tpu.memory_space<hbm>>
    %dma_wait3A_991 = tpu.memref_squeeze %dma_wait3A_990 : memref<1x1x1x8x128xf32, #tpu.memory_space<hbm>> -> memref<8x128xf32, #tpu.memory_space<hbm>>
    %dma_wait3A_992 = arith.constant 0 : i32
    %dma_wait3A_993 = arith.constant 0 : i32
    %dma_wait3A_994 = tpu.memref_slice %arg4[%dma_wait3A_982, %dma_wait3A_983, %dma_wait3A_984, %dma_wait3A_992, %dma_wait3A_993] : memref<50x8x128x8x128xf32, #tpu.memory_space<hbm>> -> memref<1x1x1x8x128xf32, #tpu.memory_space<hbm>>
    %dma_wait3A_995 = tpu.memref_squeeze %dma_wait3A_994 : memref<1x1x1x8x128xf32, #tpu.memory_space<hbm>> -> memref<8x128xf32, #tpu.memory_space<hbm>>
    %dma_wait3A_996 = arith.constant 8 : i32
    %dma_wait3A_997 = arith.constant 0 : i32
    %dma_wait3A_998 = tpu.memref_slice %arg12[%dma_wait3A_996, %dma_wait3A_997] : memref<64x128xf32, #tpu.memory_space<vmem>> -> memref<8x128xf32, #tpu.memory_space<vmem>>
    tpu.wait_dma2 semaphore(%arg20 : memref<!tpu.dma_semaphore, #tpu.memory_space<semaphore_mem>>) src(%dma_wait3A_998 : memref<8x128xf32, #tpu.memory_space<vmem>>) dst(%dma_wait3A_995 : memref<8x128xf32, #tpu.memory_space<hbm>>)
    %dma_wait3A_999 = arith.constant 0 : i32
    %dma_wait3A_1000 = arith.constant 2 : i32
    %dma_wait3A_1001 = arith.constant 0 : i32
    %dma_wait3A_1002 = arith.constant 16 : i32
    %dma_wait3A_1003 = arith.constant 0 : i32
    %dma_wait3A_1004 = tpu.memref_slice %arg12[%dma_wait3A_1002, %dma_wait3A_1003] : memref<64x128xf32, #tpu.memory_space<vmem>> -> memref<8x128xf32, #tpu.memory_space<vmem>>
    %dma_wait3A_1005 = arith.constant 0 : i32
    %dma_wait3A_1006 = arith.constant 0 : i32
    %dma_wait3A_1007 = tpu.memref_slice %arg4[%dma_wait3A_999, %dma_wait3A_1000, %dma_wait3A_1001, %dma_wait3A_1005, %dma_wait3A_1006] : memref<50x8x128x8x128xf32, #tpu.memory_space<hbm>> -> memref<1x1x1x8x128xf32, #tpu.memory_space<hbm>>
    %dma_wait3A_1008 = tpu.memref_squeeze %dma_wait3A_1007 : memref<1x1x1x8x128xf32, #tpu.memory_space<hbm>> -> memref<8x128xf32, #tpu.memory_space<hbm>>
    %dma_wait3A_1009 = arith.constant 0 : i32
    %dma_wait3A_1010 = arith.constant 0 : i32
    %dma_wait3A_1011 = tpu.memref_slice %arg4[%dma_wait3A_999, %dma_wait3A_1000, %dma_wait3A_1001, %dma_wait3A_1009, %dma_wait3A_1010] : memref<50x8x128x8x128xf32, #tpu.memory_space<hbm>> -> memref<1x1x1x8x128xf32, #tpu.memory_space<hbm>>
    %dma_wait3A_1012 = tpu.memref_squeeze %dma_wait3A_1011 : memref<1x1x1x8x128xf32, #tpu.memory_space<hbm>> -> memref<8x128xf32, #tpu.memory_space<hbm>>
    %dma_wait3A_1013 = arith.constant 16 : i32
    %dma_wait3A_1014 = arith.constant 0 : i32
    %dma_wait3A_1015 = tpu.memref_slice %arg12[%dma_wait3A_1013, %dma_wait3A_1014] : memref<64x128xf32, #tpu.memory_space<vmem>> -> memref<8x128xf32, #tpu.memory_space<vmem>>
    tpu.wait_dma2 semaphore(%arg20 : memref<!tpu.dma_semaphore, #tpu.memory_space<semaphore_mem>>) src(%dma_wait3A_1015 : memref<8x128xf32, #tpu.memory_space<vmem>>) dst(%dma_wait3A_1012 : memref<8x128xf32, #tpu.memory_space<hbm>>)
    %dma_wait3A_1016 = arith.constant 0 : i32
    %dma_wait3A_1017 = arith.constant 3 : i32
    %dma_wait3A_1018 = arith.constant 0 : i32
    %dma_wait3A_1019 = arith.constant 24 : i32
    %dma_wait3A_1020 = arith.constant 0 : i32
    %dma_wait3A_1021 = tpu.memref_slice %arg12[%dma_wait3A_1019, %dma_wait3A_1020] : memref<64x128xf32, #tpu.memory_space<vmem>> -> memref<8x128xf32, #tpu.memory_space<vmem>>
    %dma_wait3A_1022 = arith.constant 0 : i32
    %dma_wait3A_1023 = arith.constant 0 : i32
    %dma_wait3A_1024 = tpu.memref_slice %arg4[%dma_wait3A_1016, %dma_wait3A_1017, %dma_wait3A_1018, %dma_wait3A_1022, %dma_wait3A_1023] : memref<50x8x128x8x128xf32, #tpu.memory_space<hbm>> -> memref<1x1x1x8x128xf32, #tpu.memory_space<hbm>>
    %dma_wait3A_1025 = tpu.memref_squeeze %dma_wait3A_1024 : memref<1x1x1x8x128xf32, #tpu.memory_space<hbm>> -> memref<8x128xf32, #tpu.memory_space<hbm>>
    %dma_wait3A_1026 = arith.constant 0 : i32
    %dma_wait3A_1027 = arith.constant 0 : i32
    %dma_wait3A_1028 = tpu.memref_slice %arg4[%dma_wait3A_1016, %dma_wait3A_1017, %dma_wait3A_1018, %dma_wait3A_1026, %dma_wait3A_1027] : memref<50x8x128x8x128xf32, #tpu.memory_space<hbm>> -> memref<1x1x1x8x128xf32, #tpu.memory_space<hbm>>
    %dma_wait3A_1029 = tpu.memref_squeeze %dma_wait3A_1028 : memref<1x1x1x8x128xf32, #tpu.memory_space<hbm>> -> memref<8x128xf32, #tpu.memory_space<hbm>>
    %dma_wait3A_1030 = arith.constant 24 : i32
    %dma_wait3A_1031 = arith.constant 0 : i32
    %dma_wait3A_1032 = tpu.memref_slice %arg12[%dma_wait3A_1030, %dma_wait3A_1031] : memref<64x128xf32, #tpu.memory_space<vmem>> -> memref<8x128xf32, #tpu.memory_space<vmem>>
    tpu.wait_dma2 semaphore(%arg20 : memref<!tpu.dma_semaphore, #tpu.memory_space<semaphore_mem>>) src(%dma_wait3A_1032 : memref<8x128xf32, #tpu.memory_space<vmem>>) dst(%dma_wait3A_1029 : memref<8x128xf32, #tpu.memory_space<hbm>>)
    %dma_wait3A_1033 = arith.constant 0 : i32
    %dma_wait3A_1034 = arith.constant 4 : i32
    %dma_wait3A_1035 = arith.constant 0 : i32
    %dma_wait3A_1036 = arith.constant 32 : i32
    %dma_wait3A_1037 = arith.constant 0 : i32
    %dma_wait3A_1038 = tpu.memref_slice %arg12[%dma_wait3A_1036, %dma_wait3A_1037] : memref<64x128xf32, #tpu.memory_space<vmem>> -> memref<8x128xf32, #tpu.memory_space<vmem>>
    %dma_wait3A_1039 = arith.constant 0 : i32
    %dma_wait3A_1040 = arith.constant 0 : i32
    %dma_wait3A_1041 = tpu.memref_slice %arg4[%dma_wait3A_1033, %dma_wait3A_1034, %dma_wait3A_1035, %dma_wait3A_1039, %dma_wait3A_1040] : memref<50x8x128x8x128xf32, #tpu.memory_space<hbm>> -> memref<1x1x1x8x128xf32, #tpu.memory_space<hbm>>
    %dma_wait3A_1042 = tpu.memref_squeeze %dma_wait3A_1041 : memref<1x1x1x8x128xf32, #tpu.memory_space<hbm>> -> memref<8x128xf32, #tpu.memory_space<hbm>>
    %dma_wait3A_1043 = arith.constant 0 : i32
    %dma_wait3A_1044 = arith.constant 0 : i32
    %dma_wait3A_1045 = tpu.memref_slice %arg4[%dma_wait3A_1033, %dma_wait3A_1034, %dma_wait3A_1035, %dma_wait3A_1043, %dma_wait3A_1044] : memref<50x8x128x8x128xf32, #tpu.memory_space<hbm>> -> memref<1x1x1x8x128xf32, #tpu.memory_space<hbm>>
    %dma_wait3A_1046 = tpu.memref_squeeze %dma_wait3A_1045 : memref<1x1x1x8x128xf32, #tpu.memory_space<hbm>> -> memref<8x128xf32, #tpu.memory_space<hbm>>
    %dma_wait3A_1047 = arith.constant 32 : i32
    %dma_wait3A_1048 = arith.constant 0 : i32
    %dma_wait3A_1049 = tpu.memref_slice %arg12[%dma_wait3A_1047, %dma_wait3A_1048] : memref<64x128xf32, #tpu.memory_space<vmem>> -> memref<8x128xf32, #tpu.memory_space<vmem>>
    tpu.wait_dma2 semaphore(%arg20 : memref<!tpu.dma_semaphore, #tpu.memory_space<semaphore_mem>>) src(%dma_wait3A_1049 : memref<8x128xf32, #tpu.memory_space<vmem>>) dst(%dma_wait3A_1046 : memref<8x128xf32, #tpu.memory_space<hbm>>)
    %dma_wait3A_1050 = arith.constant 0 : i32
    %dma_wait3A_1051 = arith.constant 5 : i32
    %dma_wait3A_1052 = arith.constant 0 : i32
    %dma_wait3A_1053 = arith.constant 40 : i32
    %dma_wait3A_1054 = arith.constant 0 : i32
    %dma_wait3A_1055 = tpu.memref_slice %arg12[%dma_wait3A_1053, %dma_wait3A_1054] : memref<64x128xf32, #tpu.memory_space<vmem>> -> memref<8x128xf32, #tpu.memory_space<vmem>>
    %dma_wait3A_1056 = arith.constant 0 : i32
    %dma_wait3A_1057 = arith.constant 0 : i32
    %dma_wait3A_1058 = tpu.memref_slice %arg4[%dma_wait3A_1050, %dma_wait3A_1051, %dma_wait3A_1052, %dma_wait3A_1056, %dma_wait3A_1057] : memref<50x8x128x8x128xf32, #tpu.memory_space<hbm>> -> memref<1x1x1x8x128xf32, #tpu.memory_space<hbm>>
    %dma_wait3A_1059 = tpu.memref_squeeze %dma_wait3A_1058 : memref<1x1x1x8x128xf32, #tpu.memory_space<hbm>> -> memref<8x128xf32, #tpu.memory_space<hbm>>
    %dma_wait3A_1060 = arith.constant 0 : i32
    %dma_wait3A_1061 = arith.constant 0 : i32
    %dma_wait3A_1062 = tpu.memref_slice %arg4[%dma_wait3A_1050, %dma_wait3A_1051, %dma_wait3A_1052, %dma_wait3A_1060, %dma_wait3A_1061] : memref<50x8x128x8x128xf32, #tpu.memory_space<hbm>> -> memref<1x1x1x8x128xf32, #tpu.memory_space<hbm>>
    %dma_wait3A_1063 = tpu.memref_squeeze %dma_wait3A_1062 : memref<1x1x1x8x128xf32, #tpu.memory_space<hbm>> -> memref<8x128xf32, #tpu.memory_space<hbm>>
    %dma_wait3A_1064 = arith.constant 40 : i32
    %dma_wait3A_1065 = arith.constant 0 : i32
    %dma_wait3A_1066 = tpu.memref_slice %arg12[%dma_wait3A_1064, %dma_wait3A_1065] : memref<64x128xf32, #tpu.memory_space<vmem>> -> memref<8x128xf32, #tpu.memory_space<vmem>>
    tpu.wait_dma2 semaphore(%arg20 : memref<!tpu.dma_semaphore, #tpu.memory_space<semaphore_mem>>) src(%dma_wait3A_1066 : memref<8x128xf32, #tpu.memory_space<vmem>>) dst(%dma_wait3A_1063 : memref<8x128xf32, #tpu.memory_space<hbm>>)
    %dma_wait3A_1067 = arith.constant 0 : i32
    %dma_wait3A_1068 = arith.constant 6 : i32
    %dma_wait3A_1069 = arith.constant 0 : i32
    %dma_wait3A_1070 = arith.constant 48 : i32
    %dma_wait3A_1071 = arith.constant 0 : i32
    %dma_wait3A_1072 = tpu.memref_slice %arg12[%dma_wait3A_1070, %dma_wait3A_1071] : memref<64x128xf32, #tpu.memory_space<vmem>> -> memref<8x128xf32, #tpu.memory_space<vmem>>
    %dma_wait3A_1073 = arith.constant 0 : i32
    %dma_wait3A_1074 = arith.constant 0 : i32
    %dma_wait3A_1075 = tpu.memref_slice %arg4[%dma_wait3A_1067, %dma_wait3A_1068, %dma_wait3A_1069, %dma_wait3A_1073, %dma_wait3A_1074] : memref<50x8x128x8x128xf32, #tpu.memory_space<hbm>> -> memref<1x1x1x8x128xf32, #tpu.memory_space<hbm>>
    %dma_wait3A_1076 = tpu.memref_squeeze %dma_wait3A_1075 : memref<1x1x1x8x128xf32, #tpu.memory_space<hbm>> -> memref<8x128xf32, #tpu.memory_space<hbm>>
    %dma_wait3A_1077 = arith.constant 0 : i32
    %dma_wait3A_1078 = arith.constant 0 : i32
    %dma_wait3A_1079 = tpu.memref_slice %arg4[%dma_wait3A_1067, %dma_wait3A_1068, %dma_wait3A_1069, %dma_wait3A_1077, %dma_wait3A_1078] : memref<50x8x128x8x128xf32, #tpu.memory_space<hbm>> -> memref<1x1x1x8x128xf32, #tpu.memory_space<hbm>>
    %dma_wait3A_1080 = tpu.memref_squeeze %dma_wait3A_1079 : memref<1x1x1x8x128xf32, #tpu.memory_space<hbm>> -> memref<8x128xf32, #tpu.memory_space<hbm>>
    %dma_wait3A_1081 = arith.constant 48 : i32
    %dma_wait3A_1082 = arith.constant 0 : i32
    %dma_wait3A_1083 = tpu.memref_slice %arg12[%dma_wait3A_1081, %dma_wait3A_1082] : memref<64x128xf32, #tpu.memory_space<vmem>> -> memref<8x128xf32, #tpu.memory_space<vmem>>
    tpu.wait_dma2 semaphore(%arg20 : memref<!tpu.dma_semaphore, #tpu.memory_space<semaphore_mem>>) src(%dma_wait3A_1083 : memref<8x128xf32, #tpu.memory_space<vmem>>) dst(%dma_wait3A_1080 : memref<8x128xf32, #tpu.memory_space<hbm>>)
    %dma_wait3A_1084 = arith.constant 0 : i32
    %dma_wait3A_1085 = arith.constant 7 : i32
    %dma_wait3A_1086 = arith.constant 0 : i32
    %dma_wait3A_1087 = arith.constant 56 : i32
    %dma_wait3A_1088 = arith.constant 0 : i32
    %dma_wait3A_1089 = tpu.memref_slice %arg12[%dma_wait3A_1087, %dma_wait3A_1088] : memref<64x128xf32, #tpu.memory_space<vmem>> -> memref<8x128xf32, #tpu.memory_space<vmem>>
    %dma_wait3A_1090 = arith.constant 0 : i32
    %dma_wait3A_1091 = arith.constant 0 : i32
    %dma_wait3A_1092 = tpu.memref_slice %arg4[%dma_wait3A_1084, %dma_wait3A_1085, %dma_wait3A_1086, %dma_wait3A_1090, %dma_wait3A_1091] : memref<50x8x128x8x128xf32, #tpu.memory_space<hbm>> -> memref<1x1x1x8x128xf32, #tpu.memory_space<hbm>>
    %dma_wait3A_1093 = tpu.memref_squeeze %dma_wait3A_1092 : memref<1x1x1x8x128xf32, #tpu.memory_space<hbm>> -> memref<8x128xf32, #tpu.memory_space<hbm>>
    %dma_wait3A_1094 = arith.constant 0 : i32
    %dma_wait3A_1095 = arith.constant 0 : i32
    %dma_wait3A_1096 = tpu.memref_slice %arg4[%dma_wait3A_1084, %dma_wait3A_1085, %dma_wait3A_1086, %dma_wait3A_1094, %dma_wait3A_1095] : memref<50x8x128x8x128xf32, #tpu.memory_space<hbm>> -> memref<1x1x1x8x128xf32, #tpu.memory_space<hbm>>
    %dma_wait3A_1097 = tpu.memref_squeeze %dma_wait3A_1096 : memref<1x1x1x8x128xf32, #tpu.memory_space<hbm>> -> memref<8x128xf32, #tpu.memory_space<hbm>>
    %dma_wait3A_1098 = arith.constant 56 : i32
    %dma_wait3A_1099 = arith.constant 0 : i32
    %dma_wait3A_1100 = tpu.memref_slice %arg12[%dma_wait3A_1098, %dma_wait3A_1099] : memref<64x128xf32, #tpu.memory_space<vmem>> -> memref<8x128xf32, #tpu.memory_space<vmem>>
    tpu.wait_dma2 semaphore(%arg20 : memref<!tpu.dma_semaphore, #tpu.memory_space<semaphore_mem>>) src(%dma_wait3A_1100 : memref<8x128xf32, #tpu.memory_space<vmem>>) dst(%dma_wait3A_1097 : memref<8x128xf32, #tpu.memory_space<hbm>>)
    %dma_wait3A_1101 = arith.constant 0 : i32
    %dma_wait3A_1102 = arith.constant 0 : i32
    %dma_wait3A_1103 = tpu.memref_slice %arg5[%dma_wait3A_1101, %dma_wait3A_1102] : memref<200x128xi32, #tpu.memory_space<vmem>> -> memref<1x128xi32, #tpu.memory_space<vmem>>
    %dma_wait3A_1104 = tpu.memref_squeeze %dma_wait3A_1103 : memref<1x128xi32, #tpu.memory_space<vmem>> -> memref<128xi32, #tpu.memory_space<vmem>>
    %dma_wait3A_1105 = arith.constant 0 : i32
    %dma_wait3A_1106 = arith.constant 0 : i32
    %dma_wait3A_1107 = tpu.memref_slice %arg2[%dma_wait3A_1105, %dma_wait3A_1106] : memref<1000000x64xf32, #tpu.memory_space<hbm>> -> memref<1000000x64xf32, #tpu.memory_space<hbm>>
    tpu.wait_indirect_dma semaphore(%arg17 : memref<!tpu.dma_semaphore, #tpu.memory_space<semaphore_mem>>) src(%dma_wait3A_1107 : memref<1000000x64xf32, #tpu.memory_space<hbm>>) dst(%arg9 : memref<128x64xf32, #tpu.memory_space<vmem>>)
    %dma_wait3A_1108 = arith.constant 0 : i32
    %dma_wait3A_1109 = arith.constant 0 : i32
    %dma_wait3A_1110 = arith.constant 0 : i32
    %dma_wait3A_1111 = arith.constant 0 : i32
    %dma_wait3A_1112 = arith.constant 0 : i32
    %dma_wait3A_1113 = tpu.memref_slice %arg13[%dma_wait3A_1111, %dma_wait3A_1112] : memref<64x128xf32, #tpu.memory_space<vmem>> -> memref<8x128xf32, #tpu.memory_space<vmem>>
    %dma_wait3A_1114 = arith.constant 0 : i32
    %dma_wait3A_1115 = arith.constant 0 : i32
    %dma_wait3A_1116 = tpu.memref_slice %arg4[%dma_wait3A_1108, %dma_wait3A_1109, %dma_wait3A_1110, %dma_wait3A_1114, %dma_wait3A_1115] : memref<50x8x128x8x128xf32, #tpu.memory_space<hbm>> -> memref<1x1x1x8x128xf32, #tpu.memory_space<hbm>>
    %dma_wait3A_1117 = tpu.memref_squeeze %dma_wait3A_1116 : memref<1x1x1x8x128xf32, #tpu.memory_space<hbm>> -> memref<8x128xf32, #tpu.memory_space<hbm>>
    %dma_wait3A_1118 = arith.constant 0 : i32
    %dma_wait3A_1119 = arith.constant 0 : i32
    %dma_wait3A_1120 = tpu.memref_slice %arg4[%dma_wait3A_1108, %dma_wait3A_1109, %dma_wait3A_1110, %dma_wait3A_1118, %dma_wait3A_1119] : memref<50x8x128x8x128xf32, #tpu.memory_space<hbm>> -> memref<1x1x1x8x128xf32, #tpu.memory_space<hbm>>
    %dma_wait3A_1121 = tpu.memref_squeeze %dma_wait3A_1120 : memref<1x1x1x8x128xf32, #tpu.memory_space<hbm>> -> memref<8x128xf32, #tpu.memory_space<hbm>>
    %dma_wait3A_1122 = arith.constant 0 : i32
    %dma_wait3A_1123 = arith.constant 0 : i32
    %dma_wait3A_1124 = tpu.memref_slice %arg13[%dma_wait3A_1122, %dma_wait3A_1123] : memref<64x128xf32, #tpu.memory_space<vmem>> -> memref<8x128xf32, #tpu.memory_space<vmem>>
    tpu.wait_dma2 semaphore(%arg21 : memref<!tpu.dma_semaphore, #tpu.memory_space<semaphore_mem>>) src(%dma_wait3A_1124 : memref<8x128xf32, #tpu.memory_space<vmem>>) dst(%dma_wait3A_1121 : memref<8x128xf32, #tpu.memory_space<hbm>>)
    %dma_wait3A_1125 = arith.constant 0 : i32
    %dma_wait3A_1126 = arith.constant 1 : i32
    %dma_wait3A_1127 = arith.constant 0 : i32
    %dma_wait3A_1128 = arith.constant 8 : i32
    %dma_wait3A_1129 = arith.constant 0 : i32
    %dma_wait3A_1130 = tpu.memref_slice %arg13[%dma_wait3A_1128, %dma_wait3A_1129] : memref<64x128xf32, #tpu.memory_space<vmem>> -> memref<8x128xf32, #tpu.memory_space<vmem>>
    %dma_wait3A_1131 = arith.constant 0 : i32
    %dma_wait3A_1132 = arith.constant 0 : i32
    %dma_wait3A_1133 = tpu.memref_slice %arg4[%dma_wait3A_1125, %dma_wait3A_1126, %dma_wait3A_1127, %dma_wait3A_1131, %dma_wait3A_1132] : memref<50x8x128x8x128xf32, #tpu.memory_space<hbm>> -> memref<1x1x1x8x128xf32, #tpu.memory_space<hbm>>
    %dma_wait3A_1134 = tpu.memref_squeeze %dma_wait3A_1133 : memref<1x1x1x8x128xf32, #tpu.memory_space<hbm>> -> memref<8x128xf32, #tpu.memory_space<hbm>>
    %dma_wait3A_1135 = arith.constant 0 : i32
    %dma_wait3A_1136 = arith.constant 0 : i32
    %dma_wait3A_1137 = tpu.memref_slice %arg4[%dma_wait3A_1125, %dma_wait3A_1126, %dma_wait3A_1127, %dma_wait3A_1135, %dma_wait3A_1136] : memref<50x8x128x8x128xf32, #tpu.memory_space<hbm>> -> memref<1x1x1x8x128xf32, #tpu.memory_space<hbm>>
    %dma_wait3A_1138 = tpu.memref_squeeze %dma_wait3A_1137 : memref<1x1x1x8x128xf32, #tpu.memory_space<hbm>> -> memref<8x128xf32, #tpu.memory_space<hbm>>
    %dma_wait3A_1139 = arith.constant 8 : i32
    %dma_wait3A_1140 = arith.constant 0 : i32
    %dma_wait3A_1141 = tpu.memref_slice %arg13[%dma_wait3A_1139, %dma_wait3A_1140] : memref<64x128xf32, #tpu.memory_space<vmem>> -> memref<8x128xf32, #tpu.memory_space<vmem>>
    tpu.wait_dma2 semaphore(%arg21 : memref<!tpu.dma_semaphore, #tpu.memory_space<semaphore_mem>>) src(%dma_wait3A_1141 : memref<8x128xf32, #tpu.memory_space<vmem>>) dst(%dma_wait3A_1138 : memref<8x128xf32, #tpu.memory_space<hbm>>)
    %dma_wait3A_1142 = arith.constant 0 : i32
    %dma_wait3A_1143 = arith.constant 2 : i32
    %dma_wait3A_1144 = arith.constant 0 : i32
    %dma_wait3A_1145 = arith.constant 16 : i32
    %dma_wait3A_1146 = arith.constant 0 : i32
    %dma_wait3A_1147 = tpu.memref_slice %arg13[%dma_wait3A_1145, %dma_wait3A_1146] : memref<64x128xf32, #tpu.memory_space<vmem>> -> memref<8x128xf32, #tpu.memory_space<vmem>>
    %dma_wait3A_1148 = arith.constant 0 : i32
    %dma_wait3A_1149 = arith.constant 0 : i32
    %dma_wait3A_1150 = tpu.memref_slice %arg4[%dma_wait3A_1142, %dma_wait3A_1143, %dma_wait3A_1144, %dma_wait3A_1148, %dma_wait3A_1149] : memref<50x8x128x8x128xf32, #tpu.memory_space<hbm>> -> memref<1x1x1x8x128xf32, #tpu.memory_space<hbm>>
    %dma_wait3A_1151 = tpu.memref_squeeze %dma_wait3A_1150 : memref<1x1x1x8x128xf32, #tpu.memory_space<hbm>> -> memref<8x128xf32, #tpu.memory_space<hbm>>
    %dma_wait3A_1152 = arith.constant 0 : i32
    %dma_wait3A_1153 = arith.constant 0 : i32
    %dma_wait3A_1154 = tpu.memref_slice %arg4[%dma_wait3A_1142, %dma_wait3A_1143, %dma_wait3A_1144, %dma_wait3A_1152, %dma_wait3A_1153] : memref<50x8x128x8x128xf32, #tpu.memory_space<hbm>> -> memref<1x1x1x8x128xf32, #tpu.memory_space<hbm>>
    %dma_wait3A_1155 = tpu.memref_squeeze %dma_wait3A_1154 : memref<1x1x1x8x128xf32, #tpu.memory_space<hbm>> -> memref<8x128xf32, #tpu.memory_space<hbm>>
    %dma_wait3A_1156 = arith.constant 16 : i32
    %dma_wait3A_1157 = arith.constant 0 : i32
    %dma_wait3A_1158 = tpu.memref_slice %arg13[%dma_wait3A_1156, %dma_wait3A_1157] : memref<64x128xf32, #tpu.memory_space<vmem>> -> memref<8x128xf32, #tpu.memory_space<vmem>>
    tpu.wait_dma2 semaphore(%arg21 : memref<!tpu.dma_semaphore, #tpu.memory_space<semaphore_mem>>) src(%dma_wait3A_1158 : memref<8x128xf32, #tpu.memory_space<vmem>>) dst(%dma_wait3A_1155 : memref<8x128xf32, #tpu.memory_space<hbm>>)
    %dma_wait3A_1159 = arith.constant 0 : i32
    %dma_wait3A_1160 = arith.constant 3 : i32
    %dma_wait3A_1161 = arith.constant 0 : i32
    %dma_wait3A_1162 = arith.constant 24 : i32
    %dma_wait3A_1163 = arith.constant 0 : i32
    %dma_wait3A_1164 = tpu.memref_slice %arg13[%dma_wait3A_1162, %dma_wait3A_1163] : memref<64x128xf32, #tpu.memory_space<vmem>> -> memref<8x128xf32, #tpu.memory_space<vmem>>
    %dma_wait3A_1165 = arith.constant 0 : i32
    %dma_wait3A_1166 = arith.constant 0 : i32
    %dma_wait3A_1167 = tpu.memref_slice %arg4[%dma_wait3A_1159, %dma_wait3A_1160, %dma_wait3A_1161, %dma_wait3A_1165, %dma_wait3A_1166] : memref<50x8x128x8x128xf32, #tpu.memory_space<hbm>> -> memref<1x1x1x8x128xf32, #tpu.memory_space<hbm>>
    %dma_wait3A_1168 = tpu.memref_squeeze %dma_wait3A_1167 : memref<1x1x1x8x128xf32, #tpu.memory_space<hbm>> -> memref<8x128xf32, #tpu.memory_space<hbm>>
    %dma_wait3A_1169 = arith.constant 0 : i32
    %dma_wait3A_1170 = arith.constant 0 : i32
    %dma_wait3A_1171 = tpu.memref_slice %arg4[%dma_wait3A_1159, %dma_wait3A_1160, %dma_wait3A_1161, %dma_wait3A_1169, %dma_wait3A_1170] : memref<50x8x128x8x128xf32, #tpu.memory_space<hbm>> -> memref<1x1x1x8x128xf32, #tpu.memory_space<hbm>>
    %dma_wait3A_1172 = tpu.memref_squeeze %dma_wait3A_1171 : memref<1x1x1x8x128xf32, #tpu.memory_space<hbm>> -> memref<8x128xf32, #tpu.memory_space<hbm>>
    %dma_wait3A_1173 = arith.constant 24 : i32
    %dma_wait3A_1174 = arith.constant 0 : i32
    %dma_wait3A_1175 = tpu.memref_slice %arg13[%dma_wait3A_1173, %dma_wait3A_1174] : memref<64x128xf32, #tpu.memory_space<vmem>> -> memref<8x128xf32, #tpu.memory_space<vmem>>
    tpu.wait_dma2 semaphore(%arg21 : memref<!tpu.dma_semaphore, #tpu.memory_space<semaphore_mem>>) src(%dma_wait3A_1175 : memref<8x128xf32, #tpu.memory_space<vmem>>) dst(%dma_wait3A_1172 : memref<8x128xf32, #tpu.memory_space<hbm>>)
    %dma_wait3A_1176 = arith.constant 0 : i32
    %dma_wait3A_1177 = arith.constant 4 : i32
    %dma_wait3A_1178 = arith.constant 0 : i32
    %dma_wait3A_1179 = arith.constant 32 : i32
    %dma_wait3A_1180 = arith.constant 0 : i32
    %dma_wait3A_1181 = tpu.memref_slice %arg13[%dma_wait3A_1179, %dma_wait3A_1180] : memref<64x128xf32, #tpu.memory_space<vmem>> -> memref<8x128xf32, #tpu.memory_space<vmem>>
    %dma_wait3A_1182 = arith.constant 0 : i32
    %dma_wait3A_1183 = arith.constant 0 : i32
    %dma_wait3A_1184 = tpu.memref_slice %arg4[%dma_wait3A_1176, %dma_wait3A_1177, %dma_wait3A_1178, %dma_wait3A_1182, %dma_wait3A_1183] : memref<50x8x128x8x128xf32, #tpu.memory_space<hbm>> -> memref<1x1x1x8x128xf32, #tpu.memory_space<hbm>>
    %dma_wait3A_1185 = tpu.memref_squeeze %dma_wait3A_1184 : memref<1x1x1x8x128xf32, #tpu.memory_space<hbm>> -> memref<8x128xf32, #tpu.memory_space<hbm>>
    %dma_wait3A_1186 = arith.constant 0 : i32
    %dma_wait3A_1187 = arith.constant 0 : i32
    %dma_wait3A_1188 = tpu.memref_slice %arg4[%dma_wait3A_1176, %dma_wait3A_1177, %dma_wait3A_1178, %dma_wait3A_1186, %dma_wait3A_1187] : memref<50x8x128x8x128xf32, #tpu.memory_space<hbm>> -> memref<1x1x1x8x128xf32, #tpu.memory_space<hbm>>
    %dma_wait3A_1189 = tpu.memref_squeeze %dma_wait3A_1188 : memref<1x1x1x8x128xf32, #tpu.memory_space<hbm>> -> memref<8x128xf32, #tpu.memory_space<hbm>>
    %dma_wait3A_1190 = arith.constant 32 : i32
    %dma_wait3A_1191 = arith.constant 0 : i32
    %dma_wait3A_1192 = tpu.memref_slice %arg13[%dma_wait3A_1190, %dma_wait3A_1191] : memref<64x128xf32, #tpu.memory_space<vmem>> -> memref<8x128xf32, #tpu.memory_space<vmem>>
    tpu.wait_dma2 semaphore(%arg21 : memref<!tpu.dma_semaphore, #tpu.memory_space<semaphore_mem>>) src(%dma_wait3A_1192 : memref<8x128xf32, #tpu.memory_space<vmem>>) dst(%dma_wait3A_1189 : memref<8x128xf32, #tpu.memory_space<hbm>>)
    %dma_wait3A_1193 = arith.constant 0 : i32
    %dma_wait3A_1194 = arith.constant 5 : i32
    %dma_wait3A_1195 = arith.constant 0 : i32
    %dma_wait3A_1196 = arith.constant 40 : i32
    %dma_wait3A_1197 = arith.constant 0 : i32
    %dma_wait3A_1198 = tpu.memref_slice %arg13[%dma_wait3A_1196, %dma_wait3A_1197] : memref<64x128xf32, #tpu.memory_space<vmem>> -> memref<8x128xf32, #tpu.memory_space<vmem>>
    %dma_wait3A_1199 = arith.constant 0 : i32
    %dma_wait3A_1200 = arith.constant 0 : i32
    %dma_wait3A_1201 = tpu.memref_slice %arg4[%dma_wait3A_1193, %dma_wait3A_1194, %dma_wait3A_1195, %dma_wait3A_1199, %dma_wait3A_1200] : memref<50x8x128x8x128xf32, #tpu.memory_space<hbm>> -> memref<1x1x1x8x128xf32, #tpu.memory_space<hbm>>
    %dma_wait3A_1202 = tpu.memref_squeeze %dma_wait3A_1201 : memref<1x1x1x8x128xf32, #tpu.memory_space<hbm>> -> memref<8x128xf32, #tpu.memory_space<hbm>>
    %dma_wait3A_1203 = arith.constant 0 : i32
    %dma_wait3A_1204 = arith.constant 0 : i32
    %dma_wait3A_1205 = tpu.memref_slice %arg4[%dma_wait3A_1193, %dma_wait3A_1194, %dma_wait3A_1195, %dma_wait3A_1203, %dma_wait3A_1204] : memref<50x8x128x8x128xf32, #tpu.memory_space<hbm>> -> memref<1x1x1x8x128xf32, #tpu.memory_space<hbm>>
    %dma_wait3A_1206 = tpu.memref_squeeze %dma_wait3A_1205 : memref<1x1x1x8x128xf32, #tpu.memory_space<hbm>> -> memref<8x128xf32, #tpu.memory_space<hbm>>
    %dma_wait3A_1207 = arith.constant 40 : i32
    %dma_wait3A_1208 = arith.constant 0 : i32
    %dma_wait3A_1209 = tpu.memref_slice %arg13[%dma_wait3A_1207, %dma_wait3A_1208] : memref<64x128xf32, #tpu.memory_space<vmem>> -> memref<8x128xf32, #tpu.memory_space<vmem>>
    tpu.wait_dma2 semaphore(%arg21 : memref<!tpu.dma_semaphore, #tpu.memory_space<semaphore_mem>>) src(%dma_wait3A_1209 : memref<8x128xf32, #tpu.memory_space<vmem>>) dst(%dma_wait3A_1206 : memref<8x128xf32, #tpu.memory_space<hbm>>)
    %dma_wait3A_1210 = arith.constant 0 : i32
    %dma_wait3A_1211 = arith.constant 6 : i32
    %dma_wait3A_1212 = arith.constant 0 : i32
    %dma_wait3A_1213 = arith.constant 48 : i32
    %dma_wait3A_1214 = arith.constant 0 : i32
    %dma_wait3A_1215 = tpu.memref_slice %arg13[%dma_wait3A_1213, %dma_wait3A_1214] : memref<64x128xf32, #tpu.memory_space<vmem>> -> memref<8x128xf32, #tpu.memory_space<vmem>>
    %dma_wait3A_1216 = arith.constant 0 : i32
    %dma_wait3A_1217 = arith.constant 0 : i32
    %dma_wait3A_1218 = tpu.memref_slice %arg4[%dma_wait3A_1210, %dma_wait3A_1211, %dma_wait3A_1212, %dma_wait3A_1216, %dma_wait3A_1217] : memref<50x8x128x8x128xf32, #tpu.memory_space<hbm>> -> memref<1x1x1x8x128xf32, #tpu.memory_space<hbm>>
    %dma_wait3A_1219 = tpu.memref_squeeze %dma_wait3A_1218 : memref<1x1x1x8x128xf32, #tpu.memory_space<hbm>> -> memref<8x128xf32, #tpu.memory_space<hbm>>
    %dma_wait3A_1220 = arith.constant 0 : i32
    %dma_wait3A_1221 = arith.constant 0 : i32
    %dma_wait3A_1222 = tpu.memref_slice %arg4[%dma_wait3A_1210, %dma_wait3A_1211, %dma_wait3A_1212, %dma_wait3A_1220, %dma_wait3A_1221] : memref<50x8x128x8x128xf32, #tpu.memory_space<hbm>> -> memref<1x1x1x8x128xf32, #tpu.memory_space<hbm>>
    %dma_wait3A_1223 = tpu.memref_squeeze %dma_wait3A_1222 : memref<1x1x1x8x128xf32, #tpu.memory_space<hbm>> -> memref<8x128xf32, #tpu.memory_space<hbm>>
    %dma_wait3A_1224 = arith.constant 48 : i32
    %dma_wait3A_1225 = arith.constant 0 : i32
    %dma_wait3A_1226 = tpu.memref_slice %arg13[%dma_wait3A_1224, %dma_wait3A_1225] : memref<64x128xf32, #tpu.memory_space<vmem>> -> memref<8x128xf32, #tpu.memory_space<vmem>>
    tpu.wait_dma2 semaphore(%arg21 : memref<!tpu.dma_semaphore, #tpu.memory_space<semaphore_mem>>) src(%dma_wait3A_1226 : memref<8x128xf32, #tpu.memory_space<vmem>>) dst(%dma_wait3A_1223 : memref<8x128xf32, #tpu.memory_space<hbm>>)
    %dma_wait3A_1227 = arith.constant 0 : i32
    %dma_wait3A_1228 = arith.constant 7 : i32
    %dma_wait3A_1229 = arith.constant 0 : i32
    %dma_wait3A_1230 = arith.constant 56 : i32
    %dma_wait3A_1231 = arith.constant 0 : i32
    %dma_wait3A_1232 = tpu.memref_slice %arg13[%dma_wait3A_1230, %dma_wait3A_1231] : memref<64x128xf32, #tpu.memory_space<vmem>> -> memref<8x128xf32, #tpu.memory_space<vmem>>
    %dma_wait3A_1233 = arith.constant 0 : i32
    %dma_wait3A_1234 = arith.constant 0 : i32
    %dma_wait3A_1235 = tpu.memref_slice %arg4[%dma_wait3A_1227, %dma_wait3A_1228, %dma_wait3A_1229, %dma_wait3A_1233, %dma_wait3A_1234] : memref<50x8x128x8x128xf32, #tpu.memory_space<hbm>> -> memref<1x1x1x8x128xf32, #tpu.memory_space<hbm>>
    %dma_wait3A_1236 = tpu.memref_squeeze %dma_wait3A_1235 : memref<1x1x1x8x128xf32, #tpu.memory_space<hbm>> -> memref<8x128xf32, #tpu.memory_space<hbm>>
    %dma_wait3A_1237 = arith.constant 0 : i32
    %dma_wait3A_1238 = arith.constant 0 : i32
    %dma_wait3A_1239 = tpu.memref_slice %arg4[%dma_wait3A_1227, %dma_wait3A_1228, %dma_wait3A_1229, %dma_wait3A_1237, %dma_wait3A_1238] : memref<50x8x128x8x128xf32, #tpu.memory_space<hbm>> -> memref<1x1x1x8x128xf32, #tpu.memory_space<hbm>>
    %dma_wait3A_1240 = tpu.memref_squeeze %dma_wait3A_1239 : memref<1x1x1x8x128xf32, #tpu.memory_space<hbm>> -> memref<8x128xf32, #tpu.memory_space<hbm>>
    %dma_wait3A_1241 = arith.constant 56 : i32
    %dma_wait3A_1242 = arith.constant 0 : i32
    %dma_wait3A_1243 = tpu.memref_slice %arg13[%dma_wait3A_1241, %dma_wait3A_1242] : memref<64x128xf32, #tpu.memory_space<vmem>> -> memref<8x128xf32, #tpu.memory_space<vmem>>
    tpu.wait_dma2 semaphore(%arg21 : memref<!tpu.dma_semaphore, #tpu.memory_space<semaphore_mem>>) src(%dma_wait3A_1243 : memref<8x128xf32, #tpu.memory_space<vmem>>) dst(%dma_wait3A_1240 : memref<8x128xf32, #tpu.memory_space<hbm>>)
    return
  }
}

</mosaic_0001>

<sc_bundles>
// kernel: kernel.3.cloned.1.call-start
scs
__scs_entry_jumppad:
0x0: {  	(pc) =	sbr.rel $0x88, $3  }
0x1: {  	(tag) =	ssettag $0x0;
	lr =	simm.s32 $0x1  }
0x2: {  	[smem:$0x3F9F] =	sst lr;
	_ =	strace $0xD0000000  }
0x3: {  	_ = 	snop  }
0x4: {  	_ = 	snop  }
0x5: {  	_ = 	snop  }
0x6: {  	_ = 	snop  }
0x7: {  	_ = 	snop  }
__scs_overlays_trampoline_lowered:
0x8: {  	[smem:$0x3FAE] =	sst s0  }
0x9: {  	[smem:$0x3FAF] =	sst s1  }
0xa: {  	[smem:$0x3FB0] =	sst s2  }
0xb: {  	[smem:$0x3FB1] =	sst s3  }
0xc: {  	[smem:$0x3FB2] =	sst s4  }
0xd: {  	[smem:$0x3FB3] =	sst s5  }
0xe: {  	[smem:$0x3FB4] =	sst s6  }
0xf: {  	[smem:$0x3FB5] =	sst s7  }
0x10: {  	[smem:$0x3FB6] =	sst s8  }
0x11: {  	[smem:$0x3FB7] =	sst s9;
	s0 =	simm.s32 @!p0 $0x0  }
0x12: {  	s1 =	sld [smem:$0x3F9D];
	s0 =	simm.s32 @p0 $0x1  }
0x13: {  	[smem:$0x3FB8] =	sst s0;
	s0 =	simm.s32 @!p1 $0x0  }
0x14: {  	s2 =	sld [smem:$0x3F9C];
	s0 =	simm.s32 @p1 $0x1  }
0x15: {  	[smem:$0x3FB9] =	sst s0;
	s0 =	simm.s32 @!p2 $0x0  }
0x16: {  	s3 =	sld [smem:$0x3FDB];
	s0 =	simm.s32 @p2 $0x1  }
0x17: {  	s4 =	simm.s32 $0x1BF5;
	[smem:$0x3FBB] =	sst s0  }
0x18: {  	s0 =	sld [smem:$0x3F9E];
	_ =	swait.ge [sflag:s4], $0x0  }
0x19: {  	s7 =	sld [smem:$0x3F9F]  }
0x1a: {  	s8 =	sadd.s32 $0xFFFFE003, lr  }
0x1b: {  	s9 =	sadd.s32 $0xFFFFFEF7, lr;
	s5 =	simm.s32 $0xFFFFFFFF;
	p2 =	slt.u32 s8, $0xFFFFF086  }
0x1c: {  	p1 =	slt.u32 s9, $0xF7A;
	s5 =	simm.s32 @!p2 $0x0  }
0x1d: {  	s5 =	simm.s32 @p1 $0x1;
	p0 =	seq.s32 s7, s2  }
0x1e: {  	s7 =	smul.u32 @!p0 $0xF7A, s2;
	p2 =	seq.s32 @!p0 s5, $0x0  }
0x1f: {  	s9 =	smul.u32 $0xF7A, s1;
	s8 =	simm.s32 @!p0 $0x1BF5;
	p2 =	por !p2, p0  }
0x20: {  	[sflag:s8] =	ssyncset.s32 @!p0 $0xFFFFF086;
	s6 =	sadd.s32 @!p0 s3, s7;
	s7 =	simm.s32 @!p0 $0x108  }
0x21: {  	s3 =	sadd.s32 s3, s9;
	s6 =	sadd.s32 @!p0 $0x88, s6;
	s7 =	simm.s32 @p2 $0x1082  }
0x22: {  	[simem:s7], [sflag:s8] =	dma.local @!p0 [hbm:s6], $0xF7A  }
0x23: {  	s9 =	sor.u32 $0xD0000000, s2;
	s6 =	simm.s32 $0x108;
	_ =	swait.ge @!p0 [sflag:s8], $0x0  }
0x24: {  	s3 =	sadd.s32 $0x88, s3;
	s6 =	simm.s32 @!p1 $0x1082;
	[sflag:s4] =	ssyncset.s32 $0xFFFFF086  }
0x25: {  	[simem:s6], [sflag:s4] =	dma.local [hbm:s3], $0xF7A  }
0x26: {  	[smem:$0x3F9F] =	sst s1;
	(tag) =	ssettag s2;
	_ =	strace s9  }
0x27: {  	s1 =	sld [smem:$0x3FAF]  }
0x28: {  	s2 =	sld [smem:$0x3FB0]  }
0x29: {  	s4 =	sld [smem:$0x3FB2]  }
0x2a: {  	p0 =	seq.s32 s5, $0x0;
	s5 =	sld [smem:$0x3FB3]  }
0x2b: {  	s6 =	sld [smem:$0x3FB4]  }
0x2c: {  	s7 =	sld [smem:$0x3FB5]  }
0x2d: {  	s3 =	simm.s32 $0x108;
	s8 =	sld [smem:$0x3FB6]  }
0x2e: {  	s3 =	simm.s32 @!p0 $0x1082;
	s9 =	sld [smem:$0x3FB7]  }
0x2f: {  	lr =	sadd.s32 s0, s3;
	s0 =	sld [smem:$0x3FAE]  }
0x30: {  	s3 =	sld [smem:$0x3FB1]  }
0x31: {  	[smem:$0x3FBA] =	sst s10  }
0x32: {  	s10 =	sld [smem:$0x3FB8];
	_ =	sdelay $0x3  }
0x33: {  	p0 =	seq.s32 s10, $0x1;
	s10 =	sld [smem:$0x3FBA];
	_ =	sdelay $0x3  }
0x34: {  	[smem:$0x3FBA] =	sst s10  }
0x35: {  	s10 =	sld [smem:$0x3FB9];
	_ =	sdelay $0x3  }
0x36: {  	p1 =	seq.s32 s10, $0x1;
	s10 =	sld [smem:$0x3FBA];
	_ =	sdelay $0x3  }
0x37: {  	[smem:$0x3FBA] =	sst s10  }
0x38: {  	s10 =	sld [smem:$0x3FBB]  }
0x39: {  	_ = 	snop;
	(pc) =	sbr.ind lr, $3  }
0x3a: {  	_ = 	snop  }
0x3b: {  	_ = 	snop  }
0x3c: {  	p2 =	seq.s32 s10, $0x1;
	s10 =	sld [smem:$0x3FBA]  }
0x3d: {  	_ =	shalt  }
0x3e: {  	_ =	shalt  }
0x3f: {  	_ =	shalt  }
0x40: {  	_ =	shalt  }
0x41: {  	_ =	shalt  }
0x42: {  	_ =	shalt  }
0x43: {  	_ =	shalt  }
0x44: {  	_ =	shalt  }
0x45: {  	_ =	shalt  }
0x46: {  	_ =	shalt  }
0x47: {  	_ =	shalt  }
0x48: {  	_ =	shalt  }
0x49: {  	_ =	shalt  }
0x4a: {  	_ =	shalt  }
0x4b: {  	_ =	shalt  }
0x4c: {  	_ =	shalt  }
0x4d: {  	_ =	shalt  }
0x4e: {  	_ =	shalt  }
0x4f: {  	_ =	shalt  }
0x50: {  	_ =	shalt  }
0x51: {  	_ =	shalt  }
0x52: {  	_ =	shalt  }
0x53: {  	_ =	shalt  }
0x54: {  	_ =	shalt  }
0x55: {  	_ =	shalt  }
0x56: {  	_ =	shalt  }
0x57: {  	_ =	shalt  }
0x58: {  	_ =	shalt  }
0x59: {  	_ =	shalt  }
0x5a: {  	_ =	shalt  }
0x5b: {  	_ =	shalt  }
0x5c: {  	_ =	shalt  }
0x5d: {  	_ =	shalt  }
0x5e: {  	_ =	shalt  }
0x5f: {  	_ =	shalt  }
0x60: {  	_ =	shalt  }
0x61: {  	_ =	shalt  }
0x62: {  	_ =	shalt  }
0x63: {  	_ =	shalt  }
0x64: {  	_ =	shalt  }
0x65: {  	_ =	shalt  }
0x66: {  	_ =	shalt  }
0x67: {  	_ =	shalt  }
0x68: {  	_ =	shalt  }
0x69: {  	_ =	shalt  }
0x6a: {  	_ =	shalt  }
0x6b: {  	_ =	shalt  }
0x6c: {  	_ =	shalt  }
0x6d: {  	_ =	shalt  }
0x6e: {  	_ =	shalt  }
0x6f: {  	_ =	shalt  }
0x70: {  	_ =	shalt  }
0x71: {  	_ =	shalt  }
0x72: {  	_ =	shalt  }
0x73: {  	_ =	shalt  }
0x74: {  	_ =	shalt  }
0x75: {  	_ =	shalt  }
0x76: {  	_ =	shalt  }
0x77: {  	_ =	shalt  }
0x78: {  	_ =	shalt  }
0x79: {  	_ =	shalt  }
0x7a: {  	_ =	shalt  }
0x7b: {  	_ =	shalt  }
0x7c: {  	_ =	shalt  }
0x7d: {  	_ =	shalt  }
0x7e: {  	_ =	shalt  }
0x7f: {  	_ =	shalt  }
0x80: {  	_ =	shalt  }
0x81: {  	_ =	shalt  }
0x82: {  	_ =	shalt  }
0x83: {  	_ =	shalt  }
0x84: {  	_ =	shalt  }
0x85: {  	_ =	shalt  }
0x86: {  	_ =	shalt  }
0x87: {  	_ =	shalt  }
.Lfunc_end0:
.L_simem_size_0:
called_computation_lowered:
.L_overlay_start_0:
0x88: {  	s2 =	sld [smem:$0x3FD9]  }
0x89: {  	s3 =	sld [smem:$0x3FFE];
	_ =	sdelay $0x1  }
0x8a: {  	s1 =	srdreg.scid  }
0x8b: {  	s0 =	sand.u32 $0x1, s1  }
0x8c: {  	s17 =	sshll.u32 s0, $0xA;
	s2 =	sadd.s32 s3, s2  }
0x8d: {  	s2 =	sadd.s32 s2, s17  }
0x8e: {  	[smem:$0x3FC6] =	sst s2  }
0x8f: {  	_ = 	snop  }
0x90: {  	s2 =	sld [smem:$0x3FD0];
	(tm) =	ssettm $0x1  }
0x91: {  	s18 =	sld [smem:$0x3FFB];
	_ =	sdelay $0x3  }
0x92: {  	_ =	strace s18  }
0x93: {  	s3 =	sld [smem:$0x3FFC];
	_ =	sdelay $0x3  }
0x94: {  	_ =	strace s3  }
0x95: {  	s3 =	sld [smem:$0x3FFD];
	_ =	sdelay $0x3  }
0x96: {  	_ =	strace s3  }
0x97: {  	_ =	strace $0x8FFFFFFF  }
0x98: {  	s19 =	sld [smem:$0x3FDB];
	_ =	sdelay $0x1  }
0x99: {  	s4 =	simm.s32 $_scs_section_size  }
0x9a: {  	s5 =	simm.s32 $_size__tile_overlayer_lowered;
	s6 =	simm.s32 $_tile_overlayer_lowered  }
0x9b: {  	s22 =	simm.s32 $0x1BFF;
	s21 =	sshll.u32 s6, $0x1;
	s3 =	sadd.s32 s4, s19  }
0x9c: {  	s7 =	simm.s32 $0x0;
	s20 =	sshll.u32 s5, $0x1;
	s5 =	sadd.s32 s21, s3  }
0x9d: {  	[timem:s7], [sflag:s22] =	dma.local [hbm:s5], s20  }
0x9e: {  	_ =	swait.ge [sflag:s22], s20  }
0x9f: {  	s4 =	ssub.s32 $0x0, s20;
	[sflag:s22] =	ssyncset.done $0x0  }
0xa0: {  	[sflag:s22] =	ssyncadd.s32 s4;
	_ =	sdelay $0x1  }
0xa1: {  	s23 =	simm.s32 $0x1B8B  }
0xa2: {  	_ =	swait.ge [sflag:s23], $0x1  }
0xa3: {  	[sflag:s23] =	ssyncset.done $0x0  }
0xa4: {  	s25 =	simm.s32 $0x1B8E;
	s24 =	sld [smem:$0x3FFE];
	[sflag:s23] =	ssyncadd.s32 $0xFFFFFFFF  }
0xa5: {  	s26 =	simm.s32 $execute0_lowered;
	[smem:$0x3FD2] =	sst s25  }
0xa6: {  	s5 =	sshll.u32 s26, $0x1;
	_ =	strace $0x80000046;
	[dreg:$0x1] =	wrdreg $0xFFFFFFFF  }
0xa7: {  	s28 =	simm.s32 $_size_execute0_lowered;
	s3 =	sadd.s32 s3, s5;
	[dreg:$0x0] =	wrdreg $0x0  }
0xa8: {  	s5 =	sshll.u32 s28, $0x1;
	[dreg:$0x2] =	wrdreg s3  }
0xa9: {  	[dreg:$0x3] =	wrdreg s5  }
0xaa: {  	[dreg:$0x4] =	wrdreg $0xC0  }
0xab: {  	_ =	task [dreg:s7], $0x5FFFF  }
0xac: {  	[dreg:$0x1] =	wrdreg $0xFFFFFFFF  }
0xad: {  	[dreg:$0x0] =	wrdreg $0x60  }
0xae: {  	[dreg:$0x2] =	wrdreg s24  }
0xaf: {  	[dreg:$0x3] =	wrdreg s2  }
0xb0: {  	[dreg:$0x4] =	wrdreg $0x9  }
0xb1: {  	_ =	task.clear_ibuf [dreg:s7], $0x5FFFF;
	_ =	strace $0x90000046  }
0xb2: {  	s29 =	simm.s32 $0x9;
	_ =	strace $0x80000048  }
0xb3: {  	_ =	swait.ge [sflag:s29], $0x1  }
0xb4: {  	[sflag:s29] =	ssyncadd.s32 $0xFFFFFFFF  }
0xb5: {  	_ =	strace $0x90000048  }
0xb6: {  	_ =	sfence  }
0xb7: {  	s30 =	sld [smem:$0x0];
	_ =	sdelay $0x2  }
0xb8: {  	s31 =	sshll.u32 s1, $0xD;
	s1 =	sshrl.u32 s1, $0x2  }
0xb9: {  	s3 =	sand.u32 $0x4000, s31;
	s1 =	sadd.s32 s1, s30  }
0xba: {  	s0 =	sor.u32 s3, s0;
	s1 =	sshll.u32 s1, $0x11  }
0xbb: {  	s0 =	sor.u32 s1, s0  }
0xbc: {  	s0 =	sadd.s32 $0x8F2B, s0  }
0xbd: {  	[sflag:s0] =	ssyncadd.remote.s32 $0x1  }
0xbe: {  	_ =	sfence.sel $0xFFFF  }
0xbf: {  	[dreg:$0x0] =	wrdreg $0xFFFFFFFF;
	(pc) =	sbr.abs _section_cstart, $3  }
0xc0: {  	[dreg:$0x1] =	wrdreg $0xFFFFFFFF  }
0xc1: {  	_ =	task.clear_ibuf [dreg:s7], $0x2FFFF;
	_ =	strace $0x9FFFFFFF  }
0xc2: {  	(tm) =	ssettm $0x7FFFFFFF  }
0xc3: {  	_ =	shalt  }
tec
execute0_lowered:
.L_overlay_start_1:
0x0: {  	(tag) =	ssettag $0x1  }
0x1: {  	v0 =	vimm.s32 $0xC3824100;
	v2 =	vimm.s32 $0x7C7;
	vm14 =	vcmask $0x300  }
0x2: {  	vm0 =	vcmask $0xF00;
	vm13 =	vcmask $0x704;
	vm12 =	vcmask $0xB08  }
0x3: {  	vm10 =	vcmask $0x1310;
	vm11 =	vcmask $0xF0C;
	vm9 =	vcmask $0x1714  }
0x4: {  	vm8 =	vcmask $0x1B18;
	vm7 =	vcmask $0x1F1C;
	vm6 =	vcmask $0x2320  }
0x5: {  	vm5 =	vcmask $0x2724;
	vm3 =	vcmask $0x2B28;
	v1 =	vunpack.c.0.s8.s32 v0  }
0x6: {  	vm2 =	vcmask $0x2F2C;
	vm1 =	vcmask $0x3330;
	vm15 =	vcmask $0x3734  }
0x7: {  	v3 =	vimm.s32 $0xBC7;
	v2 =	vsel vm14, $0x400, v2;
	v1 =	vand.u32 $0xFF, v1  }
0x8: {  	vm4 =	vcmask $0x3B38;
	v2 =	vsel vm13, $0x441, v2;
	v1 =	vnsel vm0, $0x3C7, v1  }
0x9: {  	v4 =	vimm.s32 $0x13C7;
	v2 =	vsel vm12, $0x482, v2;
	v1 =	vsel vm10, $0x104, v1  }
0xa: {  	v0 =	vlaneseq.u32;
	v2 =	vsel vm11, $0x4C3, v2;
	v1 =	vsel vm9, $0x145, v1  }
0xb: {  	v3 =	vsel vm14, $0x800, v3;
	v2 =	vsel vm10, $0x504, v2;
	v1 =	vsel vm8, $0x186, v1  }
0xc: {  	s1 =	srdreg.scid;
	s2 =	stileid.u32;
	v4 =	vsel vm14, $0x1000, v4;
	v2 =	vsel vm9, $0x545, v2;
	v1 =	vsel vm7, $0x1C7, v1  }
0xd: {  	s1 =	sand.u32 $0x1, s1;
	s4 =	sshll.u32 s2, $0x1;
	v4 =	vsel vm13, $0x1041, v4;
	v2 =	vsel vm8, $0x586, v2;
	v1 =	vsel vm6, $0x200, v1  }
0xe: {  	s0 =	rddreg [dreg:$0x0];
	s5 =	sor.u32 s1, s4;
	v7 =	vor.u32 $0x20, v0;
	v2 =	vsel vm7, $0x5C7, v2;
	v1 =	vsel vm5, $0x241, v1  }
0xf: {  	s9 =	rddreg [dreg:$0x1];
	s3 =	simm.s32 $0x0;
	v11 =	vor.u32 $0x40, v0;
	s6 =	smul.u32 $0x190000, s5;
	v2 =	vsel vm6, $0x600, v2;
	v1 =	vsel vm3, $0x282, v1  }
0x10: {  	[smem:$0x7FF] =	sst s3;
	v14 =	vor.u32 $0x50, v0;
	s7 =	smul.u32 $0x12000, s5;
	v2 =	vsel vm5, $0x641, v2;
	v1 =	vsel vm2, $0x2C3, v1  }
0x11: {  	s4 =	sadd.s32 $0xF42A00, s0;
	s1 =	ssub.s32 $0x2, s1;
	v27 =	vor.u32 $0x60, v0;
	s8 =	smul.u32 $0xC80, s5;
	v2 =	vsel vm3, $0x682, v2;
	v1 =	vsel vm1, $0x304, v1  }
0x12: {  	v21 =	vor.u32 $0x70, v0;
	s17 =	sshrl.u32 s1, $0x1;
	s6 =	sand.u32 $0x3F00000, s6;
	s7 =	sand.u32 $0x1E000, s7;
	v2 =	vsel vm2, $0x6C3, v2;
	v1 =	vsel vm15, $0x345, v1  }
0x13: {  	v4 =	vsel vm12, $0x1082, v4;
	s8 =	sadd.s32 s8, s0;
	s0 =	ssub.s32 s1, s17;
	s6 =	sor.u32 s7, s6;
	v2 =	vsel vm1, $0x704, v2;
	v1 =	vsel vm4, $0x386, v1  }
0x14: {  	v4 =	vsel vm11, $0x10C3, v4;
	s18 =	sadd.s32 $0x600, s8;
	s8 =	sadd.s32 $0x4000, s9;
	s1 =	sshrl.u32 s6, $0x3;
	v2 =	vsel vm15, $0x745, v2;
	[tilespmem:$0x1FEB0] =	vst v1;
	v1 =	vsel vm13, $0x841, v3  }
0x15: {  	s19 =	sadd.s32 s9, s1;
	v23 =	vsel vm4, $0x786, v2;
	v2 =	vimm.s32 $0xFC7;
	_ =	strace $0x80000047;
	v1 =	vsel vm12, $0x882, v1;
	[dreg:$0x3] =	wrdreg s18  }
0x16: {  	v4 =	vsel vm10, $0x1104, v4;
	s20 =	sadd.s32 s1, s8;
	s6 =	sor.u32 $0x80, s1;
	v2 =	vsel vm14, $0xC00, v2;
	[dreg:$0x4] =	wrdreg s19;
	v1 =	vsel vm11, $0x8C3, v1  }
0x17: {  	v4 =	vsel vm9, $0x1145, v4;
	s21 =	sadd.s32 s9, s6;
	v2 =	vsel vm13, $0xC41, v2;
	[dreg:$0x5] =	wrdreg s20;
	v1 =	vsel vm10, $0x904, v1  }
0x18: {  	s10 =	sadd.s32 $0x8000, s9;
	v4 =	vsel vm8, $0x1186, v4;
	s22 =	sadd.s32 s6, s8;
	[dreg:$0x6] =	wrdreg s21;
	v2 =	vsel vm12, $0xC82, v2;
	v1 =	vsel vm9, $0x945, v1  }
0x19: {  	s11 =	sadd.s32 $0xC000, s9;
	v4 =	vsel vm7, $0x11C7, v4;
	s23 =	sadd.s32 s6, s10;
	[dreg:$0x7] =	wrdreg s22;
	v2 =	vsel vm11, $0xCC3, v2;
	v1 =	vsel vm8, $0x986, v1  }
0x1a: {  	s12 =	sadd.s32 $0x10000, s9;
	s24 =	sadd.s32 s6, s11;
	v4 =	vsel vm6, $0x1200, v4;
	[dreg:$0x8] =	wrdreg s23;
	v2 =	vsel vm10, $0xD04, v2;
	v1 =	vsel vm7, $0x9C7, v1  }
0x1b: {  	s13 =	sadd.s32 $0x14000, s9;
	s25 =	sadd.s32 s6, s12;
	v3 =	vmul.u32 $0x40, v0;
	[dreg:$0x9] =	wrdreg s24;
	v2 =	vsel vm9, $0xD45, v2;
	v1 =	vsel vm6, $0xA00, v1  }
0x1c: {  	s14 =	sadd.s32 $0x18000, s9;
	s26 =	sadd.s32 s6, s13;
	v4 =	vsel vm5, $0x1241, v4;
	[dreg:$0xa] =	wrdreg s25;
	v2 =	vsel vm8, $0xD86, v2;
	v1 =	vsel vm5, $0xA41, v1  }
0x1d: {  	s15 =	sadd.s32 $0x1C000, s9;
	s7 =	sadd.s32 s6, s14;
	[dreg:$0xb] =	wrdreg s26;
	v15 =	vor.u32 $0x400, v3;
	v2 =	vsel vm7, $0xDC7, v2;
	v1 =	vsel vm3, $0xA82, v1  }
0x1e: {  	s16 =	sadd.s32 s6, s15;
	[dreg:$0xc] =	wrdreg s7;
	v12 =	vor.u32 $0x800, v3;
	v2 =	vsel vm6, $0xE00, v2;
	v1 =	vsel vm2, $0xAC3, v1  }
0x1f: {  	s17 =	sadd.s32 s1, s10;
	[dreg:$0xd] =	wrdreg s16;
	v20 =	vor.u32 $0xC00, v3;
	v2 =	vsel vm5, $0xE41, v2;
	v1 =	vsel vm1, $0xB04, v1  }
0x20: {  	s0 =	smax.u32 s0, $0x1;
	[dreg:$0xe] =	wrdreg s17;
	v22 =	vor.u32 $0x1000, v3;
	v2 =	vsel vm3, $0xE82, v2;
	v1 =	vsel vm15, $0xB45, v1  }
0x21: {  	s18 =	sadd.s32 s1, s11;
	[smem:$0x7FD] =	sst s0;
	v17 =	vsel vm4, $0xB86, v1;
	v1 =	vsel vm2, $0xEC3, v2;
	v2 =	vsel vm3, $0x1282, v4  }
0x22: {  	s19 =	sadd.s32 s1, s12;
	[dreg:$0xf] =	wrdreg s18;
	v37 =	vor.u32 $0x1400, v3;
	v1 =	vsel vm1, $0xF04, v1;
	v2 =	vsel vm2, $0x12C3, v2  }
0x23: {  	s20 =	sadd.s32 s1, s13;
	[dreg:$0x10] =	wrdreg s19;
	v4 =	vimm.s32 $0x17C7;
	v1 =	vsel vm15, $0xF45, v1;
	v2 =	vsel vm1, $0x1304, v2  }
0x24: {  	s21 =	sadd.s32 s1, s14;
	[tilespmem:$0x1FEC0] =	vst v27;
	[dreg:$0x11] =	wrdreg s20;
	v36 =	vsel vm4, $0xF86, v1;
	v1 =	vsel vm15, $0x1345, v2;
	v2 =	vsel vm14, $0x1400, v4  }
0x25: {  	s22 =	sadd.s32 s1, s15;
	s23 =	sor.u32 $0x100, s1;
	[tilespmem:$0x1FED0] =	vst v21;
	[dreg:$0x12] =	wrdreg s21;
	v25 =	vor.u32 $0x1800, v3;
	v10 =	vsel vm4, $0x1386, v1;
	v1 =	vsel vm13, $0x1441, v2  }
0x26: {  	[tilespmem:$0x1FF60] =	vst v14;
	[dreg:$0x13] =	wrdreg s22;
	s24 =	sadd.s32 s9, s23;
	v28 =	vor.u32 $0x1C00, v3;
	v2 =	vimm.s32 $0x1BC7;
	v1 =	vsel vm12, $0x1482, v1  }
0x27: {  	[tilespmem:$0x1FFD0] =	vst v23;
	s25 =	sadd.s32 s23, s8;
	[dreg:$0x14] =	wrdreg s24;
	v4 =	vimm.s32 $0x1FC7;
	v2 =	vsel vm14, $0x1800, v2;
	v1 =	vsel vm11, $0x14C3, v1  }
0x28: {  	[tilespmem:$0x1FFE0] =	vst v7;
	s26 =	sadd.s32 s23, s10;
	[dreg:$0x15] =	wrdreg s25;
	v4 =	vsel vm14, $0x1C00, v4;
	v2 =	vsel vm13, $0x1841, v2;
	v1 =	vsel vm10, $0x1504, v1  }
0x29: {  	[tilespmem:$0x1FFF0] =	vst v11;
	s7 =	sadd.s32 s23, s11;
	[dreg:$0x16] =	wrdreg s26;
	v4 =	vsel vm13, $0x1C41, v4;
	v2 =	vsel vm12, $0x1882, v2;
	v1 =	vsel vm9, $0x1545, v1  }
0x2a: {  	s16 =	sadd.s32 s23, s12;
	[tilespmem:$0x1FF10] =	vst v3;
	[dreg:$0x17] =	wrdreg s7;
	v4 =	vsel vm12, $0x1C82, v4;
	v2 =	vsel vm11, $0x18C3, v2;
	v1 =	vsel vm8, $0x1586, v1  }
0x2b: {  	s29 =	simm.s32 $0x80;
	s17 =	sadd.s32 s23, s13;
	[dreg:$0x18] =	wrdreg s16;
	[tilespmem:$0x1FEE0] =	vst v25;
	v4 =	vsel vm11, $0x1CC3, v4;
	v2 =	vsel vm10, $0x1904, v2;
	v1 =	vsel vm7, $0x15C7, v1  }
0x2c: {  	s30 =	simm.s32 $0x6400;
	s18 =	sadd.s32 s23, s14;
	[dreg:$0x19] =	wrdreg s17;
	[tilespmem:$0x1FEF0] =	vst v28;
	v4 =	vsel vm10, $0x1D04, v4;
	v2 =	vsel vm9, $0x1945, v2;
	v1 =	vsel vm6, $0x1600, v1  }
0x2d: {  	s1 =	sor.u32 $0x180, s1;
	s19 =	sadd.s32 s23, s15;
	[dreg:$0x1a] =	wrdreg s18;
	[tilespmem:$0x1FF00] =	vst v37;
	v4 =	vsel vm9, $0x1D45, v4;
	v2 =	vsel vm8, $0x1986, v2;
	v1 =	vsel vm5, $0x1641, v1  }
0x2e: {  	s31 =	simm.s32 $0xE400;
	s20 =	sadd.s32 s9, s1;
	[dreg:$0x1b] =	wrdreg s19;
	[tilespmem:$0x1FF20] =	vst v22;
	v4 =	vsel vm8, $0x1D86, v4;
	v2 =	vsel vm7, $0x19C7, v2;
	v1 =	vsel vm3, $0x1682, v1  }
0x2f: {  	s28 =	simm.s32 $0xA400;
	s21 =	sadd.s32 s1, s8;
	[dreg:$0x1c] =	wrdreg s20;
	[tilespmem:$0x1FF50] =	vst v15;
	v4 =	vsel vm7, $0x1DC7, v4;
	v2 =	vsel vm6, $0x1A00, v2;
	v1 =	vsel vm2, $0x16C3, v1  }
0x30: {  	s2 =	smul.u32 $0xC8, s5;
	s22 =	sadd.s32 s1, s10;
	[dreg:$0x1d] =	wrdreg s21;
	[tilespmem:$0x1FF70] =	vst v12;
	v4 =	vsel vm6, $0x1E00, v4;
	v2 =	vsel vm5, $0x1A41, v2;
	v1 =	vsel vm1, $0x1704, v1  }
0x31: {  	s5 =	simm.s32 $0x0;
	s23 =	sadd.s32 s1, s11;
	[dreg:$0x1e] =	wrdreg s22;
	[tilespmem:$0x1FF80] =	vst v20;
	v4 =	vsel vm5, $0x1E41, v4;
	v2 =	vsel vm3, $0x1A82, v2;
	v1 =	vsel vm15, $0x1745, v1  }
0x32: {  	[dreg:$0x1f] =	wrdreg s23;
	s24 =	sadd.s32 s1, s12;
	s25 =	sadd.s32 s1, s13;
	[tilespmem:$0x1FF90] =	vst v17;
	v18 =	vsel vm4, $0x1786, v1;
	v1 =	vsel vm2, $0x1AC3, v2;
	v2 =	vsel vm3, $0x1E82, v4  }
0x33: {  	s26 =	sadd.s32 s1, s14;
	s1 =	sadd.s32 s1, s15;
	[smem:$0x7F9] =	sst s24;
	[tilespmem:$0x1FFA0] =	vst v36;
	v1 =	vsel vm1, $0x1B04, v1;
	v2 =	vsel vm2, $0x1EC3, v2  }
0x34: {  	s18 =	simm.s32 $0x8400;
	s19 =	simm.s32 $0x10400;
	[smem:$0x7FA] =	sst s25;
	[tilespmem:$0x1FFB0] =	vst v10;
	v1 =	vsel vm15, $0x1B45, v1;
	v2 =	vsel vm1, $0x1F04, v2  }
0x35: {  	s21 =	simm.s32 $0xC400;
	s22 =	simm.s32 $0x14400;
	[smem:$0x7FB] =	sst s26;
	[tilespmem:$0x1FFC0] =	vst v18;
	v16 =	vsel vm4, $0x1B86, v1;
	v1 =	vsel vm15, $0x1F45, v2  }
0x36: {  	s16 =	simm.s32 $0x5;
	s20 =	simm.s32 $0x6;
	[smem:$0x7FC] =	sst s1;
	v19 =	vsel vm4, $0x1F86, v1;
	[tilespmem:$0x1FF30] =	vst v16  }
0x37: {  	v5 =	vor.u32 $0x10, v0;
	v9 =	vor.u32 $0x30, v0;
	s1 =	simm.s32 $0x12400;
	s24 =	simm.s32 $0x7;
	s26 =	simm.s32 $0x8;
	[tilespmem:$0x1FF40] =	vst v19  }
.LBB2_1:
0x38: {  	[smem:$0x7F8] =	sst s5  }
0x39: {  	s0 =	rddreg [dreg:$0x3];
	s6 =	simm.s32 $0x9  }
0x3a: {  	[tilespmem:s3], [sflag:$0x9] =	stream.linear.gather [hbm4b:s0+s3], $0x6400, $0x38;
	[tilespmem:$0x16400] =	vst v63  }
0x3b: {  	_ =	swait.ge [sflag:s6], $0x6400  }
0x3c: {  	[sflag:s6] =	ssyncset.done $0x0  }
0x3d: {  	[sflag:s6] =	ssyncadd.s32 $0xFFFF9C00  }
0x3e: {  	[tilespmem:s30], [sflag:$0x1] =	stream.indirect.gather [hbm4b:s4+s29], $0x40, s3, s29, $0xb8;
	[tilespmem:$0x16400] =	vst v63  }
0x3f: {  	s7 =	rddreg [dreg:$0x4]  }
0x40: {  	[hbm4b:s7+s3] =	stream.linear.scatter [tilespmem:s31], [sflag:$0x5], $0x400, $0x38;
	[tilespmem:$0x16400] =	vst v63  }
0x41: {  	s17 =	simm.s32 $0xE800;
	s9 =	rddreg [dreg:$0x5]  }
0x42: {  	[hbm4b:s9+s3] =	stream.linear.scatter [tilespmem:s17], [sflag:$0x5], $0x400, $0x38;
	[tilespmem:$0x16400] =	vst v63  }
0x43: {  	s25 =	simm.s32 $0xEC00;
	s23 =	rddreg [dreg:$0xe]  }
0x44: {  	[hbm4b:s23+s3] =	stream.linear.scatter [tilespmem:s25], [sflag:$0x5], $0x400, $0x38;
	[tilespmem:$0x16400] =	vst v63  }
0x45: {  	s6 =	rddreg [dreg:$0xf];
	s7 =	simm.s32 $0xF000  }
0x46: {  	[hbm4b:s6+s3] =	stream.linear.scatter [tilespmem:s7], [sflag:$0x5], $0x400, $0x38;
	[tilespmem:$0x16400] =	vst v63  }
0x47: {  	s9 =	rddreg [dreg:$0x10];
	s17 =	simm.s32 $0xF400  }
0x48: {  	[hbm4b:s9+s3] =	stream.linear.scatter [tilespmem:s17], [sflag:$0x5], $0x400, $0x38;
	[tilespmem:$0x16400] =	vst v63  }
0x49: {  	s23 =	rddreg [dreg:$0x11];
	s25 =	simm.s32 $0xF800  }
0x4a: {  	[hbm4b:s23+s3] =	stream.linear.scatter [tilespmem:s25], [sflag:$0x5], $0x400, $0x38;
	[tilespmem:$0x16400] =	vst v63  }
0x4b: {  	s5 =	rddreg [dreg:$0x12];
	s6 =	simm.s32 $0xFC00  }
0x4c: {  	[hbm4b:s5+s3] =	stream.linear.scatter [tilespmem:s6], [sflag:$0x5], $0x400, $0x38;
	[tilespmem:$0x16400] =	vst v63  }
0x4d: {  	s7 =	rddreg [dreg:$0x13];
	s9 =	simm.s32 $0x10000  }
0x4e: {  	[hbm4b:s7+s3] =	stream.linear.scatter [tilespmem:s9], [sflag:$0x5], $0x400, $0x38;
	[tilespmem:$0x16400] =	vst v63  }
0x4f: {  	_ = 	snop  }
0x50: {  	[tilespmem:s18], [sflag:$0x2] =	stream.indirect.gather [hbm4b:s4+s29], $0x40, s29, s29, $0xb8;
	[tilespmem:$0x16400] =	vst v63  }
0x51: {  	s17 =	rddreg [dreg:$0x6]  }
0x52: {  	[hbm4b:s17+s3] =	stream.linear.scatter [tilespmem:s19], [sflag:$0x6], $0x400, $0x38;
	[tilespmem:$0x16400] =	vst v63  }
0x53: {  	s23 =	rddreg [dreg:$0x7];
	s25 =	simm.s32 $0x10800  }
0x54: {  	[hbm4b:s23+s3] =	stream.linear.scatter [tilespmem:s25], [sflag:$0x6], $0x400, $0x38;
	[tilespmem:$0x16400] =	vst v63  }
0x55: {  	s6 =	rddreg [dreg:$0x8];
	s7 =	simm.s32 $0x10C00  }
0x56: {  	[hbm4b:s6+s3] =	stream.linear.scatter [tilespmem:s7], [sflag:$0x6], $0x400, $0x38;
	[tilespmem:$0x16400] =	vst v63  }
0x57: {  	s9 =	rddreg [dreg:$0x9];
	s17 =	simm.s32 $0x11000  }
0x58: {  	[hbm4b:s9+s3] =	stream.linear.scatter [tilespmem:s17], [sflag:$0x6], $0x400, $0x38;
	[tilespmem:$0x16400] =	vst v63  }
0x59: {  	s23 =	rddreg [dreg:$0xa];
	s25 =	simm.s32 $0x11400  }
0x5a: {  	[hbm4b:s23+s3] =	stream.linear.scatter [tilespmem:s25], [sflag:$0x6], $0x400, $0x38;
	[tilespmem:$0x16400] =	vst v63  }
0x5b: {  	s5 =	rddreg [dreg:$0xb];
	s6 =	simm.s32 $0x11800  }
0x5c: {  	[hbm4b:s5+s3] =	stream.linear.scatter [tilespmem:s6], [sflag:$0x6], $0x400, $0x38;
	[tilespmem:$0x16400] =	vst v63  }
0x5d: {  	s7 =	rddreg [dreg:$0xc];
	s9 =	simm.s32 $0x11C00  }
0x5e: {  	[hbm4b:s7+s3] =	stream.linear.scatter [tilespmem:s9], [sflag:$0x6], $0x400, $0x38;
	[tilespmem:$0x16400] =	vst v63  }
0x5f: {  	s17 =	rddreg [dreg:$0xd];
	s23 =	simm.s32 $0x12000  }
0x60: {  	[hbm4b:s17+s3] =	stream.linear.scatter [tilespmem:s23], [sflag:$0x6], $0x400, $0x38;
	[tilespmem:$0x16400] =	vst v63  }
0x61: {  	s25 =	simm.s32 $0x100  }
0x62: {  	[tilespmem:s28], [sflag:$0x3] =	stream.indirect.gather [hbm4b:s4+s29], $0x40, s25, s29, $0xb8;
	[tilespmem:$0x16400] =	vst v63  }
0x63: {  	s5 =	rddreg [dreg:$0x14]  }
0x64: {  	[hbm4b:s5+s3] =	stream.linear.scatter [tilespmem:s1], [sflag:$0x7], $0x400, $0x38;
	[tilespmem:$0x16400] =	vst v63  }
0x65: {  	s6 =	rddreg [dreg:$0x15];
	s7 =	simm.s32 $0x12800  }
0x66: {  	[hbm4b:s6+s3] =	stream.linear.scatter [tilespmem:s7], [sflag:$0x7], $0x400, $0x38;
	[tilespmem:$0x16400] =	vst v63  }
0x67: {  	s9 =	rddreg [dreg:$0x16];
	s17 =	simm.s32 $0x12C00  }
0x68: {  	[hbm4b:s9+s3] =	stream.linear.scatter [tilespmem:s17], [sflag:$0x7], $0x400, $0x38;
	[tilespmem:$0x16400] =	vst v63  }
0x69: {  	s23 =	rddreg [dreg:$0x17];
	s25 =	simm.s32 $0x13000  }
0x6a: {  	[hbm4b:s23+s3] =	stream.linear.scatter [tilespmem:s25], [sflag:$0x7], $0x400, $0x38;
	[tilespmem:$0x16400] =	vst v63  }
0x6b: {  	s6 =	rddreg [dreg:$0x18];
	s7 =	simm.s32 $0x13400  }
0x6c: {  	[hbm4b:s6+s3] =	stream.linear.scatter [tilespmem:s7], [sflag:$0x7], $0x400, $0x38;
	[tilespmem:$0x16400] =	vst v63  }
0x6d: {  	s9 =	rddreg [dreg:$0x19];
	s17 =	simm.s32 $0x13800  }
0x6e: {  	[hbm4b:s9+s3] =	stream.linear.scatter [tilespmem:s17], [sflag:$0x7], $0x400, $0x38;
	[tilespmem:$0x16400] =	vst v63  }
0x6f: {  	s23 =	rddreg [dreg:$0x1a];
	s25 =	simm.s32 $0x13C00  }
0x70: {  	[hbm4b:s23+s3] =	stream.linear.scatter [tilespmem:s25], [sflag:$0x7], $0x400, $0x38;
	[tilespmem:$0x16400] =	vst v63  }
0x71: {  	s6 =	rddreg [dreg:$0x1b];
	s7 =	simm.s32 $0x14000  }
0x72: {  	[hbm4b:s6+s3] =	stream.linear.scatter [tilespmem:s7], [sflag:$0x7], $0x400, $0x38;
	[tilespmem:$0x16400] =	vst v63  }
0x73: {  	s9 =	simm.s32 $0x180;
	s17 =	rddreg [dreg:$0x1c]  }
0x74: {  	[tilespmem:s21], [sflag:$0x4] =	stream.indirect.gather [hbm4b:s4+s29], $0x40, s9, s29, $0xb8;
	[tilespmem:$0x16400] =	vst v63  }
0x75: {  	s23 =	rddreg [dreg:$0x1d]  }
0x76: {  	[hbm4b:s17+s3] =	stream.linear.scatter [tilespmem:s22], [sflag:$0x8], $0x400, $0x38;
	[tilespmem:$0x16400] =	vst v63  }
0x77: {  	s25 =	simm.s32 $0x14800;
	s6 =	rddreg [dreg:$0x1e]  }
0x78: {  	[hbm4b:s23+s3] =	stream.linear.scatter [tilespmem:s25], [sflag:$0x8], $0x400, $0x38;
	[tilespmem:$0x16400] =	vst v63  }
0x79: {  	s7 =	simm.s32 $0x14C00;
	s9 =	rddreg [dreg:$0x1f]  }
0x7a: {  	[hbm4b:s6+s3] =	stream.linear.scatter [tilespmem:s7], [sflag:$0x8], $0x400, $0x38;
	[tilespmem:$0x16400] =	vst v63  }
0x7b: {  	s17 =	simm.s32 $0x15000;
	s23 =	sld [smem:$0x7F9]  }
0x7c: {  	[hbm4b:s9+s3] =	stream.linear.scatter [tilespmem:s17], [sflag:$0x8], $0x400, $0x38;
	[tilespmem:$0x16400] =	vst v63  }
0x7d: {  	s25 =	simm.s32 $0x15400;
	s6 =	sld [smem:$0x7FA]  }
0x7e: {  	[hbm4b:s23+s3] =	stream.linear.scatter [tilespmem:s25], [sflag:$0x8], $0x400, $0x38;
	[tilespmem:$0x16400] =	vst v63  }
0x7f: {  	s7 =	simm.s32 $0x15800;
	s9 =	sld [smem:$0x7FB]  }
0x80: {  	[hbm4b:s6+s3] =	stream.linear.scatter [tilespmem:s7], [sflag:$0x8], $0x400, $0x38;
	[tilespmem:$0x16400] =	vst v63  }
0x81: {  	s17 =	simm.s32 $0x15C00;
	s23 =	sld [smem:$0x7FC]  }
0x82: {  	[hbm4b:s9+s3] =	stream.linear.scatter [tilespmem:s17], [sflag:$0x8], $0x400, $0x38;
	[tilespmem:$0x16400] =	vst v63  }
0x83: {  	s0 =	simm.s32 $0x0;
	s25 =	simm.s32 $0x16000  }
0x84: {  	[hbm4b:s23+s3] =	stream.linear.scatter [tilespmem:s25], [sflag:$0x8], $0x400, $0x38;
	[tilespmem:$0x16400] =	vst v63  }
.LBB2_2:
0x85: {  	s5 =	simm.s32 $0x1  }
0x86: {  	_ =	swait.ge [sflag:s5], $0x2000  }
0x87: {  	[sflag:s5] =	ssyncset.done $0x0  }
0x88: {  	[sflag:s5] =	ssyncadd.s32 $0xFFFFE000  }
0x89: {  	_ =	swait.ge [sflag:s16], $0x400  }
0x8a: {  	[sflag:s16] =	ssyncset.done $0x0  }
0x8b: {  	[sflag:s16] =	ssyncadd.s32 $0xFFFFFC00  }
0x8c: {  	_ =	swait.ge [sflag:s16], $0x400  }
0x8d: {  	[sflag:s16] =	ssyncset.done $0x0  }
0x8e: {  	[sflag:s16] =	ssyncadd.s32 $0xFFFFFC00  }
0x8f: {  	_ =	swait.ge [sflag:s16], $0x400  }
0x90: {  	[sflag:s16] =	ssyncset.done $0x0  }
0x91: {  	[sflag:s16] =	ssyncadd.s32 $0xFFFFFC00  }
0x92: {  	_ =	swait.ge [sflag:s16], $0x400  }
0x93: {  	s9 =	simm.s32 $0x2;
	[sflag:s16] =	ssyncset.done $0x0  }
0x94: {  	v2 =	vadd.s32 s9, v0;
	[sflag:s16] =	ssyncadd.s32 $0xFFFFFC00  }
0x95: {  	v63 =	vand.u32 $0x3F, v2;
	_ =	swait.ge [sflag:s16], $0x400  }
0x96: {  	v24 =	vor.u32 v28, v63;
	[sflag:s16] =	ssyncset.done $0x0  }
0x97: {  	s6 =	simm.s32 $0x0;
	s7 =	simm.s32 $0x3;
	[tilespmem:$0x1FE60] =	vst v24;
	[sflag:s16] =	ssyncadd.s32 $0xFFFFFC00  }
0x98: {  	s17 =	simm.s32 $0x5;
	s23 =	simm.s32 $0x4;
	v1 =	vadd.s32 s6, v0;
	_ =	swait.ge [sflag:s16], $0x400  }
0x99: {  	s25 =	simm.s32 $0x6;
	v8 =	vadd.s32 s7, v0;
	s9 =	simm.s32 $0x7;
	v10 =	vadd.s32 s17, v0;
	v25 =	vadd.s32 s23, v0;
	[sflag:s16] =	ssyncset.done $0x0  }
0x9a: {  	v26 =	vadd.s32 s25, v0;
	v4 =	vshll.u32 v1, $0x7;
	v13 =	vadd.s32 s9, v0;
	[sflag:s16] =	ssyncadd.s32 $0xFFFFFC00  }
0x9b: {  	v41 =	vand.u32 $0x3F, v10;
	v46 =	vand.u32 $0x3F, v8;
	v27 =	vshll.u32 v13, $0x7;
	_ =	swait.ge [sflag:s16], $0x400  }
0x9c: {  	v43 =	vand.u32 $0x3F, v25;
	v30 =	vshll.u32 v26, $0x7;
	v39 =	vand.u32 $0x1F80, v27;
	v27 =	vld [tilespmem:$0x1FEC0]  }
0x9d: {  	v2 =	vshll.u32 v2, $0x7;
	v25 =	vshll.u32 v25, $0x7;
	v38 =	vand.u32 $0x38, v1  }
0x9e: {  	v8 =	vshll.u32 v8, $0x7;
	v50 =	vand.u32 $0x3F, v26;
	v33 =	vor.u32 v3, v63  }
0x9f: {  	v29 =	vor.u32 v3, v43;
	v32 =	vor.u32 v3, v41;
	v44 =	vand.u32 $0x1F80, v2;
	[sflag:s16] =	ssyncset.done $0x0  }
0xa0: {  	v34 =	vor.u32 v23, v38;
	v2 =	vand.u32 $0x1F80, v25;
	v55 =	vand.u32 $0x1F80, v4;
	[sflag:s16] =	ssyncadd.s32 $0xFFFFFC00  }
0xa1: {  	s5 =	simm.s32 $0x1;
	v4 =	vshll.u32 v10, $0x7;
	v40 =	vand.u32 $0x3F, v13;
	v25 =	vld [tilespmem:$0x1FEE0];
	_ =	swait.ge [sflag:s16], $0x400;
	v1 =	vor.u32 v27, v44  }
0xa2: {  	v13 =	vor.u32 v15, v63;
	v47 =	vor.u32 v3, v46;
	v6 =	vadd.s32 s5, v0;
	[tilespmem:$0x1FE70] =	vst v1;
	v1 =	vld [tilespmem:$0x1FEB0]  }
0xa3: {  	v31 =	vand.u32 $0x1F80, v30;
	v51 =	vand.u32 $0x1F80, v8;
	v60 =	vand.u32 $0x3F, v6  }
0xa4: {  	v57 =	vor.u32 v3, v50;
	v61 =	vor.u32 v12, v43;
	v28 =	vor.u32 v3, v60;
	[sflag:s16] =	ssyncset.done $0x0  }
0xa5: {  	v48 =	vand.u32 $0x1F80, v4;
	v45 =	vor.u32 v3, v40;
	v6 =	vshll.u32 v6, $0x7;
	[sflag:s16] =	ssyncadd.s32 $0xFFFFFC00  }
0xa6: {  	v52 =	vor.u32 v0, v2;
	v53 =	vor.u32 v0, v48;
	v49 =	vld.idx.msk [tilespmem:v29+s30+$0x0], $0xffff;
	v29 =	vand.u32 $0x1F80, v6  }
0xa7: {  	v6 =	vor.u32 v15, v43;
	v30 =	vld.idx.msk [tilespmem:v32+s30+$0x0], $0xffff;
	v35 =	vor.u32 v1, v38;
	v1 =	vor.u32 v21, v31  }
0xa8: {  	v16 =	vor.u32 v16, v38;
	v10 =	vor.u32 v0, v44;
	v32 =	vor.u32 v15, v41;
	[tilespmem:$0x1FE80] =	vst v1  }
0xa9: {  	v42 =	vor.u32 v0, v55;
	v54 =	vor.u32 v0, v29;
	v1 =	vor.u32 v21, v51;
	v28 =	vld.idx.msk [tilespmem:v28+s30+$0x0], $0xffff  }
0xaa: {  	v56 =	vor.u32 v0, v31;
	v58 =	vor.u32 v0, v51;
	v47 =	vld.idx.msk [tilespmem:v47+s30+$0x0], $0xffff;
	[tilespmem:$0x1FE90] =	vst v1  }
0xab: {  	v8 =	vor.u32 v5, v44;
	v59 =	vor.u32 v5, v2;
	[tilespmem:v52+s31+$0x0] =	vst.idx.msk $0xffff, v49;
	v45 =	vld.idx.msk [tilespmem:v45+s30+$0x0], $0xffff  }
0xac: {  	v4 =	vor.u32 v0, v39;
	v62 =	vor.u32 v5, v48;
	[tilespmem:v53+s31+$0x0] =	vst.idx.msk $0xffff, v30;
	v6 =	vld.idx.msk [tilespmem:v6+s30+$0x0], $0xffff  }
0xad: {  	v3 =	vmov v60;
	v60 =	vor.u32 v15, v60;
	v49 =	vor.u32 v15, v46;
	v32 =	vld.idx.msk [tilespmem:v32+s30+$0x0], $0xffff  }
0xae: {  	v24 =	vor.u32 v25, v3;
	v1 =	vor.u32 v37, v63;
	v35 =	vld.idx.msk [tilespmem:v35+s30+$0x0], $0xffff;
	[tilespmem:v54+s31+$0x0] =	vst.idx.msk $0xffff, v28  }
0xaf: {  	v52 =	vor.u32 v12, v63;
	v53 =	vor.u32 v15, v40;
	v28 =	vld [tilespmem:$0x1FEF0];
	[tilespmem:v58+s31+$0x0] =	vst.idx.msk $0xffff, v47  }
0xb0: {  	v30 =	vor.u32 v22, v63;
	v54 =	vor.u32 v12, v41;
	v58 =	vor.u32 v5, v39;
	[tilespmem:$0x1FEA0] =	vst v1  }
0xb1: {  	v1 =	vor.u32 v37, v3;
	v47 =	vld.idx.msk [tilespmem:v57+s30+$0x0], $0xffff;
	[tilespmem:v4+s31+$0x0] =	vst.idx.msk $0xffff, v45;
	v4 =	vor.u32 v5, v51  }
0xb2: {  	v45 =	vld.idx.msk [tilespmem:v49+s30+$0x0], $0xffff;
	v49 =	vor.u32 v12, v46;
	[tilespmem:v59+s31+$0x0] =	vst.idx.msk $0xffff, v6;
	v6 =	vor.u32 v5, v29  }
0xb3: {  	v57 =	vld.idx.msk [tilespmem:v60+s30+$0x0], $0xffff;
	[tilespmem:v42+s31+$0x0] =	vst.idx.msk $0xffff, v35;
	v35 =	vor.u32 v15, v50;
	v42 =	vor.u32 v5, v55  }
0xb4: {  	[tilespmem:v62+s31+$0x0] =	vst.idx.msk $0xffff, v32;
	v59 =	vor.u32 v7, v48;
	v60 =	vor.u32 v17, v38;
	v53 =	vld.idx.msk [tilespmem:v53+s30+$0x0], $0xffff  }
0xb5: {  	v17 =	vor.u32 v21, v44;
	v62 =	vor.u32 v9, v51;
	v15 =	vor.u32 v20, v63;
	v34 =	vld.idx.msk [tilespmem:v34+s30+$0x0], $0xffff  }
0xb6: {  	v32 =	vor.u32 v11, v39;
	v54 =	vld.idx.msk [tilespmem:v54+s30+$0x0], $0xffff;
	[tilespmem:v56+s31+$0x0] =	vst.idx.msk $0xffff, v47;
	v47 =	vor.u32 v12, v40  }
0xb7: {  	v63 =	vor.u32 v25, v63;
	v56 =	vld.idx.msk [tilespmem:v33+s30+$0x0], $0xffff;
	[tilespmem:v4+s31+$0x0] =	vst.idx.msk $0xffff, v45;
	v4 =	vor.u32 v12, v3  }
0xb8: {  	v45 =	vor.u32 v20, v41;
	[tilespmem:v6+s31+$0x0] =	vst.idx.msk $0xffff, v57;
	v6 =	vor.u32 v7, v51;
	v49 =	vld.idx.msk [tilespmem:v49+s30+$0x0], $0xffff  }
0xb9: {  	v57 =	vor.u32 v7, v2;
	v35 =	vld.idx.msk [tilespmem:v35+s30+$0x0], $0xffff;
	[tilespmem:v58+s31+$0x0] =	vst.idx.msk $0xffff, v53;
	v53 =	vor.u32 v5, v31  }
0xba: {  	v33 =	vor.u32 v37, v43;
	v58 =	vld.idx.msk [tilespmem:v61+s30+$0x0], $0xffff;
	[tilespmem:v42+s31+$0x0] =	vst.idx.msk $0xffff, v34;
	v42 =	vor.u32 v20, v46  }
0xbb: {  	v61 =	vor.u32 v12, v50;
	[tilespmem:v59+s31+$0x0] =	vst.idx.msk $0xffff, v54;
	v54 =	vor.u32 v7, v39;
	v47 =	vld.idx.msk [tilespmem:v47+s30+$0x0], $0xffff  }
0xbc: {  	v59 =	vor.u32 v20, v43;
	[tilespmem:v10+s31+$0x0] =	vst.idx.msk $0xffff, v56;
	v10 =	vor.u32 v7, v29;
	v4 =	vld.idx.msk [tilespmem:v4+s30+$0x0], $0xffff  }
0xbd: {  	v56 =	vor.u32 v9, v48;
	v45 =	vld.idx.msk [tilespmem:v45+s30+$0x0], $0xffff;
	[tilespmem:v6+s31+$0x0] =	vst.idx.msk $0xffff, v49;
	v6 =	vor.u32 v20, v40  }
0xbe: {  	v34 =	vor.u32 v28, v46;
	[tilespmem:v53+s31+$0x0] =	vst.idx.msk $0xffff, v35;
	v35 =	vor.u32 v20, v3;
	v13 =	vld.idx.msk [tilespmem:v13+s30+$0x0], $0xffff  }
0xbf: {  	v49 =	vor.u32 v22, v41;
	[tilespmem:v57+s31+$0x0] =	vst.idx.msk $0xffff, v58;
	v57 =	vor.u32 v7, v44;
	v42 =	vld.idx.msk [tilespmem:v42+s30+$0x0], $0xffff  }
0xc0: {  	v53 =	vor.u32 v7, v55;
	v58 =	vld.idx.msk [tilespmem:v61+s30+$0x0], $0xffff;
	[tilespmem:v54+s31+$0x0] =	vst.idx.msk $0xffff, v47;
	v47 =	vor.u32 v7, v31  }
0xc1: {  	v54 =	vor.u32 v9, v2;
	[tilespmem:v10+s31+$0x0] =	vst.idx.msk $0xffff, v4;
	v4 =	vor.u32 v22, v46;
	v10 =	vld.idx.msk [tilespmem:v59+s30+$0x0], $0xffff  }
0xc2: {  	v59 =	vor.u32 v20, v50;
	[tilespmem:v56+s31+$0x0] =	vst.idx.msk $0xffff, v45;
	v45 =	vor.u32 v9, v39;
	v6 =	vld.idx.msk [tilespmem:v6+s30+$0x0], $0xffff  }
0xc3: {  	v56 =	vor.u32 v22, v43;
	[tilespmem:v8+s31+$0x0] =	vst.idx.msk $0xffff, v13;
	v8 =	vor.u32 v9, v29;
	v13 =	vld.idx.msk [tilespmem:v35+s30+$0x0], $0xffff  }
0xc4: {  	v61 =	vor.u32 v11, v48;
	v49 =	vld.idx.msk [tilespmem:v49+s30+$0x0], $0xffff;
	[tilespmem:v62+s31+$0x0] =	vst.idx.msk $0xffff, v42;
	v62 =	vor.u32 v22, v40  }
0xc5: {  	v7 =	vor.u32 v28, v50;
	v52 =	vld.idx.msk [tilespmem:v52+s30+$0x0], $0xffff;
	[tilespmem:v47+s31+$0x0] =	vst.idx.msk $0xffff, v58;
	v47 =	vor.u32 v22, v3  }
0xc6: {  	v58 =	vor.u32 v37, v41;
	v4 =	vld.idx.msk [tilespmem:v4+s30+$0x0], $0xffff;
	[tilespmem:v54+s31+$0x0] =	vst.idx.msk $0xffff, v10;
	v10 =	vor.u32 v11, v51  }
0xc7: {  	v35 =	vor.u32 v11, v29;
	v59 =	vld.idx.msk [tilespmem:v59+s30+$0x0], $0xffff;
	[tilespmem:v45+s31+$0x0] =	vst.idx.msk $0xffff, v6;
	v6 =	vor.u32 v9, v31  }
0xc8: {  	v45 =	vor.u32 v11, v2;
	[tilespmem:v8+s31+$0x0] =	vst.idx.msk $0xffff, v13;
	v8 =	vor.u32 v37, v46;
	v13 =	vld.idx.msk [tilespmem:v56+s30+$0x0], $0xffff  }
0xc9: {  	v54 =	vor.u32 v36, v38;
	v56 =	vor.u32 v22, v50;
	[tilespmem:v61+s31+$0x0] =	vst.idx.msk $0xffff, v49;
	v42 =	vld.idx.msk [tilespmem:v62+s30+$0x0], $0xffff  }
0xca: {  	v36 =	vor.u32 v11, v31;
	v46 =	vor.u32 v25, v46;
	[tilespmem:v57+s31+$0x0] =	vst.idx.msk $0xffff, v52;
	v47 =	vld.idx.msk [tilespmem:v47+s30+$0x0], $0xffff  }
0xcb: {  	v61 =	vor.u32 v27, v2;
	[tilespmem:v10+s31+$0x0] =	vst.idx.msk $0xffff, v4;
	v4 =	vor.u32 v14, v48;
	v10 =	vld.idx.msk [tilespmem:v58+s30+$0x0], $0xffff  }
0xcc: {  	v62 =	vld.idx.msk [tilespmem:v60+s30+$0x0], $0xffff;
	v60 =	vor.u32 v9, v55;
	[tilespmem:v6+s31+$0x0] =	vst.idx.msk $0xffff, v59;
	v6 =	vor.u32 v37, v40  }
0xcd: {  	v52 =	vor.u32 v14, v55;
	v57 =	vor.u32 v25, v40;
	v8 =	vld.idx.msk [tilespmem:v8+s30+$0x0], $0xffff;
	[tilespmem:v45+s31+$0x0] =	vst.idx.msk $0xffff, v13  }
0xce: {  	v58 =	vor.u32 v18, v38;
	v13 =	vor.u32 v14, v51;
	v45 =	vld.idx.msk [tilespmem:v56+s30+$0x0], $0xffff;
	[tilespmem:v32+s31+$0x0] =	vst.idx.msk $0xffff, v42  }
0xcf: {  	v37 =	vor.u32 v37, v50;
	v51 =	vor.u32 v27, v51;
	v12 =	vld [tilespmem:$0x1FFB0];
	[tilespmem:v35+s31+$0x0] =	vst.idx.msk $0xffff, v47  }
0xd0: {  	v49 =	vld.idx.msk [tilespmem:v33+s30+$0x0], $0xffff;
	v47 =	vor.u32 v14, v2;
	[tilespmem:v4+s31+$0x0] =	vst.idx.msk $0xffff, v10;
	v4 =	vor.u32 v25, v41  }
0xd1: {  	v56 =	vor.u32 v25, v43;
	v32 =	vor.u32 v27, v48;
	v42 =	vor.u32 v9, v44;
	v6 =	vld.idx.msk [tilespmem:v6+s30+$0x0], $0xffff  }
0xd2: {  	[tilespmem:v53+s31+$0x0] =	vst.idx.msk $0xffff, v62;
	v62 =	vor.u32 v11, v44;
	v10 =	vor.u32 v14, v39;
	v1 =	vld.idx.msk [tilespmem:v1+s30+$0x0], $0xffff  }
0xd3: {  	v53 =	vor.u32 v27, v55;
	[tilespmem:v13+s31+$0x0] =	vst.idx.msk $0xffff, v8;
	v13 =	vor.u32 v14, v29;
	v8 =	vld.idx.msk [tilespmem:v15+s30+$0x0], $0xffff  }
0xd4: {  	v35 =	vor.u32 v11, v55;
	[tilespmem:v36+s31+$0x0] =	vst.idx.msk $0xffff, v45;
	v45 =	vld.idx.msk [tilespmem:v54+s30+$0x0], $0xffff;
	v54 =	vor.u32 v19, v38  }
0xd5: {  	v59 =	vor.u32 v12, v38;
	v38 =	vor.u32 v28, v40;
	[tilespmem:v47+s31+$0x0] =	vst.idx.msk $0xffff, v49;
	v33 =	vld.idx.msk [tilespmem:v4+s30+$0x0], $0xffff  }
0xd6: {  	v46 =	vld.idx.msk [tilespmem:v46+s30+$0x0], $0xffff;
	v47 =	vor.u32 v28, v43;
	v4 =	vor.u32 v28, v41;
	v49 =	vor.u32 v21, v2  }
0xd7: {  	v37 =	vld.idx.msk [tilespmem:v37+s30+$0x0], $0xffff;
	v2 =	vor.u32 v21, v39;
	v43 =	vor.u32 v28, v3;
	[tilespmem:v10+s31+$0x0] =	vst.idx.msk $0xffff, v6  }
0xd8: {  	[tilespmem:v13+s31+$0x0] =	vst.idx.msk $0xffff, v1;
	v6 =	vor.u32 v21, v48;
	v48 =	vld.idx.msk [tilespmem:v56+s30+$0x0], $0xffff;
	v13 =	vor.u32 v14, v31  }
0xd9: {  	v41 =	vor.u32 v27, v39;
	v1 =	vor.u32 v14, v44;
	v10 =	vor.u32 v25, v50;
	v50 =	vld.idx.msk [tilespmem:v57+s30+$0x0], $0xffff  }
0xda: {  	s6 =	simm.s32 $0x8;
	v44 =	vor.u32 v27, v29;
	v56 =	vor.u32 v21, v55;
	v39 =	vld.idx.msk [tilespmem:v24+s30+$0x0], $0xffff;
	[tilespmem:v32+s31+$0x0] =	vst.idx.msk $0xffff, v33  }
.LBB2_3:
0xdb: {  	_ =	sdelay $0x1  }
0xdc: {  	[tilespmem:v13+s31+$0x0] =	vst.idx.msk $0xffff, v37  }
0xdd: {  	[tilespmem:v42+s31+$0x0] =	vst.idx.msk $0xffff, v8;
	v8 =	vor.u32 v27, v31;
	v10 =	vld.idx.msk [tilespmem:v10+s30+$0x0], $0xffff;
	_ =	sdelay $0x2  }
0xde: {  	v3 =	vld [tilespmem:$0x1FE70];
	[tilespmem:v60+s31+$0x0] =	vst.idx.msk $0xffff, v45  }
0xdf: {  	v26 =	vld.idx.msk [tilespmem:v59+s30+$0x0], $0xffff  }
0xe0: {  	[tilespmem:v8+s31+$0x0] =	vst.idx.msk $0xffff, v10;
	v10 =	vld [tilespmem:$0x1FEC0]  }
0xe1: {  	s25 =	sadd.s32 $0x2, s6  }
0xe2: {  	v27 =	vadd.s32 s25, v0  }
0xe3: {  	v20 =	vld [tilespmem:$0x1FF10];
	[tilespmem:v41+s31+$0x0] =	vst.idx.msk $0xffff, v50;
	v37 =	vand.u32 $0x3F, v27;
	v27 =	vshll.u32 v27, $0x7  }
0xe4: {  	v24 =	vld.idx.msk [tilespmem:v4+s30+$0x0], $0xffff;
	[tilespmem:v44+s31+$0x0] =	vst.idx.msk $0xffff, v39;
	v44 =	vand.u32 $0x1F80, v27  }
0xe5: {  	v4 =	vmov v3;
	[tilespmem:v35+s31+$0x0] =	vst.idx.msk $0xffff, v26;
	v26 =	vld.idx.msk [tilespmem:v38+s30+$0x0], $0xffff;
	v3 =	vor.u32 v10, v44  }
0xe6: {  	[tilespmem:$0x1FE70] =	vst v3;
	v3 =	vld [tilespmem:$0x1FEA0];
	_ =	sdelay $0x1  }
0xe7: {  	v32 =	vld.idx.msk [tilespmem:v30+s30+$0x0], $0xffff;
	v33 =	vor.u32 v20, v37  }
0xe8: {  	[tilespmem:v51+s31+$0x0] =	vst.idx.msk $0xffff, v46  }
0xe9: {  	s17 =	sadd.s32 $0x5, s6;
	[tilespmem:v2+s31+$0x0] =	vst.idx.msk $0xffff, v26;
	v2 =	vld [tilespmem:$0x1FE90]  }
0xea: {  	v25 =	vadd.s32 s17, v0;
	v34 =	vld.idx.msk [tilespmem:v34+s30+$0x0], $0xffff  }
0xeb: {  	v40 =	vadd.s32 s6, v0;
	v55 =	vor.u32 v21, v29;
	s23 =	sadd.s32 $0x7, s6;
	v60 =	vmovc v17;
	v42 =	vand.u32 $0x3F, v25;
	v17 =	vld.idx.msk [tilespmem:v43+s30+$0x0], $0xffff  }
0xec: {  	v29 =	vshll.u32 v40, $0x7;
	v13 =	vadd.s32 s23, v0;
	v51 =	vor.u32 v20, v42;
	v22 =	vld.idx.msk [tilespmem:v33+s30+$0x0], $0xffff;
	[tilespmem:v62+s31+$0x0] =	vst.idx.msk $0xffff, v32  }
0xed: {  	[tilespmem:v6+s31+$0x0] =	vst.idx.msk $0xffff, v24;
	v43 =	vand.u32 $0x38, v40;
	v24 =	vshll.u32 v13, $0x7;
	v40 =	vand.u32 $0x3F, v13;
	v13 =	vld.idx.msk [tilespmem:v3+s30+$0x0], $0xffff  }
0xee: {  	s9 =	sadd.s32 $0x3, s6  }
0xef: {  	v15 =	vadd.s32 s9, v0  }
0xf0: {  	v45 =	vand.u32 $0x3F, v15;
	v15 =	vshll.u32 v15, $0x7  }
0xf1: {  	s7 =	sadd.s32 $0x1, s6;
	s25 =	smov.u32 s6;
	[tilespmem:v2+s31+$0x0] =	vst.idx.msk $0xffff, v34;
	v34 =	vld.idx.msk [tilespmem:v51+s30+$0x0], $0xffff;
	v51 =	vand.u32 $0x1F80, v15  }
0xf2: {  	s5 =	sadd.s32 $0x6, s6;
	v31 =	vadd.s32 s7, v0;
	s7 =	sadd.s32 $0x4, s25;
	[tilespmem:v1+s31+$0x0] =	vst.idx.msk $0xffff, v13;
	v1 =	vor.u32 v21, v51  }
0xf3: {  	v50 =	vadd.s32 s5, v0;
	v57 =	vadd.s32 s7, v0;
	[tilespmem:$0x1FE90] =	vst v1;
	v1 =	vld [tilespmem:$0x1FE80]  }
0xf4: {  	v39 =	vand.u32 $0x1F80, v29;
	v36 =	vand.u32 $0x3F, v31;
	v46 =	vand.u32 $0x3F, v57  }
0xf5: {  	v29 =	vshll.u32 v31, $0x7;
	v30 =	vor.u32 v20, v46;
	v38 =	vand.u32 $0x1F80, v24;
	v24 =	vld.idx.msk [tilespmem:v58+s30+$0x0], $0xffff  }
0xf6: {  	v12 =	vshll.u32 v50, $0x7;
	v29 =	vand.u32 $0x1F80, v29;
	v57 =	vshll.u32 v57, $0x7;
	v33 =	vld.idx.msk [tilespmem:v7+s30+$0x0], $0xffff  }
0xf7: {  	v31 =	vand.u32 $0x1F80, v12;
	v12 =	vor.u32 v0, v29;
	v41 =	vand.u32 $0x1F80, v57  }
0xf8: {  	v57 =	vor.u32 v21, v31;
	v8 =	vshll.u32 v25, $0x7;
	v58 =	vor.u32 v0, v44  }
0xf9: {  	[tilespmem:v61+s31+$0x0] =	vst.idx.msk $0xffff, v48;
	v48 =	vand.u32 $0x1F80, v8;
	v8 =	vor.u32 v0, v38;
	v62 =	vor.u32 v0, v41  }
0xfa: {  	v27 =	vor.u32 v0, v48;
	v10 =	vld.idx.msk [tilespmem:v30+s30+$0x0], $0xffff;
	v30 =	vor.u32 v0, v39;
	[tilespmem:v52+s31+$0x0] =	vst.idx.msk $0xffff, v24  }
0xfb: {  	v14 =	vld [tilespmem:$0x1FF70];
	v24 =	vor.u32 v0, v31;
	[tilespmem:v1+s31+$0x0] =	vst.idx.msk $0xffff, v33;
	v33 =	vor.u32 v0, v51;
	v0 =	vmov v57  }
0xfc: {  	v59 =	vor.u32 v28, v37;
	v28 =	vor.u32 v20, v36;
	[tilespmem:$0x1FE80] =	vst v0;
	v0 =	vld [tilespmem:$0x1FEE0]  }
0xfd: {  	v57 =	vld [tilespmem:$0x1FF00]  }
0xfe: {  	v6 =	vor.u32 v23, v43;
	v23 =	vld [tilespmem:$0x1FF50]  }
0xff: {  	v32 =	vor.u32 v20, v40;
	v19 =	vld.idx.msk [tilespmem:v16+s30+$0x0], $0xffff  }
0x100: {  	v3 =	vld [tilespmem:$0x1FEB0]  }
0x101: {  	v28 =	vld.idx.msk [tilespmem:v28+s30+$0x0], $0xffff;
	[tilespmem:v55+s31+$0x0] =	vst.idx.msk $0xffff, v17;
	v0 =	vor.u32 v0, v36  }
0x102: {  	v7 =	vld [tilespmem:$0x1FFE0];
	[tilespmem:$0x1FE50] =	vst v0;
	v0 =	vor.u32 v57, v37  }
0x103: {  	[tilespmem:$0x1FEA0] =	vst v0;
	v0 =	vld [tilespmem:$0x1FF30]  }
0x104: {  	v26 =	vor.u32 v23, v46;
	[tilespmem:v62+s31+$0x0] =	vst.idx.msk $0xffff, v10;
	v10 =	vld.idx.msk [tilespmem:v32+s30+$0x0], $0xffff  }
0x105: {  	[tilespmem:v53+s31+$0x0] =	vst.idx.msk $0xffff, v19;
	v19 =	vld.idx.msk [tilespmem:v47+s30+$0x0], $0xffff;
	v25 =	vor.u32 v3, v43  }
0x106: {  	[tilespmem:v12+s31+$0x0] =	vst.idx.msk $0xffff, v28;
	v28 =	vld.idx.msk [tilespmem:v54+s30+$0x0], $0xffff  }
0x107: {  	v35 =	vor.u32 v20, v45;
	v15 =	vld.idx.msk [tilespmem:v63+s30+$0x0], $0xffff;
	v1 =	vor.u32 v14, v37  }
0x108: {  	[tilespmem:$0x1FE30] =	vst v1;
	v1 =	vor.u32 v0, v43;
	v0 =	vld [tilespmem:$0x1FE60]  }
0x109: {  	v18 =	vor.u32 v23, v42;
	v26 =	vld.idx.msk [tilespmem:v26+s30+$0x0], $0xffff;
	[tilespmem:v8+s31+$0x0] =	vst.idx.msk $0xffff, v10;
	v63 =	vor.u32 v5, v41  }
0x10a: {  	v17 =	vor.u32 v14, v46;
	[tilespmem:v49+s31+$0x0] =	vst.idx.msk $0xffff, v19;
	v10 =	vld.idx.msk [tilespmem:v25+s30+$0x0], $0xffff  }
0x10b: {  	v16 =	vld [tilespmem:$0x1FF80];
	[tilespmem:v27+s31+$0x0] =	vst.idx.msk $0xffff, v34  }
0x10c: {  	v35 =	vld.idx.msk [tilespmem:v35+s30+$0x0], $0xffff;
	[tilespmem:v56+s31+$0x0] =	vst.idx.msk $0xffff, v28  }
0x10d: {  	v50 =	vand.u32 $0x3F, v50;
	v34 =	vor.u32 v23, v36;
	v3 =	vld [tilespmem:$0x1FF20];
	[tilespmem:v4+s31+$0x0] =	vst.idx.msk $0xffff, v15  }
0x10e: {  	v13 =	vor.u32 v20, v50;
	v18 =	vld.idx.msk [tilespmem:v18+s30+$0x0], $0xffff;
	[tilespmem:v63+s31+$0x0] =	vst.idx.msk $0xffff, v26  }
0x10f: {  	v62 =	vor.u32 v23, v45;
	v27 =	vor.u32 v5, v48;
	[tilespmem:v30+s31+$0x0] =	vst.idx.msk $0xffff, v10;
	v10 =	vld.idx.msk [tilespmem:v17+s30+$0x0], $0xffff  }
0x110: {  	v52 =	vor.u32 v14, v42;
	v8 =	vld.idx.msk [tilespmem:v0+s30+$0x0], $0xffff  }
0x111: {  	v47 =	vor.u32 v7, v41;
	v0 =	vld [tilespmem:$0x1FF90]  }
0x112: {  	v28 =	vld.idx.msk [tilespmem:v34+s30+$0x0], $0xffff  }
0x113: {  	v12 =	vor.u32 v23, v40;
	v53 =	vor.u32 v16, v46;
	v13 =	vld.idx.msk [tilespmem:v13+s30+$0x0], $0xffff;
	[tilespmem:v33+s31+$0x0] =	vst.idx.msk $0xffff, v35  }
0x114: {  	v32 =	vor.u32 v7, v48;
	v25 =	vor.u32 v5, v51;
	[tilespmem:v27+s31+$0x0] =	vst.idx.msk $0xffff, v18;
	v19 =	vld.idx.msk [tilespmem:v62+s30+$0x0], $0xffff  }
0x115: {  	v56 =	vor.u32 v5, v29;
	v63 =	vor.u32 v14, v36;
	v27 =	vld.idx.msk [tilespmem:v52+s30+$0x0], $0xffff;
	v35 =	vor.u32 v14, v45  }
0x116: {  	v6 =	vld.idx.msk [tilespmem:v6+s30+$0x0], $0xffff;
	[tilespmem:v47+s31+$0x0] =	vst.idx.msk $0xffff, v10;
	v15 =	vor.u32 v0, v43;
	v0 =	vor.u32 v21, v44  }
0x117: {  	v4 =	vor.u32 v5, v39;
	[tilespmem:$0x1FE40] =	vst v0;
	v0 =	vld [tilespmem:$0x1FEF0]  }
0x118: {  	v18 =	vor.u32 v9, v41;
	[tilespmem:v24+s31+$0x0] =	vst.idx.msk $0xffff, v13;
	v47 =	vld.idx.msk [tilespmem:v53+s30+$0x0], $0xffff  }
0x119: {  	v12 =	vld.idx.msk [tilespmem:v12+s30+$0x0], $0xffff;
	v33 =	vor.u32 v5, v38;
	v13 =	vor.u32 v3, v46;
	[tilespmem:v25+s31+$0x0] =	vst.idx.msk $0xffff, v19  }
0x11a: {  	v26 =	vor.u32 v14, v40;
	[tilespmem:v56+s31+$0x0] =	vst.idx.msk $0xffff, v28;
	v25 =	vor.u32 v7, v51;
	v24 =	vld.idx.msk [tilespmem:v35+s30+$0x0], $0xffff  }
0x11b: {  	v17 =	vor.u32 v23, v50;
	v28 =	vor.u32 v7, v29;
	v63 =	vld.idx.msk [tilespmem:v63+s30+$0x0], $0xffff;
	[tilespmem:v32+s31+$0x0] =	vst.idx.msk $0xffff, v27  }
0x11c: {  	v20 =	vor.u32 v16, v36;
	[tilespmem:v4+s31+$0x0] =	vst.idx.msk $0xffff, v6;
	v34 =	vor.u32 v0, v45;
	v0 =	vld [tilespmem:$0x1FFA0]  }
0x11d: {  	v4 =	vor.u32 v14, v50;
	v14 =	vld [tilespmem:$0x1FF60];
	[tilespmem:v18+s31+$0x0] =	vst.idx.msk $0xffff, v47  }
0x11e: {  	v27 =	vor.u32 v11, v41;
	v62 =	vor.u32 v16, v42;
	[tilespmem:v33+s31+$0x0] =	vst.idx.msk $0xffff, v12;
	v13 =	vld.idx.msk [tilespmem:v13+s30+$0x0], $0xffff  }
0x11f: {  	v12 =	vor.u32 v7, v38;
	v6 =	vld.idx.msk [tilespmem:v26+s30+$0x0], $0xffff;
	[tilespmem:v25+s31+$0x0] =	vst.idx.msk $0xffff, v24;
	v24 =	vor.u32 v57, v46  }
0x120: {  	v17 =	vld.idx.msk [tilespmem:v17+s30+$0x0], $0xffff;
	[tilespmem:v28+s31+$0x0] =	vst.idx.msk $0xffff, v63;
	v26 =	vor.u32 v16, v40  }
0x121: {  	v56 =	vor.u32 v16, v45;
	v20 =	vld.idx.msk [tilespmem:v20+s30+$0x0], $0xffff;
	v49 =	vor.u32 v0, v43;
	v0 =	vmov v59  }
0x122: {  	[tilespmem:$0x1FE60] =	vst v0;
	v0 =	vld [tilespmem:$0x1FEF0]  }
0x123: {  	v61 =	vor.u32 v23, v37;
	v32 =	vld.idx.msk [tilespmem:v62+s30+$0x0], $0xffff;
	[tilespmem:v27+s31+$0x0] =	vst.idx.msk $0xffff, v13  }
0x124: {  	v28 =	vor.u32 v14, v41;
	[tilespmem:v12+s31+$0x0] =	vst.idx.msk $0xffff, v6;
	v13 =	vld.idx.msk [tilespmem:v24+s30+$0x0], $0xffff  }
0x125: {  	v12 =	vld.idx.msk [tilespmem:v26+s30+$0x0], $0xffff;
	v21 =	vor.u32 v5, v31  }
0x126: {  	v56 =	vld.idx.msk [tilespmem:v56+s30+$0x0], $0xffff;
	[tilespmem:v60+s31+$0x0] =	vst.idx.msk $0xffff, v8  }
0x127: {  	v19 =	vor.u32 v9, v48;
	[tilespmem:v58+s31+$0x0] =	vst.idx.msk $0xffff, v22;
	v23 =	vor.u32 v0, v50;
	v0 =	vld [tilespmem:$0x1FFB0]  }
0x128: {  	v2 =	vor.u32 v5, v44;
	v33 =	vld.idx.msk [tilespmem:v61+s30+$0x0], $0xffff  }
0x129: {  	v52 =	vor.u32 v3, v42;
	v27 =	vld [tilespmem:$0x1FEC0];
	[tilespmem:v28+s31+$0x0] =	vst.idx.msk $0xffff, v13;
	v61 =	vor.u32 v9, v51  }
0x12a: {  	v28 =	vld [tilespmem:$0x1FEF0];
	[tilespmem:v21+s31+$0x0] =	vst.idx.msk $0xffff, v17;
	v21 =	vor.u32 v3, v45  }
0x12b: {  	v15 =	vld.idx.msk [tilespmem:v15+s30+$0x0], $0xffff;
	v17 =	vor.u32 v9, v29  }
0x12c: {  	[tilespmem:v19+s31+$0x0] =	vst.idx.msk $0xffff, v32;
	v26 =	vor.u32 v9, v38;
	v59 =	vor.u32 v0, v43;
	v0 =	vld [tilespmem:$0x1FFC0]  }
0x12d: {  	v53 =	vor.u32 v7, v31;
	v4 =	vld.idx.msk [tilespmem:v4+s30+$0x0], $0xffff;
	[tilespmem:v2+s31+$0x0] =	vst.idx.msk $0xffff, v33  }
0x12e: {  	v19 =	vor.u32 v3, v40;
	v2 =	vld.idx.msk [tilespmem:v52+s30+$0x0], $0xffff;
	[tilespmem:v61+s31+$0x0] =	vst.idx.msk $0xffff, v56  }
0x12f: {  	v55 =	vor.u32 v3, v37;
	v10 =	vor.u32 v3, v36;
	v21 =	vld.idx.msk [tilespmem:v21+s30+$0x0], $0xffff  }
0x130: {  	v6 =	vor.u32 v16, v50;
	v25 =	vor.u32 v11, v48;
	[tilespmem:v17+s31+$0x0] =	vst.idx.msk $0xffff, v20;
	v20 =	vld [tilespmem:$0x1FEF0]  }
0x131: {  	[tilespmem:v26+s31+$0x0] =	vst.idx.msk $0xffff, v12;
	v56 =	vor.u32 v11, v51;
	v58 =	vor.u32 v0, v43;
	v0 =	vld [tilespmem:$0x1FE30]  }
0x132: {  	v12 =	vor.u32 v3, v50;
	v3 =	vld [tilespmem:$0x1FE50];
	[tilespmem:v53+s31+$0x0] =	vst.idx.msk $0xffff, v4;
	v4 =	vor.u32 v57, v45  }
0x133: {  	v17 =	vld.idx.msk [tilespmem:v19+s30+$0x0], $0xffff  }
0x134: {  	v54 =	vor.u32 v7, v39;
	v19 =	vor.u32 v11, v38;
	v10 =	vld.idx.msk [tilespmem:v10+s30+$0x0], $0xffff  }
0x135: {  	v53 =	vor.u32 v11, v29;
	v6 =	vld.idx.msk [tilespmem:v6+s30+$0x0], $0xffff;
	[tilespmem:v25+s31+$0x0] =	vst.idx.msk $0xffff, v2;
	v2 =	vor.u32 v57, v40  }
0x136: {  	v18 =	vor.u32 v57, v36;
	[tilespmem:v56+s31+$0x0] =	vst.idx.msk $0xffff, v21;
	v47 =	vor.u32 v20, v46;
	v20 =	vld [tilespmem:$0x1FEC0]  }
0x137: {  	v8 =	vor.u32 v7, v44;
	v21 =	vld.idx.msk [tilespmem:v4+s30+$0x0], $0xffff;
	v7 =	vmov v23;
	v23 =	vor.u32 v9, v31  }
0x138: {  	v4 =	vld [tilespmem:$0x1FEF0]  }
0x139: {  	v30 =	vor.u32 v16, v37;
	v16 =	vmov v1;
	[tilespmem:v19+s31+$0x0] =	vst.idx.msk $0xffff, v17;
	v1 =	vld.idx.msk [tilespmem:v0+s30+$0x0], $0xffff  }
0x13a: {  	[tilespmem:v53+s31+$0x0] =	vst.idx.msk $0xffff, v10;
	v19 =	vld.idx.msk [tilespmem:v2+s30+$0x0], $0xffff  }
0x13b: {  	v18 =	vld.idx.msk [tilespmem:v18+s30+$0x0], $0xffff  }
0x13c: {  	[tilespmem:v23+s31+$0x0] =	vst.idx.msk $0xffff, v6;
	v6 =	vld [tilespmem:$0x1FEE0]  }
0x13d: {  	v0 =	vld [tilespmem:$0x1FEE0]  }
0x13e: {  	v22 =	vor.u32 v57, v42;
	[tilespmem:v8+s31+$0x0] =	vst.idx.msk $0xffff, v1;
	v1 =	vld [tilespmem:$0x1FEC0]  }
0x13f: {  	v2 =	vld [tilespmem:$0x1FEE0]  }
0x140: {  	v23 =	vor.u32 v14, v29;
	v12 =	vld.idx.msk [tilespmem:v12+s30+$0x0], $0xffff  }
0x141: {  	v24 =	vor.u32 v11, v31;
	v25 =	vor.u32 v6, v45;
	v6 =	vld [tilespmem:$0x1FEE0]  }
0x142: {  	v32 =	vor.u32 v0, v46;
	v0 =	vld [tilespmem:$0x1FEE0]  }
0x143: {  	v33 =	vor.u32 v14, v48;
	[tilespmem:v54+s31+$0x0] =	vst.idx.msk $0xffff, v15;
	v61 =	vor.u32 v1, v41;
	v1 =	vld.idx.msk [tilespmem:v22+s30+$0x0], $0xffff  }
0x144: {  	v45 =	vld.idx.msk [tilespmem:v49+s30+$0x0], $0xffff;
	v22 =	vor.u32 v14, v51  }
0x145: {  	[tilespmem:v23+s31+$0x0] =	vst.idx.msk $0xffff, v18;
	v23 =	vld [tilespmem:$0x1FFD0]  }
0x146: {  	[tilespmem:v24+s31+$0x0] =	vst.idx.msk $0xffff, v12;
	v12 =	vld [tilespmem:$0x1FEF0]  }
0x147: {  	v26 =	vor.u32 v14, v38;
	v8 =	vld.idx.msk [tilespmem:v30+s30+$0x0], $0xffff;
	v63 =	vor.u32 v0, v42  }
0x148: {  	v10 =	vor.u32 v57, v50;
	[tilespmem:v33+s31+$0x0] =	vst.idx.msk $0xffff, v1;
	v1 =	vld [tilespmem:$0x1FF40]  }
0x149: {  	v62 =	vor.u32 v11, v44;
	[tilespmem:v22+s31+$0x0] =	vst.idx.msk $0xffff, v21;
	v21 =	vld [tilespmem:$0x1FED0]  }
0x14a: {  	v35 =	vor.u32 v11, v39;
	v60 =	vor.u32 v9, v39;
	v13 =	vor.u32 v14, v31;
	v46 =	vld.idx.msk [tilespmem:v25+s30+$0x0], $0xffff  }
0x14b: {  	v52 =	vor.u32 v14, v39;
	v53 =	vor.u32 v27, v39;
	v17 =	vor.u32 v6, v40;
	v25 =	vld [tilespmem:$0x1FEE0]  }
0x14c: {  	p0 =	slt.u32 s6, $0x38;
	v20 =	vor.u32 v20, v48;
	v4 =	vor.u32 v4, v42;
	[tilespmem:v26+s31+$0x0] =	vst.idx.msk $0xffff, v19;
	v15 =	vld.idx.msk [tilespmem:v63+s30+$0x0], $0xffff  }
.Ltmp0:
0x14d: {  	v42 =	vor.u32 v9, v44;
	v51 =	vor.u32 v27, v51;
	v63 =	vor.u32 v2, v37;
	v37 =	vld.idx.msk [tilespmem:v10+s30+$0x0], $0xffff;
	(pc) =	sbr.rel @p0 .LBB2_3-.Ltmp0, $4  }
0x14e: {  	v54 =	vor.u32 v1, v43;
	v1 =	vor.u32 v14, v44;
	v6 =	vor.u32 v21, v48;
	v48 =	vld.idx.msk [tilespmem:v32+s30+$0x0], $0xffff  }
0x14f: {  	v49 =	vor.u32 v21, v41;
	v2 =	vor.u32 v21, v38;
	v56 =	vor.u32 v21, v39;
	v39 =	vld.idx.msk [tilespmem:v3+s30+$0x0], $0xffff  }
0x150: {  	v44 =	vor.u32 v27, v29;
	v43 =	vor.u32 v12, v36;
	v10 =	vor.u32 v25, v50;
	v50 =	vld.idx.msk [tilespmem:v17+s30+$0x0], $0xffff  }
0x151: {  	s6 =	sadd.s32 $0x8, s6;
	v30 =	vmovc v55;
	v0 =	vlaneseq.u32;
	v41 =	vor.u32 v27, v38;
	v38 =	vor.u32 v28, v40;
	v17 =	vld [tilespmem:$0x1FE40];
	[tilespmem:v20+s31+$0x0] =	vst.idx.msk $0xffff, v15  }
0x152: {  	_ =	sdelay $0x3  }
0x153: {  	[tilespmem:v60+s31+$0x0] =	vst.idx.msk $0xffff, v45  }
0x154: {  	[tilespmem:v42+s31+$0x0] =	vst.idx.msk $0xffff, v8;
	v8 =	vld.idx.msk [tilespmem:v59+s30+$0x0], $0xffff  }
0x155: {  	v12 =	vld.idx.msk [tilespmem:v30+s30+$0x0], $0xffff;
	_ =	sdelay $0x2  }
0x156: {  	[tilespmem:v13+s31+$0x0] =	vst.idx.msk $0xffff, v37  }
0x157: {  	[tilespmem:v35+s31+$0x0] =	vst.idx.msk $0xffff, v8  }
0x158: {  	[tilespmem:v62+s31+$0x0] =	vst.idx.msk $0xffff, v12  }
0x159: {  	v3 =	vld [tilespmem:$0x1FEA0]  }
0x15a: {  	v8 =	vld.idx.msk [tilespmem:v58+s30+$0x0], $0xffff;
	_ =	sdelay $0x1  }
0x15b: {  	v4 =	vld.idx.msk [tilespmem:v4+s30+$0x0], $0xffff  }
0x15c: {  	v13 =	vor.u32 v27, v31;
	v10 =	vld.idx.msk [tilespmem:v10+s30+$0x0], $0xffff;
	[tilespmem:v51+s31+$0x0] =	vst.idx.msk $0xffff, v46  }
0x15d: {  	[tilespmem:v41+s31+$0x0] =	vst.idx.msk $0xffff, v50  }
0x15e: {  	v15 =	vld.idx.msk [tilespmem:v38+s30+$0x0], $0xffff;
	[tilespmem:v52+s31+$0x0] =	vst.idx.msk $0xffff, v8  }
0x15f: {  	[tilespmem:v44+s31+$0x0] =	vst.idx.msk $0xffff, v39;
	v8 =	vld.idx.msk [tilespmem:v16+s30+$0x0], $0xffff  }
0x160: {  	[tilespmem:v6+s31+$0x0] =	vst.idx.msk $0xffff, v4;
	v12 =	vld.idx.msk [tilespmem:v3+s30+$0x0], $0xffff  }
0x161: {  	[tilespmem:v13+s31+$0x0] =	vst.idx.msk $0xffff, v10  }
0x162: {  	[tilespmem:v61+s31+$0x0] =	vst.idx.msk $0xffff, v48  }
0x163: {  	[tilespmem:v2+s31+$0x0] =	vst.idx.msk $0xffff, v15  }
0x164: {  	[tilespmem:v53+s31+$0x0] =	vst.idx.msk $0xffff, v8  }
0x165: {  	[tilespmem:v1+s31+$0x0] =	vst.idx.msk $0xffff, v12  }
0x166: {  	v3 =	vld [tilespmem:$0x1FE70];
	_ =	sdelay $0x2  }
0x167: {  	v1 =	vld.idx.msk [tilespmem:v63+s30+$0x0], $0xffff;
	_ =	sdelay $0x4  }
0x168: {  	[tilespmem:v3+s31+$0x0] =	vst.idx.msk $0xffff, v1  }
0x169: {  	v1 =	vld [tilespmem:$0x1FE90];
	_ =	sdelay $0x2  }
0x16a: {  	v4 =	vld.idx.msk [tilespmem:v34+s30+$0x0], $0xffff;
	_ =	sdelay $0x4  }
0x16b: {  	[tilespmem:v1+s31+$0x0] =	vst.idx.msk $0xffff, v4  }
0x16c: {  	v1 =	vld [tilespmem:$0x1FE60];
	_ =	sdelay $0x2  }
0x16d: {  	v12 =	vld.idx.msk [tilespmem:v43+s30+$0x0], $0xffff  }
0x16e: {  	v10 =	vor.u32 v21, v29;
	v3 =	vld [tilespmem:$0x1FE80]  }
0x16f: {  	v2 =	vld.idx.msk [tilespmem:v47+s30+$0x0], $0xffff  }
0x170: {  	v8 =	vld.idx.msk [tilespmem:v54+s30+$0x0], $0xffff  }
0x171: {  	v6 =	vld.idx.msk [tilespmem:v7+s30+$0x0], $0xffff  }
0x172: {  	s6 =	sshll.u32 s0, $0x2;
	v1 =	vld.idx.msk [tilespmem:v1+s30+$0x0], $0xffff  }
0x173: {  	s7 =	sadd.s32 s2, s6;
	[tilespmem:v10+s31+$0x0] =	vst.idx.msk $0xffff, v12  }
0x174: {  	s9 =	sshll.u32 s7, $0xA;
	s7 =	sshll.u32 s7, $0x7;
	[tilespmem:v49+s31+$0x0] =	vst.idx.msk $0xffff, v2  }
0x175: {  	s9 =	sand.u32 $0xFFE0000, s9;
	s7 =	sand.u32 $0x3E00, s7;
	[tilespmem:v56+s31+$0x0] =	vst.idx.msk $0xffff, v8  }
0x176: {  	s5 =	rddreg [dreg:$0x1];
	s7 =	sor.u32 s7, s9;
	[tilespmem:v3+s31+$0x0] =	vst.idx.msk $0xffff, v6  }
0x177: {  	s17 =	simm.s32 $0x0;
	s9 =	sadd.s32 s5, s7;
	[tilespmem:v17+s31+$0x0] =	vst.idx.msk $0xffff, v1  }
0x178: {  	[hbm4b:s9+s17] =	stream.linear.scatter [tilespmem:s31], [sflag:$0x5], $0x400, $0x38;
	[tilespmem:$0x16400] =	vst v63  }
0x179: {  	s25 =	simm.s32 $0xE800;
	s23 =	sadd.s32 s7, s8  }
0x17a: {  	[hbm4b:s23+s17] =	stream.linear.scatter [tilespmem:s25], [sflag:$0x5], $0x400, $0x38;
	[tilespmem:$0x16400] =	vst v63  }
0x17b: {  	s23 =	sadd.s32 s7, s10;
	s25 =	simm.s32 $0xEC00  }
0x17c: {  	[hbm4b:s23+s17] =	stream.linear.scatter [tilespmem:s25], [sflag:$0x5], $0x400, $0x38;
	[tilespmem:$0x16400] =	vst v63  }
0x17d: {  	s23 =	sadd.s32 s7, s11;
	s25 =	simm.s32 $0xF000  }
0x17e: {  	[hbm4b:s23+s17] =	stream.linear.scatter [tilespmem:s25], [sflag:$0x5], $0x400, $0x38;
	[tilespmem:$0x16400] =	vst v63  }
0x17f: {  	s23 =	sadd.s32 s7, s12;
	s25 =	simm.s32 $0xF400  }
0x180: {  	[hbm4b:s23+s17] =	stream.linear.scatter [tilespmem:s25], [sflag:$0x5], $0x400, $0x38;
	[tilespmem:$0x16400] =	vst v63  }
0x181: {  	s23 =	sadd.s32 s7, s13;
	s25 =	simm.s32 $0xF800  }
0x182: {  	[hbm4b:s23+s17] =	stream.linear.scatter [tilespmem:s25], [sflag:$0x5], $0x400, $0x38;
	[tilespmem:$0x16400] =	vst v63  }
0x183: {  	s5 =	sadd.s32 s7, s14;
	s23 =	simm.s32 $0xFC00  }
0x184: {  	[hbm4b:s5+s17] =	stream.linear.scatter [tilespmem:s23], [sflag:$0x5], $0x400, $0x38;
	[tilespmem:$0x16400] =	vst v63  }
0x185: {  	s7 =	sadd.s32 s7, s15;
	s25 =	simm.s32 $0x10000;
	s5 =	smin.u32 s6, $0xC3  }
0x186: {  	[hbm4b:s7+s17] =	stream.linear.scatter [tilespmem:s25], [sflag:$0x5], $0x400, $0x38;
	[tilespmem:$0x16400] =	vst v63  }
0x187: {  	s7 =	sshll.u32 s5, $0x7  }
0x188: {  	s7 =	sadd.s32 $0x200, s7  }
0x189: {  	[tilespmem:s30], [sflag:$0x1] =	stream.indirect.gather [hbm4b:s4+s29], $0x40, s7, s29, $0xb8;
	[tilespmem:$0x16400] =	vst v63  }
0x18a: {  	s7 =	simm.s32 $0x2  }
0x18b: {  	_ =	swait.ge [sflag:s7], $0x2000  }
0x18c: {  	[sflag:s7] =	ssyncset.done $0x0  }
0x18d: {  	[sflag:s7] =	ssyncadd.s32 $0xFFFFE000  }
0x18e: {  	_ =	swait.ge [sflag:s20], $0x400  }
0x18f: {  	[sflag:s20] =	ssyncset.done $0x0  }
0x190: {  	[sflag:s20] =	ssyncadd.s32 $0xFFFFFC00  }
0x191: {  	_ =	swait.ge [sflag:s20], $0x400  }
0x192: {  	[sflag:s20] =	ssyncset.done $0x0  }
0x193: {  	[sflag:s20] =	ssyncadd.s32 $0xFFFFFC00  }
0x194: {  	_ =	swait.ge [sflag:s20], $0x400  }
0x195: {  	[sflag:s20] =	ssyncset.done $0x0  }
0x196: {  	[sflag:s20] =	ssyncadd.s32 $0xFFFFFC00  }
0x197: {  	_ =	swait.ge [sflag:s20], $0x400  }
0x198: {  	[sflag:s20] =	ssyncset.done $0x0  }
0x199: {  	[sflag:s20] =	ssyncadd.s32 $0xFFFFFC00  }
0x19a: {  	_ =	swait.ge [sflag:s20], $0x400  }
0x19b: {  	[sflag:s20] =	ssyncset.done $0x0  }
0x19c: {  	[sflag:s20] =	ssyncadd.s32 $0xFFFFFC00  }
0x19d: {  	v3 =	vld [tilespmem:$0x1FF10];
	_ =	swait.ge [sflag:s20], $0x400  }
0x19e: {  	[sflag:s20] =	ssyncset.done $0x0  }
0x19f: {  	[sflag:s20] =	ssyncadd.s32 $0xFFFFFC00  }
0x1a0: {  	s9 =	simm.s32 $0x1;
	_ =	swait.ge [sflag:s20], $0x400  }
0x1a1: {  	v1 =	vadd.s32 s17, v0;
	v4 =	vadd.s32 s9, v0;
	s23 =	simm.s32 $0x3;
	[sflag:s20] =	ssyncset.done $0x0  }
0x1a2: {  	v41 =	vand.u32 $0x3F, v4;
	v4 =	vshll.u32 v4, $0x7;
	v6 =	vadd.s32 s23, v0;
	s23 =	simm.s32 $0x4;
	s25 =	simm.s32 $0x5;
	[sflag:s20] =	ssyncadd.s32 $0xFFFFFC00  }
0x1a3: {  	s5 =	simm.s32 $0x2;
	s17 =	simm.s32 $0x7;
	v13 =	vadd.s32 s23, v0;
	v46 =	vand.u32 $0x3F, v6;
	v6 =	vshll.u32 v6, $0x7;
	_ =	swait.ge [sflag:s20], $0x400  }
0x1a4: {  	v2 =	vadd.s32 s5, v0;
	v8 =	vadd.s32 s25, v0;
	v12 =	vadd.s32 s17, v0;
	v24 =	vld [tilespmem:$0x1FED0]  }
0x1a5: {  	s25 =	simm.s32 $0x6;
	v43 =	vand.u32 $0x3F, v13;
	v13 =	vshll.u32 v13, $0x7;
	v37 =	vand.u32 $0x3F, v2  }
0x1a6: {  	v38 =	vand.u32 $0x3F, v8;
	v63 =	vadd.s32 s25, v0;
	v19 =	vor.u32 v3, v43  }
0x1a7: {  	v2 =	vshll.u32 v2, $0x7;
	v8 =	vshll.u32 v8, $0x7;
	v20 =	vshll.u32 v63, $0x7  }
0x1a8: {  	v44 =	vand.u32 $0x1F80, v2;
	v31 =	vand.u32 $0x1F80, v20;
	v21 =	vor.u32 v3, v38  }
0x1a9: {  	v7 =	vor.u32 v27, v44;
	v18 =	vor.u32 v3, v41;
	[sflag:s20] =	ssyncset.done $0x0;
	v14 =	vor.u32 v24, v31;
	v24 =	vld [tilespmem:$0x1FED0]  }
0x1aa: {  	v36 =	vand.u32 $0x3F, v12;
	v2 =	vand.u32 $0x1F80, v13;
	v26 =	vor.u32 v3, v46;
	[tilespmem:$0x1FDE0] =	vst v7;
	v54 =	vld [tilespmem:$0x1FF50];
	[sflag:s20] =	ssyncadd.s32 $0xFFFFFC00  }
0x1ab: {  	v57 =	vor.u32 v28, v37;
	v30 =	vor.u32 v0, v2;
	v28 =	vor.u32 v3, v36;
	v19 =	vld.idx.msk [tilespmem:v19+s18+$0x0], $0xffff  }
0x1ac: {  	v51 =	vand.u32 $0x1F80, v6;
	v48 =	vand.u32 $0x1F80, v8;
	v50 =	vand.u32 $0x3F, v63;
	v55 =	vld [tilespmem:$0x1FEB0]  }
0x1ad: {  	v32 =	vor.u32 v0, v48;
	v15 =	vor.u32 v3, v37;
	v7 =	vand.u32 $0x1F80, v4;
	v20 =	vld.idx.msk [tilespmem:v21+s18+$0x0], $0xffff;
	[tilespmem:$0x1FDF0] =	vst v14  }
0x1ae: {  	v17 =	vor.u32 v3, v50;
	v33 =	vor.u32 v0, v7;
	v18 =	vld.idx.msk [tilespmem:v18+s18+$0x0], $0xffff;
	v3 =	vor.u32 v24, v51  }
0x1af: {  	v35 =	vor.u32 v0, v51;
	v56 =	vld.idx.msk [tilespmem:v26+s18+$0x0], $0xffff;
	[tilespmem:$0x1FE00] =	vst v3  }
0x1b0: {  	[tilespmem:v30+s19+$0x0] =	vst.idx.msk $0xffff, v19;
	v58 =	vld.idx.msk [tilespmem:v28+s18+$0x0], $0xffff  }
0x1b1: {  	v28 =	vld [tilespmem:$0x1FEF0]  }
0x1b2: {  	v14 =	vld [tilespmem:$0x1FF70];
	[tilespmem:v32+s19+$0x0] =	vst.idx.msk $0xffff, v20  }
0x1b3: {  	[tilespmem:v33+s19+$0x0] =	vst.idx.msk $0xffff, v18  }
0x1b4: {  	v10 =	vshll.u32 v1, $0x7;
	v1 =	vand.u32 $0x38, v1;
	v4 =	vor.u32 v54, v43;
	[tilespmem:v35+s19+$0x0] =	vst.idx.msk $0xffff, v56  }
0x1b5: {  	v13 =	vor.u32 v55, v1;
	v3 =	vld [tilespmem:$0x1FF00]  }
0x1b6: {  	v22 =	vshll.u32 v12, $0x7;
	v21 =	vor.u32 v54, v38;
	v42 =	vld [tilespmem:$0x1FF30]  }
0x1b7: {  	v39 =	vand.u32 $0x1F80, v22  }
0x1b8: {  	v8 =	vor.u32 v0, v39  }
0x1b9: {  	v40 =	vand.u32 $0x1F80, v10;
	v60 =	vor.u32 v5, v2;
	v4 =	vld.idx.msk [tilespmem:v4+s18+$0x0], $0xffff  }
0x1ba: {  	v22 =	vor.u32 v0, v40;
	v62 =	vor.u32 v5, v48;
	v13 =	vld.idx.msk [tilespmem:v13+s18+$0x0], $0xffff;
	v35 =	vor.u32 v3, v37  }
0x1bb: {  	v59 =	vor.u32 v54, v46;
	v63 =	vld.idx.msk [tilespmem:v21+s18+$0x0], $0xffff;
	v16 =	vor.u32 v42, v1;
	[tilespmem:$0x1FE10] =	vst v35  }
0x1bc: {  	v17 =	vld.idx.msk [tilespmem:v17+s18+$0x0], $0xffff;
	[tilespmem:$0x1FE20] =	vst v16  }
0x1bd: {  	v34 =	vor.u32 v0, v31;
	[tilespmem:v8+s19+$0x0] =	vst.idx.msk $0xffff, v58  }
0x1be: {  	[tilespmem:v60+s19+$0x0] =	vst.idx.msk $0xffff, v4  }
0x1bf: {  	v61 =	vor.u32 v54, v41;
	[tilespmem:v22+s19+$0x0] =	vst.idx.msk $0xffff, v13  }
0x1c0: {  	v56 =	vld.idx.msk [tilespmem:v59+s18+$0x0], $0xffff;
	[tilespmem:v62+s19+$0x0] =	vst.idx.msk $0xffff, v63  }
0x1c1: {  	v20 =	vor.u32 v54, v36;
	v16 =	vld [tilespmem:$0x1FF20]  }
0x1c2: {  	v23 =	vor.u32 v23, v1;
	v8 =	vor.u32 v5, v51;
	v29 =	vld [tilespmem:$0x1FFE0];
	[tilespmem:v34+s19+$0x0] =	vst.idx.msk $0xffff, v17  }
0x1c3: {  	v26 =	vld [tilespmem:$0x1FF90]  }
0x1c4: {  	v21 =	vor.u32 v14, v38;
	v59 =	vld.idx.msk [tilespmem:v61+s18+$0x0], $0xffff  }
0x1c5: {  	v4 =	vor.u32 v5, v7;
	v13 =	vor.u32 v54, v50;
	v15 =	vld.idx.msk [tilespmem:v15+s18+$0x0], $0xffff  }
0x1c6: {  	v60 =	vor.u32 v5, v39;
	v20 =	vld.idx.msk [tilespmem:v20+s18+$0x0], $0xffff  }
0x1c7: {  	v53 =	vor.u32 v14, v43;
	v22 =	vor.u32 v5, v40;
	v61 =	vld.idx.msk [tilespmem:v23+s18+$0x0], $0xffff;
	[tilespmem:v8+s19+$0x0] =	vst.idx.msk $0xffff, v56  }
0x1c8: {  	v58 =	vor.u32 v14, v46;
	v45 =	vor.u32 v26, v1;
	v26 =	vld [tilespmem:$0x1FF80]  }
0x1c9: {  	v10 =	vor.u32 v0, v44;
	v12 =	vor.u32 v54, v37;
	v21 =	vld.idx.msk [tilespmem:v21+s18+$0x0], $0xffff;
	v8 =	vor.u32 v14, v41  }
0x1ca: {  	v62 =	vor.u32 v14, v36;
	v13 =	vld.idx.msk [tilespmem:v13+s18+$0x0], $0xffff;
	v23 =	vor.u32 v29, v48;
	[tilespmem:v4+s19+$0x0] =	vst.idx.msk $0xffff, v59  }
0x1cb: {  	v24 =	vor.u32 v25, v41;
	v30 =	vmov v25;
	v25 =	vld [tilespmem:$0x1FED0];
	[tilespmem:v60+s19+$0x0] =	vst.idx.msk $0xffff, v20;
	v20 =	vor.u32 v5, v31  }
0x1cc: {  	v53 =	vld.idx.msk [tilespmem:v53+s18+$0x0], $0xffff;
	v52 =	vor.u32 v29, v2;
	[tilespmem:v22+s19+$0x0] =	vst.idx.msk $0xffff, v61;
	v22 =	vor.u32 v14, v50  }
0x1cd: {  	v49 =	vld.idx.msk [tilespmem:v58+s18+$0x0], $0xffff;
	v4 =	vor.u32 v29, v51;
	v63 =	vor.u32 v26, v38  }
0x1ce: {  	[tilespmem:v10+s19+$0x0] =	vst.idx.msk $0xffff, v15;
	v10 =	vor.u32 v29, v7;
	v8 =	vld.idx.msk [tilespmem:v8+s18+$0x0], $0xffff;
	v54 =	vor.u32 v26, v46  }
0x1cf: {  	[tilespmem:v23+s19+$0x0] =	vst.idx.msk $0xffff, v21;
	v21 =	vor.u32 v29, v39;
	v17 =	vld.idx.msk [tilespmem:v62+s18+$0x0], $0xffff;
	v23 =	vor.u32 v26, v43  }
0x1d0: {  	v6 =	vor.u32 v5, v44;
	v12 =	vld.idx.msk [tilespmem:v12+s18+$0x0], $0xffff;
	[tilespmem:v20+s19+$0x0] =	vst.idx.msk $0xffff, v13;
	v13 =	vor.u32 v26, v41  }
0x1d1: {  	v47 =	vor.u32 v14, v37;
	v59 =	vor.u32 v29, v31;
	[tilespmem:v52+s19+$0x0] =	vst.idx.msk $0xffff, v53;
	v22 =	vld.idx.msk [tilespmem:v22+s18+$0x0], $0xffff  }
0x1d2: {  	v15 =	vor.u32 v9, v48;
	[tilespmem:v4+s19+$0x0] =	vst.idx.msk $0xffff, v49;
	v4 =	vor.u32 v26, v36;
	v19 =	vld.idx.msk [tilespmem:v63+s18+$0x0], $0xffff  }
0x1d3: {  	v56 =	vor.u32 v9, v51;
	v20 =	vor.u32 v16, v38;
	[tilespmem:v10+s19+$0x0] =	vst.idx.msk $0xffff, v8;
	v18 =	vld.idx.msk [tilespmem:v54+s18+$0x0], $0xffff  }
0x1d4: {  	v8 =	vor.u32 v16, v46;
	[tilespmem:v21+s19+$0x0] =	vst.idx.msk $0xffff, v17;
	v21 =	vor.u32 v9, v2;
	v10 =	vld.idx.msk [tilespmem:v23+s18+$0x0], $0xffff  }
0x1d5: {  	[tilespmem:v6+s19+$0x0] =	vst.idx.msk $0xffff, v12;
	v6 =	vor.u32 v9, v7;
	v12 =	vld.idx.msk [tilespmem:v13+s18+$0x0], $0xffff  }
0x1d6: {  	v58 =	vor.u32 v29, v44;
	[tilespmem:v59+s19+$0x0] =	vst.idx.msk $0xffff, v22;
	v22 =	vld.idx.msk [tilespmem:v47+s18+$0x0], $0xffff  }
0x1d7: {  	v4 =	vld.idx.msk [tilespmem:v4+s18+$0x0], $0xffff;
	[tilespmem:v15+s19+$0x0] =	vst.idx.msk $0xffff, v19;
	v15 =	vor.u32 v9, v39  }
0x1d8: {  	v13 =	vor.u32 v11, v48;
	[tilespmem:v56+s19+$0x0] =	vst.idx.msk $0xffff, v18;
	v20 =	vld.idx.msk [tilespmem:v20+s18+$0x0], $0xffff  }
0x1d9: {  	[tilespmem:v21+s19+$0x0] =	vst.idx.msk $0xffff, v10;
	v10 =	vor.u32 v11, v51;
	v8 =	vld.idx.msk [tilespmem:v8+s18+$0x0], $0xffff  }
0x1da: {  	[tilespmem:v6+s19+$0x0] =	vst.idx.msk $0xffff, v12  }
0x1db: {  	v23 =	vor.u32 v26, v50;
	[tilespmem:v58+s19+$0x0] =	vst.idx.msk $0xffff, v22  }
0x1dc: {  	v60 =	vor.u32 v16, v43;
	[tilespmem:v15+s19+$0x0] =	vst.idx.msk $0xffff, v4  }
0x1dd: {  	v61 =	vor.u32 v16, v36;
	[tilespmem:v13+s19+$0x0] =	vst.idx.msk $0xffff, v20  }
0x1de: {  	v62 =	vor.u32 v16, v41;
	v14 =	vld [tilespmem:$0x1FFA0];
	[tilespmem:v10+s19+$0x0] =	vst.idx.msk $0xffff, v8  }
0x1df: {  	v32 =	vor.u32 v16, v37;
	v63 =	vor.u32 v3, v38;
	v47 =	vor.u32 v16, v50;
	v16 =	vld [tilespmem:$0x1FF60]  }
0x1e0: {  	v23 =	vld.idx.msk [tilespmem:v23+s18+$0x0], $0xffff;
	v4 =	vor.u32 v9, v31  }
0x1e1: {  	v12 =	vld.idx.msk [tilespmem:v60+s18+$0x0], $0xffff;
	v15 =	vor.u32 v11, v2  }
0x1e2: {  	v18 =	vld.idx.msk [tilespmem:v61+s18+$0x0], $0xffff;
	v13 =	vor.u32 v11, v39  }
0x1e3: {  	v22 =	vor.u32 v11, v7;
	v17 =	vld.idx.msk [tilespmem:v62+s18+$0x0], $0xffff  }
0x1e4: {  	v6 =	vor.u32 v3, v46;
	v10 =	vld.idx.msk [tilespmem:v63+s18+$0x0], $0xffff;
	v8 =	vor.u32 v16, v48  }
0x1e5: {  	[tilespmem:v4+s19+$0x0] =	vst.idx.msk $0xffff, v23  }
0x1e6: {  	[tilespmem:v15+s19+$0x0] =	vst.idx.msk $0xffff, v12  }
0x1e7: {  	v53 =	vld.idx.msk [tilespmem:v45+s18+$0x0], $0xffff;
	v20 =	vor.u32 v3, v43;
	[tilespmem:v13+s19+$0x0] =	vst.idx.msk $0xffff, v18  }
0x1e8: {  	v54 =	vor.u32 v14, v1;
	v14 =	vld [tilespmem:$0x1FFB0];
	[tilespmem:v22+s19+$0x0] =	vst.idx.msk $0xffff, v17  }
0x1e9: {  	v6 =	vld.idx.msk [tilespmem:v6+s18+$0x0], $0xffff;
	v23 =	vor.u32 v3, v41;
	v12 =	vor.u32 v16, v51;
	[tilespmem:v8+s19+$0x0] =	vst.idx.msk $0xffff, v10  }
0x1ea: {  	v49 =	vor.u32 v29, v40;
	v4 =	vor.u32 v3, v36;
	v10 =	vld [tilespmem:$0x1FFC0]  }
0x1eb: {  	v15 =	vld.idx.msk [tilespmem:v47+s18+$0x0], $0xffff;
	v13 =	vor.u32 v11, v31;
	v8 =	vor.u32 v30, v38  }
0x1ec: {  	v21 =	vor.u32 v26, v37;
	v47 =	vld.idx.msk [tilespmem:v20+s18+$0x0], $0xffff;
	v45 =	vor.u32 v16, v2  }
0x1ed: {  	v35 =	vor.u32 v11, v40;
	v34 =	vor.u32 v28, v46;
	v33 =	vor.u32 v25, v44  }
0x1ee: {  	v26 =	vor.u32 v28, v50;
	[tilespmem:v12+s19+$0x0] =	vst.idx.msk $0xffff, v6;
	v6 =	vor.u32 v16, v7;
	v12 =	vld.idx.msk [tilespmem:v23+s18+$0x0], $0xffff  }
0x1ef: {  	v42 =	vor.u32 v16, v39;
	[tilespmem:v49+s19+$0x0] =	vst.idx.msk $0xffff, v53;
	v58 =	vor.u32 v10, v1;
	v10 =	vld.idx.msk [tilespmem:v4+s18+$0x0], $0xffff  }
0x1f0: {  	v60 =	vor.u32 v9, v40;
	v62 =	vor.u32 v11, v44;
	[tilespmem:v13+s19+$0x0] =	vst.idx.msk $0xffff, v15;
	v49 =	vld.idx.msk [tilespmem:v8+s18+$0x0], $0xffff  }
0x1f1: {  	v61 =	vor.u32 v27, v2;
	v22 =	vor.u32 v30, v46;
	[tilespmem:v45+s19+$0x0] =	vst.idx.msk $0xffff, v47;
	v8 =	vld.idx.msk [tilespmem:v21+s18+$0x0], $0xffff  }
0x1f2: {  	v63 =	vor.u32 v30, v37;
	v20 =	vor.u32 v30, v43;
	v18 =	vor.u32 v30, v36;
	v21 =	vld [tilespmem:$0x1FED0]  }
0x1f3: {  	v52 =	vor.u32 v16, v40;
	v51 =	vor.u32 v27, v51;
	[tilespmem:v6+s19+$0x0] =	vst.idx.msk $0xffff, v12  }
0x1f4: {  	v13 =	vor.u32 v3, v50;
	v15 =	vor.u32 v27, v48;
	v45 =	vld.idx.msk [tilespmem:v54+s18+$0x0], $0xffff;
	[tilespmem:v42+s19+$0x0] =	vst.idx.msk $0xffff, v10  }
0x1f5: {  	v25 =	vmovc v55;
	v37 =	vor.u32 v16, v31;
	v59 =	vor.u32 v14, v1;
	v47 =	vor.u32 v28, v43;
	v3 =	vld [tilespmem:$0x1FF40]  }
0x1f6: {  	v53 =	vor.u32 v27, v40;
	v43 =	vor.u32 v28, v41;
	v41 =	vor.u32 v27, v39;
	v46 =	vld.idx.msk [tilespmem:v22+s18+$0x0], $0xffff  }
0x1f7: {  	v4 =	vor.u32 v28, v38;
	v38 =	vor.u32 v28, v36;
	v6 =	vor.u32 v21, v48;
	v48 =	vld.idx.msk [tilespmem:v20+s18+$0x0], $0xffff  }
0x1f8: {  	v14 =	vor.u32 v21, v2;
	v2 =	vor.u32 v21, v39;
	v56 =	vor.u32 v21, v40;
	v39 =	vld.idx.msk [tilespmem:v24+s18+$0x0], $0xffff  }
0x1f9: {  	v42 =	vor.u32 v9, v44;
	v10 =	vld.idx.msk [tilespmem:v13+s18+$0x0], $0xffff;
	v13 =	vor.u32 v30, v50;
	[tilespmem:v15+s19+$0x0] =	vst.idx.msk $0xffff, v49  }
0x1fa: {  	s7 =	simm.s32 $0x8;
	v50 =	vld.idx.msk [tilespmem:v18+s18+$0x0], $0xffff;
	v54 =	vor.u32 v3, v1;
	v1 =	vor.u32 v16, v44;
	v44 =	vor.u32 v27, v7  }
.LBB2_5:
0x1fb: {  	v3 =	vld [tilespmem:$0x1FDE0]  }
0x1fc: {  	v20 =	vld.idx.msk [tilespmem:v4+s18+$0x0], $0xffff;
	_ =	sdelay $0x3  }
0x1fd: {  	[tilespmem:v41+s19+$0x0] =	vst.idx.msk $0xffff, v50;
	v4 =	vmov v3;
	v3 =	vld [tilespmem:$0x1FF10]  }
0x1fe: {  	s9 =	sadd.s32 $0x1, s7;
	[tilespmem:v6+s19+$0x0] =	vst.idx.msk $0xffff, v20;
	v20 =	vld.idx.msk [tilespmem:v38+s18+$0x0], $0xffff  }
0x1ff: {  	v15 =	vor.u32 v21, v7;
	[tilespmem:v42+s19+$0x0] =	vst.idx.msk $0xffff, v8;
	v49 =	vld [tilespmem:$0x1FF50];
	v18 =	vadd.s32 s9, v0;
	s9 =	sadd.s32 $0x2, s7  }
0x200: {  	v8 =	vor.u32 v27, v31;
	v21 =	vadd.s32 s9, v0;
	[tilespmem:v60+s19+$0x0] =	vst.idx.msk $0xffff, v45;
	v31 =	vld.idx.msk [tilespmem:v32+s18+$0x0], $0xffff  }
0x201: {  	s23 =	sadd.s32 $0x5, s7;
	[tilespmem:v37+s19+$0x0] =	vst.idx.msk $0xffff, v10;
	v37 =	vand.u32 $0x3F, v21;
	v23 =	vld.idx.msk [tilespmem:v59+s18+$0x0], $0xffff  }
0x202: {  	v22 =	vadd.s32 s23, v0;
	s23 =	smov.u32 s7;
	[tilespmem:v44+s19+$0x0] =	vst.idx.msk $0xffff, v39;
	v13 =	vld.idx.msk [tilespmem:v13+s18+$0x0], $0xffff;
	v27 =	vor.u32 v3, v37  }
0x203: {  	s9 =	sadd.s32 $0x4, s23;
	[tilespmem:v2+s19+$0x0] =	vst.idx.msk $0xffff, v20;
	v2 =	vld [tilespmem:$0x1FE00]  }
0x204: {  	v12 =	vadd.s32 s7, v0;
	s25 =	sadd.s32 $0x7, s7;
	v29 =	vadd.s32 s9, v0;
	[tilespmem:v51+s19+$0x0] =	vst.idx.msk $0xffff, v46;
	v55 =	vld.idx.msk [tilespmem:v43+s18+$0x0], $0xffff  }
0x205: {  	v17 =	vshll.u32 v12, $0x7;
	v10 =	vadd.s32 s25, v0;
	v46 =	vand.u32 $0x3F, v29;
	v34 =	vld.idx.msk [tilespmem:v34+s18+$0x0], $0xffff  }
0x206: {  	v43 =	vand.u32 $0x38, v12;
	v12 =	vshll.u32 v10, $0x7;
	v40 =	vand.u32 $0x3F, v10;
	v10 =	vld [tilespmem:$0x1FEC0]  }
0x207: {  	s5 =	sadd.s32 $0x6, s7;
	v16 =	vor.u32 v3, v46;
	v7 =	vld.idx.msk [tilespmem:v27+s18+$0x0], $0xffff  }
0x208: {  	v60 =	vmov v33;
	v33 =	vadd.s32 s5, v0;
	v6 =	vld [tilespmem:$0x1FFD0]  }
0x209: {  	v29 =	vshll.u32 v29, $0x7;
	v51 =	vshll.u32 v33, $0x7;
	v50 =	vand.u32 $0x3F, v33;
	v33 =	vld [tilespmem:$0x1FF70]  }
0x20a: {  	[tilespmem:v61+s19+$0x0] =	vst.idx.msk $0xffff, v48;
	v21 =	vshll.u32 v21, $0x7;
	v41 =	vand.u32 $0x1F80, v29;
	v29 =	vld [tilespmem:$0x1FEE0]  }
0x20b: {  	v44 =	vand.u32 $0x1F80, v21;
	[tilespmem:v2+s19+$0x0] =	vst.idx.msk $0xffff, v34;
	v2 =	vld [tilespmem:$0x1FED0]  }
0x20c: {  	v42 =	vand.u32 $0x3F, v22;
	[tilespmem:$0x1FDA0] =	vst v7;
	v7 =	vor.u32 v10, v44;
	v10 =	vld.idx.msk [tilespmem:v16+s18+$0x0], $0xffff  }
0x20d: {  	v36 =	vand.u32 $0x3F, v18;
	v24 =	vor.u32 v3, v42;
	[tilespmem:$0x1FDE0] =	vst v7;
	v7 =	vld [tilespmem:$0x1FE10]  }
0x20e: {  	s17 =	sadd.s32 $0x3, s7;
	v32 =	vor.u32 v3, v36;
	[tilespmem:v35+s19+$0x0] =	vst.idx.msk $0xffff, v23;
	v16 =	vld [tilespmem:$0x1FF30]  }
0x20f: {  	v19 =	vadd.s32 s17, v0;
	v38 =	vand.u32 $0x1F80, v12;
	[tilespmem:v8+s19+$0x0] =	vst.idx.msk $0xffff, v13;
	v12 =	vld.idx.msk [tilespmem:v58+s18+$0x0], $0xffff  }
0x210: {  	v45 =	vand.u32 $0x3F, v19;
	v8 =	vshll.u32 v22, $0x7;
	v23 =	vld.idx.msk [tilespmem:v26+s18+$0x0], $0xffff;
	[tilespmem:v62+s19+$0x0] =	vst.idx.msk $0xffff, v31;
	v31 =	vand.u32 $0x1F80, v51  }
0x211: {  	v22 =	vor.u32 v3, v40;
	v35 =	vor.u32 v0, v41;
	v62 =	vor.u32 v2, v31;
	v2 =	vld [tilespmem:$0x1FE20]  }
0x212: {  	v30 =	vor.u32 v3, v45;
	v24 =	vld.idx.msk [tilespmem:v24+s18+$0x0], $0xffff  }
0x213: {  	v32 =	vld.idx.msk [tilespmem:v32+s18+$0x0], $0xffff;
	v16 =	vor.u32 v16, v43  }
0x214: {  	[tilespmem:$0x1FE20] =	vst v16;
	v16 =	vld [tilespmem:$0x1FF20]  }
0x215: {  	v13 =	vld.idx.msk [tilespmem:v7+s18+$0x0], $0xffff  }
0x216: {  	v18 =	vshll.u32 v18, $0x7;
	[tilespmem:v35+s19+$0x0] =	vst.idx.msk $0xffff, v10;
	v10 =	vld.idx.msk [tilespmem:v22+s18+$0x0], $0xffff  }
0x217: {  	v48 =	vand.u32 $0x1F80, v8;
	v22 =	vld.idx.msk [tilespmem:v30+s18+$0x0], $0xffff;
	v7 =	vand.u32 $0x1F80, v18;
	v18 =	vor.u32 v49, v46  }
0x218: {  	v59 =	vor.u32 v28, v37;
	v20 =	vor.u32 v0, v48;
	[tilespmem:v52+s19+$0x0] =	vst.idx.msk $0xffff, v12;
	v47 =	vld.idx.msk [tilespmem:v47+s18+$0x0], $0xffff  }
0x219: {  	v8 =	vor.u32 v0, v38;
	[tilespmem:v15+s19+$0x0] =	vst.idx.msk $0xffff, v55;
	v34 =	vor.u32 v49, v42;
	v28 =	vld.idx.msk [tilespmem:v2+s18+$0x0], $0xffff  }
0x21a: {  	v55 =	vor.u32 v16, v37;
	[tilespmem:v1+s19+$0x0] =	vst.idx.msk $0xffff, v13;
	v1 =	vld [tilespmem:$0x1FED0]  }
0x21b: {  	[tilespmem:$0x1FDB0] =	vst v55;
	v55 =	vld [tilespmem:$0x1FF80]  }
0x21c: {  	v19 =	vshll.u32 v19, $0x7;
	v18 =	vld.idx.msk [tilespmem:v18+s18+$0x0], $0xffff  }
0x21d: {  	v39 =	vand.u32 $0x1F80, v17;
	v17 =	vor.u32 v25, v43;
	v51 =	vand.u32 $0x1F80, v19;
	[tilespmem:v20+s19+$0x0] =	vst.idx.msk $0xffff, v24;
	v19 =	vld.idx.msk [tilespmem:v63+s18+$0x0], $0xffff  }
0x21e: {  	[tilespmem:v8+s19+$0x0] =	vst.idx.msk $0xffff, v10;
	v13 =	vor.u32 v3, v50;
	v3 =	vmov v62;
	v62 =	vld.idx.msk [tilespmem:v34+s18+$0x0], $0xffff  }
0x21f: {  	[tilespmem:v53+s19+$0x0] =	vst.idx.msk $0xffff, v28;
	v28 =	vld [tilespmem:$0x1FEF0];
	v1 =	vor.u32 v1, v51  }
0x220: {  	v20 =	vor.u32 v5, v48;
	v53 =	vld.idx.msk [tilespmem:v54+s18+$0x0], $0xffff;
	[tilespmem:$0x1FE00] =	vst v1  }
0x221: {  	v24 =	vor.u32 v33, v42;
	v12 =	vor.u32 v0, v7;
	v1 =	vld [tilespmem:$0x1FDF0];
	[tilespmem:$0x1FDF0] =	vst v3  }
0x222: {  	v63 =	vor.u32 v5, v41;
	v10 =	vld.idx.msk [tilespmem:v17+s18+$0x0], $0xffff;
	v3 =	vor.u32 v29, v36;
	[tilespmem:v4+s19+$0x0] =	vst.idx.msk $0xffff, v19  }
0x223: {  	[tilespmem:$0x1FDD0] =	vst v3;
	v3 =	vld [tilespmem:$0x1FF00]  }
0x224: {  	[tilespmem:v14+s19+$0x0] =	vst.idx.msk $0xffff, v47;
	v54 =	vor.u32 v49, v36;
	v8 =	vld.idx.msk [tilespmem:v57+s18+$0x0], $0xffff  }
0x225: {  	v21 =	vor.u32 v0, v39;
	[tilespmem:v20+s19+$0x0] =	vst.idx.msk $0xffff, v62;
	v57 =	vld [tilespmem:$0x1FF90]  }
0x226: {  	v6 =	vor.u32 v6, v43;
	[tilespmem:v12+s19+$0x0] =	vst.idx.msk $0xffff, v32;
	v24 =	vld.idx.msk [tilespmem:v24+s18+$0x0], $0xffff  }
0x227: {  	v15 =	vor.u32 v33, v46;
	[tilespmem:v63+s19+$0x0] =	vst.idx.msk $0xffff, v18;
	v14 =	vor.u32 v28, v45;
	v28 =	vld [tilespmem:$0x1FEF0]  }
0x228: {  	[tilespmem:$0x1FDC0] =	vst v14;
	v14 =	vld [tilespmem:$0x1FFA0]  }
0x229: {  	v63 =	vor.u32 v33, v36;
	[tilespmem:v56+s19+$0x0] =	vst.idx.msk $0xffff, v53;
	v53 =	vld.idx.msk [tilespmem:v54+s18+$0x0], $0xffff;
	v56 =	vor.u32 v5, v7  }
0x22a: {  	[tilespmem:v21+s19+$0x0] =	vst.idx.msk $0xffff, v10;
	v12 =	vor.u32 v3, v37;
	v17 =	vor.u32 v57, v43;
	v57 =	vld [tilespmem:$0x1FFE0]  }
0x22b: {  	v4 =	vor.u32 v5, v39;
	v6 =	vld.idx.msk [tilespmem:v6+s18+$0x0], $0xffff;
	[tilespmem:$0x1FE10] =	vst v12;
	v12 =	vor.u32 v49, v40  }
0x22c: {  	v61 =	vor.u32 v49, v37;
	v10 =	vld.idx.msk [tilespmem:v15+s18+$0x0], $0xffff;
	[tilespmem:v1+s19+$0x0] =	vst.idx.msk $0xffff, v23;
	v23 =	vor.u32 v0, v51  }
0x22d: {  	v35 =	vor.u32 v49, v45;
	v15 =	vor.u32 v49, v50;
	v49 =	vor.u32 v14, v43;
	v14 =	vld [tilespmem:$0x1FFB0]  }
0x22e: {  	v52 =	vor.u32 v0, v31;
	[tilespmem:v56+s19+$0x0] =	vst.idx.msk $0xffff, v53;
	v13 =	vld.idx.msk [tilespmem:v13+s18+$0x0], $0xffff  }
0x22f: {  	v27 =	vor.u32 v5, v38;
	v63 =	vld.idx.msk [tilespmem:v63+s18+$0x0], $0xffff;
	v26 =	vor.u32 v57, v48  }
0x230: {  	v47 =	vor.u32 v55, v42;
	[tilespmem:v4+s19+$0x0] =	vst.idx.msk $0xffff, v6;
	v53 =	vor.u32 v57, v7;
	v12 =	vld.idx.msk [tilespmem:v12+s18+$0x0], $0xffff  }
0x231: {  	v34 =	vor.u32 v28, v50;
	v28 =	vor.u32 v55, v36;
	[tilespmem:v23+s19+$0x0] =	vst.idx.msk $0xffff, v22;
	v22 =	vld [tilespmem:$0x1FED0]  }
0x232: {  	v18 =	vor.u32 v33, v40;
	v17 =	vld.idx.msk [tilespmem:v17+s18+$0x0], $0xffff;
	v23 =	vor.u32 v57, v41  }
0x233: {  	v19 =	vor.u32 v5, v51;
	v35 =	vld.idx.msk [tilespmem:v35+s18+$0x0], $0xffff;
	[tilespmem:v52+s19+$0x0] =	vst.idx.msk $0xffff, v13  }
0x234: {  	v30 =	vor.u32 v5, v31;
	v25 =	vor.u32 v55, v46;
	v15 =	vld.idx.msk [tilespmem:v15+s18+$0x0], $0xffff;
	[tilespmem:v26+s19+$0x0] =	vst.idx.msk $0xffff, v24  }
0x235: {  	v4 =	vor.u32 v33, v50;
	[tilespmem:v53+s19+$0x0] =	vst.idx.msk $0xffff, v63;
	v26 =	vld.idx.msk [tilespmem:v47+s18+$0x0], $0xffff  }
0x236: {  	[tilespmem:v27+s19+$0x0] =	vst.idx.msk $0xffff, v12;
	v28 =	vld.idx.msk [tilespmem:v28+s18+$0x0], $0xffff;
	v32 =	vor.u32 v22, v44;
	v22 =	vor.u32 v33, v45  }
0x237: {  	v58 =	vor.u32 v0, v44;
	v12 =	vor.u32 v57, v38;
	v6 =	vld.idx.msk [tilespmem:v18+s18+$0x0], $0xffff;
	[tilespmem:v23+s19+$0x0] =	vst.idx.msk $0xffff, v10  }
0x238: {  	v18 =	vor.u32 v55, v40;
	[tilespmem:v19+s19+$0x0] =	vst.idx.msk $0xffff, v35;
	v35 =	vmov v59;
	v59 =	vor.u32 v14, v43;
	v14 =	vld [tilespmem:$0x1FDA0]  }
0x239: {  	v20 =	vor.u32 v9, v41;
	v19 =	vor.u32 v9, v48;
	v23 =	vld.idx.msk [tilespmem:v25+s18+$0x0], $0xffff;
	[tilespmem:v30+s19+$0x0] =	vst.idx.msk $0xffff, v15  }
0x23a: {  	v21 =	vor.u32 v55, v37;
	[tilespmem:v60+s19+$0x0] =	vst.idx.msk $0xffff, v8;
	v56 =	vor.u32 v55, v45;
	v4 =	vld.idx.msk [tilespmem:v4+s18+$0x0], $0xffff  }
0x23b: {  	v13 =	vor.u32 v16, v46;
	v10 =	vor.u32 v16, v36;
	v15 =	vor.u32 v9, v7;
	v22 =	vld.idx.msk [tilespmem:v22+s18+$0x0], $0xffff  }
0x23c: {  	v25 =	vor.u32 v57, v31;
	[tilespmem:v12+s19+$0x0] =	vst.idx.msk $0xffff, v6;
	v6 =	vor.u32 v55, v50;
	v55 =	vld [tilespmem:$0x1FF60]  }
0x23d: {  	v52 =	vor.u32 v57, v51;
	[tilespmem:v58+s19+$0x0] =	vst.idx.msk $0xffff, v14;
	v12 =	vld.idx.msk [tilespmem:v18+s18+$0x0], $0xffff  }
0x23e: {  	v18 =	vor.u32 v9, v38;
	[tilespmem:v19+s19+$0x0] =	vst.idx.msk $0xffff, v26;
	v14 =	vld [tilespmem:$0x1FFC0]  }
0x23f: {  	v2 =	vor.u32 v5, v44;
	v62 =	vor.u32 v16, v42;
	[tilespmem:v20+s19+$0x0] =	vst.idx.msk $0xffff, v23;
	v27 =	vld.idx.msk [tilespmem:v61+s18+$0x0], $0xffff  }
0x240: {  	v19 =	vor.u32 v16, v40;
	v13 =	vld.idx.msk [tilespmem:v13+s18+$0x0], $0xffff;
	[tilespmem:v15+s19+$0x0] =	vst.idx.msk $0xffff, v28  }
0x241: {  	v1 =	vor.u32 v33, v37;
	[tilespmem:v25+s19+$0x0] =	vst.idx.msk $0xffff, v4;
	v10 =	vld.idx.msk [tilespmem:v10+s18+$0x0], $0xffff  }
0x242: {  	v25 =	vor.u32 v11, v7;
	[tilespmem:v52+s19+$0x0] =	vst.idx.msk $0xffff, v22;
	v6 =	vld.idx.msk [tilespmem:v6+s18+$0x0], $0xffff  }
0x243: {  	v24 =	vor.u32 v11, v41;
	v20 =	vor.u32 v3, v36;
	v52 =	vld.idx.msk [tilespmem:v56+s18+$0x0], $0xffff;
	[tilespmem:v18+s19+$0x0] =	vst.idx.msk $0xffff, v12  }
0x244: {  	v23 =	vor.u32 v9, v31;
	v22 =	vor.u32 v3, v46;
	[tilespmem:v2+s19+$0x0] =	vst.idx.msk $0xffff, v27;
	v2 =	vld.idx.msk [tilespmem:v62+s18+$0x0], $0xffff  }
0x245: {  	v61 =	vor.u32 v9, v51;
	v12 =	vor.u32 v16, v50;
	v15 =	vld.idx.msk [tilespmem:v19+s18+$0x0], $0xffff  }
0x246: {  	v30 =	vor.u32 v16, v45;
	v1 =	vld.idx.msk [tilespmem:v1+s18+$0x0], $0xffff  }
0x247: {  	v47 =	vor.u32 v11, v48;
	[tilespmem:v25+s19+$0x0] =	vst.idx.msk $0xffff, v10;
	v25 =	vld [tilespmem:$0x1FEB0]  }
0x248: {  	[tilespmem:v24+s19+$0x0] =	vst.idx.msk $0xffff, v13;
	v20 =	vld.idx.msk [tilespmem:v20+s18+$0x0], $0xffff  }
0x249: {  	v8 =	vor.u32 v57, v44;
	[tilespmem:v23+s19+$0x0] =	vst.idx.msk $0xffff, v6;
	v13 =	vld.idx.msk [tilespmem:v22+s18+$0x0], $0xffff  }
0x24a: {  	[tilespmem:v61+s19+$0x0] =	vst.idx.msk $0xffff, v52;
	v12 =	vld.idx.msk [tilespmem:v12+s18+$0x0], $0xffff  }
0x24b: {  	v53 =	vor.u32 v11, v51;
	v26 =	vor.u32 v55, v41;
	v30 =	vld.idx.msk [tilespmem:v30+s18+$0x0], $0xffff  }
0x24c: {  	v33 =	vmov v32;
	v32 =	vor.u32 v3, v42;
	v22 =	vor.u32 v11, v31;
	[tilespmem:v47+s19+$0x0] =	vst.idx.msk $0xffff, v2;
	v47 =	vld [tilespmem:$0x1FEF0]  }
0x24d: {  	v4 =	vor.u32 v3, v45;
	v10 =	vor.u32 v3, v50;
	v2 =	vor.u32 v3, v40;
	v3 =	vld [tilespmem:$0x1FDD0]  }
0x24e: {  	[tilespmem:v8+s19+$0x0] =	vst.idx.msk $0xffff, v1;
	v1 =	vld [tilespmem:$0x1FEC0]  }
0x24f: {  	v18 =	vor.u32 v11, v38;
	v8 =	vld.idx.msk [tilespmem:v21+s18+$0x0], $0xffff  }
0x250: {  	[tilespmem:v26+s19+$0x0] =	vst.idx.msk $0xffff, v13;
	v26 =	vmov v34;
	v34 =	vld [tilespmem:$0x1FDC0]  }
0x251: {  	[tilespmem:v22+s19+$0x0] =	vst.idx.msk $0xffff, v12;
	v12 =	vld [tilespmem:$0x1FEC0]  }
0x252: {  	v54 =	vor.u32 v57, v39;
	[tilespmem:v53+s19+$0x0] =	vst.idx.msk $0xffff, v30;
	v53 =	vld [tilespmem:$0x1FEC0]  }
0x253: {  	v56 =	vor.u32 v55, v48;
	v61 =	vor.u32 v1, v41;
	v1 =	vld.idx.msk [tilespmem:v32+s18+$0x0], $0xffff  }
0x254: {  	v28 =	vor.u32 v55, v51;
	[tilespmem:v18+s19+$0x0] =	vst.idx.msk $0xffff, v15;
	v21 =	vld.idx.msk [tilespmem:v4+s18+$0x0], $0xffff  }
0x255: {  	v18 =	vld.idx.msk [tilespmem:v2+s18+$0x0], $0xffff  }
0x256: {  	v2 =	vld [tilespmem:$0x1FEC0]  }
0x257: {  	v63 =	vor.u32 v29, v42;
	[tilespmem:v54+s19+$0x0] =	vst.idx.msk $0xffff, v17;
	v4 =	vld [tilespmem:$0x1FEF0]  }
0x258: {  	[tilespmem:v56+s19+$0x0] =	vst.idx.msk $0xffff, v1;
	v1 =	vld [tilespmem:$0x1FF40]  }
0x259: {  	v27 =	vor.u32 v29, v46;
	[tilespmem:v28+s19+$0x0] =	vst.idx.msk $0xffff, v21;
	v21 =	vld [tilespmem:$0x1FED0]  }
0x25a: {  	v30 =	vor.u32 v29, v45;
	v45 =	vld.idx.msk [tilespmem:v49+s18+$0x0], $0xffff  }
0x25b: {  	v62 =	vor.u32 v11, v44;
	v24 =	vor.u32 v55, v38;
	v23 =	vor.u32 v55, v7;
	v28 =	vld [tilespmem:$0x1FEF0]  }
0x25c: {  	v15 =	vor.u32 v29, v40;
	v4 =	vor.u32 v4, v42;
	v42 =	vor.u32 v9, v44;
	v17 =	vld.idx.msk [tilespmem:v63+s18+$0x0], $0xffff  }
0x25d: {  	v54 =	vor.u32 v1, v43;
	v1 =	vor.u32 v55, v44;
	v44 =	vor.u32 v12, v7;
	v12 =	vld [tilespmem:$0x1FEC0]  }
0x25e: {  	v60 =	vor.u32 v9, v39;
	v19 =	vor.u32 v53, v48;
	v6 =	vor.u32 v21, v48;
	v48 =	vld.idx.msk [tilespmem:v27+s18+$0x0], $0xffff  }
0x25f: {  	p0 =	slt.u32 s7, $0x38;
	v57 =	vmovc v35;
	v35 =	vor.u32 v11, v39;
	v58 =	vor.u32 v14, v43;
	v52 =	vor.u32 v55, v39;
	v27 =	vld [tilespmem:$0x1FEC0]  }
.Ltmp1:
0x260: {  	[tilespmem:v23+s19+$0x0] =	vst.idx.msk $0xffff, v20;
	v13 =	vor.u32 v29, v50;
	v47 =	vor.u32 v47, v46;
	v10 =	vld.idx.msk [tilespmem:v10+s18+$0x0], $0xffff;
	(pc) =	sbr.rel @p0 .LBB2_5-.Ltmp1, $4  }
0x261: {  	v32 =	vld [tilespmem:$0x1FDB0];
	v53 =	vor.u32 v2, v39;
	[tilespmem:v24+s19+$0x0] =	vst.idx.msk $0xffff, v18;
	v63 =	vor.u32 v29, v37  }
0x262: {  	v50 =	vld.idx.msk [tilespmem:v15+s18+$0x0], $0xffff;
	v37 =	vor.u32 v55, v31;
	v14 =	vor.u32 v21, v41;
	v2 =	vor.u32 v21, v38  }
0x263: {  	v46 =	vld.idx.msk [tilespmem:v30+s18+$0x0], $0xffff;
	v43 =	vor.u32 v28, v36;
	v56 =	vor.u32 v21, v39;
	[tilespmem:v19+s19+$0x0] =	vst.idx.msk $0xffff, v17  }
0x264: {  	s7 =	sadd.s32 $0x8, s7;
	v39 =	vld.idx.msk [tilespmem:v3+s18+$0x0], $0xffff;
	v51 =	vor.u32 v12, v51;
	v41 =	vor.u32 v27, v38;
	v38 =	vor.u32 v28, v40  }
0x265: {  	_ =	sdelay $0x3  }
0x266: {  	[tilespmem:v60+s19+$0x0] =	vst.idx.msk $0xffff, v45  }
0x267: {  	[tilespmem:v42+s19+$0x0] =	vst.idx.msk $0xffff, v8;
	v8 =	vld.idx.msk [tilespmem:v59+s18+$0x0], $0xffff  }
0x268: {  	v12 =	vld.idx.msk [tilespmem:v32+s18+$0x0], $0xffff;
	_ =	sdelay $0x2  }
0x269: {  	[tilespmem:v37+s19+$0x0] =	vst.idx.msk $0xffff, v10  }
0x26a: {  	[tilespmem:v35+s19+$0x0] =	vst.idx.msk $0xffff, v8  }
0x26b: {  	[tilespmem:v62+s19+$0x0] =	vst.idx.msk $0xffff, v12  }
0x26c: {  	v3 =	vld [tilespmem:$0x1FE10];
	_ =	sdelay $0x2  }
0x26d: {  	v8 =	vld.idx.msk [tilespmem:v58+s18+$0x0], $0xffff;
	_ =	sdelay $0x1  }
0x26e: {  	[tilespmem:v51+s19+$0x0] =	vst.idx.msk $0xffff, v46  }
0x26f: {  	[tilespmem:v41+s19+$0x0] =	vst.idx.msk $0xffff, v50  }
0x270: {  	[tilespmem:v44+s19+$0x0] =	vst.idx.msk $0xffff, v39  }
0x271: {  	[tilespmem:v52+s19+$0x0] =	vst.idx.msk $0xffff, v8;
	v10 =	vld.idx.msk [tilespmem:v3+s18+$0x0], $0xffff  }
0x272: {  	v3 =	vld [tilespmem:$0x1FE20];
	_ =	sdelay $0x2  }
0x273: {  	v4 =	vld.idx.msk [tilespmem:v4+s18+$0x0], $0xffff  }
0x274: {  	v13 =	vld.idx.msk [tilespmem:v13+s18+$0x0], $0xffff;
	v12 =	vor.u32 v27, v31;
	_ =	sdelay $0x1  }
0x275: {  	v15 =	vld.idx.msk [tilespmem:v38+s18+$0x0], $0xffff;
	_ =	sdelay $0x1  }
0x276: {  	[tilespmem:v6+s19+$0x0] =	vst.idx.msk $0xffff, v4;
	v8 =	vld.idx.msk [tilespmem:v3+s18+$0x0], $0xffff  }
0x277: {  	[tilespmem:v12+s19+$0x0] =	vst.idx.msk $0xffff, v13  }
0x278: {  	[tilespmem:v61+s19+$0x0] =	vst.idx.msk $0xffff, v48  }
0x279: {  	[tilespmem:v2+s19+$0x0] =	vst.idx.msk $0xffff, v15  }
0x27a: {  	[tilespmem:v1+s19+$0x0] =	vst.idx.msk $0xffff, v10  }
0x27b: {  	[tilespmem:v53+s19+$0x0] =	vst.idx.msk $0xffff, v8  }
0x27c: {  	v3 =	vld [tilespmem:$0x1FDE0];
	_ =	sdelay $0x2  }
0x27d: {  	v1 =	vld.idx.msk [tilespmem:v63+s18+$0x0], $0xffff;
	_ =	sdelay $0x4  }
0x27e: {  	[tilespmem:v3+s19+$0x0] =	vst.idx.msk $0xffff, v1  }
0x27f: {  	v1 =	vld [tilespmem:$0x1FE00];
	_ =	sdelay $0x2  }
0x280: {  	v4 =	vld.idx.msk [tilespmem:v34+s18+$0x0], $0xffff;
	_ =	sdelay $0x3  }
0x281: {  	v12 =	vld.idx.msk [tilespmem:v43+s18+$0x0], $0xffff  }
0x282: {  	v2 =	vld.idx.msk [tilespmem:v47+s18+$0x0], $0xffff;
	v10 =	vor.u32 v21, v7;
	[tilespmem:v1+s19+$0x0] =	vst.idx.msk $0xffff, v4  }
0x283: {  	v3 =	vld [tilespmem:$0x1FDF0]  }
0x284: {  	v8 =	vld.idx.msk [tilespmem:v54+s18+$0x0], $0xffff  }
0x285: {  	v1 =	vld.idx.msk [tilespmem:v57+s18+$0x0], $0xffff  }
0x286: {  	s7 =	sadd.s32 s6, s2;
	v6 =	vld.idx.msk [tilespmem:v26+s18+$0x0], $0xffff  }
0x287: {  	s9 =	sadd.s32 $0x1, s7;
	[tilespmem:v10+s19+$0x0] =	vst.idx.msk $0xffff, v12  }
0x288: {  	s17 =	sshll.u32 s9, $0xA;
	s9 =	sshll.u32 s9, $0x7;
	[tilespmem:v14+s19+$0x0] =	vst.idx.msk $0xffff, v2  }
0x289: {  	s17 =	sand.u32 $0xFFE0000, s17;
	s9 =	sand.u32 $0x3E80, s9;
	[tilespmem:v56+s19+$0x0] =	vst.idx.msk $0xffff, v8  }
0x28a: {  	s25 =	rddreg [dreg:$0x1];
	s9 =	sor.u32 s9, s17;
	[tilespmem:v33+s19+$0x0] =	vst.idx.msk $0xffff, v1  }
0x28b: {  	s23 =	simm.s32 $0x0;
	s17 =	sadd.s32 s25, s9;
	[tilespmem:v3+s19+$0x0] =	vst.idx.msk $0xffff, v6  }
0x28c: {  	[hbm4b:s17+s23] =	stream.linear.scatter [tilespmem:s19], [sflag:$0x6], $0x400, $0x38;
	[tilespmem:$0x16400] =	vst v63  }
0x28d: {  	s5 =	smov.u32 s2;
	s2 =	sadd.s32 s9, s8;
	s25 =	simm.s32 $0x10800  }
0x28e: {  	[hbm4b:s2+s23] =	stream.linear.scatter [tilespmem:s25], [sflag:$0x6], $0x400, $0x38;
	[tilespmem:$0x16400] =	vst v63  }
0x28f: {  	s2 =	sadd.s32 s9, s10;
	s25 =	simm.s32 $0x10C00  }
0x290: {  	[hbm4b:s2+s23] =	stream.linear.scatter [tilespmem:s25], [sflag:$0x6], $0x400, $0x38;
	[tilespmem:$0x16400] =	vst v63  }
0x291: {  	s2 =	sadd.s32 s9, s11;
	s25 =	simm.s32 $0x11000  }
0x292: {  	[hbm4b:s2+s23] =	stream.linear.scatter [tilespmem:s25], [sflag:$0x6], $0x400, $0x38;
	[tilespmem:$0x16400] =	vst v63  }
0x293: {  	s2 =	sadd.s32 s9, s12;
	s25 =	simm.s32 $0x11400  }
0x294: {  	[hbm4b:s2+s23] =	stream.linear.scatter [tilespmem:s25], [sflag:$0x6], $0x400, $0x38;
	[tilespmem:$0x16400] =	vst v63  }
0x295: {  	s2 =	sadd.s32 s9, s13;
	s25 =	simm.s32 $0x11800  }
0x296: {  	[hbm4b:s2+s23] =	stream.linear.scatter [tilespmem:s25], [sflag:$0x6], $0x400, $0x38;
	[tilespmem:$0x16400] =	vst v63  }
0x297: {  	s2 =	sadd.s32 s9, s14;
	s25 =	simm.s32 $0x11C00  }
0x298: {  	[hbm4b:s2+s23] =	stream.linear.scatter [tilespmem:s25], [sflag:$0x6], $0x400, $0x38;
	[tilespmem:$0x16400] =	vst v63  }
0x299: {  	s9 =	sadd.s32 s9, s15;
	s25 =	simm.s32 $0x12000;
	s2 =	smin.u32 s6, $0xC2  }
0x29a: {  	[hbm4b:s9+s23] =	stream.linear.scatter [tilespmem:s25], [sflag:$0x6], $0x400, $0x38;
	[tilespmem:$0x16400] =	vst v63  }
0x29b: {  	s9 =	sshll.u32 s2, $0x7  }
0x29c: {  	s9 =	sadd.s32 $0x280, s9  }
0x29d: {  	[tilespmem:s18], [sflag:$0x2] =	stream.indirect.gather [hbm4b:s4+s29], $0x40, s9, s29, $0xb8;
	[tilespmem:$0x16400] =	vst v63  }
0x29e: {  	s9 =	simm.s32 $0x3  }
0x29f: {  	_ =	swait.ge [sflag:s9], $0x2000  }
0x2a0: {  	[sflag:s9] =	ssyncset.done $0x0  }
0x2a1: {  	[sflag:s9] =	ssyncadd.s32 $0xFFFFE000  }
0x2a2: {  	_ =	swait.ge [sflag:s24], $0x400  }
0x2a3: {  	[sflag:s24] =	ssyncset.done $0x0  }
0x2a4: {  	[sflag:s24] =	ssyncadd.s32 $0xFFFFFC00  }
0x2a5: {  	_ =	swait.ge [sflag:s24], $0x400  }
0x2a6: {  	[sflag:s24] =	ssyncset.done $0x0  }
0x2a7: {  	[sflag:s24] =	ssyncadd.s32 $0xFFFFFC00  }
0x2a8: {  	_ =	swait.ge [sflag:s24], $0x400  }
0x2a9: {  	[sflag:s24] =	ssyncset.done $0x0  }
0x2aa: {  	[sflag:s24] =	ssyncadd.s32 $0xFFFFFC00  }
0x2ab: {  	_ =	swait.ge [sflag:s24], $0x400  }
0x2ac: {  	s2 =	simm.s32 $0x2;
	[sflag:s24] =	ssyncset.done $0x0  }
0x2ad: {  	v2 =	vadd.s32 s2, v0;
	[sflag:s24] =	ssyncadd.s32 $0xFFFFFC00  }
0x2ae: {  	v37 =	vand.u32 $0x3F, v2;
	_ =	swait.ge [sflag:s24], $0x400  }
0x2af: {  	v7 =	vor.u32 v28, v37;
	[sflag:s24] =	ssyncset.done $0x0  }
0x2b0: {  	[tilespmem:$0x1FD50] =	vst v7;
	[sflag:s24] =	ssyncadd.s32 $0xFFFFFC00  }
0x2b1: {  	v3 =	vld [tilespmem:$0x1FF10];
	_ =	swait.ge [sflag:s24], $0x400  }
0x2b2: {  	[sflag:s24] =	ssyncset.done $0x0  }
0x2b3: {  	[sflag:s24] =	ssyncadd.s32 $0xFFFFFC00  }
0x2b4: {  	_ =	swait.ge [sflag:s24], $0x400  }
0x2b5: {  	v1 =	vadd.s32 s23, v0;
	[sflag:s24] =	ssyncset.done $0x0  }
0x2b6: {  	v10 =	vshll.u32 v1, $0x7;
	v1 =	vand.u32 $0x38, v1;
	s17 =	simm.s32 $0x1;
	s23 =	simm.s32 $0x3;
	v2 =	vshll.u32 v2, $0x7;
	[sflag:s24] =	ssyncadd.s32 $0xFFFFFC00  }
0x2b7: {  	v4 =	vadd.s32 s17, v0;
	s17 =	simm.s32 $0x7;
	v6 =	vadd.s32 s23, v0;
	s23 =	simm.s32 $0x4;
	v44 =	vand.u32 $0x1F80, v2;
	v2 =	vld [tilespmem:$0x1FFD0];
	_ =	swait.ge [sflag:s24], $0x400  }
0x2b8: {  	v41 =	vand.u32 $0x3F, v4;
	v12 =	vadd.s32 s17, v0;
	s25 =	simm.s32 $0x5;
	v13 =	vadd.s32 s23, v0;
	v24 =	vld [tilespmem:$0x1FED0]  }
0x2b9: {  	v4 =	vshll.u32 v4, $0x7;
	v8 =	vadd.s32 s25, v0;
	s25 =	simm.s32 $0x6;
	v43 =	vand.u32 $0x3F, v13  }
0x2ba: {  	v36 =	vand.u32 $0x3F, v12;
	v17 =	vadd.s32 s25, v0;
	v19 =	vor.u32 v3, v43  }
0x2bb: {  	v38 =	vand.u32 $0x3F, v8;
	v46 =	vand.u32 $0x3F, v6;
	v20 =	vshll.u32 v17, $0x7  }
0x2bc: {  	v8 =	vshll.u32 v8, $0x7;
	v31 =	vand.u32 $0x1F80, v20;
	v21 =	vor.u32 v3, v38  }
0x2bd: {  	v13 =	vshll.u32 v13, $0x7;
	v18 =	vor.u32 v3, v41;
	[sflag:s24] =	ssyncset.done $0x0;
	v16 =	vor.u32 v24, v31;
	v24 =	vld [tilespmem:$0x1FED0]  }
0x2be: {  	v26 =	vor.u32 v3, v46;
	[sflag:s24] =	ssyncadd.s32 $0xFFFFFC00;
	v23 =	vor.u32 v2, v1;
	v2 =	vand.u32 $0x1F80, v13  }
0x2bf: {  	v6 =	vshll.u32 v6, $0x7;
	v28 =	vor.u32 v3, v36;
	v19 =	vld.idx.msk [tilespmem:v19+s28+$0x0], $0xffff;
	v30 =	vor.u32 v0, v2  }
0x2c0: {  	v48 =	vand.u32 $0x1F80, v8;
	v51 =	vand.u32 $0x1F80, v6;
	v7 =	vand.u32 $0x1F80, v4;
	v14 =	vld [tilespmem:$0x1FF50]  }
0x2c1: {  	v50 =	vand.u32 $0x3F, v17;
	v63 =	vor.u32 v0, v48;
	v56 =	vor.u32 v0, v7;
	v20 =	vld.idx.msk [tilespmem:v21+s28+$0x0], $0xffff;
	[tilespmem:$0x1FD60] =	vst v16  }
0x2c2: {  	v15 =	vor.u32 v3, v37;
	v17 =	vor.u32 v3, v50;
	v18 =	vld.idx.msk [tilespmem:v18+s28+$0x0], $0xffff;
	v3 =	vor.u32 v24, v51  }
0x2c3: {  	v57 =	vor.u32 v0, v51;
	v58 =	vld.idx.msk [tilespmem:v26+s28+$0x0], $0xffff;
	[tilespmem:$0x1FD70] =	vst v3  }
0x2c4: {  	[tilespmem:v30+s1+$0x0] =	vst.idx.msk $0xffff, v19;
	v59 =	vld.idx.msk [tilespmem:v28+s28+$0x0], $0xffff  }
0x2c5: {  	v28 =	vld [tilespmem:$0x1FEF0]  }
0x2c6: {  	v30 =	vld [tilespmem:$0x1FF70];
	[tilespmem:v63+s1+$0x0] =	vst.idx.msk $0xffff, v20  }
0x2c7: {  	[tilespmem:v56+s1+$0x0] =	vst.idx.msk $0xffff, v18  }
0x2c8: {  	v4 =	vor.u32 v14, v43;
	v29 =	vld [tilespmem:$0x1FEE0];
	[tilespmem:v57+s1+$0x0] =	vst.idx.msk $0xffff, v58  }
0x2c9: {  	v13 =	vor.u32 v25, v1;
	v3 =	vld [tilespmem:$0x1FF00]  }
0x2ca: {  	v22 =	vshll.u32 v12, $0x7;
	v21 =	vor.u32 v14, v38;
	v54 =	vld [tilespmem:$0x1FF30]  }
0x2cb: {  	v39 =	vand.u32 $0x1F80, v22  }
0x2cc: {  	v8 =	vor.u32 v0, v39  }
0x2cd: {  	v49 =	vmov v11;
	v40 =	vand.u32 $0x1F80, v10;
	v11 =	vor.u32 v5, v2;
	v4 =	vld.idx.msk [tilespmem:v4+s28+$0x0], $0xffff  }
0x2ce: {  	v22 =	vor.u32 v0, v40;
	v62 =	vor.u32 v5, v48;
	v13 =	vld.idx.msk [tilespmem:v13+s28+$0x0], $0xffff;
	v42 =	vor.u32 v3, v37  }
0x2cf: {  	v60 =	vor.u32 v14, v46;
	v63 =	vld.idx.msk [tilespmem:v21+s28+$0x0], $0xffff;
	v16 =	vor.u32 v54, v1;
	[tilespmem:$0x1FD80] =	vst v42  }
0x2d0: {  	v17 =	vld.idx.msk [tilespmem:v17+s28+$0x0], $0xffff;
	[tilespmem:$0x1FD90] =	vst v16  }
0x2d1: {  	v34 =	vor.u32 v0, v31;
	[tilespmem:v8+s1+$0x0] =	vst.idx.msk $0xffff, v59  }
0x2d2: {  	[tilespmem:v11+s1+$0x0] =	vst.idx.msk $0xffff, v4  }
0x2d3: {  	v61 =	vor.u32 v14, v41;
	[tilespmem:v22+s1+$0x0] =	vst.idx.msk $0xffff, v13  }
0x2d4: {  	v56 =	vld.idx.msk [tilespmem:v60+s28+$0x0], $0xffff;
	[tilespmem:v62+s1+$0x0] =	vst.idx.msk $0xffff, v63  }
0x2d5: {  	v20 =	vor.u32 v14, v36;
	v16 =	vld [tilespmem:$0x1FF20]  }
0x2d6: {  	v8 =	vor.u32 v5, v51;
	v11 =	vld [tilespmem:$0x1FFE0];
	[tilespmem:v34+s1+$0x0] =	vst.idx.msk $0xffff, v17  }
0x2d7: {  	v12 =	vor.u32 v14, v37;
	v13 =	vor.u32 v14, v50;
	v14 =	vld [tilespmem:$0x1FF90]  }
0x2d8: {  	v21 =	vor.u32 v30, v38;
	v58 =	vld.idx.msk [tilespmem:v61+s28+$0x0], $0xffff  }
0x2d9: {  	v4 =	vor.u32 v5, v7;
	v15 =	vld.idx.msk [tilespmem:v15+s28+$0x0], $0xffff  }
0x2da: {  	v59 =	vor.u32 v5, v39;
	v20 =	vld.idx.msk [tilespmem:v20+s28+$0x0], $0xffff  }
0x2db: {  	v53 =	vor.u32 v30, v43;
	v22 =	vor.u32 v5, v40;
	v60 =	vld.idx.msk [tilespmem:v23+s28+$0x0], $0xffff;
	[tilespmem:v8+s1+$0x0] =	vst.idx.msk $0xffff, v56  }
0x2dc: {  	v57 =	vor.u32 v30, v46;
	v45 =	vor.u32 v14, v1;
	v14 =	vld [tilespmem:$0x1FF80]  }
0x2dd: {  	v10 =	vor.u32 v0, v44;
	v21 =	vld.idx.msk [tilespmem:v21+s28+$0x0], $0xffff;
	v8 =	vor.u32 v30, v41  }
0x2de: {  	v61 =	vor.u32 v30, v36;
	v13 =	vld.idx.msk [tilespmem:v13+s28+$0x0], $0xffff;
	v23 =	vor.u32 v11, v48;
	[tilespmem:v4+s1+$0x0] =	vst.idx.msk $0xffff, v58  }
0x2df: {  	v26 =	vld [tilespmem:$0x1FED0];
	[tilespmem:v59+s1+$0x0] =	vst.idx.msk $0xffff, v20;
	v20 =	vor.u32 v5, v31  }
0x2e0: {  	v54 =	vld.idx.msk [tilespmem:v53+s28+$0x0], $0xffff;
	v52 =	vor.u32 v11, v2;
	[tilespmem:v22+s1+$0x0] =	vst.idx.msk $0xffff, v60;
	v22 =	vor.u32 v30, v50  }
0x2e1: {  	v63 =	vld.idx.msk [tilespmem:v57+s28+$0x0], $0xffff;
	v4 =	vor.u32 v11, v51;
	v62 =	vor.u32 v14, v38  }
0x2e2: {  	[tilespmem:v10+s1+$0x0] =	vst.idx.msk $0xffff, v15;
	v10 =	vor.u32 v11, v7;
	v8 =	vld.idx.msk [tilespmem:v8+s28+$0x0], $0xffff;
	v56 =	vor.u32 v14, v46  }
0x2e3: {  	[tilespmem:v23+s1+$0x0] =	vst.idx.msk $0xffff, v21;
	v21 =	vor.u32 v11, v39;
	v17 =	vld.idx.msk [tilespmem:v61+s28+$0x0], $0xffff;
	v23 =	vor.u32 v14, v43  }
0x2e4: {  	v6 =	vor.u32 v5, v44;
	v12 =	vld.idx.msk [tilespmem:v12+s28+$0x0], $0xffff;
	[tilespmem:v20+s1+$0x0] =	vst.idx.msk $0xffff, v13;
	v13 =	vor.u32 v14, v41  }
0x2e5: {  	v47 =	vor.u32 v30, v37;
	[tilespmem:v52+s1+$0x0] =	vst.idx.msk $0xffff, v54;
	v59 =	vor.u32 v11, v31;
	v22 =	vld.idx.msk [tilespmem:v22+s28+$0x0], $0xffff  }
0x2e6: {  	v15 =	vor.u32 v9, v48;
	[tilespmem:v4+s1+$0x0] =	vst.idx.msk $0xffff, v63;
	v4 =	vor.u32 v14, v36;
	v19 =	vld.idx.msk [tilespmem:v62+s28+$0x0], $0xffff  }
0x2e7: {  	v57 =	vor.u32 v9, v51;
	v20 =	vor.u32 v16, v38;
	[tilespmem:v10+s1+$0x0] =	vst.idx.msk $0xffff, v8;
	v18 =	vld.idx.msk [tilespmem:v56+s28+$0x0], $0xffff  }
0x2e8: {  	[tilespmem:v21+s1+$0x0] =	vst.idx.msk $0xffff, v17;
	v21 =	vor.u32 v9, v2;
	v10 =	vld.idx.msk [tilespmem:v23+s28+$0x0], $0xffff  }
0x2e9: {  	[tilespmem:v6+s1+$0x0] =	vst.idx.msk $0xffff, v12;
	v6 =	vor.u32 v9, v7;
	v12 =	vld.idx.msk [tilespmem:v13+s28+$0x0], $0xffff  }
0x2ea: {  	v58 =	vor.u32 v11, v44;
	[tilespmem:v59+s1+$0x0] =	vst.idx.msk $0xffff, v22;
	v22 =	vld.idx.msk [tilespmem:v47+s28+$0x0], $0xffff  }
0x2eb: {  	v4 =	vld.idx.msk [tilespmem:v4+s28+$0x0], $0xffff;
	[tilespmem:v15+s1+$0x0] =	vst.idx.msk $0xffff, v19;
	v15 =	vor.u32 v9, v39  }
0x2ec: {  	v8 =	vor.u32 v16, v46;
	v13 =	vor.u32 v49, v48;
	[tilespmem:v57+s1+$0x0] =	vst.idx.msk $0xffff, v18;
	v20 =	vld.idx.msk [tilespmem:v20+s28+$0x0], $0xffff  }
0x2ed: {  	[tilespmem:v21+s1+$0x0] =	vst.idx.msk $0xffff, v10  }
0x2ee: {  	[tilespmem:v6+s1+$0x0] =	vst.idx.msk $0xffff, v12  }
0x2ef: {  	[tilespmem:v58+s1+$0x0] =	vst.idx.msk $0xffff, v22  }
0x2f0: {  	[tilespmem:v15+s1+$0x0] =	vst.idx.msk $0xffff, v4  }
0x2f1: {  	v10 =	vor.u32 v49, v51;
	v8 =	vld.idx.msk [tilespmem:v8+s28+$0x0], $0xffff;
	[tilespmem:v13+s1+$0x0] =	vst.idx.msk $0xffff, v20  }
0x2f2: {  	v23 =	vor.u32 v14, v50;
	v21 =	vor.u32 v14, v37;
	v14 =	vld [tilespmem:$0x1FFA0];
	_ =	sdelay $0x1  }
0x2f3: {  	v60 =	vor.u32 v16, v43  }
0x2f4: {  	v61 =	vor.u32 v16, v36  }
0x2f5: {  	v62 =	vor.u32 v16, v41;
	[tilespmem:v10+s1+$0x0] =	vst.idx.msk $0xffff, v8  }
0x2f6: {  	v63 =	vor.u32 v3, v38;
	v54 =	vor.u32 v14, v1;
	v14 =	vld [tilespmem:$0x1FF60]  }
0x2f7: {  	v23 =	vld.idx.msk [tilespmem:v23+s28+$0x0], $0xffff;
	v4 =	vor.u32 v9, v31  }
0x2f8: {  	v12 =	vld.idx.msk [tilespmem:v60+s28+$0x0], $0xffff;
	v15 =	vor.u32 v49, v2  }
0x2f9: {  	v18 =	vld.idx.msk [tilespmem:v61+s28+$0x0], $0xffff;
	v13 =	vor.u32 v49, v39  }
0x2fa: {  	v22 =	vor.u32 v49, v7;
	v17 =	vld.idx.msk [tilespmem:v62+s28+$0x0], $0xffff  }
0x2fb: {  	v6 =	vor.u32 v3, v46;
	v10 =	vld.idx.msk [tilespmem:v63+s28+$0x0], $0xffff;
	v8 =	vor.u32 v14, v48  }
0x2fc: {  	[tilespmem:v4+s1+$0x0] =	vst.idx.msk $0xffff, v23  }
0x2fd: {  	v47 =	vor.u32 v16, v50;
	[tilespmem:v15+s1+$0x0] =	vst.idx.msk $0xffff, v12  }
0x2fe: {  	v53 =	vld.idx.msk [tilespmem:v45+s28+$0x0], $0xffff;
	v20 =	vor.u32 v3, v43;
	[tilespmem:v13+s1+$0x0] =	vst.idx.msk $0xffff, v18  }
0x2ff: {  	v45 =	vld [tilespmem:$0x1FFB0];
	[tilespmem:v22+s1+$0x0] =	vst.idx.msk $0xffff, v17  }
0x300: {  	v6 =	vld.idx.msk [tilespmem:v6+s28+$0x0], $0xffff;
	v23 =	vor.u32 v3, v41;
	v12 =	vor.u32 v14, v51;
	[tilespmem:v8+s1+$0x0] =	vst.idx.msk $0xffff, v10  }
0x301: {  	v11 =	vor.u32 v11, v40;
	v4 =	vor.u32 v3, v36;
	v10 =	vld [tilespmem:$0x1FFC0]  }
0x302: {  	v55 =	vor.u32 v27, v44;
	v13 =	vor.u32 v49, v31;
	v15 =	vld.idx.msk [tilespmem:v47+s28+$0x0], $0xffff;
	v8 =	vor.u32 v29, v38  }
0x303: {  	v35 =	vor.u32 v28, v50;
	v24 =	vor.u32 v29, v41;
	v33 =	vld.idx.msk [tilespmem:v20+s28+$0x0], $0xffff;
	v47 =	vor.u32 v14, v2  }
0x304: {  	v34 =	vor.u32 v28, v46;
	v32 =	vor.u32 v16, v37;
	v26 =	vor.u32 v26, v44  }
0x305: {  	v57 =	vor.u32 v49, v40;
	[tilespmem:v12+s1+$0x0] =	vst.idx.msk $0xffff, v6;
	v6 =	vor.u32 v14, v7;
	v12 =	vld.idx.msk [tilespmem:v23+s28+$0x0], $0xffff  }
0x306: {  	v42 =	vor.u32 v14, v39;
	[tilespmem:v11+s1+$0x0] =	vst.idx.msk $0xffff, v53;
	v58 =	vor.u32 v10, v1;
	v10 =	vld.idx.msk [tilespmem:v4+s28+$0x0], $0xffff  }
0x307: {  	v60 =	vor.u32 v9, v40;
	v62 =	vor.u32 v49, v44;
	[tilespmem:v13+s1+$0x0] =	vst.idx.msk $0xffff, v15;
	v49 =	vld.idx.msk [tilespmem:v8+s28+$0x0], $0xffff  }
0x308: {  	v61 =	vor.u32 v27, v2;
	v22 =	vor.u32 v29, v46;
	[tilespmem:v47+s1+$0x0] =	vst.idx.msk $0xffff, v33;
	v8 =	vld.idx.msk [tilespmem:v21+s28+$0x0], $0xffff  }
0x309: {  	v63 =	vor.u32 v29, v37;
	v20 =	vor.u32 v29, v43;
	v52 =	vor.u32 v14, v40;
	v21 =	vld [tilespmem:$0x1FED0]  }
0x30a: {  	v51 =	vor.u32 v27, v51;
	v59 =	vor.u32 v45, v1;
	[tilespmem:v6+s1+$0x0] =	vst.idx.msk $0xffff, v12  }
0x30b: {  	v13 =	vor.u32 v3, v50;
	v15 =	vor.u32 v27, v48;
	v45 =	vld.idx.msk [tilespmem:v54+s28+$0x0], $0xffff;
	[tilespmem:v42+s1+$0x0] =	vst.idx.msk $0xffff, v10  }
0x30c: {  	v37 =	vor.u32 v14, v31;
	v47 =	vor.u32 v28, v43;
	v33 =	vor.u32 v29, v36;
	v3 =	vld [tilespmem:$0x1FF40]  }
0x30d: {  	v53 =	vor.u32 v27, v40;
	v43 =	vor.u32 v28, v41;
	v46 =	vld.idx.msk [tilespmem:v22+s28+$0x0], $0xffff;
	v4 =	vor.u32 v28, v38  }
0x30e: {  	v41 =	vor.u32 v27, v39;
	v6 =	vor.u32 v21, v48;
	v48 =	vld.idx.msk [tilespmem:v20+s28+$0x0], $0xffff;
	v42 =	vor.u32 v9, v44  }
0x30f: {  	v38 =	vor.u32 v28, v36;
	v11 =	vor.u32 v21, v2;
	v2 =	vor.u32 v21, v39;
	v39 =	vld.idx.msk [tilespmem:v24+s28+$0x0], $0xffff  }
0x310: {  	v56 =	vor.u32 v21, v40;
	v10 =	vld.idx.msk [tilespmem:v13+s28+$0x0], $0xffff;
	v13 =	vor.u32 v29, v50;
	[tilespmem:v15+s1+$0x0] =	vst.idx.msk $0xffff, v49  }
0x311: {  	s9 =	simm.s32 $0x8;
	v50 =	vld.idx.msk [tilespmem:v33+s28+$0x0], $0xffff;
	v54 =	vor.u32 v3, v1;
	v1 =	vor.u32 v14, v44;
	v44 =	vor.u32 v27, v7  }
.LBB2_7:
0x312: {  	v20 =	vld.idx.msk [tilespmem:v4+s28+$0x0], $0xffff  }
0x313: {  	s23 =	sadd.s32 $0x3, s9;
	[tilespmem:v42+s1+$0x0] =	vst.idx.msk $0xffff, v8;
	v3 =	vld [tilespmem:$0x1FF10]  }
0x314: {  	v14 =	vld [tilespmem:$0x1FF50];
	v19 =	vadd.s32 s23, v0;
	s23 =	sadd.s32 $0x6, s9;
	[tilespmem:v60+s1+$0x0] =	vst.idx.msk $0xffff, v45  }
0x315: {  	v8 =	vor.u32 v27, v31;
	v33 =	vadd.s32 s23, v0;
	[tilespmem:v51+s1+$0x0] =	vst.idx.msk $0xffff, v46;
	v31 =	vld.idx.msk [tilespmem:v32+s28+$0x0], $0xffff  }
0x316: {  	s17 =	sadd.s32 $0x1, s9;
	[tilespmem:v41+s1+$0x0] =	vst.idx.msk $0xffff, v50;
	v51 =	vshll.u32 v33, $0x7;
	v50 =	vand.u32 $0x3F, v33;
	v33 =	vld [tilespmem:$0x1FF70]  }
0x317: {  	v12 =	vadd.s32 s9, v0;
	s25 =	sadd.s32 $0x5, s9;
	v18 =	vadd.s32 s17, v0;
	s17 =	sadd.s32 $0x2, s9;
	[tilespmem:v37+s1+$0x0] =	vst.idx.msk $0xffff, v10;
	v23 =	vld.idx.msk [tilespmem:v59+s28+$0x0], $0xffff  }
0x318: {  	v15 =	vor.u32 v21, v7;
	v22 =	vadd.s32 s25, v0;
	s25 =	smov.u32 s9;
	v21 =	vadd.s32 s17, v0;
	[tilespmem:v44+s1+$0x0] =	vst.idx.msk $0xffff, v39;
	v13 =	vld.idx.msk [tilespmem:v13+s28+$0x0], $0xffff  }
0x319: {  	s2 =	sadd.s32 $0x7, s9;
	v17 =	vshll.u32 v12, $0x7;
	s17 =	sadd.s32 $0x4, s25;
	v4 =	vmov v55;
	v37 =	vand.u32 $0x3F, v21;
	v55 =	vld.idx.msk [tilespmem:v43+s28+$0x0], $0xffff  }
0x31a: {  	v29 =	vadd.s32 s17, v0;
	v10 =	vadd.s32 s2, v0;
	v27 =	vor.u32 v3, v37;
	[tilespmem:v6+s1+$0x0] =	vst.idx.msk $0xffff, v20;
	v20 =	vld.idx.msk [tilespmem:v38+s28+$0x0], $0xffff  }
0x31b: {  	v43 =	vand.u32 $0x38, v12;
	v12 =	vshll.u32 v10, $0x7;
	v40 =	vand.u32 $0x3F, v10;
	v10 =	vld [tilespmem:$0x1FEC0]  }
0x31c: {  	v36 =	vand.u32 $0x3F, v18;
	v46 =	vand.u32 $0x3F, v29;
	v34 =	vld.idx.msk [tilespmem:v34+s28+$0x0], $0xffff  }
0x31d: {  	v42 =	vand.u32 $0x3F, v22;
	v29 =	vshll.u32 v29, $0x7;
	v16 =	vor.u32 v3, v46;
	v6 =	vld [tilespmem:$0x1FFD0]  }
0x31e: {  	[tilespmem:v61+s1+$0x0] =	vst.idx.msk $0xffff, v48;
	v21 =	vshll.u32 v21, $0x7;
	v24 =	vor.u32 v3, v42;
	v41 =	vand.u32 $0x1F80, v29;
	v29 =	vld [tilespmem:$0x1FEE0]  }
0x31f: {  	v32 =	vor.u32 v3, v36;
	v44 =	vand.u32 $0x1F80, v21;
	[tilespmem:v57+s1+$0x0] =	vst.idx.msk $0xffff, v23;
	v57 =	vld.idx.msk [tilespmem:v27+s28+$0x0], $0xffff  }
0x320: {  	v7 =	vor.u32 v10, v44;
	[tilespmem:v2+s1+$0x0] =	vst.idx.msk $0xffff, v20;
	v2 =	vld [tilespmem:$0x1FD70]  }
0x321: {  	[tilespmem:$0x1FD10] =	vst v7;
	v7 =	vld [tilespmem:$0x1FD80]  }
0x322: {  	v10 =	vld.idx.msk [tilespmem:v16+s28+$0x0], $0xffff  }
0x323: {  	v24 =	vld.idx.msk [tilespmem:v24+s28+$0x0], $0xffff  }
0x324: {  	v32 =	vld.idx.msk [tilespmem:v32+s28+$0x0], $0xffff  }
0x325: {  	[tilespmem:v8+s1+$0x0] =	vst.idx.msk $0xffff, v13;
	v8 =	vshll.u32 v22, $0x7;
	v16 =	vld [tilespmem:$0x1FF30]  }
0x326: {  	[tilespmem:v62+s1+$0x0] =	vst.idx.msk $0xffff, v31;
	v22 =	vor.u32 v3, v40;
	v23 =	vld.idx.msk [tilespmem:v35+s28+$0x0], $0xffff;
	v35 =	vor.u32 v0, v41  }
0x327: {  	[tilespmem:v15+s1+$0x0] =	vst.idx.msk $0xffff, v55;
	v55 =	vld [tilespmem:$0x1FF90];
	v48 =	vand.u32 $0x1F80, v8  }
0x328: {  	v20 =	vor.u32 v0, v48;
	[tilespmem:v2+s1+$0x0] =	vst.idx.msk $0xffff, v34;
	v2 =	vld [tilespmem:$0x1FED0]  }
0x329: {  	v13 =	vld.idx.msk [tilespmem:v7+s28+$0x0], $0xffff  }
0x32a: {  	v45 =	vand.u32 $0x3F, v19;
	v38 =	vand.u32 $0x1F80, v12;
	v12 =	vld.idx.msk [tilespmem:v58+s28+$0x0], $0xffff;
	v34 =	vor.u32 v14, v42  }
0x32b: {  	v30 =	vor.u32 v3, v45;
	[tilespmem:v35+s1+$0x0] =	vst.idx.msk $0xffff, v10;
	v10 =	vld.idx.msk [tilespmem:v22+s28+$0x0], $0xffff  }
0x32c: {  	v31 =	vand.u32 $0x1F80, v51;
	v8 =	vor.u32 v0, v38;
	v47 =	vld.idx.msk [tilespmem:v47+s28+$0x0], $0xffff  }
0x32d: {  	[tilespmem:v20+s1+$0x0] =	vst.idx.msk $0xffff, v24;
	v62 =	vor.u32 v2, v31;
	v2 =	vld [tilespmem:$0x1FD90]  }
0x32e: {  	v18 =	vshll.u32 v18, $0x7;
	v20 =	vor.u32 v5, v48;
	[tilespmem:v1+s1+$0x0] =	vst.idx.msk $0xffff, v13;
	v1 =	vld [tilespmem:$0x1FED0]  }
0x32f: {  	v7 =	vand.u32 $0x1F80, v18;
	v18 =	vor.u32 v14, v46;
	v13 =	vor.u32 v3, v50;
	v3 =	vmovc v62;
	v62 =	vld.idx.msk [tilespmem:v34+s28+$0x0], $0xffff  }
0x330: {  	v22 =	vld.idx.msk [tilespmem:v30+s28+$0x0], $0xffff  }
0x331: {  	v16 =	vor.u32 v16, v43;
	[tilespmem:v8+s1+$0x0] =	vst.idx.msk $0xffff, v10;
	v8 =	vld [tilespmem:$0x1FD50]  }
0x332: {  	v19 =	vshll.u32 v19, $0x7;
	[tilespmem:$0x1FD90] =	vst v16;
	v16 =	vld [tilespmem:$0x1FF20]  }
0x333: {  	v51 =	vand.u32 $0x1F80, v19;
	[tilespmem:v52+s1+$0x0] =	vst.idx.msk $0xffff, v12;
	v24 =	vor.u32 v33, v42;
	v49 =	vld.idx.msk [tilespmem:v63+s28+$0x0], $0xffff  }
0x334: {  	v18 =	vld.idx.msk [tilespmem:v18+s28+$0x0], $0xffff;
	v1 =	vor.u32 v1, v51;
	[tilespmem:v20+s1+$0x0] =	vst.idx.msk $0xffff, v62  }
0x335: {  	[tilespmem:$0x1FD70] =	vst v1;
	v1 =	vld [tilespmem:$0x1FD60]  }
0x336: {  	v59 =	vor.u32 v28, v37;
	[tilespmem:$0x1FD60] =	vst v3;
	v3 =	vor.u32 v29, v36;
	v28 =	vld.idx.msk [tilespmem:v2+s28+$0x0], $0xffff  }
0x337: {  	v12 =	vor.u32 v0, v7;
	[tilespmem:$0x1FD40] =	vst v3;
	v3 =	vld [tilespmem:$0x1FF00]  }
0x338: {  	v39 =	vand.u32 $0x1F80, v17;
	v17 =	vor.u32 v25, v43;
	[tilespmem:v4+s1+$0x0] =	vst.idx.msk $0xffff, v49;
	v24 =	vld.idx.msk [tilespmem:v24+s28+$0x0], $0xffff  }
0x339: {  	v49 =	vor.u32 v16, v37;
	v8 =	vld.idx.msk [tilespmem:v8+s28+$0x0], $0xffff  }
0x33a: {  	[tilespmem:$0x1FD20] =	vst v49;
	v49 =	vld [tilespmem:$0x1FFE0]  }
0x33b: {  	[tilespmem:v53+s1+$0x0] =	vst.idx.msk $0xffff, v28;
	v28 =	vld [tilespmem:$0x1FEF0]  }
0x33c: {  	[tilespmem:v12+s1+$0x0] =	vst.idx.msk $0xffff, v32;
	v12 =	vor.u32 v3, v37;
	v53 =	vld.idx.msk [tilespmem:v54+s28+$0x0], $0xffff;
	v54 =	vor.u32 v14, v36  }
0x33d: {  	v63 =	vor.u32 v5, v41;
	[tilespmem:$0x1FD80] =	vst v12;
	v12 =	vor.u32 v14, v40;
	v10 =	vld.idx.msk [tilespmem:v17+s28+$0x0], $0xffff  }
0x33e: {  	v17 =	vor.u32 v55, v43;
	v55 =	vld [tilespmem:$0x1FF80];
	[tilespmem:v1+s1+$0x0] =	vst.idx.msk $0xffff, v23;
	v23 =	vor.u32 v0, v51  }
0x33f: {  	v21 =	vor.u32 v0, v39;
	v15 =	vor.u32 v33, v46;
	v13 =	vld.idx.msk [tilespmem:v13+s28+$0x0], $0xffff  }
0x340: {  	v60 =	vmov v26;
	[tilespmem:v11+s1+$0x0] =	vst.idx.msk $0xffff, v47;
	v34 =	vor.u32 v28, v45;
	v28 =	vld [tilespmem:$0x1FEF0]  }
0x341: {  	v58 =	vor.u32 v0, v44;
	v35 =	vor.u32 v14, v45;
	[tilespmem:v56+s1+$0x0] =	vst.idx.msk $0xffff, v53;
	v53 =	vld.idx.msk [tilespmem:v54+s28+$0x0], $0xffff  }
0x342: {  	v6 =	vor.u32 v6, v43;
	[tilespmem:v63+s1+$0x0] =	vst.idx.msk $0xffff, v18;
	v26 =	vor.u32 v49, v48;
	v12 =	vld.idx.msk [tilespmem:v12+s28+$0x0], $0xffff  }
0x343: {  	v52 =	vor.u32 v0, v31;
	v47 =	vor.u32 v55, v42;
	[tilespmem:v23+s1+$0x0] =	vst.idx.msk $0xffff, v22;
	v22 =	vld [tilespmem:$0x1FED0]  }
0x344: {  	v61 =	vor.u32 v14, v37;
	v27 =	vor.u32 v5, v38;
	[tilespmem:v21+s1+$0x0] =	vst.idx.msk $0xffff, v10;
	v10 =	vld.idx.msk [tilespmem:v15+s28+$0x0], $0xffff  }
0x345: {  	[tilespmem:v60+s1+$0x0] =	vst.idx.msk $0xffff, v8;
	v56 =	vor.u32 v5, v7;
	v15 =	vor.u32 v14, v50;
	v14 =	vld [tilespmem:$0x1FFA0]  }
0x346: {  	v63 =	vor.u32 v33, v36;
	[tilespmem:v58+s1+$0x0] =	vst.idx.msk $0xffff, v57;
	v23 =	vor.u32 v49, v41;
	v35 =	vld.idx.msk [tilespmem:v35+s28+$0x0], $0xffff  }
0x347: {  	v4 =	vor.u32 v5, v39;
	v18 =	vor.u32 v33, v40;
	[tilespmem:v26+s1+$0x0] =	vst.idx.msk $0xffff, v24;
	v6 =	vld.idx.msk [tilespmem:v6+s28+$0x0], $0xffff  }
0x348: {  	[tilespmem:v52+s1+$0x0] =	vst.idx.msk $0xffff, v13;
	v26 =	vld.idx.msk [tilespmem:v47+s28+$0x0], $0xffff  }
0x349: {  	[tilespmem:v27+s1+$0x0] =	vst.idx.msk $0xffff, v12;
	v27 =	vld.idx.msk [tilespmem:v61+s28+$0x0], $0xffff  }
0x34a: {  	v19 =	vor.u32 v5, v51;
	v25 =	vor.u32 v55, v46;
	[tilespmem:v56+s1+$0x0] =	vst.idx.msk $0xffff, v53;
	v15 =	vld.idx.msk [tilespmem:v15+s28+$0x0], $0xffff  }
0x34b: {  	v2 =	vor.u32 v5, v44;
	v1 =	vor.u32 v33, v37;
	v63 =	vld.idx.msk [tilespmem:v63+s28+$0x0], $0xffff;
	[tilespmem:v23+s1+$0x0] =	vst.idx.msk $0xffff, v10  }
0x34c: {  	v11 =	vor.u32 v14, v43;
	v14 =	vmov v59;
	[tilespmem:v4+s1+$0x0] =	vst.idx.msk $0xffff, v6;
	v6 =	vld.idx.msk [tilespmem:v18+s28+$0x0], $0xffff  }
0x34d: {  	v53 =	vor.u32 v49, v7;
	v22 =	vor.u32 v22, v44;
	[tilespmem:$0x1FD50] =	vst v14;
	v14 =	vld [tilespmem:$0x1FFB0]  }
0x34e: {  	v30 =	vor.u32 v5, v31;
	[tilespmem:$0x1FD30] =	vst v22;
	v22 =	vor.u32 v33, v45;
	v4 =	vor.u32 v33, v50;
	v33 =	vld [tilespmem:$0x1FFF0]  }
0x34f: {  	v23 =	vld.idx.msk [tilespmem:v25+s28+$0x0], $0xffff  }
0x350: {  	v12 =	vor.u32 v49, v38;
	v17 =	vld.idx.msk [tilespmem:v17+s28+$0x0], $0xffff;
	[tilespmem:v2+s1+$0x0] =	vst.idx.msk $0xffff, v27  }
0x351: {  	[tilespmem:v19+s1+$0x0] =	vst.idx.msk $0xffff, v35;
	v35 =	vor.u32 v28, v50;
	v28 =	vor.u32 v55, v36;
	v1 =	vld.idx.msk [tilespmem:v1+s28+$0x0], $0xffff  }
0x352: {  	v20 =	vor.u32 v9, v41;
	[tilespmem:v53+s1+$0x0] =	vst.idx.msk $0xffff, v63;
	v53 =	vld [tilespmem:$0x1FEC0]  }
0x353: {  	v19 =	vor.u32 v9, v48;
	v18 =	vor.u32 v55, v40;
	[tilespmem:v30+s1+$0x0] =	vst.idx.msk $0xffff, v15;
	v22 =	vld.idx.msk [tilespmem:v22+s28+$0x0], $0xffff  }
0x354: {  	v62 =	vor.u32 v16, v42;
	v21 =	vor.u32 v55, v37;
	v13 =	vor.u32 v16, v46;
	v4 =	vld.idx.msk [tilespmem:v4+s28+$0x0], $0xffff  }
0x355: {  	v56 =	vor.u32 v55, v45;
	[tilespmem:v12+s1+$0x0] =	vst.idx.msk $0xffff, v6;
	v6 =	vor.u32 v55, v50;
	v55 =	vld [tilespmem:$0x1FD10]  }
0x356: {  	v8 =	vor.u32 v49, v44;
	v28 =	vld.idx.msk [tilespmem:v28+s28+$0x0], $0xffff  }
0x357: {  	v59 =	vor.u32 v14, v43;
	v14 =	vld [tilespmem:$0x1FFC0]  }
0x358: {  	v52 =	vor.u32 v49, v51;
	[tilespmem:v19+s1+$0x0] =	vst.idx.msk $0xffff, v26;
	v12 =	vld.idx.msk [tilespmem:v18+s28+$0x0], $0xffff  }
0x359: {  	v25 =	vor.u32 v49, v31;
	[tilespmem:v20+s1+$0x0] =	vst.idx.msk $0xffff, v23;
	v2 =	vld.idx.msk [tilespmem:v62+s28+$0x0], $0xffff  }
0x35a: {  	v15 =	vor.u32 v9, v7;
	v13 =	vld.idx.msk [tilespmem:v13+s28+$0x0], $0xffff  }
0x35b: {  	v10 =	vor.u32 v16, v36;
	v18 =	vor.u32 v9, v38;
	[tilespmem:v8+s1+$0x0] =	vst.idx.msk $0xffff, v1;
	v1 =	vld [tilespmem:$0x1FEC0]  }
0x35c: {  	v24 =	vor.u32 v33, v41;
	v19 =	vor.u32 v16, v40;
	v58 =	vor.u32 v14, v43;
	v14 =	vld [tilespmem:$0x1FF60]  }
0x35d: {  	v47 =	vor.u32 v33, v48;
	[tilespmem:v52+s1+$0x0] =	vst.idx.msk $0xffff, v22;
	v22 =	vor.u32 v3, v46;
	v8 =	vld.idx.msk [tilespmem:v21+s28+$0x0], $0xffff  }
0x35e: {  	v32 =	vor.u32 v3, v42;
	v61 =	vor.u32 v9, v51;
	[tilespmem:v25+s1+$0x0] =	vst.idx.msk $0xffff, v4;
	v52 =	vld.idx.msk [tilespmem:v56+s28+$0x0], $0xffff  }
0x35f: {  	[tilespmem:v15+s1+$0x0] =	vst.idx.msk $0xffff, v28;
	v6 =	vld.idx.msk [tilespmem:v6+s28+$0x0], $0xffff  }
0x360: {  	v25 =	vor.u32 v33, v7;
	[tilespmem:v18+s1+$0x0] =	vst.idx.msk $0xffff, v12;
	v10 =	vld.idx.msk [tilespmem:v10+s28+$0x0], $0xffff  }
0x361: {  	v30 =	vor.u32 v16, v45;
	[tilespmem:v24+s1+$0x0] =	vst.idx.msk $0xffff, v13;
	v15 =	vld.idx.msk [tilespmem:v19+s28+$0x0], $0xffff  }
0x362: {  	v23 =	vor.u32 v9, v31;
	[tilespmem:v47+s1+$0x0] =	vst.idx.msk $0xffff, v2;
	v13 =	vld.idx.msk [tilespmem:v22+s28+$0x0], $0xffff  }
0x363: {  	v12 =	vor.u32 v16, v50;
	[tilespmem:v61+s1+$0x0] =	vst.idx.msk $0xffff, v52;
	v61 =	vor.u32 v1, v41;
	v1 =	vld.idx.msk [tilespmem:v32+s28+$0x0], $0xffff  }
0x364: {  	v20 =	vor.u32 v3, v36;
	v18 =	vor.u32 v33, v38;
	v32 =	vld [tilespmem:$0x1FD20]  }
0x365: {  	v2 =	vor.u32 v3, v40;
	[tilespmem:v25+s1+$0x0] =	vst.idx.msk $0xffff, v10;
	v25 =	vld [tilespmem:$0x1FEB0]  }
0x366: {  	v54 =	vor.u32 v49, v39;
	v49 =	vor.u32 v33, v51;
	v30 =	vld.idx.msk [tilespmem:v30+s28+$0x0], $0xffff  }
0x367: {  	v4 =	vor.u32 v3, v45;
	[tilespmem:v23+s1+$0x0] =	vst.idx.msk $0xffff, v6;
	v10 =	vor.u32 v3, v50;
	v3 =	vld [tilespmem:$0x1FD40]  }
0x368: {  	v26 =	vor.u32 v14, v41;
	v12 =	vld.idx.msk [tilespmem:v12+s28+$0x0], $0xffff  }
0x369: {  	v56 =	vor.u32 v14, v48;
	[tilespmem:v18+s1+$0x0] =	vst.idx.msk $0xffff, v15;
	v20 =	vld.idx.msk [tilespmem:v20+s28+$0x0], $0xffff  }
0x36a: {  	v22 =	vor.u32 v33, v31;
	v18 =	vld.idx.msk [tilespmem:v2+s28+$0x0], $0xffff  }
0x36b: {  	v2 =	vld [tilespmem:$0x1FEC0];
	[tilespmem:v49+s1+$0x0] =	vst.idx.msk $0xffff, v30  }
0x36c: {  	v28 =	vor.u32 v14, v51;
	v21 =	vld.idx.msk [tilespmem:v4+s28+$0x0], $0xffff  }
0x36d: {  	[tilespmem:v26+s1+$0x0] =	vst.idx.msk $0xffff, v13;
	v26 =	vld [tilespmem:$0x1FD30]  }
0x36e: {  	v63 =	vor.u32 v29, v42;
	[tilespmem:v56+s1+$0x0] =	vst.idx.msk $0xffff, v1;
	v1 =	vld [tilespmem:$0x1FF40]  }
0x36f: {  	[tilespmem:v22+s1+$0x0] =	vst.idx.msk $0xffff, v12;
	v12 =	vld [tilespmem:$0x1FEC0]  }
0x370: {  	v4 =	vld [tilespmem:$0x1FEF0]  }
0x371: {  	v27 =	vor.u32 v29, v46;
	[tilespmem:v28+s1+$0x0] =	vst.idx.msk $0xffff, v21;
	v21 =	vld [tilespmem:$0x1FED0]  }
0x372: {  	v57 =	vor.u32 v33, v39;
	v62 =	vor.u32 v33, v44;
	[tilespmem:v54+s1+$0x0] =	vst.idx.msk $0xffff, v17;
	v49 =	vld [tilespmem:$0x1FEF0]  }
0x373: {  	v19 =	vor.u32 v53, v48;
	v24 =	vor.u32 v14, v38;
	v23 =	vor.u32 v14, v7;
	v33 =	vld.idx.msk [tilespmem:v63+s28+$0x0], $0xffff  }
0x374: {  	v15 =	vor.u32 v29, v40;
	v54 =	vor.u32 v1, v43;
	v1 =	vor.u32 v14, v44;
	v28 =	vld [tilespmem:$0x1FEF0]  }
0x375: {  	v4 =	vor.u32 v4, v42;
	v42 =	vor.u32 v9, v44;
	v44 =	vor.u32 v12, v7;
	v12 =	vld [tilespmem:$0x1FEC0]  }
0x376: {  	v30 =	vor.u32 v29, v45;
	v6 =	vor.u32 v21, v48;
	v48 =	vld.idx.msk [tilespmem:v27+s28+$0x0], $0xffff  }
0x377: {  	p0 =	slt.u32 s9, $0x38;
	v60 =	vor.u32 v9, v39;
	v52 =	vor.u32 v14, v39;
	v27 =	vld [tilespmem:$0x1FEC0]  }
.Ltmp2:
0x378: {  	v13 =	vor.u32 v29, v50;
	v45 =	vld.idx.msk [tilespmem:v11+s28+$0x0], $0xffff;
	v63 =	vor.u32 v29, v37;
	[tilespmem:v23+s1+$0x0] =	vst.idx.msk $0xffff, v20;
	(pc) =	sbr.rel @p0 .LBB2_7-.Ltmp2, $4  }
0x379: {  	v37 =	vor.u32 v14, v31;
	v53 =	vor.u32 v2, v39;
	v10 =	vld.idx.msk [tilespmem:v10+s28+$0x0], $0xffff;
	[tilespmem:v24+s1+$0x0] =	vst.idx.msk $0xffff, v18  }
0x37a: {  	v50 =	vld.idx.msk [tilespmem:v15+s28+$0x0], $0xffff;
	v47 =	vor.u32 v49, v46;
	[tilespmem:v19+s1+$0x0] =	vst.idx.msk $0xffff, v33;
	v11 =	vor.u32 v21, v41  }
0x37b: {  	v46 =	vld.idx.msk [tilespmem:v30+s28+$0x0], $0xffff;
	v2 =	vor.u32 v21, v38;
	v43 =	vor.u32 v28, v36;
	v51 =	vor.u32 v12, v51  }
0x37c: {  	s9 =	sadd.s32 $0x8, s9;
	v56 =	vor.u32 v21, v39;
	v39 =	vld.idx.msk [tilespmem:v3+s28+$0x0], $0xffff;
	v41 =	vor.u32 v27, v38;
	v38 =	vor.u32 v28, v40  }
0x37d: {  	_ =	sdelay $0x3  }
0x37e: {  	[tilespmem:v60+s1+$0x0] =	vst.idx.msk $0xffff, v45  }
0x37f: {  	[tilespmem:v42+s1+$0x0] =	vst.idx.msk $0xffff, v8;
	v8 =	vld.idx.msk [tilespmem:v59+s28+$0x0], $0xffff  }
0x380: {  	v12 =	vld.idx.msk [tilespmem:v32+s28+$0x0], $0xffff;
	_ =	sdelay $0x2  }
0x381: {  	[tilespmem:v37+s1+$0x0] =	vst.idx.msk $0xffff, v10  }
0x382: {  	[tilespmem:v57+s1+$0x0] =	vst.idx.msk $0xffff, v8  }
0x383: {  	[tilespmem:v62+s1+$0x0] =	vst.idx.msk $0xffff, v12  }
0x384: {  	v3 =	vld [tilespmem:$0x1FD80];
	_ =	sdelay $0x2  }
0x385: {  	v8 =	vld.idx.msk [tilespmem:v58+s28+$0x0], $0xffff;
	_ =	sdelay $0x1  }
0x386: {  	[tilespmem:v51+s1+$0x0] =	vst.idx.msk $0xffff, v46  }
0x387: {  	[tilespmem:v41+s1+$0x0] =	vst.idx.msk $0xffff, v50  }
0x388: {  	[tilespmem:v44+s1+$0x0] =	vst.idx.msk $0xffff, v39  }
0x389: {  	[tilespmem:v52+s1+$0x0] =	vst.idx.msk $0xffff, v8;
	v10 =	vld.idx.msk [tilespmem:v3+s28+$0x0], $0xffff  }
0x38a: {  	v3 =	vld [tilespmem:$0x1FD90];
	_ =	sdelay $0x2  }
0x38b: {  	v4 =	vld.idx.msk [tilespmem:v4+s28+$0x0], $0xffff  }
0x38c: {  	v13 =	vld.idx.msk [tilespmem:v13+s28+$0x0], $0xffff;
	v12 =	vor.u32 v27, v31;
	_ =	sdelay $0x1  }
0x38d: {  	v15 =	vld.idx.msk [tilespmem:v38+s28+$0x0], $0xffff;
	[tilespmem:v1+s1+$0x0] =	vst.idx.msk $0xffff, v10  }
0x38e: {  	v1 =	vld.idx.msk [tilespmem:v63+s28+$0x0], $0xffff  }
0x38f: {  	[tilespmem:v6+s1+$0x0] =	vst.idx.msk $0xffff, v4;
	v8 =	vld.idx.msk [tilespmem:v3+s28+$0x0], $0xffff  }
0x390: {  	[tilespmem:v12+s1+$0x0] =	vst.idx.msk $0xffff, v13  }
0x391: {  	[tilespmem:v61+s1+$0x0] =	vst.idx.msk $0xffff, v48  }
0x392: {  	[tilespmem:v2+s1+$0x0] =	vst.idx.msk $0xffff, v15  }
0x393: {  	[tilespmem:v55+s1+$0x0] =	vst.idx.msk $0xffff, v1  }
0x394: {  	[tilespmem:v53+s1+$0x0] =	vst.idx.msk $0xffff, v8  }
0x395: {  	v1 =	vld [tilespmem:$0x1FD70];
	_ =	sdelay $0x2  }
0x396: {  	v4 =	vld.idx.msk [tilespmem:v34+s28+$0x0], $0xffff;
	_ =	sdelay $0x4  }
0x397: {  	[tilespmem:v1+s1+$0x0] =	vst.idx.msk $0xffff, v4  }
0x398: {  	v1 =	vld [tilespmem:$0x1FD50];
	_ =	sdelay $0x2  }
0x399: {  	v12 =	vld.idx.msk [tilespmem:v43+s28+$0x0], $0xffff  }
0x39a: {  	v10 =	vor.u32 v21, v7;
	v3 =	vld [tilespmem:$0x1FD60]  }
0x39b: {  	v2 =	vld.idx.msk [tilespmem:v47+s28+$0x0], $0xffff  }
0x39c: {  	v8 =	vld.idx.msk [tilespmem:v54+s28+$0x0], $0xffff  }
0x39d: {  	v6 =	vld.idx.msk [tilespmem:v35+s28+$0x0], $0xffff  }
0x39e: {  	v1 =	vld.idx.msk [tilespmem:v1+s28+$0x0], $0xffff  }
0x39f: {  	s2 =	sadd.s32 $0x2, s7;
	[tilespmem:v10+s1+$0x0] =	vst.idx.msk $0xffff, v12  }
0x3a0: {  	s9 =	sshll.u32 s2, $0xA;
	s2 =	sshll.u32 s2, $0x7;
	[tilespmem:v11+s1+$0x0] =	vst.idx.msk $0xffff, v2  }
0x3a1: {  	s9 =	sand.u32 $0xFFE0000, s9;
	s2 =	sand.u32 $0x3F00, s2;
	[tilespmem:v56+s1+$0x0] =	vst.idx.msk $0xffff, v8  }
0x3a2: {  	s23 =	rddreg [dreg:$0x1];
	s2 =	sor.u32 s2, s9;
	[tilespmem:v3+s1+$0x0] =	vst.idx.msk $0xffff, v6  }
0x3a3: {  	s17 =	simm.s32 $0x0;
	s9 =	sadd.s32 s23, s2;
	[tilespmem:v26+s1+$0x0] =	vst.idx.msk $0xffff, v1  }
0x3a4: {  	[hbm4b:s9+s17] =	stream.linear.scatter [tilespmem:s1], [sflag:$0x7], $0x400, $0x38;
	[tilespmem:$0x16400] =	vst v63  }
0x3a5: {  	s25 =	sadd.s32 s2, s8;
	s23 =	simm.s32 $0x12800  }
0x3a6: {  	[hbm4b:s25+s17] =	stream.linear.scatter [tilespmem:s23], [sflag:$0x7], $0x400, $0x38;
	[tilespmem:$0x16400] =	vst v63  }
0x3a7: {  	s23 =	sadd.s32 s2, s10;
	s25 =	simm.s32 $0x12C00  }
0x3a8: {  	[hbm4b:s23+s17] =	stream.linear.scatter [tilespmem:s25], [sflag:$0x7], $0x400, $0x38;
	[tilespmem:$0x16400] =	vst v63  }
0x3a9: {  	s23 =	sadd.s32 s2, s11;
	s25 =	simm.s32 $0x13000  }
0x3aa: {  	[hbm4b:s23+s17] =	stream.linear.scatter [tilespmem:s25], [sflag:$0x7], $0x400, $0x38;
	[tilespmem:$0x16400] =	vst v63  }
0x3ab: {  	s23 =	sadd.s32 s2, s12;
	s25 =	simm.s32 $0x13400  }
0x3ac: {  	[hbm4b:s23+s17] =	stream.linear.scatter [tilespmem:s25], [sflag:$0x7], $0x400, $0x38;
	[tilespmem:$0x16400] =	vst v63  }
0x3ad: {  	s23 =	sadd.s32 s2, s13;
	s25 =	simm.s32 $0x13800  }
0x3ae: {  	[hbm4b:s23+s17] =	stream.linear.scatter [tilespmem:s25], [sflag:$0x7], $0x400, $0x38;
	[tilespmem:$0x16400] =	vst v63  }
0x3af: {  	s23 =	sadd.s32 s2, s14;
	s25 =	simm.s32 $0x13C00  }
0x3b0: {  	[hbm4b:s23+s17] =	stream.linear.scatter [tilespmem:s25], [sflag:$0x7], $0x400, $0x38;
	[tilespmem:$0x16400] =	vst v63  }
0x3b1: {  	s2 =	sadd.s32 s2, s15;
	s25 =	simm.s32 $0x14000;
	s23 =	smin.u32 s6, $0xC1  }
0x3b2: {  	[hbm4b:s2+s17] =	stream.linear.scatter [tilespmem:s25], [sflag:$0x7], $0x400, $0x38;
	[tilespmem:$0x16400] =	vst v63  }
0x3b3: {  	s2 =	sshll.u32 s23, $0x7  }
0x3b4: {  	s25 =	simm.s32 $0x4;
	s2 =	sadd.s32 $0x300, s2  }
0x3b5: {  	[tilespmem:s28], [sflag:$0x3] =	stream.indirect.gather [hbm4b:s4+s29], $0x40, s2, s29, $0xb8;
	[tilespmem:$0x16400] =	vst v63  }
0x3b6: {  	_ =	swait.ge [sflag:s25], $0x2000  }
0x3b7: {  	[sflag:s25] =	ssyncset.done $0x0  }
0x3b8: {  	[sflag:s25] =	ssyncadd.s32 $0xFFFFE000  }
0x3b9: {  	_ =	swait.ge [sflag:s26], $0x400  }
0x3ba: {  	[sflag:s26] =	ssyncset.done $0x0  }
0x3bb: {  	[sflag:s26] =	ssyncadd.s32 $0xFFFFFC00  }
0x3bc: {  	_ =	swait.ge [sflag:s26], $0x400  }
0x3bd: {  	[sflag:s26] =	ssyncset.done $0x0  }
0x3be: {  	[sflag:s26] =	ssyncadd.s32 $0xFFFFFC00  }
0x3bf: {  	_ =	swait.ge [sflag:s26], $0x400  }
0x3c0: {  	[sflag:s26] =	ssyncset.done $0x0  }
0x3c1: {  	[sflag:s26] =	ssyncadd.s32 $0xFFFFFC00  }
0x3c2: {  	_ =	swait.ge [sflag:s26], $0x400  }
0x3c3: {  	s25 =	simm.s32 $0x2;
	[sflag:s26] =	ssyncset.done $0x0  }
0x3c4: {  	v2 =	vadd.s32 s25, v0;
	[sflag:s26] =	ssyncadd.s32 $0xFFFFFC00  }
0x3c5: {  	v37 =	vand.u32 $0x3F, v2;
	_ =	swait.ge [sflag:s26], $0x400  }
0x3c6: {  	v7 =	vor.u32 v28, v37;
	[sflag:s26] =	ssyncset.done $0x0  }
0x3c7: {  	[tilespmem:$0x1FCB0] =	vst v7;
	[sflag:s26] =	ssyncadd.s32 $0xFFFFFC00  }
0x3c8: {  	v3 =	vld [tilespmem:$0x1FF10];
	_ =	swait.ge [sflag:s26], $0x400  }
0x3c9: {  	[sflag:s26] =	ssyncset.done $0x0  }
0x3ca: {  	[sflag:s26] =	ssyncadd.s32 $0xFFFFFC00  }
0x3cb: {  	v1 =	vadd.s32 s17, v0;
	_ =	swait.ge [sflag:s26], $0x400  }
0x3cc: {  	s9 =	simm.s32 $0x1;
	v10 =	vshll.u32 v1, $0x7;
	[sflag:s26] =	ssyncset.done $0x0  }
0x3cd: {  	v1 =	vand.u32 $0x38, v1;
	v4 =	vadd.s32 s9, v0;
	s23 =	simm.s32 $0x5;
	v2 =	vshll.u32 v2, $0x7;
	[sflag:s26] =	ssyncadd.s32 $0xFFFFFC00  }
0x3ce: {  	v41 =	vand.u32 $0x3F, v4;
	s17 =	simm.s32 $0x3;
	v8 =	vadd.s32 s23, v0;
	s23 =	simm.s32 $0x4;
	v44 =	vand.u32 $0x1F80, v2;
	v2 =	vld [tilespmem:$0x1FFD0];
	_ =	swait.ge [sflag:s26], $0x400  }
0x3cf: {  	v4 =	vshll.u32 v4, $0x7;
	v6 =	vadd.s32 s17, v0;
	s17 =	simm.s32 $0x7;
	v13 =	vadd.s32 s23, v0;
	v24 =	vld [tilespmem:$0x1FED0]  }
0x3d0: {  	v29 =	vand.u32 $0x1F80, v4;
	v12 =	vadd.s32 s17, v0;
	v43 =	vand.u32 $0x3F, v13;
	s25 =	simm.s32 $0x6  }
0x3d1: {  	v38 =	vand.u32 $0x3F, v8;
	v17 =	vadd.s32 s25, v0;
	v19 =	vor.u32 v3, v43  }
0x3d2: {  	v46 =	vand.u32 $0x3F, v6;
	v13 =	vshll.u32 v13, $0x7;
	v20 =	vshll.u32 v17, $0x7  }
0x3d3: {  	v31 =	vand.u32 $0x1F80, v20;
	v7 =	vor.u32 v27, v44;
	v21 =	vor.u32 v3, v38  }
0x3d4: {  	v36 =	vand.u32 $0x3F, v12;
	v18 =	vor.u32 v3, v41;
	[tilespmem:$0x1FCC0] =	vst v7;
	[sflag:s26] =	ssyncset.done $0x0;
	v7 =	vor.u32 v24, v31;
	v24 =	vld [tilespmem:$0x1FED0]  }
0x3d5: {  	v26 =	vor.u32 v3, v46;
	[sflag:s26] =	ssyncadd.s32 $0xFFFFFC00;
	v23 =	vor.u32 v2, v1;
	v2 =	vand.u32 $0x1F80, v13  }
0x3d6: {  	v8 =	vshll.u32 v8, $0x7;
	v28 =	vor.u32 v3, v36;
	v19 =	vld.idx.msk [tilespmem:v19+s21+$0x0], $0xffff;
	v30 =	vor.u32 v0, v2  }
0x3d7: {  	v33 =	vor.u32 v0, v29;
	v6 =	vshll.u32 v6, $0x7;
	v48 =	vand.u32 $0x1F80, v8;
	v14 =	vld [tilespmem:$0x1FF50]  }
0x3d8: {  	v51 =	vand.u32 $0x1F80, v6;
	v58 =	vor.u32 v0, v48;
	v50 =	vand.u32 $0x3F, v17;
	v20 =	vld.idx.msk [tilespmem:v21+s21+$0x0], $0xffff;
	[tilespmem:$0x1FCD0] =	vst v7  }
0x3d9: {  	v15 =	vor.u32 v3, v37;
	v17 =	vor.u32 v3, v50;
	v18 =	vld.idx.msk [tilespmem:v18+s21+$0x0], $0xffff;
	v3 =	vor.u32 v24, v51  }
0x3da: {  	v59 =	vor.u32 v0, v51;
	v60 =	vld.idx.msk [tilespmem:v26+s21+$0x0], $0xffff;
	[tilespmem:$0x1FCE0] =	vst v3  }
0x3db: {  	[tilespmem:v30+s22+$0x0] =	vst.idx.msk $0xffff, v19;
	v61 =	vld.idx.msk [tilespmem:v28+s21+$0x0], $0xffff  }
0x3dc: {  	v28 =	vld [tilespmem:$0x1FEF0]  }
0x3dd: {  	v30 =	vld [tilespmem:$0x1FF70];
	[tilespmem:v58+s22+$0x0] =	vst.idx.msk $0xffff, v20  }
0x3de: {  	[tilespmem:v33+s22+$0x0] =	vst.idx.msk $0xffff, v18  }
0x3df: {  	v13 =	vor.u32 v25, v1;
	v4 =	vor.u32 v14, v43;
	v25 =	vld [tilespmem:$0x1FEE0];
	[tilespmem:v59+s22+$0x0] =	vst.idx.msk $0xffff, v60  }
0x3e0: {  	v3 =	vld [tilespmem:$0x1FF00]  }
0x3e1: {  	v22 =	vshll.u32 v12, $0x7;
	v21 =	vor.u32 v14, v38;
	v16 =	vld [tilespmem:$0x1FF30]  }
0x3e2: {  	v39 =	vand.u32 $0x1F80, v22  }
0x3e3: {  	v8 =	vor.u32 v0, v39  }
0x3e4: {  	v40 =	vand.u32 $0x1F80, v10;
	v49 =	vor.u32 v5, v2;
	v4 =	vld.idx.msk [tilespmem:v4+s21+$0x0], $0xffff  }
0x3e5: {  	v22 =	vor.u32 v0, v40;
	v56 =	vor.u32 v5, v48;
	v13 =	vld.idx.msk [tilespmem:v13+s21+$0x0], $0xffff;
	v7 =	vor.u32 v3, v37  }
0x3e6: {  	v62 =	vor.u32 v14, v46;
	v57 =	vld.idx.msk [tilespmem:v21+s21+$0x0], $0xffff;
	[tilespmem:$0x1FCF0] =	vst v7;
	v7 =	vor.u32 v16, v1  }
0x3e7: {  	v17 =	vld.idx.msk [tilespmem:v17+s21+$0x0], $0xffff;
	[tilespmem:$0x1FD00] =	vst v7  }
0x3e8: {  	v34 =	vor.u32 v0, v31;
	[tilespmem:v8+s22+$0x0] =	vst.idx.msk $0xffff, v61  }
0x3e9: {  	[tilespmem:v49+s22+$0x0] =	vst.idx.msk $0xffff, v4  }
0x3ea: {  	[tilespmem:v22+s22+$0x0] =	vst.idx.msk $0xffff, v13  }
0x3eb: {  	v63 =	vor.u32 v14, v41;
	v58 =	vld.idx.msk [tilespmem:v62+s21+$0x0], $0xffff;
	[tilespmem:v56+s22+$0x0] =	vst.idx.msk $0xffff, v57  }
0x3ec: {  	v16 =	vld [tilespmem:$0x1FF20]  }
0x3ed: {  	v20 =	vor.u32 v14, v36;
	v8 =	vor.u32 v5, v51;
	v7 =	vld [tilespmem:$0x1FFE0];
	[tilespmem:v34+s22+$0x0] =	vst.idx.msk $0xffff, v17  }
0x3ee: {  	v12 =	vor.u32 v14, v37;
	v13 =	vor.u32 v14, v50;
	v14 =	vld [tilespmem:$0x1FF90];
	_ =	sdelay $0x1  }
0x3ef: {  	v21 =	vor.u32 v30, v38;
	v60 =	vld.idx.msk [tilespmem:v63+s21+$0x0], $0xffff  }
0x3f0: {  	v53 =	vor.u32 v30, v43;
	v15 =	vld.idx.msk [tilespmem:v15+s21+$0x0], $0xffff  }
0x3f1: {  	v59 =	vor.u32 v30, v46;
	v4 =	vor.u32 v5, v29;
	v20 =	vld.idx.msk [tilespmem:v20+s21+$0x0], $0xffff;
	[tilespmem:v8+s22+$0x0] =	vst.idx.msk $0xffff, v58  }
0x3f2: {  	v61 =	vor.u32 v5, v39;
	v45 =	vor.u32 v14, v1;
	v14 =	vld [tilespmem:$0x1FF80]  }
0x3f3: {  	v22 =	vor.u32 v5, v40;
	v62 =	vld.idx.msk [tilespmem:v23+s21+$0x0], $0xffff  }
0x3f4: {  	v10 =	vor.u32 v0, v44;
	v21 =	vld.idx.msk [tilespmem:v21+s21+$0x0], $0xffff;
	v8 =	vor.u32 v30, v41  }
0x3f5: {  	v63 =	vor.u32 v30, v36;
	v55 =	vld.idx.msk [tilespmem:v53+s21+$0x0], $0xffff;
	v23 =	vor.u32 v7, v48  }
0x3f6: {  	v52 =	vld.idx.msk [tilespmem:v59+s21+$0x0], $0xffff;
	v54 =	vor.u32 v7, v2;
	[tilespmem:v4+s22+$0x0] =	vst.idx.msk $0xffff, v60  }
0x3f7: {  	v4 =	vor.u32 v7, v51;
	v26 =	vld [tilespmem:$0x1FED0];
	[tilespmem:v61+s22+$0x0] =	vst.idx.msk $0xffff, v20;
	v49 =	vor.u32 v14, v38  }
0x3f8: {  	v13 =	vld.idx.msk [tilespmem:v13+s21+$0x0], $0xffff;
	v20 =	vor.u32 v5, v31;
	[tilespmem:v22+s22+$0x0] =	vst.idx.msk $0xffff, v62  }
0x3f9: {  	[tilespmem:v10+s22+$0x0] =	vst.idx.msk $0xffff, v15;
	v10 =	vor.u32 v7, v29;
	v8 =	vld.idx.msk [tilespmem:v8+s21+$0x0], $0xffff  }
0x3fa: {  	[tilespmem:v23+s22+$0x0] =	vst.idx.msk $0xffff, v21;
	v21 =	vor.u32 v7, v39;
	v17 =	vld.idx.msk [tilespmem:v63+s21+$0x0], $0xffff  }
0x3fb: {  	v6 =	vor.u32 v5, v44;
	v22 =	vor.u32 v30, v50;
	[tilespmem:v54+s22+$0x0] =	vst.idx.msk $0xffff, v55;
	v12 =	vld.idx.msk [tilespmem:v12+s21+$0x0], $0xffff  }
0x3fc: {  	v15 =	vor.u32 v9, v48;
	v56 =	vor.u32 v14, v46;
	[tilespmem:v4+s22+$0x0] =	vst.idx.msk $0xffff, v52;
	v19 =	vld.idx.msk [tilespmem:v49+s21+$0x0], $0xffff  }
0x3fd: {  	[tilespmem:v20+s22+$0x0] =	vst.idx.msk $0xffff, v13  }
0x3fe: {  	v23 =	vor.u32 v14, v43;
	[tilespmem:v10+s22+$0x0] =	vst.idx.msk $0xffff, v8  }
0x3ff: {  	v13 =	vor.u32 v14, v41;
	[tilespmem:v21+s22+$0x0] =	vst.idx.msk $0xffff, v17  }
0x400: {  	v4 =	vor.u32 v14, v36;
	v22 =	vld.idx.msk [tilespmem:v22+s21+$0x0], $0xffff;
	[tilespmem:v6+s22+$0x0] =	vst.idx.msk $0xffff, v12  }
0x401: {  	v47 =	vor.u32 v30, v37;
	v59 =	vor.u32 v7, v31;
	v18 =	vld.idx.msk [tilespmem:v56+s21+$0x0], $0xffff;
	[tilespmem:v15+s22+$0x0] =	vst.idx.msk $0xffff, v19  }
0x402: {  	v57 =	vor.u32 v9, v51;
	v20 =	vor.u32 v16, v38;
	v11 =	vld [tilespmem:$0x1FFF0]  }
0x403: {  	v21 =	vor.u32 v9, v2;
	v10 =	vld.idx.msk [tilespmem:v23+s21+$0x0], $0xffff  }
0x404: {  	v6 =	vor.u32 v9, v29;
	v12 =	vld.idx.msk [tilespmem:v13+s21+$0x0], $0xffff  }
0x405: {  	v4 =	vld.idx.msk [tilespmem:v4+s21+$0x0], $0xffff;
	v15 =	vor.u32 v9, v39  }
0x406: {  	v58 =	vor.u32 v7, v44;
	[tilespmem:v59+s22+$0x0] =	vst.idx.msk $0xffff, v22;
	v22 =	vld.idx.msk [tilespmem:v47+s21+$0x0], $0xffff  }
0x407: {  	v8 =	vor.u32 v16, v46;
	[tilespmem:v57+s22+$0x0] =	vst.idx.msk $0xffff, v18;
	v20 =	vld.idx.msk [tilespmem:v20+s21+$0x0], $0xffff;
	v13 =	vor.u32 v11, v48  }
0x408: {  	[tilespmem:v21+s22+$0x0] =	vst.idx.msk $0xffff, v10  }
0x409: {  	[tilespmem:v6+s22+$0x0] =	vst.idx.msk $0xffff, v12  }
0x40a: {  	[tilespmem:v15+s22+$0x0] =	vst.idx.msk $0xffff, v4  }
0x40b: {  	[tilespmem:v58+s22+$0x0] =	vst.idx.msk $0xffff, v22  }
0x40c: {  	v8 =	vld.idx.msk [tilespmem:v8+s21+$0x0], $0xffff;
	v10 =	vor.u32 v11, v51;
	[tilespmem:v13+s22+$0x0] =	vst.idx.msk $0xffff, v20  }
0x40d: {  	v23 =	vor.u32 v14, v50;
	v21 =	vor.u32 v14, v37;
	v14 =	vld [tilespmem:$0x1FFA0];
	_ =	sdelay $0x1  }
0x40e: {  	v60 =	vor.u32 v16, v43  }
0x40f: {  	v61 =	vor.u32 v16, v36  }
0x410: {  	v62 =	vor.u32 v16, v41;
	[tilespmem:v10+s22+$0x0] =	vst.idx.msk $0xffff, v8  }
0x411: {  	v63 =	vor.u32 v3, v38;
	v54 =	vor.u32 v14, v1;
	v14 =	vld [tilespmem:$0x1FF60]  }
0x412: {  	v23 =	vld.idx.msk [tilespmem:v23+s21+$0x0], $0xffff;
	v4 =	vor.u32 v9, v31  }
0x413: {  	v12 =	vld.idx.msk [tilespmem:v60+s21+$0x0], $0xffff;
	v15 =	vor.u32 v11, v2  }
0x414: {  	v18 =	vld.idx.msk [tilespmem:v61+s21+$0x0], $0xffff;
	v13 =	vor.u32 v11, v39  }
0x415: {  	v17 =	vld.idx.msk [tilespmem:v62+s21+$0x0], $0xffff;
	v22 =	vor.u32 v11, v29  }
0x416: {  	v6 =	vor.u32 v3, v46;
	v10 =	vld.idx.msk [tilespmem:v63+s21+$0x0], $0xffff;
	v8 =	vor.u32 v14, v48  }
0x417: {  	[tilespmem:v4+s22+$0x0] =	vst.idx.msk $0xffff, v23  }
0x418: {  	[tilespmem:v15+s22+$0x0] =	vst.idx.msk $0xffff, v12  }
0x419: {  	v47 =	vor.u32 v16, v50;
	[tilespmem:v13+s22+$0x0] =	vst.idx.msk $0xffff, v18  }
0x41a: {  	v20 =	vor.u32 v3, v43;
	v33 =	vld [tilespmem:$0x1FFB0];
	[tilespmem:v22+s22+$0x0] =	vst.idx.msk $0xffff, v17  }
0x41b: {  	v6 =	vld.idx.msk [tilespmem:v6+s21+$0x0], $0xffff;
	v23 =	vor.u32 v3, v41;
	v12 =	vor.u32 v14, v51;
	[tilespmem:v8+s22+$0x0] =	vst.idx.msk $0xffff, v10  }
0x41c: {  	v4 =	vor.u32 v3, v36;
	v10 =	vld [tilespmem:$0x1FFC0]  }
0x41d: {  	v55 =	vld.idx.msk [tilespmem:v45+s21+$0x0], $0xffff;
	v49 =	vor.u32 v7, v40  }
0x41e: {  	v13 =	vor.u32 v11, v31;
	v15 =	vld.idx.msk [tilespmem:v47+s21+$0x0], $0xffff;
	v8 =	vor.u32 v25, v38  }
0x41f: {  	v42 =	vor.u32 v9, v44;
	v35 =	vor.u32 v28, v50;
	v47 =	vld.idx.msk [tilespmem:v20+s21+$0x0], $0xffff;
	v45 =	vor.u32 v14, v2  }
0x420: {  	v24 =	vor.u32 v25, v41;
	[tilespmem:v12+s22+$0x0] =	vst.idx.msk $0xffff, v6;
	v6 =	vor.u32 v14, v29;
	v12 =	vld.idx.msk [tilespmem:v23+s21+$0x0], $0xffff  }
0x421: {  	v53 =	vor.u32 v27, v40;
	v56 =	vor.u32 v14, v39;
	v58 =	vor.u32 v10, v1;
	v10 =	vld.idx.msk [tilespmem:v4+s21+$0x0], $0xffff  }
0x422: {  	v34 =	vor.u32 v28, v46;
	v32 =	vor.u32 v16, v37;
	[tilespmem:v49+s22+$0x0] =	vst.idx.msk $0xffff, v55  }
0x423: {  	v26 =	vor.u32 v26, v44;
	v60 =	vor.u32 v9, v40;
	[tilespmem:v13+s22+$0x0] =	vst.idx.msk $0xffff, v15;
	v17 =	vld.idx.msk [tilespmem:v8+s21+$0x0], $0xffff  }
0x424: {  	v57 =	vor.u32 v11, v40;
	v22 =	vor.u32 v25, v46;
	[tilespmem:v45+s22+$0x0] =	vst.idx.msk $0xffff, v47;
	v8 =	vld.idx.msk [tilespmem:v21+s21+$0x0], $0xffff  }
0x425: {  	v62 =	vor.u32 v11, v44;
	v20 =	vor.u32 v25, v43;
	v21 =	vld [tilespmem:$0x1FED0];
	[tilespmem:v6+s22+$0x0] =	vst.idx.msk $0xffff, v12  }
0x426: {  	v61 =	vor.u32 v27, v2;
	v13 =	vor.u32 v3, v50;
	[tilespmem:v56+s22+$0x0] =	vst.idx.msk $0xffff, v10  }
0x427: {  	v63 =	vor.u32 v25, v37;
	v52 =	vor.u32 v14, v40;
	v51 =	vor.u32 v27, v51;
	v3 =	vld [tilespmem:$0x1FF40]  }
0x428: {  	v59 =	vor.u32 v33, v1;
	v33 =	vor.u32 v25, v36;
	v15 =	vor.u32 v27, v48;
	v45 =	vld.idx.msk [tilespmem:v54+s21+$0x0], $0xffff  }
0x429: {  	v37 =	vor.u32 v14, v31;
	v47 =	vor.u32 v28, v43;
	v46 =	vld.idx.msk [tilespmem:v22+s21+$0x0], $0xffff;
	v4 =	vor.u32 v28, v38  }
0x42a: {  	v43 =	vor.u32 v28, v41;
	v41 =	vor.u32 v27, v39;
	v6 =	vor.u32 v21, v48;
	v48 =	vld.idx.msk [tilespmem:v20+s21+$0x0], $0xffff  }
0x42b: {  	v38 =	vor.u32 v28, v36;
	v49 =	vor.u32 v21, v2;
	v2 =	vor.u32 v21, v39;
	v10 =	vld.idx.msk [tilespmem:v13+s21+$0x0], $0xffff  }
0x42c: {  	v39 =	vld.idx.msk [tilespmem:v24+s21+$0x0], $0xffff;
	v54 =	vor.u32 v3, v1;
	v1 =	vor.u32 v14, v44;
	v44 =	vor.u32 v27, v29  }
0x42d: {  	s9 =	simm.s32 $0x8;
	v13 =	vor.u32 v25, v50;
	v56 =	vor.u32 v21, v40;
	[tilespmem:v15+s22+$0x0] =	vst.idx.msk $0xffff, v17;
	v50 =	vld.idx.msk [tilespmem:v33+s21+$0x0], $0xffff  }
.LBB2_9:
0x42e: {  	v20 =	vld.idx.msk [tilespmem:v4+s21+$0x0], $0xffff  }
0x42f: {  	[tilespmem:v42+s22+$0x0] =	vst.idx.msk $0xffff, v8;
	v3 =	vld [tilespmem:$0x1FCC0]  }
0x430: {  	v14 =	vld [tilespmem:$0x1FF50];
	[tilespmem:v37+s22+$0x0] =	vst.idx.msk $0xffff, v10  }
0x431: {  	v8 =	vor.u32 v27, v31;
	[tilespmem:v44+s22+$0x0] =	vst.idx.msk $0xffff, v39;
	v31 =	vld.idx.msk [tilespmem:v32+s21+$0x0], $0xffff  }
0x432: {  	v12 =	vadd.s32 s9, v0;
	s17 =	sadd.s32 $0x3, s9;
	s25 =	sadd.s32 $0x7, s9;
	[tilespmem:v41+s22+$0x0] =	vst.idx.msk $0xffff, v50;
	v55 =	vld.idx.msk [tilespmem:v43+s21+$0x0], $0xffff  }
0x433: {  	v17 =	vshll.u32 v12, $0x7;
	v19 =	vadd.s32 s17, v0;
	v10 =	vadd.s32 s25, v0;
	[tilespmem:v6+s22+$0x0] =	vst.idx.msk $0xffff, v20;
	v20 =	vld.idx.msk [tilespmem:v38+s21+$0x0], $0xffff  }
0x434: {  	s2 =	sadd.s32 $0x1, s9;
	s17 =	sadd.s32 $0x6, s9;
	v43 =	vand.u32 $0x38, v12;
	v12 =	vshll.u32 v10, $0x7;
	v40 =	vand.u32 $0x3F, v10;
	v10 =	vld [tilespmem:$0x1FEC0]  }
0x435: {  	v15 =	vor.u32 v21, v29;
	v18 =	vadd.s32 s2, v0;
	s2 =	sadd.s32 $0x2, s9;
	v33 =	vadd.s32 s17, v0;
	[tilespmem:v60+s22+$0x0] =	vst.idx.msk $0xffff, v45;
	v4 =	vmovc v3;
	v3 =	vld [tilespmem:$0x1FF10]  }
0x436: {  	s23 =	sadd.s32 $0x5, s9;
	v21 =	vadd.s32 s2, v0;
	[tilespmem:v51+s22+$0x0] =	vst.idx.msk $0xffff, v46;
	v51 =	vshll.u32 v33, $0x7;
	v50 =	vand.u32 $0x3F, v33;
	v33 =	vld [tilespmem:$0x1FF70]  }
0x437: {  	v22 =	vadd.s32 s23, v0;
	s23 =	smov.u32 s9;
	v37 =	vand.u32 $0x3F, v21;
	v21 =	vshll.u32 v21, $0x7;
	v23 =	vld.idx.msk [tilespmem:v59+s21+$0x0], $0xffff  }
0x438: {  	s2 =	sadd.s32 $0x4, s23;
	v13 =	vld.idx.msk [tilespmem:v13+s21+$0x0], $0xffff;
	v44 =	vand.u32 $0x1F80, v21  }
0x439: {  	v29 =	vadd.s32 s2, v0;
	v7 =	vor.u32 v10, v44;
	[tilespmem:v2+s22+$0x0] =	vst.idx.msk $0xffff, v20;
	v2 =	vld [tilespmem:$0x1FCE0]  }
0x43a: {  	v46 =	vand.u32 $0x3F, v29;
	v27 =	vor.u32 v3, v37;
	[tilespmem:$0x1FCC0] =	vst v7;
	v7 =	vld [tilespmem:$0x1FCF0]  }
0x43b: {  	v34 =	vld.idx.msk [tilespmem:v34+s21+$0x0], $0xffff;
	v16 =	vor.u32 v3, v46  }
0x43c: {  	v6 =	vld [tilespmem:$0x1FFD0];
	[tilespmem:v57+s22+$0x0] =	vst.idx.msk $0xffff, v23  }
0x43d: {  	v42 =	vand.u32 $0x3F, v22;
	v38 =	vand.u32 $0x1F80, v12;
	[tilespmem:v8+s22+$0x0] =	vst.idx.msk $0xffff, v13;
	v12 =	vld.idx.msk [tilespmem:v58+s21+$0x0], $0xffff  }
0x43e: {  	v36 =	vand.u32 $0x3F, v18;
	v24 =	vor.u32 v3, v42;
	v23 =	vld.idx.msk [tilespmem:v35+s21+$0x0], $0xffff  }
0x43f: {  	[tilespmem:v61+s22+$0x0] =	vst.idx.msk $0xffff, v48;
	v32 =	vor.u32 v3, v36;
	v57 =	vld.idx.msk [tilespmem:v27+s21+$0x0], $0xffff  }
0x440: {  	v10 =	vld.idx.msk [tilespmem:v16+s21+$0x0], $0xffff;
	[tilespmem:v62+s22+$0x0] =	vst.idx.msk $0xffff, v31  }
0x441: {  	[tilespmem:v2+s22+$0x0] =	vst.idx.msk $0xffff, v34;
	v2 =	vld [tilespmem:$0x1FED0]  }
0x442: {  	v18 =	vshll.u32 v18, $0x7;
	v45 =	vand.u32 $0x3F, v19;
	v29 =	vshll.u32 v29, $0x7;
	v13 =	vld.idx.msk [tilespmem:v7+s21+$0x0], $0xffff  }
0x443: {  	v41 =	vand.u32 $0x1F80, v29;
	v29 =	vand.u32 $0x1F80, v18;
	v8 =	vshll.u32 v22, $0x7;
	v24 =	vld.idx.msk [tilespmem:v24+s21+$0x0], $0xffff  }
0x444: {  	v22 =	vor.u32 v3, v40;
	v48 =	vand.u32 $0x1F80, v8;
	v35 =	vor.u32 v0, v41;
	v32 =	vld.idx.msk [tilespmem:v32+s21+$0x0], $0xffff  }
0x445: {  	v30 =	vor.u32 v3, v45;
	v20 =	vor.u32 v0, v48;
	v31 =	vand.u32 $0x1F80, v51;
	v16 =	vld [tilespmem:$0x1FF30]  }
0x446: {  	[tilespmem:v52+s22+$0x0] =	vst.idx.msk $0xffff, v12;
	v12 =	vor.u32 v0, v29;
	v62 =	vor.u32 v2, v31;
	v2 =	vld [tilespmem:$0x1FD00]  }
0x447: {  	v34 =	vor.u32 v14, v42;
	[tilespmem:v1+s22+$0x0] =	vst.idx.msk $0xffff, v13;
	v1 =	vld [tilespmem:$0x1FED0]  }
0x448: {  	[tilespmem:v15+s22+$0x0] =	vst.idx.msk $0xffff, v55;
	v55 =	vld [tilespmem:$0x1FF90]  }
0x449: {  	v7 =	vld [tilespmem:$0x1FEB0];
	[tilespmem:v35+s22+$0x0] =	vst.idx.msk $0xffff, v10  }
0x44a: {  	v19 =	vshll.u32 v19, $0x7;
	v10 =	vld.idx.msk [tilespmem:v22+s21+$0x0], $0xffff;
	[tilespmem:v20+s22+$0x0] =	vst.idx.msk $0xffff, v24  }
0x44b: {  	v18 =	vor.u32 v14, v46;
	v51 =	vand.u32 $0x1F80, v19;
	v22 =	vld.idx.msk [tilespmem:v30+s21+$0x0], $0xffff;
	[tilespmem:v12+s22+$0x0] =	vst.idx.msk $0xffff, v32  }
0x44c: {  	v13 =	vor.u32 v3, v50;
	v3 =	vmov v62;
	v62 =	vld.idx.msk [tilespmem:v34+s21+$0x0], $0xffff;
	v1 =	vor.u32 v1, v51  }
0x44d: {  	v59 =	vor.u32 v28, v37;
	v8 =	vor.u32 v0, v38;
	[tilespmem:$0x1FCE0] =	vst v1;
	v1 =	vld [tilespmem:$0x1FCD0]  }
0x44e: {  	v12 =	vor.u32 v14, v40;
	[tilespmem:$0x1FCD0] =	vst v3;
	v3 =	vor.u32 v25, v36;
	v28 =	vld.idx.msk [tilespmem:v2+s21+$0x0], $0xffff  }
0x44f: {  	v20 =	vor.u32 v5, v48;
	[tilespmem:$0x1FCA0] =	vst v3;
	v3 =	vld [tilespmem:$0x1FF00]  }
0x450: {  	v47 =	vld.idx.msk [tilespmem:v47+s21+$0x0], $0xffff  }
0x451: {  	v39 =	vand.u32 $0x1F80, v17;
	v24 =	vor.u32 v33, v42;
	v18 =	vld.idx.msk [tilespmem:v18+s21+$0x0], $0xffff  }
0x452: {  	v17 =	vor.u32 v7, v43;
	v19 =	vld.idx.msk [tilespmem:v63+s21+$0x0], $0xffff;
	v63 =	vor.u32 v5, v41;
	[tilespmem:v8+s22+$0x0] =	vst.idx.msk $0xffff, v10  }
0x453: {  	v12 =	vld.idx.msk [tilespmem:v12+s21+$0x0], $0xffff;
	[tilespmem:v53+s22+$0x0] =	vst.idx.msk $0xffff, v28  }
0x454: {  	[tilespmem:v20+s22+$0x0] =	vst.idx.msk $0xffff, v62;
	v7 =	vor.u32 v3, v37;
	v53 =	vld.idx.msk [tilespmem:v54+s21+$0x0], $0xffff  }
0x455: {  	[tilespmem:$0x1FCF0] =	vst v7;
	v7 =	vor.u32 v16, v43;
	v16 =	vld [tilespmem:$0x1FF20]  }
0x456: {  	[tilespmem:v49+s22+$0x0] =	vst.idx.msk $0xffff, v47;
	v24 =	vld.idx.msk [tilespmem:v24+s21+$0x0], $0xffff  }
0x457: {  	v21 =	vor.u32 v0, v39;
	v15 =	vor.u32 v33, v46;
	[tilespmem:v63+s22+$0x0] =	vst.idx.msk $0xffff, v18;
	v10 =	vld.idx.msk [tilespmem:v17+s21+$0x0], $0xffff  }
0x458: {  	v28 =	vld [tilespmem:$0x1FEF0];
	[tilespmem:v1+s22+$0x0] =	vst.idx.msk $0xffff, v23  }
0x459: {  	v17 =	vor.u32 v55, v43;
	v55 =	vld [tilespmem:$0x1FF80];
	[tilespmem:$0x1FD00] =	vst v7  }
0x45a: {  	v23 =	vor.u32 v0, v51;
	v13 =	vld.idx.msk [tilespmem:v13+s21+$0x0], $0xffff;
	v7 =	vor.u32 v16, v37;
	[tilespmem:v56+s22+$0x0] =	vst.idx.msk $0xffff, v53  }
0x45b: {  	v54 =	vor.u32 v14, v36;
	[tilespmem:$0x1FC80] =	vst v7;
	v7 =	vld [tilespmem:$0x1FCB0]  }
0x45c: {  	v35 =	vor.u32 v14, v45;
	[tilespmem:v21+s22+$0x0] =	vst.idx.msk $0xffff, v10;
	v10 =	vld.idx.msk [tilespmem:v15+s21+$0x0], $0xffff  }
0x45d: {  	v61 =	vor.u32 v14, v37;
	v6 =	vor.u32 v6, v43;
	v15 =	vor.u32 v14, v50;
	v14 =	vld [tilespmem:$0x1FFA0]  }
0x45e: {  	v34 =	vor.u32 v28, v45;
	v28 =	vld [tilespmem:$0x1FEF0]  }
0x45f: {  	v52 =	vor.u32 v0, v31;
	[tilespmem:v23+s22+$0x0] =	vst.idx.msk $0xffff, v22;
	v22 =	vld [tilespmem:$0x1FED0]  }
0x460: {  	v53 =	vld.idx.msk [tilespmem:v54+s21+$0x0], $0xffff  }
0x461: {  	v27 =	vor.u32 v5, v38;
	[tilespmem:v4+s22+$0x0] =	vst.idx.msk $0xffff, v19;
	v56 =	vor.u32 v5, v29;
	v35 =	vld.idx.msk [tilespmem:v35+s21+$0x0], $0xffff  }
0x462: {  	v63 =	vor.u32 v33, v36;
	v6 =	vld.idx.msk [tilespmem:v6+s21+$0x0], $0xffff;
	v49 =	vor.u32 v14, v43;
	v14 =	vmov v59  }
0x463: {  	v4 =	vor.u32 v5, v39;
	v18 =	vor.u32 v33, v40;
	[tilespmem:$0x1FCB0] =	vst v14;
	v14 =	vld [tilespmem:$0x1FFB0]  }
0x464: {  	[tilespmem:v52+s22+$0x0] =	vst.idx.msk $0xffff, v13;
	v8 =	vld.idx.msk [tilespmem:v7+s21+$0x0], $0xffff;
	v7 =	vor.u32 v22, v44  }
0x465: {  	v19 =	vor.u32 v5, v51;
	[tilespmem:$0x1FC90] =	vst v7;
	v7 =	vld [tilespmem:$0x1FFE0]  }
0x466: {  	v30 =	vor.u32 v5, v31;
	[tilespmem:v56+s22+$0x0] =	vst.idx.msk $0xffff, v53;
	v15 =	vld.idx.msk [tilespmem:v15+s21+$0x0], $0xffff  }
0x467: {  	v60 =	vmov v26;
	[tilespmem:v27+s22+$0x0] =	vst.idx.msk $0xffff, v12;
	v63 =	vld.idx.msk [tilespmem:v63+s21+$0x0], $0xffff;
	v22 =	vor.u32 v33, v45  }
0x468: {  	v58 =	vor.u32 v0, v44;
	[tilespmem:v4+s22+$0x0] =	vst.idx.msk $0xffff, v6;
	v4 =	vor.u32 v33, v50;
	v6 =	vld.idx.msk [tilespmem:v18+s21+$0x0], $0xffff  }
0x469: {  	v1 =	vor.u32 v33, v37;
	v17 =	vld.idx.msk [tilespmem:v17+s21+$0x0], $0xffff  }
0x46a: {  	[tilespmem:v19+s22+$0x0] =	vst.idx.msk $0xffff, v35;
	v59 =	vor.u32 v14, v43;
	v14 =	vld [tilespmem:$0x1FFC0];
	v26 =	vor.u32 v7, v48  }
0x46b: {  	v25 =	vor.u32 v55, v46;
	v33 =	vld [tilespmem:$0x1FEE0];
	[tilespmem:v30+s22+$0x0] =	vst.idx.msk $0xffff, v15;
	v12 =	vor.u32 v7, v38  }
0x46c: {  	v47 =	vor.u32 v55, v42;
	[tilespmem:v60+s22+$0x0] =	vst.idx.msk $0xffff, v8;
	v22 =	vld.idx.msk [tilespmem:v22+s21+$0x0], $0xffff;
	v52 =	vor.u32 v7, v51  }
0x46d: {  	v56 =	vor.u32 v55, v45;
	v4 =	vld.idx.msk [tilespmem:v4+s21+$0x0], $0xffff;
	v23 =	vor.u32 v7, v41;
	[tilespmem:v58+s22+$0x0] =	vst.idx.msk $0xffff, v57  }
0x46e: {  	v21 =	vor.u32 v55, v37;
	v35 =	vor.u32 v28, v50;
	v18 =	vor.u32 v55, v40;
	v27 =	vld.idx.msk [tilespmem:v61+s21+$0x0], $0xffff  }
0x46f: {  	v53 =	vor.u32 v7, v29;
	v58 =	vor.u32 v14, v43;
	v14 =	vld [tilespmem:$0x1FF60];
	[tilespmem:v26+s22+$0x0] =	vst.idx.msk $0xffff, v24  }
0x470: {  	v28 =	vor.u32 v55, v36;
	[tilespmem:v12+s22+$0x0] =	vst.idx.msk $0xffff, v6;
	v6 =	vor.u32 v55, v50;
	v55 =	vld [tilespmem:$0x1FEC0]  }
0x471: {  	v2 =	vor.u32 v5, v44;
	[tilespmem:v52+s22+$0x0] =	vst.idx.msk $0xffff, v22;
	v26 =	vld.idx.msk [tilespmem:v47+s21+$0x0], $0xffff  }
0x472: {  	v19 =	vor.u32 v9, v48;
	[tilespmem:v23+s22+$0x0] =	vst.idx.msk $0xffff, v10;
	v52 =	vld.idx.msk [tilespmem:v56+s21+$0x0], $0xffff  }
0x473: {  	v62 =	vor.u32 v16, v42;
	v61 =	vor.u32 v9, v51;
	v23 =	vld.idx.msk [tilespmem:v25+s21+$0x0], $0xffff  }
0x474: {  	v30 =	vor.u32 v16, v45;
	[tilespmem:v53+s22+$0x0] =	vst.idx.msk $0xffff, v63;
	v25 =	vor.u32 v7, v31;
	v12 =	vld.idx.msk [tilespmem:v18+s21+$0x0], $0xffff  }
0x475: {  	v20 =	vor.u32 v9, v41;
	v28 =	vld.idx.msk [tilespmem:v28+s21+$0x0], $0xffff  }
0x476: {  	v13 =	vor.u32 v16, v46;
	v15 =	vor.u32 v9, v29;
	[tilespmem:v2+s22+$0x0] =	vst.idx.msk $0xffff, v27;
	v27 =	vld [tilespmem:$0x1FEE0]  }
0x477: {  	v10 =	vor.u32 v16, v36;
	v1 =	vld.idx.msk [tilespmem:v1+s21+$0x0], $0xffff;
	[tilespmem:v19+s22+$0x0] =	vst.idx.msk $0xffff, v26  }
0x478: {  	v8 =	vor.u32 v7, v44;
	[tilespmem:v61+s22+$0x0] =	vst.idx.msk $0xffff, v52;
	v2 =	vld.idx.msk [tilespmem:v62+s21+$0x0], $0xffff  }
0x479: {  	v18 =	vor.u32 v9, v38;
	[tilespmem:v25+s22+$0x0] =	vst.idx.msk $0xffff, v4;
	v30 =	vld.idx.msk [tilespmem:v30+s21+$0x0], $0xffff  }
0x47a: {  	v19 =	vor.u32 v16, v40;
	[tilespmem:v20+s22+$0x0] =	vst.idx.msk $0xffff, v23;
	v6 =	vld.idx.msk [tilespmem:v6+s21+$0x0], $0xffff  }
0x47b: {  	v53 =	vor.u32 v11, v51;
	[tilespmem:v15+s22+$0x0] =	vst.idx.msk $0xffff, v28;
	v13 =	vld.idx.msk [tilespmem:v13+s21+$0x0], $0xffff  }
0x47c: {  	v23 =	vor.u32 v9, v31;
	v10 =	vld.idx.msk [tilespmem:v10+s21+$0x0], $0xffff  }
0x47d: {  	v25 =	vor.u32 v11, v29;
	[tilespmem:v8+s22+$0x0] =	vst.idx.msk $0xffff, v1;
	v1 =	vld [tilespmem:$0x1FEC0]  }
0x47e: {  	v47 =	vor.u32 v11, v48;
	[tilespmem:v18+s22+$0x0] =	vst.idx.msk $0xffff, v12;
	v8 =	vld.idx.msk [tilespmem:v21+s21+$0x0], $0xffff  }
0x47f: {  	v32 =	vor.u32 v3, v42;
	v15 =	vld.idx.msk [tilespmem:v19+s21+$0x0], $0xffff  }
0x480: {  	v24 =	vor.u32 v11, v41;
	[tilespmem:v53+s22+$0x0] =	vst.idx.msk $0xffff, v30;
	v53 =	vld [tilespmem:$0x1FEF0]  }
0x481: {  	v22 =	vor.u32 v3, v46;
	v4 =	vor.u32 v3, v45;
	[tilespmem:v23+s22+$0x0] =	vst.idx.msk $0xffff, v6;
	v6 =	vld [tilespmem:$0x1FEE0]  }
0x482: {  	v20 =	vor.u32 v3, v36;
	v12 =	vor.u32 v16, v50;
	[tilespmem:v25+s22+$0x0] =	vst.idx.msk $0xffff, v10;
	v25 =	vld [tilespmem:$0x1FEE0]  }
0x483: {  	[tilespmem:v47+s22+$0x0] =	vst.idx.msk $0xffff, v2;
	v2 =	vor.u32 v3, v40;
	v10 =	vor.u32 v3, v50;
	v3 =	vld [tilespmem:$0x1FCA0]  }
0x484: {  	v61 =	vor.u32 v1, v41;
	v1 =	vld.idx.msk [tilespmem:v32+s21+$0x0], $0xffff  }
0x485: {  	v32 =	vld [tilespmem:$0x1FC80]  }
0x486: {  	v18 =	vor.u32 v11, v38;
	v21 =	vld.idx.msk [tilespmem:v4+s21+$0x0], $0xffff  }
0x487: {  	v4 =	vld [tilespmem:$0x1FEF0]  }
0x488: {  	v54 =	vor.u32 v7, v39;
	[tilespmem:v24+s22+$0x0] =	vst.idx.msk $0xffff, v13;
	v12 =	vld.idx.msk [tilespmem:v12+s21+$0x0], $0xffff  }
0x489: {  	v56 =	vor.u32 v14, v48;
	v13 =	vld.idx.msk [tilespmem:v22+s21+$0x0], $0xffff  }
0x48a: {  	v22 =	vor.u32 v11, v31;
	v20 =	vld.idx.msk [tilespmem:v20+s21+$0x0], $0xffff  }
0x48b: {  	v28 =	vor.u32 v14, v51;
	[tilespmem:v18+s22+$0x0] =	vst.idx.msk $0xffff, v15;
	v30 =	vor.u32 v6, v45;
	v6 =	vld [tilespmem:$0x1FEE0]  }
0x48c: {  	v18 =	vld.idx.msk [tilespmem:v2+s21+$0x0], $0xffff  }
0x48d: {  	[tilespmem:v54+s22+$0x0] =	vst.idx.msk $0xffff, v17;
	v2 =	vld [tilespmem:$0x1FEC0]  }
0x48e: {  	v63 =	vor.u32 v33, v42;
	v26 =	vor.u32 v14, v41;
	[tilespmem:v56+s22+$0x0] =	vst.idx.msk $0xffff, v1;
	v1 =	vld [tilespmem:$0x1FF40]  }
0x48f: {  	[tilespmem:v22+s22+$0x0] =	vst.idx.msk $0xffff, v12;
	v12 =	vld [tilespmem:$0x1FEC0]  }
0x490: {  	v27 =	vor.u32 v27, v46;
	[tilespmem:v28+s22+$0x0] =	vst.idx.msk $0xffff, v21;
	v21 =	vld [tilespmem:$0x1FED0]  }
0x491: {  	v45 =	vld.idx.msk [tilespmem:v49+s21+$0x0], $0xffff  }
0x492: {  	v62 =	vor.u32 v11, v44;
	v23 =	vor.u32 v14, v29;
	v24 =	vor.u32 v14, v38;
	v28 =	vld [tilespmem:$0x1FEF0]  }
0x493: {  	v4 =	vor.u32 v4, v42;
	v42 =	vor.u32 v9, v44;
	[tilespmem:v26+s22+$0x0] =	vst.idx.msk $0xffff, v13;
	v33 =	vld.idx.msk [tilespmem:v63+s21+$0x0], $0xffff  }
0x494: {  	v54 =	vor.u32 v1, v43;
	v1 =	vor.u32 v14, v44;
	v44 =	vor.u32 v12, v29;
	v12 =	vld [tilespmem:$0x1FEC0]  }
0x495: {  	v19 =	vor.u32 v55, v48;
	v15 =	vor.u32 v6, v40;
	v6 =	vor.u32 v21, v48;
	v48 =	vld.idx.msk [tilespmem:v27+s21+$0x0], $0xffff  }
0x496: {  	p0 =	slt.u32 s9, $0x38;
	v60 =	vor.u32 v9, v39;
	v57 =	vor.u32 v11, v39;
	v52 =	vor.u32 v14, v39;
	v27 =	vld [tilespmem:$0x1FEC0]  }
.Ltmp3:
0x497: {  	v47 =	vor.u32 v53, v46;
	v26 =	vld [tilespmem:$0x1FC90];
	[tilespmem:v23+s22+$0x0] =	vst.idx.msk $0xffff, v20;
	v13 =	vor.u32 v25, v50;
	(pc) =	sbr.rel @p0 .LBB2_9-.Ltmp3, $4  }
0x498: {  	v63 =	vor.u32 v25, v37;
	v10 =	vld.idx.msk [tilespmem:v10+s21+$0x0], $0xffff;
	v37 =	vor.u32 v14, v31;
	v53 =	vor.u32 v2, v39  }
0x499: {  	v46 =	vld.idx.msk [tilespmem:v30+s21+$0x0], $0xffff;
	[tilespmem:v24+s22+$0x0] =	vst.idx.msk $0xffff, v18;
	v49 =	vor.u32 v21, v41;
	v2 =	vor.u32 v21, v38  }
0x49a: {  	v43 =	vor.u32 v28, v36;
	v56 =	vor.u32 v21, v39;
	v39 =	vld.idx.msk [tilespmem:v3+s21+$0x0], $0xffff;
	[tilespmem:v19+s22+$0x0] =	vst.idx.msk $0xffff, v33  }
0x49b: {  	s9 =	sadd.s32 $0x8, s9;
	v50 =	vld.idx.msk [tilespmem:v15+s21+$0x0], $0xffff;
	v51 =	vor.u32 v12, v51;
	v41 =	vor.u32 v27, v38;
	v38 =	vor.u32 v28, v40  }
0x49c: {  	_ =	sdelay $0x3  }
0x49d: {  	[tilespmem:v60+s22+$0x0] =	vst.idx.msk $0xffff, v45  }
0x49e: {  	[tilespmem:v42+s22+$0x0] =	vst.idx.msk $0xffff, v8;
	v8 =	vld.idx.msk [tilespmem:v59+s21+$0x0], $0xffff  }
0x49f: {  	v12 =	vld.idx.msk [tilespmem:v32+s21+$0x0], $0xffff;
	_ =	sdelay $0x2  }
0x4a0: {  	[tilespmem:v37+s22+$0x0] =	vst.idx.msk $0xffff, v10  }
0x4a1: {  	[tilespmem:v57+s22+$0x0] =	vst.idx.msk $0xffff, v8  }
0x4a2: {  	[tilespmem:v62+s22+$0x0] =	vst.idx.msk $0xffff, v12  }
0x4a3: {  	v3 =	vld [tilespmem:$0x1FCF0];
	_ =	sdelay $0x2  }
0x4a4: {  	v8 =	vld.idx.msk [tilespmem:v58+s21+$0x0], $0xffff;
	_ =	sdelay $0x1  }
0x4a5: {  	[tilespmem:v51+s22+$0x0] =	vst.idx.msk $0xffff, v46  }
0x4a6: {  	[tilespmem:v41+s22+$0x0] =	vst.idx.msk $0xffff, v50  }
0x4a7: {  	[tilespmem:v44+s22+$0x0] =	vst.idx.msk $0xffff, v39  }
0x4a8: {  	[tilespmem:v52+s22+$0x0] =	vst.idx.msk $0xffff, v8;
	v10 =	vld.idx.msk [tilespmem:v3+s21+$0x0], $0xffff  }
0x4a9: {  	v3 =	vld [tilespmem:$0x1FD00];
	_ =	sdelay $0x2  }
0x4aa: {  	v4 =	vld.idx.msk [tilespmem:v4+s21+$0x0], $0xffff  }
0x4ab: {  	v13 =	vld.idx.msk [tilespmem:v13+s21+$0x0], $0xffff;
	v12 =	vor.u32 v27, v31;
	_ =	sdelay $0x1  }
0x4ac: {  	v15 =	vld.idx.msk [tilespmem:v38+s21+$0x0], $0xffff;
	_ =	sdelay $0x1  }
0x4ad: {  	[tilespmem:v6+s22+$0x0] =	vst.idx.msk $0xffff, v4;
	v8 =	vld.idx.msk [tilespmem:v3+s21+$0x0], $0xffff  }
0x4ae: {  	[tilespmem:v12+s22+$0x0] =	vst.idx.msk $0xffff, v13  }
0x4af: {  	[tilespmem:v61+s22+$0x0] =	vst.idx.msk $0xffff, v48  }
0x4b0: {  	[tilespmem:v2+s22+$0x0] =	vst.idx.msk $0xffff, v15  }
0x4b1: {  	[tilespmem:v1+s22+$0x0] =	vst.idx.msk $0xffff, v10  }
0x4b2: {  	[tilespmem:v53+s22+$0x0] =	vst.idx.msk $0xffff, v8  }
0x4b3: {  	v3 =	vld [tilespmem:$0x1FCC0];
	_ =	sdelay $0x2  }
0x4b4: {  	v1 =	vld.idx.msk [tilespmem:v63+s21+$0x0], $0xffff;
	_ =	sdelay $0x4  }
0x4b5: {  	[tilespmem:v3+s22+$0x0] =	vst.idx.msk $0xffff, v1  }
0x4b6: {  	v1 =	vld [tilespmem:$0x1FCE0];
	_ =	sdelay $0x2  }
0x4b7: {  	v4 =	vld.idx.msk [tilespmem:v34+s21+$0x0], $0xffff;
	_ =	sdelay $0x4  }
0x4b8: {  	[tilespmem:v1+s22+$0x0] =	vst.idx.msk $0xffff, v4  }
0x4b9: {  	v1 =	vld [tilespmem:$0x1FCB0];
	_ =	sdelay $0x2  }
0x4ba: {  	v12 =	vld.idx.msk [tilespmem:v43+s21+$0x0], $0xffff  }
0x4bb: {  	v10 =	vor.u32 v21, v29;
	v3 =	vld [tilespmem:$0x1FCD0]  }
0x4bc: {  	v2 =	vld.idx.msk [tilespmem:v47+s21+$0x0], $0xffff  }
0x4bd: {  	v8 =	vld.idx.msk [tilespmem:v54+s21+$0x0], $0xffff  }
0x4be: {  	v6 =	vld.idx.msk [tilespmem:v35+s21+$0x0], $0xffff  }
0x4bf: {  	v1 =	vld.idx.msk [tilespmem:v1+s21+$0x0], $0xffff  }
0x4c0: {  	s2 =	sadd.s32 $0x3, s7;
	[tilespmem:v10+s22+$0x0] =	vst.idx.msk $0xffff, v12  }
0x4c1: {  	s7 =	sshll.u32 s2, $0xA;
	s2 =	sshll.u32 s2, $0x7;
	[tilespmem:v49+s22+$0x0] =	vst.idx.msk $0xffff, v2  }
0x4c2: {  	s7 =	sand.u32 $0xFFE0000, s7;
	s2 =	sand.u32 $0x3F80, s2;
	[tilespmem:v56+s22+$0x0] =	vst.idx.msk $0xffff, v8  }
0x4c3: {  	s23 =	rddreg [dreg:$0x1];
	s2 =	sor.u32 s2, s7;
	[tilespmem:v3+s22+$0x0] =	vst.idx.msk $0xffff, v6  }
0x4c4: {  	s7 =	sadd.s32 s23, s2;
	[tilespmem:v26+s22+$0x0] =	vst.idx.msk $0xffff, v1  }
0x4c5: {  	[hbm4b:s7+s3] =	stream.linear.scatter [tilespmem:s22], [sflag:$0x8], $0x400, $0x38;
	[tilespmem:$0x16400] =	vst v63  }
0x4c6: {  	s9 =	simm.s32 $0x14800;
	s25 =	sadd.s32 s2, s8  }
0x4c7: {  	[hbm4b:s25+s3] =	stream.linear.scatter [tilespmem:s9], [sflag:$0x8], $0x400, $0x38;
	[tilespmem:$0x16400] =	vst v63  }
0x4c8: {  	s17 =	simm.s32 $0x14C00;
	s9 =	sadd.s32 s2, s10  }
0x4c9: {  	[hbm4b:s9+s3] =	stream.linear.scatter [tilespmem:s17], [sflag:$0x8], $0x400, $0x38;
	[tilespmem:$0x16400] =	vst v63  }
0x4ca: {  	s23 =	sadd.s32 s2, s11;
	s25 =	simm.s32 $0x15000  }
0x4cb: {  	v23 =	vld [tilespmem:$0x1FFD0];
	[hbm4b:s23+s3] =	stream.linear.scatter [tilespmem:s25], [sflag:$0x8], $0x400, $0x38  }
0x4cc: {  	v17 =	vld [tilespmem:$0x1FF90];
	s9 =	sadd.s32 s2, s12;
	s17 =	simm.s32 $0x15400  }
0x4cd: {  	v36 =	vld [tilespmem:$0x1FFA0];
	[hbm4b:s9+s3] =	stream.linear.scatter [tilespmem:s17], [sflag:$0x8], $0x400, $0x38  }
0x4ce: {  	v18 =	vld [tilespmem:$0x1FFC0];
	s23 =	sadd.s32 s2, s13;
	s25 =	simm.s32 $0x15800  }
0x4cf: {  	v3 =	vld [tilespmem:$0x1FF10];
	[hbm4b:s23+s3] =	stream.linear.scatter [tilespmem:s25], [sflag:$0x8], $0x400, $0x38  }
0x4d0: {  	s0 =	sadd.s32 $0x1, s0;
	v7 =	vld [tilespmem:$0x1FFE0];
	s9 =	sadd.s32 s2, s14;
	s17 =	simm.s32 $0x15C00  }
0x4d1: {  	v14 =	vld [tilespmem:$0x1FF60];
	[hbm4b:s9+s3] =	stream.linear.scatter [tilespmem:s17], [sflag:$0x8], $0x400, $0x38  }
0x4d2: {  	p0 =	sne.s32 s0, $0x32;
	v16 =	vld [tilespmem:$0x1FF30];
	s2 =	sadd.s32 s2, s15;
	s23 =	simm.s32 $0x16000  }
0x4d3: {  	v19 =	vld [tilespmem:$0x1FF40];
	[hbm4b:s2+s3] =	stream.linear.scatter [tilespmem:s23], [sflag:$0x8], $0x400, $0x38  }
.Ltmp4:
0x4d4: {  	v15 =	vld [tilespmem:$0x1FF50];
	s25 =	smin.u32 s6, $0xC0;
	(pc) =	sbr.rel @p0 .LBB2_2-.Ltmp4, $4  }
0x4d5: {  	v12 =	vld [tilespmem:$0x1FF70];
	s2 =	sshll.u32 s25, $0x7  }
0x4d6: {  	v20 =	vld [tilespmem:$0x1FF80];
	s2 =	sadd.s32 $0x380, s2  }
0x4d7: {  	v22 =	vld [tilespmem:$0x1FF20];
	[tilespmem:s21], [sflag:$0x4] =	stream.indirect.gather [hbm4b:s4+s29], $0x40, s2, s29, $0xb8  }
0x4d8: {  	v37 =	vld [tilespmem:$0x1FF00];
	s2 =	smov.u32 s5  }
0x4d9: {  	s0 =	simm.s32 $0x1  }
0x4da: {  	_ =	swait.ge [sflag:s0], $0x2000  }
0x4db: {  	[sflag:s0] =	ssyncset.done $0x0  }
0x4dc: {  	[sflag:s0] =	ssyncadd.s32 $0xFFFFE000  }
0x4dd: {  	_ =	swait.ge [sflag:s16], $0x400  }
0x4de: {  	[sflag:s16] =	ssyncset.done $0x0  }
0x4df: {  	[sflag:s16] =	ssyncadd.s32 $0xFFFFFC00  }
0x4e0: {  	_ =	swait.ge [sflag:s16], $0x400  }
0x4e1: {  	[sflag:s16] =	ssyncset.done $0x0  }
0x4e2: {  	[sflag:s16] =	ssyncadd.s32 $0xFFFFFC00  }
0x4e3: {  	_ =	swait.ge [sflag:s16], $0x400  }
0x4e4: {  	[sflag:s16] =	ssyncset.done $0x0  }
0x4e5: {  	[sflag:s16] =	ssyncadd.s32 $0xFFFFFC00  }
0x4e6: {  	_ =	swait.ge [sflag:s16], $0x400  }
0x4e7: {  	[sflag:s16] =	ssyncset.done $0x0  }
0x4e8: {  	[sflag:s16] =	ssyncadd.s32 $0xFFFFFC00  }
0x4e9: {  	_ =	swait.ge [sflag:s16], $0x400  }
0x4ea: {  	[sflag:s16] =	ssyncset.done $0x0  }
0x4eb: {  	[sflag:s16] =	ssyncadd.s32 $0xFFFFFC00  }
0x4ec: {  	_ =	swait.ge [sflag:s16], $0x400  }
0x4ed: {  	[sflag:s16] =	ssyncset.done $0x0  }
0x4ee: {  	[sflag:s16] =	ssyncadd.s32 $0xFFFFFC00  }
0x4ef: {  	_ =	swait.ge [sflag:s16], $0x400  }
0x4f0: {  	[sflag:s16] =	ssyncset.done $0x0  }
0x4f1: {  	[sflag:s16] =	ssyncadd.s32 $0xFFFFFC00  }
0x4f2: {  	_ =	swait.ge [sflag:s16], $0x400  }
0x4f3: {  	[sflag:s16] =	ssyncset.done $0x0  }
0x4f4: {  	s9 =	simm.s32 $0x2;
	[sflag:s16] =	ssyncadd.s32 $0xFFFFFC00  }
0x4f5: {  	_ =	swait.ge [sflag:s9], $0x2000  }
0x4f6: {  	[sflag:s9] =	ssyncset.done $0x0  }
0x4f7: {  	[sflag:s9] =	ssyncadd.s32 $0xFFFFE000  }
0x4f8: {  	_ =	swait.ge [sflag:s20], $0x400  }
0x4f9: {  	[sflag:s20] =	ssyncset.done $0x0  }
0x4fa: {  	[sflag:s20] =	ssyncadd.s32 $0xFFFFFC00  }
0x4fb: {  	_ =	swait.ge [sflag:s20], $0x400  }
0x4fc: {  	[sflag:s20] =	ssyncset.done $0x0  }
0x4fd: {  	[sflag:s20] =	ssyncadd.s32 $0xFFFFFC00  }
0x4fe: {  	_ =	swait.ge [sflag:s20], $0x400  }
0x4ff: {  	[sflag:s20] =	ssyncset.done $0x0  }
0x500: {  	[sflag:s20] =	ssyncadd.s32 $0xFFFFFC00  }
0x501: {  	_ =	swait.ge [sflag:s20], $0x400  }
0x502: {  	[sflag:s20] =	ssyncset.done $0x0  }
0x503: {  	[sflag:s20] =	ssyncadd.s32 $0xFFFFFC00  }
0x504: {  	_ =	swait.ge [sflag:s20], $0x400  }
0x505: {  	[sflag:s20] =	ssyncset.done $0x0  }
0x506: {  	[sflag:s20] =	ssyncadd.s32 $0xFFFFFC00  }
0x507: {  	_ =	swait.ge [sflag:s20], $0x400  }
0x508: {  	[sflag:s20] =	ssyncset.done $0x0  }
0x509: {  	[sflag:s20] =	ssyncadd.s32 $0xFFFFFC00  }
0x50a: {  	_ =	swait.ge [sflag:s20], $0x400  }
0x50b: {  	[sflag:s20] =	ssyncset.done $0x0  }
0x50c: {  	[sflag:s20] =	ssyncadd.s32 $0xFFFFFC00  }
0x50d: {  	_ =	swait.ge [sflag:s20], $0x400  }
0x50e: {  	[sflag:s20] =	ssyncset.done $0x0  }
0x50f: {  	s17 =	simm.s32 $0x3;
	[sflag:s20] =	ssyncadd.s32 $0xFFFFFC00  }
0x510: {  	_ =	swait.ge [sflag:s17], $0x2000  }
0x511: {  	[sflag:s17] =	ssyncset.done $0x0  }
0x512: {  	[sflag:s17] =	ssyncadd.s32 $0xFFFFE000  }
0x513: {  	_ =	swait.ge [sflag:s24], $0x400  }
0x514: {  	[sflag:s24] =	ssyncset.done $0x0  }
0x515: {  	[sflag:s24] =	ssyncadd.s32 $0xFFFFFC00  }
0x516: {  	_ =	swait.ge [sflag:s24], $0x400  }
0x517: {  	[sflag:s24] =	ssyncset.done $0x0  }
0x518: {  	[sflag:s24] =	ssyncadd.s32 $0xFFFFFC00  }
0x519: {  	_ =	swait.ge [sflag:s24], $0x400  }
0x51a: {  	[sflag:s24] =	ssyncset.done $0x0  }
0x51b: {  	[sflag:s24] =	ssyncadd.s32 $0xFFFFFC00  }
0x51c: {  	_ =	swait.ge [sflag:s24], $0x400  }
0x51d: {  	[sflag:s24] =	ssyncset.done $0x0  }
0x51e: {  	[sflag:s24] =	ssyncadd.s32 $0xFFFFFC00  }
0x51f: {  	_ =	swait.ge [sflag:s24], $0x400  }
0x520: {  	[sflag:s24] =	ssyncset.done $0x0  }
0x521: {  	[sflag:s24] =	ssyncadd.s32 $0xFFFFFC00  }
0x522: {  	_ =	swait.ge [sflag:s24], $0x400  }
0x523: {  	[sflag:s24] =	ssyncset.done $0x0  }
0x524: {  	[sflag:s24] =	ssyncadd.s32 $0xFFFFFC00  }
0x525: {  	_ =	swait.ge [sflag:s24], $0x400  }
0x526: {  	[sflag:s24] =	ssyncset.done $0x0  }
0x527: {  	[sflag:s24] =	ssyncadd.s32 $0xFFFFFC00  }
0x528: {  	_ =	swait.ge [sflag:s24], $0x400  }
0x529: {  	[sflag:s24] =	ssyncset.done $0x0  }
0x52a: {  	s23 =	simm.s32 $0x4;
	[sflag:s24] =	ssyncadd.s32 $0xFFFFFC00  }
0x52b: {  	_ =	swait.ge [sflag:s23], $0x2000  }
0x52c: {  	[sflag:s23] =	ssyncset.done $0x0  }
0x52d: {  	[sflag:s23] =	ssyncadd.s32 $0xFFFFE000  }
0x52e: {  	_ =	swait.ge [sflag:s26], $0x400  }
0x52f: {  	[sflag:s26] =	ssyncset.done $0x0  }
0x530: {  	[sflag:s26] =	ssyncadd.s32 $0xFFFFFC00  }
0x531: {  	_ =	swait.ge [sflag:s26], $0x400  }
0x532: {  	[sflag:s26] =	ssyncset.done $0x0  }
0x533: {  	[sflag:s26] =	ssyncadd.s32 $0xFFFFFC00  }
0x534: {  	_ =	swait.ge [sflag:s26], $0x400  }
0x535: {  	[sflag:s26] =	ssyncset.done $0x0  }
0x536: {  	[sflag:s26] =	ssyncadd.s32 $0xFFFFFC00  }
0x537: {  	_ =	swait.ge [sflag:s26], $0x400  }
0x538: {  	[sflag:s26] =	ssyncset.done $0x0  }
0x539: {  	[sflag:s26] =	ssyncadd.s32 $0xFFFFFC00  }
0x53a: {  	_ =	swait.ge [sflag:s26], $0x400  }
0x53b: {  	[sflag:s26] =	ssyncset.done $0x0  }
0x53c: {  	[sflag:s26] =	ssyncadd.s32 $0xFFFFFC00  }
0x53d: {  	_ =	swait.ge [sflag:s26], $0x400  }
0x53e: {  	[sflag:s26] =	ssyncset.done $0x0  }
0x53f: {  	[sflag:s26] =	ssyncadd.s32 $0xFFFFFC00  }
0x540: {  	_ =	swait.ge [sflag:s26], $0x400  }
0x541: {  	[sflag:s26] =	ssyncset.done $0x0  }
0x542: {  	[sflag:s26] =	ssyncadd.s32 $0xFFFFFC00  }
0x543: {  	_ =	swait.ge [sflag:s26], $0x400  }
0x544: {  	s5 =	sld [smem:$0x7F8]  }
0x545: {  	s25 =	sld [smem:$0x7FD];
	_ =	sdelay $0x1  }
0x546: {  	s5 =	sadd.s32 $0x1, s5  }
0x547: {  	p0 =	sne.s32 s5, s25  }
.Ltmp5:
0x548: {  	_ = 	snop;
	(pc) =	sbr.rel @p0 .LBB2_1-.Ltmp5, $3  }
0x549: {  	_ =	sdelay $0x1  }
0x54a: {  	[sflag:s26] =	ssyncset.done $0x0  }
0x54b: {  	[sflag:s26] =	ssyncadd.s32 $0xFFFFFC00  }
0x54c: {  	_ =	sfence.sel $0x180000  }
0x54d: {  	[bflag:$0x0] =	sbarrier.arrive $0xFFFF  }
0x54e: {  	_ =	strace $0x90000047  }
0x54f: {  	s0 =	stileid.u32;
	[bflag:$0x2] =	sbarrier.arrive $0xFFFF  }
0x550: {  	p0 =	sne.s32 s0, $0x0;
	s0 =	rddreg [dreg:$0x2]  }
0x551: {  	s0 =	sadd.s32 @!p0 $0x100000, s0  }
0x552: {  	[sflag:s0] =	ssyncadd.tile.s32 @!p0 $0x1;
	_ =	shalt  }
.Lfunc_end2:
_tile_overlayer_lowered:
.L_overlay_start_2:
0x553: {  	(tag) =	ssettag $0x2  }
0x554: {  	s0 =	rddreg [dreg:$0x0];
	s2 =	stileid.u32  }
0x555: {  	s1 =	rddreg [dreg:$0x1];
	p0 =	sne.s32 s2, $0x0  }
0x556: {  	s3 =	rddreg [dreg:$0x2];
	[bflag:$0x3] =	sbarrier.arrive $0xFFFF;
	s2 =	simm.s32 @!p0 $0x1C09  }
0x557: {  	[timem:s3], [sflag:s2] =	dma.local @!p0 [hbm:s0], s1  }
0x558: {  	s0 =	simm.s32 @!p0 $0x9  }
0x559: {  	_ =	swait.ge @!p0 [sflag:s0], s1  }
0x55a: {  	s1 =	ssub.s32 @!p0 $0x0, s1;
	[sflag:s0] =	ssyncset.done @!p0 $0x0  }
0x55b: {  	[sflag:s0] =	ssyncadd.s32 @!p0 s1  }
0x55c: {  	[bflag:$0x3] =	sbarrier.arrive $0xFFFF  }
0x55d: {  	_ =	shalt  }

</sc_bundles>
